<compile_context>
chip_gen: v7x
topology: tpu7x:2x2x1
jax: 0.10.2.dev20260603
libtpu: 0.0.44.dev20260713+nightly
codegen_flags: <defaults>
</compile_context>

<pallas_src>
import functools

import jax
import jax.numpy as jnp
from jax import lax
from jax.experimental import pallas as pl
from jax.experimental.pallas import tpu as pltpu
from jax.experimental.pallas import tpu_sc as plsc

N = 10000
E = 320000
D = 128

NC = 2
NS = 16
NW = NC * NS

NPAD = 10240
EPW = 10240
EPAD = EPW * NW
K = 64
NCH = EPW // K
RPS = NPAD // NS

_mesh = plsc.VectorSubcoreMesh(core_axis_name="c", subcore_axis_name="s")



@functools.partial(
    pl.kernel,
    out_type=jax.ShapeDtypeStruct((NC, NPAD), jnp.float32),
    mesh=_mesh,
    scratch_types=[
        pltpu.VMEM((NCH, K), jnp.int32),
        pltpu.VMEM((K,), jnp.float32),
        pltpu.VMEM((RPS,), jnp.float32),
        pltpu.VMEM_SHARED((NPAD,), jnp.float32),
    ],
)
def _sc_deg(dst_hbm, ones_hbm, deg_out, idx_v, ones_v, buf_v, shared_deg):
    c = lax.axis_index("c")
    s = lax.axis_index("s")
    w = c * NS + s
    pltpu.sync_copy(ones_hbm, ones_v)
    zero = jnp.zeros((16,), jnp.float32)
    for j in range(RPS // 16):
        buf_v[pl.ds(j * 16, 16)] = zero
    pltpu.sync_copy(buf_v, shared_deg.at[pl.ds(s * RPS, RPS)])
    plsc.subcore_barrier()
    pltpu.sync_copy(dst_hbm.at[w], idx_v)

    def body(j, carry):
        pltpu.sync_copy(ones_v, shared_deg.at[idx_v.at[j]], add=True)
        return carry

    lax.fori_loop(0, NCH, body, 0)
    plsc.subcore_barrier()
    pltpu.sync_copy(shared_deg.at[pl.ds(s * RPS, RPS)], buf_v)
    pltpu.sync_copy(buf_v, deg_out.at[c, pl.ds(s * RPS, RPS)])



@functools.partial(
    pl.kernel,
    out_type=jax.ShapeDtypeStruct((NC, NPAD, D), jnp.float32),
    mesh=_mesh,
    scratch_types=[
        pltpu.VMEM((NCH // 2, K), jnp.int32),
        pltpu.VMEM((NCH // 2, K), jnp.int32),
        pltpu.VMEM((2, K, D), jnp.float32),
        pltpu.VMEM_SHARED((NPAD, D), jnp.float32),
        pltpu.SemaphoreType.DMA,
        pltpu.SemaphoreType.DMA,
    ],
)
def _sc_agg(hs_hbm, src_hbm, dst_hbm, zeros_hbm, out_hbm,
            src_v, dst_v, rows_v, shared_agg, sem0, sem1):
    c = lax.axis_index("c")
    s = lax.axis_index("s")
    w = c * NS + s
    sems = (sem0, sem1)
    half = NCH // 2
    pltpu.sync_copy(zeros_hbm, rows_v.at[0])
    for t in range(RPS // K):
        pltpu.sync_copy(rows_v.at[0], shared_agg.at[pl.ds(s * RPS + t * K, K)])
    plsc.subcore_barrier()

    for stage in range(2):
        pltpu.sync_copy(src_hbm.at[w, pl.ds(stage * half, half)], src_v)
        pltpu.sync_copy(dst_hbm.at[w, pl.ds(stage * half, half)], dst_v)
        pltpu.async_copy(hs_hbm.at[src_v.at[0]], rows_v.at[0], sem0)

        def pair(g, carry):
            for b in range(2):
                j = g * 2 + b

                @pl.when(j + 1 < half)
                def _():
                    pltpu.async_copy(hs_hbm.at[src_v.at[j + 1]],
                                     rows_v.at[1 - b], sems[1 - b])

                pltpu.make_async_copy(hs_hbm.at[src_v.at[j]],
                                      rows_v.at[b], sems[b]).wait()
                pltpu.sync_copy(rows_v.at[b], shared_agg.at[dst_v.at[j]],
                                add=True)
            return carry

        lax.fori_loop(0, half // 2, pair, 0)
    plsc.subcore_barrier()
    for t in range(RPS // K):
        pltpu.sync_copy(shared_agg.at[pl.ds(s * RPS + t * K, K)], rows_v.at[0])
        pltpu.sync_copy(rows_v.at[0], out_hbm.at[c, pl.ds(s * RPS + t * K, K)])



BM = 256
_GRID = (NPAD // BM,)


def _mm1_body(x_ref, w_ref, deg_ref, hs_ref, dinv_ref):
    d = deg_ref[...]
    dinv = lax.rsqrt(d[0:1, :] + d[1:2, :] + 1.0)
    dinv_ref[...] = dinv
    h = jnp.dot(x_ref[...], w_ref[...], preferred_element_type=jnp.float32)
    hs_ref[...] = h * dinv.T


def _tc_mm1(xp, W1, deg_part):
    return pl.pallas_call(
        _mm1_body,
        grid=_GRID,
        in_specs=[
            pl.BlockSpec((BM, D), lambda i: (i, 0)),
            pl.BlockSpec((D, D), lambda i: (0, 0)),
            pl.BlockSpec((NC, BM), lambda i: (0, i)),
        ],
        out_specs=[
            pl.BlockSpec((BM, D), lambda i: (i, 0)),
            pl.BlockSpec((1, BM), lambda i: (0, i)),
        ],
        out_shape=[
            jax.ShapeDtypeStruct((NPAD, D), jnp.float32),
            jax.ShapeDtypeStruct((1, NPAD), jnp.float32),
        ],
    )(xp, W1, deg_part)


def _mid_body(agg_ref, hs_ref, dinv_ref, b_ref, w_ref, out_ref):
    dinv = dinv_ref[...].T
    z = (agg_ref[0] + agg_ref[1] + hs_ref[...]) * dinv + b_ref[...]
    h = jnp.maximum(z, 0.0)
    out_ref[...] = jnp.dot(h, w_ref[...],
                           preferred_element_type=jnp.float32) * dinv


def _tc_mid(agg, hs, dinv, b1, W2):
    return pl.pallas_call(
        _mid_body,
        grid=_GRID,
        in_specs=[
            pl.BlockSpec((NC, BM, D), lambda i: (0, i, 0)),
            pl.BlockSpec((BM, D), lambda i: (i, 0)),
            pl.BlockSpec((1, BM), lambda i: (0, i)),
            pl.BlockSpec((1, D), lambda i: (0, 0)),
            pl.BlockSpec((D, D), lambda i: (0, 0)),
        ],
        out_specs=pl.BlockSpec((BM, D), lambda i: (i, 0)),
        out_shape=jax.ShapeDtypeStruct((NPAD, D), jnp.float32),
    )(agg, hs, dinv, b1.reshape(1, D), W2)


def _fin_body(agg_ref, hs_ref, dinv_ref, b_ref, out_ref):
    dinv = dinv_ref[...].T
    z = (agg_ref[0] + agg_ref[1] + hs_ref[...]) * dinv + b_ref[...]
    out_ref[...] = jnp.tanh(z)


def _tc_fin(agg, hs, dinv, b2):
    return pl.pallas_call(
        _fin_body,
        grid=_GRID,
        in_specs=[
            pl.BlockSpec((NC, BM, D), lambda i: (0, i, 0)),
            pl.BlockSpec((BM, D), lambda i: (i, 0)),
            pl.BlockSpec((1, BM), lambda i: (0, i)),
            pl.BlockSpec((1, D), lambda i: (0, 0)),
        ],
        out_specs=pl.BlockSpec((BM, D), lambda i: (i, 0)),
        out_shape=jax.ShapeDtypeStruct((NPAD, D), jnp.float32),
    )(agg, hs, dinv, b2.reshape(1, D))



def kernel(x, edge_index, W1, b1, W2, b2):
    src = edge_index[0]
    dst = edge_index[1]
    pad = jnp.full((EPAD - E,), NPAD - 1, jnp.int32)
    srcp = jnp.concatenate([src, pad]).reshape(NW, NCH, K)
    dstp = jnp.concatenate([dst, pad]).reshape(NW, NCH, K)
    xp = jnp.pad(x, ((0, NPAD - N), (0, 0)))
    ones_k = jnp.ones((K,), jnp.float32)
    zeros_b = jnp.zeros((K, D), jnp.float32)

    deg_part = _sc_deg(dstp, ones_k)
    hs1, dinv = _tc_mm1(xp, W1, deg_part)
    agg1 = _sc_agg(hs1, srcp, dstp, zeros_b)
    hs2 = _tc_mid(agg1, hs1, dinv, b1, W2)
    agg2 = _sc_agg(hs2, srcp, dstp, zeros_b)
    outp = _tc_fin(agg2, hs2, dinv, b2)
    return outp[:N]

# --- scband reference (transcript-rebuilt; emitter-appended) ---
"""Pipeline reference for scband-two-layer-gcn-78348793414209 (READ-ONLY COPY).

The authoritative reference and input builder live on the scoring server;
editing this copy changes nothing except your own understanding.
"""

import jax, jax.numpy as jnp
import numpy as np

N = 10000
E = 320000
D_IN = 128
D_HID = 128
D_OUT = 128


def setup_inputs(seed: int = 0) -> dict:
    key = jax.random.key(seed)
    k1, k2, k3, k4, k5, k6 = jax.random.split(key, 6)
    x = jax.random.normal(k1, (N, D_IN), dtype=jnp.float32)
    edge_index = jax.random.randint(k2, (2, E), 0, N, dtype=jnp.int32)
    W1 = jax.random.normal(k3, (D_IN, D_HID), dtype=jnp.float32) * (1.0 / np.sqrt(D_IN))
    b1 = jnp.zeros((D_HID,), dtype=jnp.float32)
    W2 = jax.random.normal(k4, (D_HID, D_OUT), dtype=jnp.float32) * (1.0 / np.sqrt(D_HID))
    b2 = jnp.zeros((D_OUT,), dtype=jnp.float32)
    return {"x": x, "edge_index": edge_index, "W1": W1, "b1": b1, "W2": W2, "b2": b2}


def _gcn_conv(x, edge_index, W, b):
    # GCNConv: out = D^{-1/2} (A + I) D^{-1/2} X W + b
    src = edge_index[0]
    dst = edge_index[1]
    loop = jnp.arange(N, dtype=src.dtype)
    s = jnp.concatenate([src, loop])
    d = jnp.concatenate([dst, loop])
    deg = jnp.zeros((N,), dtype=x.dtype).at[d].add(1.0)
    dinv = jnp.where(deg > 0, jax.lax.rsqrt(jnp.maximum(deg, 1e-12)), 0.0)
    norm = dinv[s] * dinv[d]
    h = x @ W
    msg = h[s] * norm[:, None]
    agg = jnp.zeros((N, W.shape[1]), dtype=x.dtype).at[d].add(msg)
    return agg + b


def reference(x, edge_index, W1, b1, W2, b2):
    h = jax.nn.relu(_gcn_conv(x, edge_index, W1, b1))
    out = jnp.tanh(_gcn_conv(h, edge_index, W2, b2))
    return out

if __name__ == "__main__":
    import jax
    _d = setup_inputs()
    print(jax.jit(kernel)(*tuple(_d.values())))

</pallas_src>

<mosaic_0001>
#map = affine_map<(d0, d1) -> (0, 0, 0)>
#map1 = affine_map<(d0, d1) -> (0)>
#map2 = affine_map<(d0, d1) -> (0, 0)>
module attributes {stable_mosaic.version = 14 : i64} {
  func.func @_sc_deg(%arg0: i32, %arg1: i32, %arg2: memref<32x160x64xi32, #tpu.memory_space<hbm>>, %arg3: memref<64xf32, #tpu.memory_space<hbm>>, %arg4: memref<2x10240xf32, #tpu.memory_space<hbm>>, %arg5: memref<160x64xi32, #tpu.memory_space<vmem>>, %arg6: memref<64xf32, #tpu.memory_space<vmem>>, %arg7: memref<640xf32, #tpu.memory_space<vmem>>, %arg8: memref<10240xf32, #tpu.memory_space<vmem_shared>>) attributes {dimension_semantics = [#tpu.dimension_semantics<core_parallel>, #tpu.dimension_semantics<subcore_parallel>], iteration_bounds = array<i64: 2, 16>, scalar_prefetch = 0 : i64, scratch_operands = 4 : i64, tpu.core_type = #tpu.core_type<sc_vector_subcore>, window_params = [{transform_indices = #map}, {transform_indices = #map1}, {transform_indices = #map2}]} {
    %mul3A = arith.constant 16 : i32
    %mul3A_0 = arith.muli %arg0, %mul3A : i32
    %add3A = arith.addi %mul3A_0, %arg1 : i32
    "tpu.region"() ({
      %run_scoped3A = tpu.sem_alloc : memref<!tpu.dma_semaphore, #tpu.memory_space<semaphore_mem>>
      tpu.enqueue_dma source(%arg3 : memref<64xf32, #tpu.memory_space<hbm>>) target(%arg6 : memref<64xf32, #tpu.memory_space<vmem>>) target_semaphore(%run_scoped3A : memref<!tpu.dma_semaphore, #tpu.memory_space<semaphore_mem>>)
      tpu.wait_dma2 semaphore(%run_scoped3A : memref<!tpu.dma_semaphore, #tpu.memory_space<semaphore_mem>>) src(%arg3 : memref<64xf32, #tpu.memory_space<hbm>>) dst(%arg6 : memref<64xf32, #tpu.memory_space<vmem>>)
      tpu.yield
    }) : () -> ()
    %broadcast_in_dim3A = arith.constant 0.000000e+00 : f32
    %broadcast_in_dim3A_1 = vector.broadcast %broadcast_in_dim3A : f32 to vector<16xf32>
    %swap3A = arith.constant 0 : index
    %swap3A_2 = tpu.vector_load %arg7[%swap3A] {strides = array<i32>} : memref<640xf32, #tpu.memory_space<vmem>>, vector<16xf32>,
    %swap3A_3 = vector.shape_cast %swap3A_2 : vector<16xf32> to vector<16xf32>
    %swap3A_4 = vector.shape_cast %broadcast_in_dim3A_1 : vector<16xf32> to vector<16xf32>
    tpu.vector_store %arg7[%swap3A], %swap3A_4 {strides = array<i32>} : memref<640xf32, #tpu.memory_space<vmem>>, vector<16xf32>,
    %swap3A_5 = arith.constant 16 : index
    %swap3A_6 = tpu.vector_load %arg7[%swap3A_5] {strides = array<i32>} : memref<640xf32, #tpu.memory_space<vmem>>, vector<16xf32>,
    %swap3A_7 = vector.shape_cast %swap3A_6 : vector<16xf32> to vector<16xf32>
    %swap3A_8 = vector.shape_cast %broadcast_in_dim3A_1 : vector<16xf32> to vector<16xf32>
    tpu.vector_store %arg7[%swap3A_5], %swap3A_8 {strides = array<i32>} : memref<640xf32, #tpu.memory_space<vmem>>, vector<16xf32>,
    %swap3A_9 = arith.constant 32 : index
    %swap3A_10 = tpu.vector_load %arg7[%swap3A_9] {strides = array<i32>} : memref<640xf32, #tpu.memory_space<vmem>>, vector<16xf32>,
    %swap3A_11 = vector.shape_cast %swap3A_10 : vector<16xf32> to vector<16xf32>
    %swap3A_12 = vector.shape_cast %broadcast_in_dim3A_1 : vector<16xf32> to vector<16xf32>
    tpu.vector_store %arg7[%swap3A_9], %swap3A_12 {strides = array<i32>} : memref<640xf32, #tpu.memory_space<vmem>>, vector<16xf32>,
    %swap3A_13 = arith.constant 48 : index
    %swap3A_14 = tpu.vector_load %arg7[%swap3A_13] {strides = array<i32>} : memref<640xf32, #tpu.memory_space<vmem>>, vector<16xf32>,
    %swap3A_15 = vector.shape_cast %swap3A_14 : vector<16xf32> to vector<16xf32>
    %swap3A_16 = vector.shape_cast %broadcast_in_dim3A_1 : vector<16xf32> to vector<16xf32>
    tpu.vector_store %arg7[%swap3A_13], %swap3A_16 {strides = array<i32>} : memref<640xf32, #tpu.memory_space<vmem>>, vector<16xf32>,
    %swap3A_17 = arith.constant 64 : index
    %swap3A_18 = tpu.vector_load %arg7[%swap3A_17] {strides = array<i32>} : memref<640xf32, #tpu.memory_space<vmem>>, vector<16xf32>,
    %swap3A_19 = vector.shape_cast %swap3A_18 : vector<16xf32> to vector<16xf32>
    %swap3A_20 = vector.shape_cast %broadcast_in_dim3A_1 : vector<16xf32> to vector<16xf32>
    tpu.vector_store %arg7[%swap3A_17], %swap3A_20 {strides = array<i32>} : memref<640xf32, #tpu.memory_space<vmem>>, vector<16xf32>,
    %swap3A_21 = arith.constant 80 : index
    %swap3A_22 = tpu.vector_load %arg7[%swap3A_21] {strides = array<i32>} : memref<640xf32, #tpu.memory_space<vmem>>, vector<16xf32>,
    %swap3A_23 = vector.shape_cast %swap3A_22 : vector<16xf32> to vector<16xf32>
    %swap3A_24 = vector.shape_cast %broadcast_in_dim3A_1 : vector<16xf32> to vector<16xf32>
    tpu.vector_store %arg7[%swap3A_21], %swap3A_24 {strides = array<i32>} : memref<640xf32, #tpu.memory_space<vmem>>, vector<16xf32>,
    %swap3A_25 = arith.constant 96 : index
    %swap3A_26 = tpu.vector_load %arg7[%swap3A_25] {strides = array<i32>} : memref<640xf32, #tpu.memory_space<vmem>>, vector<16xf32>,
    %swap3A_27 = vector.shape_cast %swap3A_26 : vector<16xf32> to vector<16xf32>
    %swap3A_28 = vector.shape_cast %broadcast_in_dim3A_1 : vector<16xf32> to vector<16xf32>
    tpu.vector_store %arg7[%swap3A_25], %swap3A_28 {strides = array<i32>} : memref<640xf32, #tpu.memory_space<vmem>>, vector<16xf32>,
    %swap3A_29 = arith.constant 112 : index
    %swap3A_30 = tpu.vector_load %arg7[%swap3A_29] {strides = array<i32>} : memref<640xf32, #tpu.memory_space<vmem>>, vector<16xf32>,
    %swap3A_31 = vector.shape_cast %swap3A_30 : vector<16xf32> to vector<16xf32>
    %swap3A_32 = vector.shape_cast %broadcast_in_dim3A_1 : vector<16xf32> to vector<16xf32>
    tpu.vector_store %arg7[%swap3A_29], %swap3A_32 {strides = array<i32>} : memref<640xf32, #tpu.memory_space<vmem>>, vector<16xf32>,
    %swap3A_33 = arith.constant 128 : index
    %swap3A_34 = tpu.vector_load %arg7[%swap3A_33] {strides = array<i32>} : memref<640xf32, #tpu.memory_space<vmem>>, vector<16xf32>,
    %swap3A_35 = vector.shape_cast %swap3A_34 : vector<16xf32> to vector<16xf32>
    %swap3A_36 = vector.shape_cast %broadcast_in_dim3A_1 : vector<16xf32> to vector<16xf32>
    tpu.vector_store %arg7[%swap3A_33], %swap3A_36 {strides = array<i32>} : memref<640xf32, #tpu.memory_space<vmem>>, vector<16xf32>,
    %swap3A_37 = arith.constant 144 : index
    %swap3A_38 = tpu.vector_load %arg7[%swap3A_37] {strides = array<i32>} : memref<640xf32, #tpu.memory_space<vmem>>, vector<16xf32>,
    %swap3A_39 = vector.shape_cast %swap3A_38 : vector<16xf32> to vector<16xf32>
    %swap3A_40 = vector.shape_cast %broadcast_in_dim3A_1 : vector<16xf32> to vector<16xf32>
    tpu.vector_store %arg7[%swap3A_37], %swap3A_40 {strides = array<i32>} : memref<640xf32, #tpu.memory_space<vmem>>, vector<16xf32>,
    %swap3A_41 = arith.constant 160 : index
    %swap3A_42 = tpu.vector_load %arg7[%swap3A_41] {strides = array<i32>} : memref<640xf32, #tpu.memory_space<vmem>>, vector<16xf32>,
    %swap3A_43 = vector.shape_cast %swap3A_42 : vector<16xf32> to vector<16xf32>
    %swap3A_44 = vector.shape_cast %broadcast_in_dim3A_1 : vector<16xf32> to vector<16xf32>
    tpu.vector_store %arg7[%swap3A_41], %swap3A_44 {strides = array<i32>} : memref<640xf32, #tpu.memory_space<vmem>>, vector<16xf32>,
    %swap3A_45 = arith.constant 176 : index
    %swap3A_46 = tpu.vector_load %arg7[%swap3A_45] {strides = array<i32>} : memref<640xf32, #tpu.memory_space<vmem>>, vector<16xf32>,
    %swap3A_47 = vector.shape_cast %swap3A_46 : vector<16xf32> to vector<16xf32>
    %swap3A_48 = vector.shape_cast %broadcast_in_dim3A_1 : vector<16xf32> to vector<16xf32>
    tpu.vector_store %arg7[%swap3A_45], %swap3A_48 {strides = array<i32>} : memref<640xf32, #tpu.memory_space<vmem>>, vector<16xf32>,
    %swap3A_49 = arith.constant 192 : index
    %swap3A_50 = tpu.vector_load %arg7[%swap3A_49] {strides = array<i32>} : memref<640xf32, #tpu.memory_space<vmem>>, vector<16xf32>,
    %swap3A_51 = vector.shape_cast %swap3A_50 : vector<16xf32> to vector<16xf32>
    %swap3A_52 = vector.shape_cast %broadcast_in_dim3A_1 : vector<16xf32> to vector<16xf32>
    tpu.vector_store %arg7[%swap3A_49], %swap3A_52 {strides = array<i32>} : memref<640xf32, #tpu.memory_space<vmem>>, vector<16xf32>,
    %swap3A_53 = arith.constant 208 : index
    %swap3A_54 = tpu.vector_load %arg7[%swap3A_53] {strides = array<i32>} : memref<640xf32, #tpu.memory_space<vmem>>, vector<16xf32>,
    %swap3A_55 = vector.shape_cast %swap3A_54 : vector<16xf32> to vector<16xf32>
    %swap3A_56 = vector.shape_cast %broadcast_in_dim3A_1 : vector<16xf32> to vector<16xf32>
    tpu.vector_store %arg7[%swap3A_53], %swap3A_56 {strides = array<i32>} : memref<640xf32, #tpu.memory_space<vmem>>, vector<16xf32>,
    %swap3A_57 = arith.constant 224 : index
    %swap3A_58 = tpu.vector_load %arg7[%swap3A_57] {strides = array<i32>} : memref<640xf32, #tpu.memory_space<vmem>>, vector<16xf32>,
    %swap3A_59 = vector.shape_cast %swap3A_58 : vector<16xf32> to vector<16xf32>
    %swap3A_60 = vector.shape_cast %broadcast_in_dim3A_1 : vector<16xf32> to vector<16xf32>
    tpu.vector_store %arg7[%swap3A_57], %swap3A_60 {strides = array<i32>} : memref<640xf32, #tpu.memory_space<vmem>>, vector<16xf32>,
    %swap3A_61 = arith.constant 240 : index
    %swap3A_62 = tpu.vector_load %arg7[%swap3A_61] {strides = array<i32>} : memref<640xf32, #tpu.memory_space<vmem>>, vector<16xf32>,
    %swap3A_63 = vector.shape_cast %swap3A_62 : vector<16xf32> to vector<16xf32>
    %swap3A_64 = vector.shape_cast %broadcast_in_dim3A_1 : vector<16xf32> to vector<16xf32>
    tpu.vector_store %arg7[%swap3A_61], %swap3A_64 {strides = array<i32>} : memref<640xf32, #tpu.memory_space<vmem>>, vector<16xf32>,
    %swap3A_65 = arith.constant 256 : index
    %swap3A_66 = tpu.vector_load %arg7[%swap3A_65] {strides = array<i32>} : memref<640xf32, #tpu.memory_space<vmem>>, vector<16xf32>,
    %swap3A_67 = vector.shape_cast %swap3A_66 : vector<16xf32> to vector<16xf32>
    %swap3A_68 = vector.shape_cast %broadcast_in_dim3A_1 : vector<16xf32> to vector<16xf32>
    tpu.vector_store %arg7[%swap3A_65], %swap3A_68 {strides = array<i32>} : memref<640xf32, #tpu.memory_space<vmem>>, vector<16xf32>,
    %swap3A_69 = arith.constant 272 : index
    %swap3A_70 = tpu.vector_load %arg7[%swap3A_69] {strides = array<i32>} : memref<640xf32, #tpu.memory_space<vmem>>, vector<16xf32>,
    %swap3A_71 = vector.shape_cast %swap3A_70 : vector<16xf32> to vector<16xf32>
    %swap3A_72 = vector.shape_cast %broadcast_in_dim3A_1 : vector<16xf32> to vector<16xf32>
    tpu.vector_store %arg7[%swap3A_69], %swap3A_72 {strides = array<i32>} : memref<640xf32, #tpu.memory_space<vmem>>, vector<16xf32>,
    %swap3A_73 = arith.constant 288 : index
    %swap3A_74 = tpu.vector_load %arg7[%swap3A_73] {strides = array<i32>} : memref<640xf32, #tpu.memory_space<vmem>>, vector<16xf32>,
    %swap3A_75 = vector.shape_cast %swap3A_74 : vector<16xf32> to vector<16xf32>
    %swap3A_76 = vector.shape_cast %broadcast_in_dim3A_1 : vector<16xf32> to vector<16xf32>
    tpu.vector_store %arg7[%swap3A_73], %swap3A_76 {strides = array<i32>} : memref<640xf32, #tpu.memory_space<vmem>>, vector<16xf32>,
    %swap3A_77 = arith.constant 304 : index
    %swap3A_78 = tpu.vector_load %arg7[%swap3A_77] {strides = array<i32>} : memref<640xf32, #tpu.memory_space<vmem>>, vector<16xf32>,
    %swap3A_79 = vector.shape_cast %swap3A_78 : vector<16xf32> to vector<16xf32>
    %swap3A_80 = vector.shape_cast %broadcast_in_dim3A_1 : vector<16xf32> to vector<16xf32>
    tpu.vector_store %arg7[%swap3A_77], %swap3A_80 {strides = array<i32>} : memref<640xf32, #tpu.memory_space<vmem>>, vector<16xf32>,
    %swap3A_81 = arith.constant 320 : index
    %swap3A_82 = tpu.vector_load %arg7[%swap3A_81] {strides = array<i32>} : memref<640xf32, #tpu.memory_space<vmem>>, vector<16xf32>,
    %swap3A_83 = vector.shape_cast %swap3A_82 : vector<16xf32> to vector<16xf32>
    %swap3A_84 = vector.shape_cast %broadcast_in_dim3A_1 : vector<16xf32> to vector<16xf32>
    tpu.vector_store %arg7[%swap3A_81], %swap3A_84 {strides = array<i32>} : memref<640xf32, #tpu.memory_space<vmem>>, vector<16xf32>,
    %swap3A_85 = arith.constant 336 : index
    %swap3A_86 = tpu.vector_load %arg7[%swap3A_85] {strides = array<i32>} : memref<640xf32, #tpu.memory_space<vmem>>, vector<16xf32>,
    %swap3A_87 = vector.shape_cast %swap3A_86 : vector<16xf32> to vector<16xf32>
    %swap3A_88 = vector.shape_cast %broadcast_in_dim3A_1 : vector<16xf32> to vector<16xf32>
    tpu.vector_store %arg7[%swap3A_85], %swap3A_88 {strides = array<i32>} : memref<640xf32, #tpu.memory_space<vmem>>, vector<16xf32>,
    %swap3A_89 = arith.constant 352 : index
    %swap3A_90 = tpu.vector_load %arg7[%swap3A_89] {strides = array<i32>} : memref<640xf32, #tpu.memory_space<vmem>>, vector<16xf32>,
    %swap3A_91 = vector.shape_cast %swap3A_90 : vector<16xf32> to vector<16xf32>
    %swap3A_92 = vector.shape_cast %broadcast_in_dim3A_1 : vector<16xf32> to vector<16xf32>
    tpu.vector_store %arg7[%swap3A_89], %swap3A_92 {strides = array<i32>} : memref<640xf32, #tpu.memory_space<vmem>>, vector<16xf32>,
    %swap3A_93 = arith.constant 368 : index
    %swap3A_94 = tpu.vector_load %arg7[%swap3A_93] {strides = array<i32>} : memref<640xf32, #tpu.memory_space<vmem>>, vector<16xf32>,
    %swap3A_95 = vector.shape_cast %swap3A_94 : vector<16xf32> to vector<16xf32>
    %swap3A_96 = vector.shape_cast %broadcast_in_dim3A_1 : vector<16xf32> to vector<16xf32>
    tpu.vector_store %arg7[%swap3A_93], %swap3A_96 {strides = array<i32>} : memref<640xf32, #tpu.memory_space<vmem>>, vector<16xf32>,
    %swap3A_97 = arith.constant 384 : index
    %swap3A_98 = tpu.vector_load %arg7[%swap3A_97] {strides = array<i32>} : memref<640xf32, #tpu.memory_space<vmem>>, vector<16xf32>,
    %swap3A_99 = vector.shape_cast %swap3A_98 : vector<16xf32> to vector<16xf32>
    %swap3A_100 = vector.shape_cast %broadcast_in_dim3A_1 : vector<16xf32> to vector<16xf32>
    tpu.vector_store %arg7[%swap3A_97], %swap3A_100 {strides = array<i32>} : memref<640xf32, #tpu.memory_space<vmem>>, vector<16xf32>,
    %swap3A_101 = arith.constant 400 : index
    %swap3A_102 = tpu.vector_load %arg7[%swap3A_101] {strides = array<i32>} : memref<640xf32, #tpu.memory_space<vmem>>, vector<16xf32>,
    %swap3A_103 = vector.shape_cast %swap3A_102 : vector<16xf32> to vector<16xf32>
    %swap3A_104 = vector.shape_cast %broadcast_in_dim3A_1 : vector<16xf32> to vector<16xf32>
    tpu.vector_store %arg7[%swap3A_101], %swap3A_104 {strides = array<i32>} : memref<640xf32, #tpu.memory_space<vmem>>, vector<16xf32>,
    %swap3A_105 = arith.constant 416 : index
    %swap3A_106 = tpu.vector_load %arg7[%swap3A_105] {strides = array<i32>} : memref<640xf32, #tpu.memory_space<vmem>>, vector<16xf32>,
    %swap3A_107 = vector.shape_cast %swap3A_106 : vector<16xf32> to vector<16xf32>
    %swap3A_108 = vector.shape_cast %broadcast_in_dim3A_1 : vector<16xf32> to vector<16xf32>
    tpu.vector_store %arg7[%swap3A_105], %swap3A_108 {strides = array<i32>} : memref<640xf32, #tpu.memory_space<vmem>>, vector<16xf32>,
    %swap3A_109 = arith.constant 432 : index
    %swap3A_110 = tpu.vector_load %arg7[%swap3A_109] {strides = array<i32>} : memref<640xf32, #tpu.memory_space<vmem>>, vector<16xf32>,
    %swap3A_111 = vector.shape_cast %swap3A_110 : vector<16xf32> to vector<16xf32>
    %swap3A_112 = vector.shape_cast %broadcast_in_dim3A_1 : vector<16xf32> to vector<16xf32>
    tpu.vector_store %arg7[%swap3A_109], %swap3A_112 {strides = array<i32>} : memref<640xf32, #tpu.memory_space<vmem>>, vector<16xf32>,
    %swap3A_113 = arith.constant 448 : index
    %swap3A_114 = tpu.vector_load %arg7[%swap3A_113] {strides = array<i32>} : memref<640xf32, #tpu.memory_space<vmem>>, vector<16xf32>,
    %swap3A_115 = vector.shape_cast %swap3A_114 : vector<16xf32> to vector<16xf32>
    %swap3A_116 = vector.shape_cast %broadcast_in_dim3A_1 : vector<16xf32> to vector<16xf32>
    tpu.vector_store %arg7[%swap3A_113], %swap3A_116 {strides = array<i32>} : memref<640xf32, #tpu.memory_space<vmem>>, vector<16xf32>,
    %swap3A_117 = arith.constant 464 : index
    %swap3A_118 = tpu.vector_load %arg7[%swap3A_117] {strides = array<i32>} : memref<640xf32, #tpu.memory_space<vmem>>, vector<16xf32>,
    %swap3A_119 = vector.shape_cast %swap3A_118 : vector<16xf32> to vector<16xf32>
    %swap3A_120 = vector.shape_cast %broadcast_in_dim3A_1 : vector<16xf32> to vector<16xf32>
    tpu.vector_store %arg7[%swap3A_117], %swap3A_120 {strides = array<i32>} : memref<640xf32, #tpu.memory_space<vmem>>, vector<16xf32>,
    %swap3A_121 = arith.constant 480 : index
    %swap3A_122 = tpu.vector_load %arg7[%swap3A_121] {strides = array<i32>} : memref<640xf32, #tpu.memory_space<vmem>>, vector<16xf32>,
    %swap3A_123 = vector.shape_cast %swap3A_122 : vector<16xf32> to vector<16xf32>
    %swap3A_124 = vector.shape_cast %broadcast_in_dim3A_1 : vector<16xf32> to vector<16xf32>
    tpu.vector_store %arg7[%swap3A_121], %swap3A_124 {strides = array<i32>} : memref<640xf32, #tpu.memory_space<vmem>>, vector<16xf32>,
    %swap3A_125 = arith.constant 496 : index
    %swap3A_126 = tpu.vector_load %arg7[%swap3A_125] {strides = array<i32>} : memref<640xf32, #tpu.memory_space<vmem>>, vector<16xf32>,
    %swap3A_127 = vector.shape_cast %swap3A_126 : vector<16xf32> to vector<16xf32>
    %swap3A_128 = vector.shape_cast %broadcast_in_dim3A_1 : vector<16xf32> to vector<16xf32>
    tpu.vector_store %arg7[%swap3A_125], %swap3A_128 {strides = array<i32>} : memref<640xf32, #tpu.memory_space<vmem>>, vector<16xf32>,
    %swap3A_129 = arith.constant 512 : index
    %swap3A_130 = tpu.vector_load %arg7[%swap3A_129] {strides = array<i32>} : memref<640xf32, #tpu.memory_space<vmem>>, vector<16xf32>,
    %swap3A_131 = vector.shape_cast %swap3A_130 : vector<16xf32> to vector<16xf32>
    %swap3A_132 = vector.shape_cast %broadcast_in_dim3A_1 : vector<16xf32> to vector<16xf32>
    tpu.vector_store %arg7[%swap3A_129], %swap3A_132 {strides = array<i32>} : memref<640xf32, #tpu.memory_space<vmem>>, vector<16xf32>,
    %swap3A_133 = arith.constant 528 : index
    %swap3A_134 = tpu.vector_load %arg7[%swap3A_133] {strides = array<i32>} : memref<640xf32, #tpu.memory_space<vmem>>, vector<16xf32>,
    %swap3A_135 = vector.shape_cast %swap3A_134 : vector<16xf32> to vector<16xf32>
    %swap3A_136 = vector.shape_cast %broadcast_in_dim3A_1 : vector<16xf32> to vector<16xf32>
    tpu.vector_store %arg7[%swap3A_133], %swap3A_136 {strides = array<i32>} : memref<640xf32, #tpu.memory_space<vmem>>, vector<16xf32>,
    %swap3A_137 = arith.constant 544 : index
    %swap3A_138 = tpu.vector_load %arg7[%swap3A_137] {strides = array<i32>} : memref<640xf32, #tpu.memory_space<vmem>>, vector<16xf32>,
    %swap3A_139 = vector.shape_cast %swap3A_138 : vector<16xf32> to vector<16xf32>
    %swap3A_140 = vector.shape_cast %broadcast_in_dim3A_1 : vector<16xf32> to vector<16xf32>
    tpu.vector_store %arg7[%swap3A_137], %swap3A_140 {strides = array<i32>} : memref<640xf32, #tpu.memory_space<vmem>>, vector<16xf32>,
    %swap3A_141 = arith.constant 560 : index
    %swap3A_142 = tpu.vector_load %arg7[%swap3A_141] {strides = array<i32>} : memref<640xf32, #tpu.memory_space<vmem>>, vector<16xf32>,
    %swap3A_143 = vector.shape_cast %swap3A_142 : vector<16xf32> to vector<16xf32>
    %swap3A_144 = vector.shape_cast %broadcast_in_dim3A_1 : vector<16xf32> to vector<16xf32>
    tpu.vector_store %arg7[%swap3A_141], %swap3A_144 {strides = array<i32>} : memref<640xf32, #tpu.memory_space<vmem>>, vector<16xf32>,
    %swap3A_145 = arith.constant 576 : index
    %swap3A_146 = tpu.vector_load %arg7[%swap3A_145] {strides = array<i32>} : memref<640xf32, #tpu.memory_space<vmem>>, vector<16xf32>,
    %swap3A_147 = vector.shape_cast %swap3A_146 : vector<16xf32> to vector<16xf32>
    %swap3A_148 = vector.shape_cast %broadcast_in_dim3A_1 : vector<16xf32> to vector<16xf32>
    tpu.vector_store %arg7[%swap3A_145], %swap3A_148 {strides = array<i32>} : memref<640xf32, #tpu.memory_space<vmem>>, vector<16xf32>,
    %swap3A_149 = arith.constant 592 : index
    %swap3A_150 = tpu.vector_load %arg7[%swap3A_149] {strides = array<i32>} : memref<640xf32, #tpu.memory_space<vmem>>, vector<16xf32>,
    %swap3A_151 = vector.shape_cast %swap3A_150 : vector<16xf32> to vector<16xf32>
    %swap3A_152 = vector.shape_cast %broadcast_in_dim3A_1 : vector<16xf32> to vector<16xf32>
    tpu.vector_store %arg7[%swap3A_149], %swap3A_152 {strides = array<i32>} : memref<640xf32, #tpu.memory_space<vmem>>, vector<16xf32>,
    %swap3A_153 = arith.constant 608 : index
    %swap3A_154 = tpu.vector_load %arg7[%swap3A_153] {strides = array<i32>} : memref<640xf32, #tpu.memory_space<vmem>>, vector<16xf32>,
    %swap3A_155 = vector.shape_cast %swap3A_154 : vector<16xf32> to vector<16xf32>
    %swap3A_156 = vector.shape_cast %broadcast_in_dim3A_1 : vector<16xf32> to vector<16xf32>
    tpu.vector_store %arg7[%swap3A_153], %swap3A_156 {strides = array<i32>} : memref<640xf32, #tpu.memory_space<vmem>>, vector<16xf32>,
    %swap3A_157 = arith.constant 624 : index
    %swap3A_158 = tpu.vector_load %arg7[%swap3A_157] {strides = array<i32>} : memref<640xf32, #tpu.memory_space<vmem>>, vector<16xf32>,
    %swap3A_159 = vector.shape_cast %swap3A_158 : vector<16xf32> to vector<16xf32>
    %swap3A_160 = vector.shape_cast %broadcast_in_dim3A_1 : vector<16xf32> to vector<16xf32>
    tpu.vector_store %arg7[%swap3A_157], %swap3A_160 {strides = array<i32>} : memref<640xf32, #tpu.memory_space<vmem>>, vector<16xf32>,
    %mul3A_161 = arith.constant 640 : i32
    %mul3A_162 = arith.muli %arg1, %mul3A_161 : i32
    "tpu.region"() ({
      %run_scoped3A = tpu.sem_alloc : memref<!tpu.dma_semaphore, #tpu.memory_space<semaphore_mem>>
      %dma_start3A = tpu.memref_slice %arg8[%mul3A_162] : memref<10240xf32, #tpu.memory_space<vmem_shared>> -> memref<640xf32, #tpu.memory_space<vmem_shared>>
      %dma_start3A_173 = tpu.memref_slice %arg8[%mul3A_162] : memref<10240xf32, #tpu.memory_space<vmem_shared>> -> memref<640xf32, #tpu.memory_space<vmem_shared>>
      tpu.enqueue_dma source(%arg7 : memref<640xf32, #tpu.memory_space<vmem>>) target(%dma_start3A_173 : memref<640xf32, #tpu.memory_space<vmem_shared>>) target_semaphore(%run_scoped3A : memref<!tpu.dma_semaphore, #tpu.memory_space<semaphore_mem>>)
      %dma_wait3A = tpu.memref_slice %arg8[%mul3A_162] : memref<10240xf32, #tpu.memory_space<vmem_shared>> -> memref<640xf32, #tpu.memory_space<vmem_shared>>
      %dma_wait3A_174 = tpu.memref_slice %arg8[%mul3A_162] : memref<10240xf32, #tpu.memory_space<vmem_shared>> -> memref<640xf32, #tpu.memory_space<vmem_shared>>
      tpu.wait_dma2 semaphore(%run_scoped3A : memref<!tpu.dma_semaphore, #tpu.memory_space<semaphore_mem>>) src(%arg7 : memref<640xf32, #tpu.memory_space<vmem>>) dst(%dma_wait3A_174 : memref<640xf32, #tpu.memory_space<vmem_shared>>)
      tpu.yield
    }) : () -> ()
    %barrier3A = arith.constant 0 : index
    tpu.barrier barrier_id(%barrier3A)
    "tpu.region"() ({
      %run_scoped3A = tpu.sem_alloc : memref<!tpu.dma_semaphore, #tpu.memory_space<semaphore_mem>>
      %dma_start3A = arith.constant 0 : i32
      %dma_start3A_173 = arith.constant 0 : i32
      %dma_start3A_174 = tpu.memref_slice %arg2[%add3A, %dma_start3A, %dma_start3A_173] : memref<32x160x64xi32, #tpu.memory_space<hbm>> -> memref<1x160x64xi32, #tpu.memory_space<hbm>>
      %dma_start3A_175 = tpu.memref_squeeze %dma_start3A_174 : memref<1x160x64xi32, #tpu.memory_space<hbm>> -> memref<160x64xi32, #tpu.memory_space<hbm>>
      %dma_start3A_176 = arith.constant 0 : i32
      %dma_start3A_177 = arith.constant 0 : i32
      %dma_start3A_178 = tpu.memref_slice %arg2[%add3A, %dma_start3A_176, %dma_start3A_177] : memref<32x160x64xi32, #tpu.memory_space<hbm>> -> memref<1x160x64xi32, #tpu.memory_space<hbm>>
      %dma_start3A_179 = tpu.memref_squeeze %dma_start3A_178 : memref<1x160x64xi32, #tpu.memory_space<hbm>> -> memref<160x64xi32, #tpu.memory_space<hbm>>
      tpu.enqueue_dma source(%dma_start3A_179 : memref<160x64xi32, #tpu.memory_space<hbm>>) target(%arg5 : memref<160x64xi32, #tpu.memory_space<vmem>>) target_semaphore(%run_scoped3A : memref<!tpu.dma_semaphore, #tpu.memory_space<semaphore_mem>>)
      %dma_wait3A = arith.constant 0 : i32
      %dma_wait3A_180 = arith.constant 0 : i32
      %dma_wait3A_181 = tpu.memref_slice %arg2[%add3A, %dma_wait3A, %dma_wait3A_180] : memref<32x160x64xi32, #tpu.memory_space<hbm>> -> memref<1x160x64xi32, #tpu.memory_space<hbm>>
      %dma_wait3A_182 = tpu.memref_squeeze %dma_wait3A_181 : memref<1x160x64xi32, #tpu.memory_space<hbm>> -> memref<160x64xi32, #tpu.memory_space<hbm>>
      %dma_wait3A_183 = arith.constant 0 : i32
      %dma_wait3A_184 = arith.constant 0 : i32
      %dma_wait3A_185 = tpu.memref_slice %arg2[%add3A, %dma_wait3A_183, %dma_wait3A_184] : memref<32x160x64xi32, #tpu.memory_space<hbm>> -> memref<1x160x64xi32, #tpu.memory_space<hbm>>
      %dma_wait3A_186 = tpu.memref_squeeze %dma_wait3A_185 : memref<1x160x64xi32, #tpu.memory_space<hbm>> -> memref<160x64xi32, #tpu.memory_space<hbm>>
      tpu.wait_dma2 semaphore(%run_scoped3A : memref<!tpu.dma_semaphore, #tpu.memory_space<semaphore_mem>>) src(%dma_wait3A_186 : memref<160x64xi32, #tpu.memory_space<hbm>>) dst(%arg5 : memref<160x64xi32, #tpu.memory_space<vmem>>)
      tpu.yield
    }) : () -> ()
    %scan3A = arith.constant 0 : i32
    %scan3A_163 = arith.constant 0 : i32
    %scan3A_164 = arith.constant 160 : i32
    %scan3A_165 = arith.addi %scan3A_163, %scan3A_164 : i32
    %scan3A_166 = arith.constant 1 : i32
    scf.for %scan3A_173 = %scan3A_163 to %scan3A_165 step %scan3A_166  : i32 {
      "tpu.region"() ({
        %run_scoped3A = tpu.sem_alloc : memref<!tpu.dma_semaphore, #tpu.memory_space<semaphore_mem>>
        %dma_start3A = arith.constant 0 : i32
        %dma_start3A_174 = tpu.memref_slice %arg5[%scan3A_173, %dma_start3A] : memref<160x64xi32, #tpu.memory_space<vmem>> -> memref<1x64xi32, #tpu.memory_space<vmem>>
        %dma_start3A_175 = tpu.memref_squeeze %dma_start3A_174 : memref<1x64xi32, #tpu.memory_space<vmem>> -> memref<64xi32, #tpu.memory_space<vmem>>
        %dma_start3A_176 = arith.constant 0 : i32
        %dma_start3A_177 = tpu.memref_slice %arg8[%dma_start3A_176] : memref<10240xf32, #tpu.memory_space<vmem_shared>> -> memref<10240xf32, #tpu.memory_space<vmem_shared>>
        tpu.enqueue_indirect_dma source(%arg6 : memref<64xf32, #tpu.memory_space<vmem>>) target(%dma_start3A_177 : memref<10240xf32, #tpu.memory_space<vmem_shared>>) offsets(%dma_start3A_175 : memref<64xi32, #tpu.memory_space<vmem>>) semaphore(%run_scoped3A : memref<!tpu.dma_semaphore, #tpu.memory_space<semaphore_mem>>) {add = true}
        %dma_wait3A = arith.constant 0 : i32
        %dma_wait3A_178 = tpu.memref_slice %arg5[%scan3A_173, %dma_wait3A] : memref<160x64xi32, #tpu.memory_space<vmem>> -> memref<1x64xi32, #tpu.memory_space<vmem>>
        %dma_wait3A_179 = tpu.memref_squeeze %dma_wait3A_178 : memref<1x64xi32, #tpu.memory_space<vmem>> -> memref<64xi32, #tpu.memory_space<vmem>>
        %dma_wait3A_180 = arith.constant 0 : i32
        %dma_wait3A_181 = tpu.memref_slice %arg8[%dma_wait3A_180] : memref<10240xf32, #tpu.memory_space<vmem_shared>> -> memref<10240xf32, #tpu.memory_space<vmem_shared>>
        tpu.wait_indirect_dma semaphore(%run_scoped3A : memref<!tpu.dma_semaphore, #tpu.memory_space<semaphore_mem>>) src(%arg6 : memref<64xf32, #tpu.memory_space<vmem>>) dst(%dma_wait3A_181 : memref<10240xf32, #tpu.memory_space<vmem_shared>>)
        tpu.yield
      }) : () -> ()
    }
    %scan3A_167 = arith.constant 160 : i32
    %barrier3A_168 = arith.constant 0 : index
    tpu.barrier barrier_id(%barrier3A_168)
    %mul3A_169 = arith.constant 640 : i32
    %mul3A_170 = arith.muli %arg1, %mul3A_169 : i32
    "tpu.region"() ({
      %run_scoped3A = tpu.sem_alloc : memref<!tpu.dma_semaphore, #tpu.memory_space<semaphore_mem>>
      %dma_start3A = tpu.memref_slice %arg8[%mul3A_170] : memref<10240xf32, #tpu.memory_space<vmem_shared>> -> memref<640xf32, #tpu.memory_space<vmem_shared>>
      %dma_start3A_173 = tpu.memref_slice %arg8[%mul3A_170] : memref<10240xf32, #tpu.memory_space<vmem_shared>> -> memref<640xf32, #tpu.memory_space<vmem_shared>>
      tpu.enqueue_dma source(%dma_start3A_173 : memref<640xf32, #tpu.memory_space<vmem_shared>>) target(%arg7 : memref<640xf32, #tpu.memory_space<vmem>>) target_semaphore(%run_scoped3A : memref<!tpu.dma_semaphore, #tpu.memory_space<semaphore_mem>>)
      %dma_wait3A = tpu.memref_slice %arg8[%mul3A_170] : memref<10240xf32, #tpu.memory_space<vmem_shared>> -> memref<640xf32, #tpu.memory_space<vmem_shared>>
      %dma_wait3A_174 = tpu.memref_slice %arg8[%mul3A_170] : memref<10240xf32, #tpu.memory_space<vmem_shared>> -> memref<640xf32, #tpu.memory_space<vmem_shared>>
      tpu.wait_dma2 semaphore(%run_scoped3A : memref<!tpu.dma_semaphore, #tpu.memory_space<semaphore_mem>>) src(%dma_wait3A_174 : memref<640xf32, #tpu.memory_space<vmem_shared>>) dst(%arg7 : memref<640xf32, #tpu.memory_space<vmem>>)
      tpu.yield
    }) : () -> ()
    %mul3A_171 = arith.constant 640 : i32
    %mul3A_172 = arith.muli %arg1, %mul3A_171 : i32
    "tpu.region"() ({
      %run_scoped3A = tpu.sem_alloc : memref<!tpu.dma_semaphore, #tpu.memory_space<semaphore_mem>>
      %dma_start3A = tpu.memref_slice %arg4[%arg0, %mul3A_172] : memref<2x10240xf32, #tpu.memory_space<hbm>> -> memref<1x640xf32, #tpu.memory_space<hbm>>
      %dma_start3A_173 = tpu.memref_squeeze %dma_start3A : memref<1x640xf32, #tpu.memory_space<hbm>> -> memref<640xf32, #tpu.memory_space<hbm>>
      %dma_start3A_174 = tpu.memref_slice %arg4[%arg0, %mul3A_172] : memref<2x10240xf32, #tpu.memory_space<hbm>> -> memref<1x640xf32, #tpu.memory_space<hbm>>
      %dma_start3A_175 = tpu.memref_squeeze %dma_start3A_174 : memref<1x640xf32, #tpu.memory_space<hbm>> -> memref<640xf32, #tpu.memory_space<hbm>>
      tpu.enqueue_dma source(%arg7 : memref<640xf32, #tpu.memory_space<vmem>>) target(%dma_start3A_175 : memref<640xf32, #tpu.memory_space<hbm>>) target_semaphore(%run_scoped3A : memref<!tpu.dma_semaphore, #tpu.memory_space<semaphore_mem>>)
      %dma_wait3A = tpu.memref_slice %arg4[%arg0, %mul3A_172] : memref<2x10240xf32, #tpu.memory_space<hbm>> -> memref<1x640xf32, #tpu.memory_space<hbm>>
      %dma_wait3A_176 = tpu.memref_squeeze %dma_wait3A : memref<1x640xf32, #tpu.memory_space<hbm>> -> memref<640xf32, #tpu.memory_space<hbm>>
      %dma_wait3A_177 = tpu.memref_slice %arg4[%arg0, %mul3A_172] : memref<2x10240xf32, #tpu.memory_space<hbm>> -> memref<1x640xf32, #tpu.memory_space<hbm>>
      %dma_wait3A_178 = tpu.memref_squeeze %dma_wait3A_177 : memref<1x640xf32, #tpu.memory_space<hbm>> -> memref<640xf32, #tpu.memory_space<hbm>>
      tpu.wait_dma2 semaphore(%run_scoped3A : memref<!tpu.dma_semaphore, #tpu.memory_space<semaphore_mem>>) src(%arg7 : memref<640xf32, #tpu.memory_space<vmem>>) dst(%dma_wait3A_178 : memref<640xf32, #tpu.memory_space<hbm>>)
      tpu.yield
    }) : () -> ()
    return
  }
}

#map = affine_map<(d0, d1) -> (0, 0)>
#map1 = affine_map<(d0, d1) -> (0, 0, 0)>
module attributes {stable_mosaic.version = 14 : i64} {
  func.func @_sc_agg(%arg0: i32, %arg1: i32, %arg2: memref<10240x128xf32, #tpu.memory_space<hbm>>, %arg3: memref<32x160x64xi32, #tpu.memory_space<hbm>>, %arg4: memref<32x160x64xi32, #tpu.memory_space<hbm>>, %arg5: memref<64x128xf32, #tpu.memory_space<hbm>>, %arg6: memref<2x10240x128xf32, #tpu.memory_space<hbm>>, %arg7: memref<80x64xi32, #tpu.memory_space<vmem>>, %arg8: memref<80x64xi32, #tpu.memory_space<vmem>>, %arg9: memref<2x64x128xf32, #tpu.memory_space<vmem>>, %arg10: memref<10240x128xf32, #tpu.memory_space<vmem_shared>>, %arg11: memref<!tpu.dma_semaphore, #tpu.memory_space<semaphore_mem>>, %arg12: memref<!tpu.dma_semaphore, #tpu.memory_space<semaphore_mem>>) attributes {dimension_semantics = [#tpu.dimension_semantics<core_parallel>, #tpu.dimension_semantics<subcore_parallel>], iteration_bounds = array<i64: 2, 16>, scalar_prefetch = 0 : i64, scratch_operands = 6 : i64, tpu.core_type = #tpu.core_type<sc_vector_subcore>, window_params = [{transform_indices = #map}, {transform_indices = #map1}, {transform_indices = #map1}, {transform_indices = #map}, {transform_indices = #map1}]} {
    %mul3A = arith.constant 16 : i32
    %mul3A_0 = arith.muli %arg0, %mul3A : i32
    %add3A = arith.addi %mul3A_0, %arg1 : i32
    %run_scoped3A = arith.constant 0 : i32
    "tpu.region"() ({
      %run_scoped3A_186 = tpu.sem_alloc : memref<!tpu.dma_semaphore, #tpu.memory_space<semaphore_mem>>
      %dma_start3A_187 = arith.constant 0 : i32
      %dma_start3A_188 = arith.constant 0 : i32
      %dma_start3A_189 = tpu.memref_slice %arg9[%run_scoped3A, %dma_start3A_187, %dma_start3A_188] : memref<2x64x128xf32, #tpu.memory_space<vmem>> -> memref<1x64x128xf32, #tpu.memory_space<vmem>>
      %dma_start3A_190 = tpu.memref_squeeze %dma_start3A_189 : memref<1x64x128xf32, #tpu.memory_space<vmem>> -> memref<64x128xf32, #tpu.memory_space<vmem>>
      %dma_start3A_191 = arith.constant 0 : i32
      %dma_start3A_192 = arith.constant 0 : i32
      %dma_start3A_193 = tpu.memref_slice %arg9[%run_scoped3A, %dma_start3A_191, %dma_start3A_192] : memref<2x64x128xf32, #tpu.memory_space<vmem>> -> memref<1x64x128xf32, #tpu.memory_space<vmem>>
      %dma_start3A_194 = tpu.memref_squeeze %dma_start3A_193 : memref<1x64x128xf32, #tpu.memory_space<vmem>> -> memref<64x128xf32, #tpu.memory_space<vmem>>
      tpu.enqueue_dma source(%arg5 : memref<64x128xf32, #tpu.memory_space<hbm>>) target(%dma_start3A_194 : memref<64x128xf32, #tpu.memory_space<vmem>>) target_semaphore(%run_scoped3A_186 : memref<!tpu.dma_semaphore, #tpu.memory_space<semaphore_mem>>)
      %dma_wait3A = arith.constant 0 : i32
      %dma_wait3A_195 = arith.constant 0 : i32
      %dma_wait3A_196 = tpu.memref_slice %arg9[%run_scoped3A, %dma_wait3A, %dma_wait3A_195] : memref<2x64x128xf32, #tpu.memory_space<vmem>> -> memref<1x64x128xf32, #tpu.memory_space<vmem>>
      %dma_wait3A_197 = tpu.memref_squeeze %dma_wait3A_196 : memref<1x64x128xf32, #tpu.memory_space<vmem>> -> memref<64x128xf32, #tpu.memory_space<vmem>>
      %dma_wait3A_198 = arith.constant 0 : i32
      %dma_wait3A_199 = arith.constant 0 : i32
      %dma_wait3A_200 = tpu.memref_slice %arg9[%run_scoped3A, %dma_wait3A_198, %dma_wait3A_199] : memref<2x64x128xf32, #tpu.memory_space<vmem>> -> memref<1x64x128xf32, #tpu.memory_space<vmem>>
      %dma_wait3A_201 = tpu.memref_squeeze %dma_wait3A_200 : memref<1x64x128xf32, #tpu.memory_space<vmem>> -> memref<64x128xf32, #tpu.memory_space<vmem>>
      tpu.wait_dma2 semaphore(%run_scoped3A_186 : memref<!tpu.dma_semaphore, #tpu.memory_space<semaphore_mem>>) src(%arg5 : memref<64x128xf32, #tpu.memory_space<hbm>>) dst(%dma_wait3A_201 : memref<64x128xf32, #tpu.memory_space<vmem>>)
      tpu.yield
    }) : () -> ()
    %mul3A_1 = arith.constant 640 : i32
    %mul3A_2 = arith.muli %arg1, %mul3A_1 : i32
    %add3A_3 = arith.constant 0 : i32
    %add3A_4 = arith.addi %mul3A_2, %add3A_3 : i32
    %run_scoped3A_5 = arith.constant 0 : i32
    "tpu.region"() ({
      %run_scoped3A_186 = tpu.sem_alloc : memref<!tpu.dma_semaphore, #tpu.memory_space<semaphore_mem>>
      %dma_start3A_187 = arith.constant 0 : i32
      %dma_start3A_188 = arith.constant 0 : i32
      %dma_start3A_189 = tpu.memref_slice %arg9[%run_scoped3A_5, %dma_start3A_187, %dma_start3A_188] : memref<2x64x128xf32, #tpu.memory_space<vmem>> -> memref<1x64x128xf32, #tpu.memory_space<vmem>>
      %dma_start3A_190 = tpu.memref_squeeze %dma_start3A_189 : memref<1x64x128xf32, #tpu.memory_space<vmem>> -> memref<64x128xf32, #tpu.memory_space<vmem>>
      %dma_start3A_191 = arith.constant 0 : i32
      %dma_start3A_192 = tpu.memref_slice %arg10[%add3A_4, %dma_start3A_191] : memref<10240x128xf32, #tpu.memory_space<vmem_shared>> -> memref<64x128xf32, #tpu.memory_space<vmem_shared>>
      %dma_start3A_193 = arith.constant 0 : i32
      %dma_start3A_194 = tpu.memref_slice %arg10[%add3A_4, %dma_start3A_193] : memref<10240x128xf32, #tpu.memory_space<vmem_shared>> -> memref<64x128xf32, #tpu.memory_space<vmem_shared>>
      %dma_start3A_195 = arith.constant 0 : i32
      %dma_start3A_196 = arith.constant 0 : i32
      %dma_start3A_197 = tpu.memref_slice %arg9[%run_scoped3A_5, %dma_start3A_195, %dma_start3A_196] : memref<2x64x128xf32, #tpu.memory_space<vmem>> -> memref<1x64x128xf32, #tpu.memory_space<vmem>>
      %dma_start3A_198 = tpu.memref_squeeze %dma_start3A_197 : memref<1x64x128xf32, #tpu.memory_space<vmem>> -> memref<64x128xf32, #tpu.memory_space<vmem>>
      tpu.enqueue_dma source(%dma_start3A_198 : memref<64x128xf32, #tpu.memory_space<vmem>>) target(%dma_start3A_194 : memref<64x128xf32, #tpu.memory_space<vmem_shared>>) target_semaphore(%run_scoped3A_186 : memref<!tpu.dma_semaphore, #tpu.memory_space<semaphore_mem>>)
      %dma_wait3A = arith.constant 0 : i32
      %dma_wait3A_199 = arith.constant 0 : i32
      %dma_wait3A_200 = tpu.memref_slice %arg9[%run_scoped3A_5, %dma_wait3A, %dma_wait3A_199] : memref<2x64x128xf32, #tpu.memory_space<vmem>> -> memref<1x64x128xf32, #tpu.memory_space<vmem>>
      %dma_wait3A_201 = tpu.memref_squeeze %dma_wait3A_200 : memref<1x64x128xf32, #tpu.memory_space<vmem>> -> memref<64x128xf32, #tpu.memory_space<vmem>>
      %dma_wait3A_202 = arith.constant 0 : i32
      %dma_wait3A_203 = tpu.memref_slice %arg10[%add3A_4, %dma_wait3A_202] : memref<10240x128xf32, #tpu.memory_space<vmem_shared>> -> memref<64x128xf32, #tpu.memory_space<vmem_shared>>
      %dma_wait3A_204 = arith.constant 0 : i32
      %dma_wait3A_205 = tpu.memref_slice %arg10[%add3A_4, %dma_wait3A_204] : memref<10240x128xf32, #tpu.memory_space<vmem_shared>> -> memref<64x128xf32, #tpu.memory_space<vmem_shared>>
      %dma_wait3A_206 = arith.constant 0 : i32
      %dma_wait3A_207 = arith.constant 0 : i32
      %dma_wait3A_208 = tpu.memref_slice %arg9[%run_scoped3A_5, %dma_wait3A_206, %dma_wait3A_207] : memref<2x64x128xf32, #tpu.memory_space<vmem>> -> memref<1x64x128xf32, #tpu.memory_space<vmem>>
      %dma_wait3A_209 = tpu.memref_squeeze %dma_wait3A_208 : memref<1x64x128xf32, #tpu.memory_space<vmem>> -> memref<64x128xf32, #tpu.memory_space<vmem>>
      tpu.wait_dma2 semaphore(%run_scoped3A_186 : memref<!tpu.dma_semaphore, #tpu.memory_space<semaphore_mem>>) src(%dma_wait3A_209 : memref<64x128xf32, #tpu.memory_space<vmem>>) dst(%dma_wait3A_205 : memref<64x128xf32, #tpu.memory_space<vmem_shared>>)
      tpu.yield
    }) : () -> ()
    %mul3A_6 = arith.constant 640 : i32
    %mul3A_7 = arith.muli %arg1, %mul3A_6 : i32
    %add3A_8 = arith.constant 64 : i32
    %add3A_9 = arith.addi %mul3A_7, %add3A_8 : i32
    %run_scoped3A_10 = arith.constant 0 : i32
    "tpu.region"() ({
      %run_scoped3A_186 = tpu.sem_alloc : memref<!tpu.dma_semaphore, #tpu.memory_space<semaphore_mem>>
      %dma_start3A_187 = arith.constant 0 : i32
      %dma_start3A_188 = arith.constant 0 : i32
      %dma_start3A_189 = tpu.memref_slice %arg9[%run_scoped3A_10, %dma_start3A_187, %dma_start3A_188] : memref<2x64x128xf32, #tpu.memory_space<vmem>> -> memref<1x64x128xf32, #tpu.memory_space<vmem>>
      %dma_start3A_190 = tpu.memref_squeeze %dma_start3A_189 : memref<1x64x128xf32, #tpu.memory_space<vmem>> -> memref<64x128xf32, #tpu.memory_space<vmem>>
      %dma_start3A_191 = arith.constant 0 : i32
      %dma_start3A_192 = tpu.memref_slice %arg10[%add3A_9, %dma_start3A_191] : memref<10240x128xf32, #tpu.memory_space<vmem_shared>> -> memref<64x128xf32, #tpu.memory_space<vmem_shared>>
      %dma_start3A_193 = arith.constant 0 : i32
      %dma_start3A_194 = tpu.memref_slice %arg10[%add3A_9, %dma_start3A_193] : memref<10240x128xf32, #tpu.memory_space<vmem_shared>> -> memref<64x128xf32, #tpu.memory_space<vmem_shared>>
      %dma_start3A_195 = arith.constant 0 : i32
      %dma_start3A_196 = arith.constant 0 : i32
      %dma_start3A_197 = tpu.memref_slice %arg9[%run_scoped3A_10, %dma_start3A_195, %dma_start3A_196] : memref<2x64x128xf32, #tpu.memory_space<vmem>> -> memref<1x64x128xf32, #tpu.memory_space<vmem>>
      %dma_start3A_198 = tpu.memref_squeeze %dma_start3A_197 : memref<1x64x128xf32, #tpu.memory_space<vmem>> -> memref<64x128xf32, #tpu.memory_space<vmem>>
      tpu.enqueue_dma source(%dma_start3A_198 : memref<64x128xf32, #tpu.memory_space<vmem>>) target(%dma_start3A_194 : memref<64x128xf32, #tpu.memory_space<vmem_shared>>) target_semaphore(%run_scoped3A_186 : memref<!tpu.dma_semaphore, #tpu.memory_space<semaphore_mem>>)
      %dma_wait3A = arith.constant 0 : i32
      %dma_wait3A_199 = arith.constant 0 : i32
      %dma_wait3A_200 = tpu.memref_slice %arg9[%run_scoped3A_10, %dma_wait3A, %dma_wait3A_199] : memref<2x64x128xf32, #tpu.memory_space<vmem>> -> memref<1x64x128xf32, #tpu.memory_space<vmem>>
      %dma_wait3A_201 = tpu.memref_squeeze %dma_wait3A_200 : memref<1x64x128xf32, #tpu.memory_space<vmem>> -> memref<64x128xf32, #tpu.memory_space<vmem>>
      %dma_wait3A_202 = arith.constant 0 : i32
      %dma_wait3A_203 = tpu.memref_slice %arg10[%add3A_9, %dma_wait3A_202] : memref<10240x128xf32, #tpu.memory_space<vmem_shared>> -> memref<64x128xf32, #tpu.memory_space<vmem_shared>>
      %dma_wait3A_204 = arith.constant 0 : i32
      %dma_wait3A_205 = tpu.memref_slice %arg10[%add3A_9, %dma_wait3A_204] : memref<10240x128xf32, #tpu.memory_space<vmem_shared>> -> memref<64x128xf32, #tpu.memory_space<vmem_shared>>
      %dma_wait3A_206 = arith.constant 0 : i32
      %dma_wait3A_207 = arith.constant 0 : i32
      %dma_wait3A_208 = tpu.memref_slice %arg9[%run_scoped3A_10, %dma_wait3A_206, %dma_wait3A_207] : memref<2x64x128xf32, #tpu.memory_space<vmem>> -> memref<1x64x128xf32, #tpu.memory_space<vmem>>
      %dma_wait3A_209 = tpu.memref_squeeze %dma_wait3A_208 : memref<1x64x128xf32, #tpu.memory_space<vmem>> -> memref<64x128xf32, #tpu.memory_space<vmem>>
      tpu.wait_dma2 semaphore(%run_scoped3A_186 : memref<!tpu.dma_semaphore, #tpu.memory_space<semaphore_mem>>) src(%dma_wait3A_209 : memref<64x128xf32, #tpu.memory_space<vmem>>) dst(%dma_wait3A_205 : memref<64x128xf32, #tpu.memory_space<vmem_shared>>)
      tpu.yield
    }) : () -> ()
    %mul3A_11 = arith.constant 640 : i32
    %mul3A_12 = arith.muli %arg1, %mul3A_11 : i32
    %add3A_13 = arith.constant 128 : i32
    %add3A_14 = arith.addi %mul3A_12, %add3A_13 : i32
    %run_scoped3A_15 = arith.constant 0 : i32
    "tpu.region"() ({
      %run_scoped3A_186 = tpu.sem_alloc : memref<!tpu.dma_semaphore, #tpu.memory_space<semaphore_mem>>
      %dma_start3A_187 = arith.constant 0 : i32
      %dma_start3A_188 = arith.constant 0 : i32
      %dma_start3A_189 = tpu.memref_slice %arg9[%run_scoped3A_15, %dma_start3A_187, %dma_start3A_188] : memref<2x64x128xf32, #tpu.memory_space<vmem>> -> memref<1x64x128xf32, #tpu.memory_space<vmem>>
      %dma_start3A_190 = tpu.memref_squeeze %dma_start3A_189 : memref<1x64x128xf32, #tpu.memory_space<vmem>> -> memref<64x128xf32, #tpu.memory_space<vmem>>
      %dma_start3A_191 = arith.constant 0 : i32
      %dma_start3A_192 = tpu.memref_slice %arg10[%add3A_14, %dma_start3A_191] : memref<10240x128xf32, #tpu.memory_space<vmem_shared>> -> memref<64x128xf32, #tpu.memory_space<vmem_shared>>
      %dma_start3A_193 = arith.constant 0 : i32
      %dma_start3A_194 = tpu.memref_slice %arg10[%add3A_14, %dma_start3A_193] : memref<10240x128xf32, #tpu.memory_space<vmem_shared>> -> memref<64x128xf32, #tpu.memory_space<vmem_shared>>
      %dma_start3A_195 = arith.constant 0 : i32
      %dma_start3A_196 = arith.constant 0 : i32
      %dma_start3A_197 = tpu.memref_slice %arg9[%run_scoped3A_15, %dma_start3A_195, %dma_start3A_196] : memref<2x64x128xf32, #tpu.memory_space<vmem>> -> memref<1x64x128xf32, #tpu.memory_space<vmem>>
      %dma_start3A_198 = tpu.memref_squeeze %dma_start3A_197 : memref<1x64x128xf32, #tpu.memory_space<vmem>> -> memref<64x128xf32, #tpu.memory_space<vmem>>
      tpu.enqueue_dma source(%dma_start3A_198 : memref<64x128xf32, #tpu.memory_space<vmem>>) target(%dma_start3A_194 : memref<64x128xf32, #tpu.memory_space<vmem_shared>>) target_semaphore(%run_scoped3A_186 : memref<!tpu.dma_semaphore, #tpu.memory_space<semaphore_mem>>)
      %dma_wait3A = arith.constant 0 : i32
      %dma_wait3A_199 = arith.constant 0 : i32
      %dma_wait3A_200 = tpu.memref_slice %arg9[%run_scoped3A_15, %dma_wait3A, %dma_wait3A_199] : memref<2x64x128xf32, #tpu.memory_space<vmem>> -> memref<1x64x128xf32, #tpu.memory_space<vmem>>
      %dma_wait3A_201 = tpu.memref_squeeze %dma_wait3A_200 : memref<1x64x128xf32, #tpu.memory_space<vmem>> -> memref<64x128xf32, #tpu.memory_space<vmem>>
      %dma_wait3A_202 = arith.constant 0 : i32
      %dma_wait3A_203 = tpu.memref_slice %arg10[%add3A_14, %dma_wait3A_202] : memref<10240x128xf32, #tpu.memory_space<vmem_shared>> -> memref<64x128xf32, #tpu.memory_space<vmem_shared>>
      %dma_wait3A_204 = arith.constant 0 : i32
      %dma_wait3A_205 = tpu.memref_slice %arg10[%add3A_14, %dma_wait3A_204] : memref<10240x128xf32, #tpu.memory_space<vmem_shared>> -> memref<64x128xf32, #tpu.memory_space<vmem_shared>>
      %dma_wait3A_206 = arith.constant 0 : i32
      %dma_wait3A_207 = arith.constant 0 : i32
      %dma_wait3A_208 = tpu.memref_slice %arg9[%run_scoped3A_15, %dma_wait3A_206, %dma_wait3A_207] : memref<2x64x128xf32, #tpu.memory_space<vmem>> -> memref<1x64x128xf32, #tpu.memory_space<vmem>>
      %dma_wait3A_209 = tpu.memref_squeeze %dma_wait3A_208 : memref<1x64x128xf32, #tpu.memory_space<vmem>> -> memref<64x128xf32, #tpu.memory_space<vmem>>
      tpu.wait_dma2 semaphore(%run_scoped3A_186 : memref<!tpu.dma_semaphore, #tpu.memory_space<semaphore_mem>>) src(%dma_wait3A_209 : memref<64x128xf32, #tpu.memory_space<vmem>>) dst(%dma_wait3A_205 : memref<64x128xf32, #tpu.memory_space<vmem_shared>>)
      tpu.yield
    }) : () -> ()
    %mul3A_16 = arith.constant 640 : i32
    %mul3A_17 = arith.muli %arg1, %mul3A_16 : i32
    %add3A_18 = arith.constant 192 : i32
    %add3A_19 = arith.addi %mul3A_17, %add3A_18 : i32
    %run_scoped3A_20 = arith.constant 0 : i32
    "tpu.region"() ({
      %run_scoped3A_186 = tpu.sem_alloc : memref<!tpu.dma_semaphore, #tpu.memory_space<semaphore_mem>>
      %dma_start3A_187 = arith.constant 0 : i32
      %dma_start3A_188 = arith.constant 0 : i32
      %dma_start3A_189 = tpu.memref_slice %arg9[%run_scoped3A_20, %dma_start3A_187, %dma_start3A_188] : memref<2x64x128xf32, #tpu.memory_space<vmem>> -> memref<1x64x128xf32, #tpu.memory_space<vmem>>
      %dma_start3A_190 = tpu.memref_squeeze %dma_start3A_189 : memref<1x64x128xf32, #tpu.memory_space<vmem>> -> memref<64x128xf32, #tpu.memory_space<vmem>>
      %dma_start3A_191 = arith.constant 0 : i32
      %dma_start3A_192 = tpu.memref_slice %arg10[%add3A_19, %dma_start3A_191] : memref<10240x128xf32, #tpu.memory_space<vmem_shared>> -> memref<64x128xf32, #tpu.memory_space<vmem_shared>>
      %dma_start3A_193 = arith.constant 0 : i32
      %dma_start3A_194 = tpu.memref_slice %arg10[%add3A_19, %dma_start3A_193] : memref<10240x128xf32, #tpu.memory_space<vmem_shared>> -> memref<64x128xf32, #tpu.memory_space<vmem_shared>>
      %dma_start3A_195 = arith.constant 0 : i32
      %dma_start3A_196 = arith.constant 0 : i32
      %dma_start3A_197 = tpu.memref_slice %arg9[%run_scoped3A_20, %dma_start3A_195, %dma_start3A_196] : memref<2x64x128xf32, #tpu.memory_space<vmem>> -> memref<1x64x128xf32, #tpu.memory_space<vmem>>
      %dma_start3A_198 = tpu.memref_squeeze %dma_start3A_197 : memref<1x64x128xf32, #tpu.memory_space<vmem>> -> memref<64x128xf32, #tpu.memory_space<vmem>>
      tpu.enqueue_dma source(%dma_start3A_198 : memref<64x128xf32, #tpu.memory_space<vmem>>) target(%dma_start3A_194 : memref<64x128xf32, #tpu.memory_space<vmem_shared>>) target_semaphore(%run_scoped3A_186 : memref<!tpu.dma_semaphore, #tpu.memory_space<semaphore_mem>>)
      %dma_wait3A = arith.constant 0 : i32
      %dma_wait3A_199 = arith.constant 0 : i32
      %dma_wait3A_200 = tpu.memref_slice %arg9[%run_scoped3A_20, %dma_wait3A, %dma_wait3A_199] : memref<2x64x128xf32, #tpu.memory_space<vmem>> -> memref<1x64x128xf32, #tpu.memory_space<vmem>>
      %dma_wait3A_201 = tpu.memref_squeeze %dma_wait3A_200 : memref<1x64x128xf32, #tpu.memory_space<vmem>> -> memref<64x128xf32, #tpu.memory_space<vmem>>
      %dma_wait3A_202 = arith.constant 0 : i32
      %dma_wait3A_203 = tpu.memref_slice %arg10[%add3A_19, %dma_wait3A_202] : memref<10240x128xf32, #tpu.memory_space<vmem_shared>> -> memref<64x128xf32, #tpu.memory_space<vmem_shared>>
      %dma_wait3A_204 = arith.constant 0 : i32
      %dma_wait3A_205 = tpu.memref_slice %arg10[%add3A_19, %dma_wait3A_204] : memref<10240x128xf32, #tpu.memory_space<vmem_shared>> -> memref<64x128xf32, #tpu.memory_space<vmem_shared>>
      %dma_wait3A_206 = arith.constant 0 : i32
      %dma_wait3A_207 = arith.constant 0 : i32
      %dma_wait3A_208 = tpu.memref_slice %arg9[%run_scoped3A_20, %dma_wait3A_206, %dma_wait3A_207] : memref<2x64x128xf32, #tpu.memory_space<vmem>> -> memref<1x64x128xf32, #tpu.memory_space<vmem>>
      %dma_wait3A_209 = tpu.memref_squeeze %dma_wait3A_208 : memref<1x64x128xf32, #tpu.memory_space<vmem>> -> memref<64x128xf32, #tpu.memory_space<vmem>>
      tpu.wait_dma2 semaphore(%run_scoped3A_186 : memref<!tpu.dma_semaphore, #tpu.memory_space<semaphore_mem>>) src(%dma_wait3A_209 : memref<64x128xf32, #tpu.memory_space<vmem>>) dst(%dma_wait3A_205 : memref<64x128xf32, #tpu.memory_space<vmem_shared>>)
      tpu.yield
    }) : () -> ()
    %mul3A_21 = arith.constant 640 : i32
    %mul3A_22 = arith.muli %arg1, %mul3A_21 : i32
    %add3A_23 = arith.constant 256 : i32
    %add3A_24 = arith.addi %mul3A_22, %add3A_23 : i32
    %run_scoped3A_25 = arith.constant 0 : i32
    "tpu.region"() ({
      %run_scoped3A_186 = tpu.sem_alloc : memref<!tpu.dma_semaphore, #tpu.memory_space<semaphore_mem>>
      %dma_start3A_187 = arith.constant 0 : i32
      %dma_start3A_188 = arith.constant 0 : i32
      %dma_start3A_189 = tpu.memref_slice %arg9[%run_scoped3A_25, %dma_start3A_187, %dma_start3A_188] : memref<2x64x128xf32, #tpu.memory_space<vmem>> -> memref<1x64x128xf32, #tpu.memory_space<vmem>>
      %dma_start3A_190 = tpu.memref_squeeze %dma_start3A_189 : memref<1x64x128xf32, #tpu.memory_space<vmem>> -> memref<64x128xf32, #tpu.memory_space<vmem>>
      %dma_start3A_191 = arith.constant 0 : i32
      %dma_start3A_192 = tpu.memref_slice %arg10[%add3A_24, %dma_start3A_191] : memref<10240x128xf32, #tpu.memory_space<vmem_shared>> -> memref<64x128xf32, #tpu.memory_space<vmem_shared>>
      %dma_start3A_193 = arith.constant 0 : i32
      %dma_start3A_194 = tpu.memref_slice %arg10[%add3A_24, %dma_start3A_193] : memref<10240x128xf32, #tpu.memory_space<vmem_shared>> -> memref<64x128xf32, #tpu.memory_space<vmem_shared>>
      %dma_start3A_195 = arith.constant 0 : i32
      %dma_start3A_196 = arith.constant 0 : i32
      %dma_start3A_197 = tpu.memref_slice %arg9[%run_scoped3A_25, %dma_start3A_195, %dma_start3A_196] : memref<2x64x128xf32, #tpu.memory_space<vmem>> -> memref<1x64x128xf32, #tpu.memory_space<vmem>>
      %dma_start3A_198 = tpu.memref_squeeze %dma_start3A_197 : memref<1x64x128xf32, #tpu.memory_space<vmem>> -> memref<64x128xf32, #tpu.memory_space<vmem>>
      tpu.enqueue_dma source(%dma_start3A_198 : memref<64x128xf32, #tpu.memory_space<vmem>>) target(%dma_start3A_194 : memref<64x128xf32, #tpu.memory_space<vmem_shared>>) target_semaphore(%run_scoped3A_186 : memref<!tpu.dma_semaphore, #tpu.memory_space<semaphore_mem>>)
      %dma_wait3A = arith.constant 0 : i32
      %dma_wait3A_199 = arith.constant 0 : i32
      %dma_wait3A_200 = tpu.memref_slice %arg9[%run_scoped3A_25, %dma_wait3A, %dma_wait3A_199] : memref<2x64x128xf32, #tpu.memory_space<vmem>> -> memref<1x64x128xf32, #tpu.memory_space<vmem>>
      %dma_wait3A_201 = tpu.memref_squeeze %dma_wait3A_200 : memref<1x64x128xf32, #tpu.memory_space<vmem>> -> memref<64x128xf32, #tpu.memory_space<vmem>>
      %dma_wait3A_202 = arith.constant 0 : i32
      %dma_wait3A_203 = tpu.memref_slice %arg10[%add3A_24, %dma_wait3A_202] : memref<10240x128xf32, #tpu.memory_space<vmem_shared>> -> memref<64x128xf32, #tpu.memory_space<vmem_shared>>
      %dma_wait3A_204 = arith.constant 0 : i32
      %dma_wait3A_205 = tpu.memref_slice %arg10[%add3A_24, %dma_wait3A_204] : memref<10240x128xf32, #tpu.memory_space<vmem_shared>> -> memref<64x128xf32, #tpu.memory_space<vmem_shared>>
      %dma_wait3A_206 = arith.constant 0 : i32
      %dma_wait3A_207 = arith.constant 0 : i32
      %dma_wait3A_208 = tpu.memref_slice %arg9[%run_scoped3A_25, %dma_wait3A_206, %dma_wait3A_207] : memref<2x64x128xf32, #tpu.memory_space<vmem>> -> memref<1x64x128xf32, #tpu.memory_space<vmem>>
      %dma_wait3A_209 = tpu.memref_squeeze %dma_wait3A_208 : memref<1x64x128xf32, #tpu.memory_space<vmem>> -> memref<64x128xf32, #tpu.memory_space<vmem>>
      tpu.wait_dma2 semaphore(%run_scoped3A_186 : memref<!tpu.dma_semaphore, #tpu.memory_space<semaphore_mem>>) src(%dma_wait3A_209 : memref<64x128xf32, #tpu.memory_space<vmem>>) dst(%dma_wait3A_205 : memref<64x128xf32, #tpu.memory_space<vmem_shared>>)
      tpu.yield
    }) : () -> ()
    %mul3A_26 = arith.constant 640 : i32
    %mul3A_27 = arith.muli %arg1, %mul3A_26 : i32
    %add3A_28 = arith.constant 320 : i32
    %add3A_29 = arith.addi %mul3A_27, %add3A_28 : i32
    %run_scoped3A_30 = arith.constant 0 : i32
    "tpu.region"() ({
      %run_scoped3A_186 = tpu.sem_alloc : memref<!tpu.dma_semaphore, #tpu.memory_space<semaphore_mem>>
      %dma_start3A_187 = arith.constant 0 : i32
      %dma_start3A_188 = arith.constant 0 : i32
      %dma_start3A_189 = tpu.memref_slice %arg9[%run_scoped3A_30, %dma_start3A_187, %dma_start3A_188] : memref<2x64x128xf32, #tpu.memory_space<vmem>> -> memref<1x64x128xf32, #tpu.memory_space<vmem>>
      %dma_start3A_190 = tpu.memref_squeeze %dma_start3A_189 : memref<1x64x128xf32, #tpu.memory_space<vmem>> -> memref<64x128xf32, #tpu.memory_space<vmem>>
      %dma_start3A_191 = arith.constant 0 : i32
      %dma_start3A_192 = tpu.memref_slice %arg10[%add3A_29, %dma_start3A_191] : memref<10240x128xf32, #tpu.memory_space<vmem_shared>> -> memref<64x128xf32, #tpu.memory_space<vmem_shared>>
      %dma_start3A_193 = arith.constant 0 : i32
      %dma_start3A_194 = tpu.memref_slice %arg10[%add3A_29, %dma_start3A_193] : memref<10240x128xf32, #tpu.memory_space<vmem_shared>> -> memref<64x128xf32, #tpu.memory_space<vmem_shared>>
      %dma_start3A_195 = arith.constant 0 : i32
      %dma_start3A_196 = arith.constant 0 : i32
      %dma_start3A_197 = tpu.memref_slice %arg9[%run_scoped3A_30, %dma_start3A_195, %dma_start3A_196] : memref<2x64x128xf32, #tpu.memory_space<vmem>> -> memref<1x64x128xf32, #tpu.memory_space<vmem>>
      %dma_start3A_198 = tpu.memref_squeeze %dma_start3A_197 : memref<1x64x128xf32, #tpu.memory_space<vmem>> -> memref<64x128xf32, #tpu.memory_space<vmem>>
      tpu.enqueue_dma source(%dma_start3A_198 : memref<64x128xf32, #tpu.memory_space<vmem>>) target(%dma_start3A_194 : memref<64x128xf32, #tpu.memory_space<vmem_shared>>) target_semaphore(%run_scoped3A_186 : memref<!tpu.dma_semaphore, #tpu.memory_space<semaphore_mem>>)
      %dma_wait3A = arith.constant 0 : i32
      %dma_wait3A_199 = arith.constant 0 : i32
      %dma_wait3A_200 = tpu.memref_slice %arg9[%run_scoped3A_30, %dma_wait3A, %dma_wait3A_199] : memref<2x64x128xf32, #tpu.memory_space<vmem>> -> memref<1x64x128xf32, #tpu.memory_space<vmem>>
      %dma_wait3A_201 = tpu.memref_squeeze %dma_wait3A_200 : memref<1x64x128xf32, #tpu.memory_space<vmem>> -> memref<64x128xf32, #tpu.memory_space<vmem>>
      %dma_wait3A_202 = arith.constant 0 : i32
      %dma_wait3A_203 = tpu.memref_slice %arg10[%add3A_29, %dma_wait3A_202] : memref<10240x128xf32, #tpu.memory_space<vmem_shared>> -> memref<64x128xf32, #tpu.memory_space<vmem_shared>>
      %dma_wait3A_204 = arith.constant 0 : i32
      %dma_wait3A_205 = tpu.memref_slice %arg10[%add3A_29, %dma_wait3A_204] : memref<10240x128xf32, #tpu.memory_space<vmem_shared>> -> memref<64x128xf32, #tpu.memory_space<vmem_shared>>
      %dma_wait3A_206 = arith.constant 0 : i32
      %dma_wait3A_207 = arith.constant 0 : i32
      %dma_wait3A_208 = tpu.memref_slice %arg9[%run_scoped3A_30, %dma_wait3A_206, %dma_wait3A_207] : memref<2x64x128xf32, #tpu.memory_space<vmem>> -> memref<1x64x128xf32, #tpu.memory_space<vmem>>
      %dma_wait3A_209 = tpu.memref_squeeze %dma_wait3A_208 : memref<1x64x128xf32, #tpu.memory_space<vmem>> -> memref<64x128xf32, #tpu.memory_space<vmem>>
      tpu.wait_dma2 semaphore(%run_scoped3A_186 : memref<!tpu.dma_semaphore, #tpu.memory_space<semaphore_mem>>) src(%dma_wait3A_209 : memref<64x128xf32, #tpu.memory_space<vmem>>) dst(%dma_wait3A_205 : memref<64x128xf32, #tpu.memory_space<vmem_shared>>)
      tpu.yield
    }) : () -> ()
    %mul3A_31 = arith.constant 640 : i32
    %mul3A_32 = arith.muli %arg1, %mul3A_31 : i32
    %add3A_33 = arith.constant 384 : i32
    %add3A_34 = arith.addi %mul3A_32, %add3A_33 : i32
    %run_scoped3A_35 = arith.constant 0 : i32
    "tpu.region"() ({
      %run_scoped3A_186 = tpu.sem_alloc : memref<!tpu.dma_semaphore, #tpu.memory_space<semaphore_mem>>
      %dma_start3A_187 = arith.constant 0 : i32
      %dma_start3A_188 = arith.constant 0 : i32
      %dma_start3A_189 = tpu.memref_slice %arg9[%run_scoped3A_35, %dma_start3A_187, %dma_start3A_188] : memref<2x64x128xf32, #tpu.memory_space<vmem>> -> memref<1x64x128xf32, #tpu.memory_space<vmem>>
      %dma_start3A_190 = tpu.memref_squeeze %dma_start3A_189 : memref<1x64x128xf32, #tpu.memory_space<vmem>> -> memref<64x128xf32, #tpu.memory_space<vmem>>
      %dma_start3A_191 = arith.constant 0 : i32
      %dma_start3A_192 = tpu.memref_slice %arg10[%add3A_34, %dma_start3A_191] : memref<10240x128xf32, #tpu.memory_space<vmem_shared>> -> memref<64x128xf32, #tpu.memory_space<vmem_shared>>
      %dma_start3A_193 = arith.constant 0 : i32
      %dma_start3A_194 = tpu.memref_slice %arg10[%add3A_34, %dma_start3A_193] : memref<10240x128xf32, #tpu.memory_space<vmem_shared>> -> memref<64x128xf32, #tpu.memory_space<vmem_shared>>
      %dma_start3A_195 = arith.constant 0 : i32
      %dma_start3A_196 = arith.constant 0 : i32
      %dma_start3A_197 = tpu.memref_slice %arg9[%run_scoped3A_35, %dma_start3A_195, %dma_start3A_196] : memref<2x64x128xf32, #tpu.memory_space<vmem>> -> memref<1x64x128xf32, #tpu.memory_space<vmem>>
      %dma_start3A_198 = tpu.memref_squeeze %dma_start3A_197 : memref<1x64x128xf32, #tpu.memory_space<vmem>> -> memref<64x128xf32, #tpu.memory_space<vmem>>
      tpu.enqueue_dma source(%dma_start3A_198 : memref<64x128xf32, #tpu.memory_space<vmem>>) target(%dma_start3A_194 : memref<64x128xf32, #tpu.memory_space<vmem_shared>>) target_semaphore(%run_scoped3A_186 : memref<!tpu.dma_semaphore, #tpu.memory_space<semaphore_mem>>)
      %dma_wait3A = arith.constant 0 : i32
      %dma_wait3A_199 = arith.constant 0 : i32
      %dma_wait3A_200 = tpu.memref_slice %arg9[%run_scoped3A_35, %dma_wait3A, %dma_wait3A_199] : memref<2x64x128xf32, #tpu.memory_space<vmem>> -> memref<1x64x128xf32, #tpu.memory_space<vmem>>
      %dma_wait3A_201 = tpu.memref_squeeze %dma_wait3A_200 : memref<1x64x128xf32, #tpu.memory_space<vmem>> -> memref<64x128xf32, #tpu.memory_space<vmem>>
      %dma_wait3A_202 = arith.constant 0 : i32
      %dma_wait3A_203 = tpu.memref_slice %arg10[%add3A_34, %dma_wait3A_202] : memref<10240x128xf32, #tpu.memory_space<vmem_shared>> -> memref<64x128xf32, #tpu.memory_space<vmem_shared>>
      %dma_wait3A_204 = arith.constant 0 : i32
      %dma_wait3A_205 = tpu.memref_slice %arg10[%add3A_34, %dma_wait3A_204] : memref<10240x128xf32, #tpu.memory_space<vmem_shared>> -> memref<64x128xf32, #tpu.memory_space<vmem_shared>>
      %dma_wait3A_206 = arith.constant 0 : i32
      %dma_wait3A_207 = arith.constant 0 : i32
      %dma_wait3A_208 = tpu.memref_slice %arg9[%run_scoped3A_35, %dma_wait3A_206, %dma_wait3A_207] : memref<2x64x128xf32, #tpu.memory_space<vmem>> -> memref<1x64x128xf32, #tpu.memory_space<vmem>>
      %dma_wait3A_209 = tpu.memref_squeeze %dma_wait3A_208 : memref<1x64x128xf32, #tpu.memory_space<vmem>> -> memref<64x128xf32, #tpu.memory_space<vmem>>
      tpu.wait_dma2 semaphore(%run_scoped3A_186 : memref<!tpu.dma_semaphore, #tpu.memory_space<semaphore_mem>>) src(%dma_wait3A_209 : memref<64x128xf32, #tpu.memory_space<vmem>>) dst(%dma_wait3A_205 : memref<64x128xf32, #tpu.memory_space<vmem_shared>>)
      tpu.yield
    }) : () -> ()
    %mul3A_36 = arith.constant 640 : i32
    %mul3A_37 = arith.muli %arg1, %mul3A_36 : i32
    %add3A_38 = arith.constant 448 : i32
    %add3A_39 = arith.addi %mul3A_37, %add3A_38 : i32
    %run_scoped3A_40 = arith.constant 0 : i32
    "tpu.region"() ({
      %run_scoped3A_186 = tpu.sem_alloc : memref<!tpu.dma_semaphore, #tpu.memory_space<semaphore_mem>>
      %dma_start3A_187 = arith.constant 0 : i32
      %dma_start3A_188 = arith.constant 0 : i32
      %dma_start3A_189 = tpu.memref_slice %arg9[%run_scoped3A_40, %dma_start3A_187, %dma_start3A_188] : memref<2x64x128xf32, #tpu.memory_space<vmem>> -> memref<1x64x128xf32, #tpu.memory_space<vmem>>
      %dma_start3A_190 = tpu.memref_squeeze %dma_start3A_189 : memref<1x64x128xf32, #tpu.memory_space<vmem>> -> memref<64x128xf32, #tpu.memory_space<vmem>>
      %dma_start3A_191 = arith.constant 0 : i32
      %dma_start3A_192 = tpu.memref_slice %arg10[%add3A_39, %dma_start3A_191] : memref<10240x128xf32, #tpu.memory_space<vmem_shared>> -> memref<64x128xf32, #tpu.memory_space<vmem_shared>>
      %dma_start3A_193 = arith.constant 0 : i32
      %dma_start3A_194 = tpu.memref_slice %arg10[%add3A_39, %dma_start3A_193] : memref<10240x128xf32, #tpu.memory_space<vmem_shared>> -> memref<64x128xf32, #tpu.memory_space<vmem_shared>>
      %dma_start3A_195 = arith.constant 0 : i32
      %dma_start3A_196 = arith.constant 0 : i32
      %dma_start3A_197 = tpu.memref_slice %arg9[%run_scoped3A_40, %dma_start3A_195, %dma_start3A_196] : memref<2x64x128xf32, #tpu.memory_space<vmem>> -> memref<1x64x128xf32, #tpu.memory_space<vmem>>
      %dma_start3A_198 = tpu.memref_squeeze %dma_start3A_197 : memref<1x64x128xf32, #tpu.memory_space<vmem>> -> memref<64x128xf32, #tpu.memory_space<vmem>>
      tpu.enqueue_dma source(%dma_start3A_198 : memref<64x128xf32, #tpu.memory_space<vmem>>) target(%dma_start3A_194 : memref<64x128xf32, #tpu.memory_space<vmem_shared>>) target_semaphore(%run_scoped3A_186 : memref<!tpu.dma_semaphore, #tpu.memory_space<semaphore_mem>>)
      %dma_wait3A = arith.constant 0 : i32
      %dma_wait3A_199 = arith.constant 0 : i32
      %dma_wait3A_200 = tpu.memref_slice %arg9[%run_scoped3A_40, %dma_wait3A, %dma_wait3A_199] : memref<2x64x128xf32, #tpu.memory_space<vmem>> -> memref<1x64x128xf32, #tpu.memory_space<vmem>>
      %dma_wait3A_201 = tpu.memref_squeeze %dma_wait3A_200 : memref<1x64x128xf32, #tpu.memory_space<vmem>> -> memref<64x128xf32, #tpu.memory_space<vmem>>
      %dma_wait3A_202 = arith.constant 0 : i32
      %dma_wait3A_203 = tpu.memref_slice %arg10[%add3A_39, %dma_wait3A_202] : memref<10240x128xf32, #tpu.memory_space<vmem_shared>> -> memref<64x128xf32, #tpu.memory_space<vmem_shared>>
      %dma_wait3A_204 = arith.constant 0 : i32
      %dma_wait3A_205 = tpu.memref_slice %arg10[%add3A_39, %dma_wait3A_204] : memref<10240x128xf32, #tpu.memory_space<vmem_shared>> -> memref<64x128xf32, #tpu.memory_space<vmem_shared>>
      %dma_wait3A_206 = arith.constant 0 : i32
      %dma_wait3A_207 = arith.constant 0 : i32
      %dma_wait3A_208 = tpu.memref_slice %arg9[%run_scoped3A_40, %dma_wait3A_206, %dma_wait3A_207] : memref<2x64x128xf32, #tpu.memory_space<vmem>> -> memref<1x64x128xf32, #tpu.memory_space<vmem>>
      %dma_wait3A_209 = tpu.memref_squeeze %dma_wait3A_208 : memref<1x64x128xf32, #tpu.memory_space<vmem>> -> memref<64x128xf32, #tpu.memory_space<vmem>>
      tpu.wait_dma2 semaphore(%run_scoped3A_186 : memref<!tpu.dma_semaphore, #tpu.memory_space<semaphore_mem>>) src(%dma_wait3A_209 : memref<64x128xf32, #tpu.memory_space<vmem>>) dst(%dma_wait3A_205 : memref<64x128xf32, #tpu.memory_space<vmem_shared>>)
      tpu.yield
    }) : () -> ()
    %mul3A_41 = arith.constant 640 : i32
    %mul3A_42 = arith.muli %arg1, %mul3A_41 : i32
    %add3A_43 = arith.constant 512 : i32
    %add3A_44 = arith.addi %mul3A_42, %add3A_43 : i32
    %run_scoped3A_45 = arith.constant 0 : i32
    "tpu.region"() ({
      %run_scoped3A_186 = tpu.sem_alloc : memref<!tpu.dma_semaphore, #tpu.memory_space<semaphore_mem>>
      %dma_start3A_187 = arith.constant 0 : i32
      %dma_start3A_188 = arith.constant 0 : i32
      %dma_start3A_189 = tpu.memref_slice %arg9[%run_scoped3A_45, %dma_start3A_187, %dma_start3A_188] : memref<2x64x128xf32, #tpu.memory_space<vmem>> -> memref<1x64x128xf32, #tpu.memory_space<vmem>>
      %dma_start3A_190 = tpu.memref_squeeze %dma_start3A_189 : memref<1x64x128xf32, #tpu.memory_space<vmem>> -> memref<64x128xf32, #tpu.memory_space<vmem>>
      %dma_start3A_191 = arith.constant 0 : i32
      %dma_start3A_192 = tpu.memref_slice %arg10[%add3A_44, %dma_start3A_191] : memref<10240x128xf32, #tpu.memory_space<vmem_shared>> -> memref<64x128xf32, #tpu.memory_space<vmem_shared>>
      %dma_start3A_193 = arith.constant 0 : i32
      %dma_start3A_194 = tpu.memref_slice %arg10[%add3A_44, %dma_start3A_193] : memref<10240x128xf32, #tpu.memory_space<vmem_shared>> -> memref<64x128xf32, #tpu.memory_space<vmem_shared>>
      %dma_start3A_195 = arith.constant 0 : i32
      %dma_start3A_196 = arith.constant 0 : i32
      %dma_start3A_197 = tpu.memref_slice %arg9[%run_scoped3A_45, %dma_start3A_195, %dma_start3A_196] : memref<2x64x128xf32, #tpu.memory_space<vmem>> -> memref<1x64x128xf32, #tpu.memory_space<vmem>>
      %dma_start3A_198 = tpu.memref_squeeze %dma_start3A_197 : memref<1x64x128xf32, #tpu.memory_space<vmem>> -> memref<64x128xf32, #tpu.memory_space<vmem>>
      tpu.enqueue_dma source(%dma_start3A_198 : memref<64x128xf32, #tpu.memory_space<vmem>>) target(%dma_start3A_194 : memref<64x128xf32, #tpu.memory_space<vmem_shared>>) target_semaphore(%run_scoped3A_186 : memref<!tpu.dma_semaphore, #tpu.memory_space<semaphore_mem>>)
      %dma_wait3A = arith.constant 0 : i32
      %dma_wait3A_199 = arith.constant 0 : i32
      %dma_wait3A_200 = tpu.memref_slice %arg9[%run_scoped3A_45, %dma_wait3A, %dma_wait3A_199] : memref<2x64x128xf32, #tpu.memory_space<vmem>> -> memref<1x64x128xf32, #tpu.memory_space<vmem>>
      %dma_wait3A_201 = tpu.memref_squeeze %dma_wait3A_200 : memref<1x64x128xf32, #tpu.memory_space<vmem>> -> memref<64x128xf32, #tpu.memory_space<vmem>>
      %dma_wait3A_202 = arith.constant 0 : i32
      %dma_wait3A_203 = tpu.memref_slice %arg10[%add3A_44, %dma_wait3A_202] : memref<10240x128xf32, #tpu.memory_space<vmem_shared>> -> memref<64x128xf32, #tpu.memory_space<vmem_shared>>
      %dma_wait3A_204 = arith.constant 0 : i32
      %dma_wait3A_205 = tpu.memref_slice %arg10[%add3A_44, %dma_wait3A_204] : memref<10240x128xf32, #tpu.memory_space<vmem_shared>> -> memref<64x128xf32, #tpu.memory_space<vmem_shared>>
      %dma_wait3A_206 = arith.constant 0 : i32
      %dma_wait3A_207 = arith.constant 0 : i32
      %dma_wait3A_208 = tpu.memref_slice %arg9[%run_scoped3A_45, %dma_wait3A_206, %dma_wait3A_207] : memref<2x64x128xf32, #tpu.memory_space<vmem>> -> memref<1x64x128xf32, #tpu.memory_space<vmem>>
      %dma_wait3A_209 = tpu.memref_squeeze %dma_wait3A_208 : memref<1x64x128xf32, #tpu.memory_space<vmem>> -> memref<64x128xf32, #tpu.memory_space<vmem>>
      tpu.wait_dma2 semaphore(%run_scoped3A_186 : memref<!tpu.dma_semaphore, #tpu.memory_space<semaphore_mem>>) src(%dma_wait3A_209 : memref<64x128xf32, #tpu.memory_space<vmem>>) dst(%dma_wait3A_205 : memref<64x128xf32, #tpu.memory_space<vmem_shared>>)
      tpu.yield
    }) : () -> ()
    %mul3A_46 = arith.constant 640 : i32
    %mul3A_47 = arith.muli %arg1, %mul3A_46 : i32
    %add3A_48 = arith.constant 576 : i32
    %add3A_49 = arith.addi %mul3A_47, %add3A_48 : i32
    %run_scoped3A_50 = arith.constant 0 : i32
    "tpu.region"() ({
      %run_scoped3A_186 = tpu.sem_alloc : memref<!tpu.dma_semaphore, #tpu.memory_space<semaphore_mem>>
      %dma_start3A_187 = arith.constant 0 : i32
      %dma_start3A_188 = arith.constant 0 : i32
      %dma_start3A_189 = tpu.memref_slice %arg9[%run_scoped3A_50, %dma_start3A_187, %dma_start3A_188] : memref<2x64x128xf32, #tpu.memory_space<vmem>> -> memref<1x64x128xf32, #tpu.memory_space<vmem>>
      %dma_start3A_190 = tpu.memref_squeeze %dma_start3A_189 : memref<1x64x128xf32, #tpu.memory_space<vmem>> -> memref<64x128xf32, #tpu.memory_space<vmem>>
      %dma_start3A_191 = arith.constant 0 : i32
      %dma_start3A_192 = tpu.memref_slice %arg10[%add3A_49, %dma_start3A_191] : memref<10240x128xf32, #tpu.memory_space<vmem_shared>> -> memref<64x128xf32, #tpu.memory_space<vmem_shared>>
      %dma_start3A_193 = arith.constant 0 : i32
      %dma_start3A_194 = tpu.memref_slice %arg10[%add3A_49, %dma_start3A_193] : memref<10240x128xf32, #tpu.memory_space<vmem_shared>> -> memref<64x128xf32, #tpu.memory_space<vmem_shared>>
      %dma_start3A_195 = arith.constant 0 : i32
      %dma_start3A_196 = arith.constant 0 : i32
      %dma_start3A_197 = tpu.memref_slice %arg9[%run_scoped3A_50, %dma_start3A_195, %dma_start3A_196] : memref<2x64x128xf32, #tpu.memory_space<vmem>> -> memref<1x64x128xf32, #tpu.memory_space<vmem>>
      %dma_start3A_198 = tpu.memref_squeeze %dma_start3A_197 : memref<1x64x128xf32, #tpu.memory_space<vmem>> -> memref<64x128xf32, #tpu.memory_space<vmem>>
      tpu.enqueue_dma source(%dma_start3A_198 : memref<64x128xf32, #tpu.memory_space<vmem>>) target(%dma_start3A_194 : memref<64x128xf32, #tpu.memory_space<vmem_shared>>) target_semaphore(%run_scoped3A_186 : memref<!tpu.dma_semaphore, #tpu.memory_space<semaphore_mem>>)
      %dma_wait3A = arith.constant 0 : i32
      %dma_wait3A_199 = arith.constant 0 : i32
      %dma_wait3A_200 = tpu.memref_slice %arg9[%run_scoped3A_50, %dma_wait3A, %dma_wait3A_199] : memref<2x64x128xf32, #tpu.memory_space<vmem>> -> memref<1x64x128xf32, #tpu.memory_space<vmem>>
      %dma_wait3A_201 = tpu.memref_squeeze %dma_wait3A_200 : memref<1x64x128xf32, #tpu.memory_space<vmem>> -> memref<64x128xf32, #tpu.memory_space<vmem>>
      %dma_wait3A_202 = arith.constant 0 : i32
      %dma_wait3A_203 = tpu.memref_slice %arg10[%add3A_49, %dma_wait3A_202] : memref<10240x128xf32, #tpu.memory_space<vmem_shared>> -> memref<64x128xf32, #tpu.memory_space<vmem_shared>>
      %dma_wait3A_204 = arith.constant 0 : i32
      %dma_wait3A_205 = tpu.memref_slice %arg10[%add3A_49, %dma_wait3A_204] : memref<10240x128xf32, #tpu.memory_space<vmem_shared>> -> memref<64x128xf32, #tpu.memory_space<vmem_shared>>
      %dma_wait3A_206 = arith.constant 0 : i32
      %dma_wait3A_207 = arith.constant 0 : i32
      %dma_wait3A_208 = tpu.memref_slice %arg9[%run_scoped3A_50, %dma_wait3A_206, %dma_wait3A_207] : memref<2x64x128xf32, #tpu.memory_space<vmem>> -> memref<1x64x128xf32, #tpu.memory_space<vmem>>
      %dma_wait3A_209 = tpu.memref_squeeze %dma_wait3A_208 : memref<1x64x128xf32, #tpu.memory_space<vmem>> -> memref<64x128xf32, #tpu.memory_space<vmem>>
      tpu.wait_dma2 semaphore(%run_scoped3A_186 : memref<!tpu.dma_semaphore, #tpu.memory_space<semaphore_mem>>) src(%dma_wait3A_209 : memref<64x128xf32, #tpu.memory_space<vmem>>) dst(%dma_wait3A_205 : memref<64x128xf32, #tpu.memory_space<vmem_shared>>)
      tpu.yield
    }) : () -> ()
    %barrier3A = arith.constant 0 : index
    tpu.barrier barrier_id(%barrier3A)
    "tpu.region"() ({
      %run_scoped3A_186 = tpu.sem_alloc : memref<!tpu.dma_semaphore, #tpu.memory_space<semaphore_mem>>
      %dma_start3A_187 = arith.constant 0 : i32
      %dma_start3A_188 = arith.constant 0 : i32
      %dma_start3A_189 = tpu.memref_slice %arg3[%add3A, %dma_start3A_187, %dma_start3A_188] : memref<32x160x64xi32, #tpu.memory_space<hbm>> -> memref<1x80x64xi32, #tpu.memory_space<hbm>>
      %dma_start3A_190 = tpu.memref_squeeze %dma_start3A_189 : memref<1x80x64xi32, #tpu.memory_space<hbm>> -> memref<80x64xi32, #tpu.memory_space<hbm>>
      %dma_start3A_191 = arith.constant 0 : i32
      %dma_start3A_192 = arith.constant 0 : i32
      %dma_start3A_193 = tpu.memref_slice %arg3[%add3A, %dma_start3A_191, %dma_start3A_192] : memref<32x160x64xi32, #tpu.memory_space<hbm>> -> memref<1x80x64xi32, #tpu.memory_space<hbm>>
      %dma_start3A_194 = tpu.memref_squeeze %dma_start3A_193 : memref<1x80x64xi32, #tpu.memory_space<hbm>> -> memref<80x64xi32, #tpu.memory_space<hbm>>
      tpu.enqueue_dma source(%dma_start3A_194 : memref<80x64xi32, #tpu.memory_space<hbm>>) target(%arg7 : memref<80x64xi32, #tpu.memory_space<vmem>>) target_semaphore(%run_scoped3A_186 : memref<!tpu.dma_semaphore, #tpu.memory_space<semaphore_mem>>)
      %dma_wait3A = arith.constant 0 : i32
      %dma_wait3A_195 = arith.constant 0 : i32
      %dma_wait3A_196 = tpu.memref_slice %arg3[%add3A, %dma_wait3A, %dma_wait3A_195] : memref<32x160x64xi32, #tpu.memory_space<hbm>> -> memref<1x80x64xi32, #tpu.memory_space<hbm>>
      %dma_wait3A_197 = tpu.memref_squeeze %dma_wait3A_196 : memref<1x80x64xi32, #tpu.memory_space<hbm>> -> memref<80x64xi32, #tpu.memory_space<hbm>>
      %dma_wait3A_198 = arith.constant 0 : i32
      %dma_wait3A_199 = arith.constant 0 : i32
      %dma_wait3A_200 = tpu.memref_slice %arg3[%add3A, %dma_wait3A_198, %dma_wait3A_199] : memref<32x160x64xi32, #tpu.memory_space<hbm>> -> memref<1x80x64xi32, #tpu.memory_space<hbm>>
      %dma_wait3A_201 = tpu.memref_squeeze %dma_wait3A_200 : memref<1x80x64xi32, #tpu.memory_space<hbm>> -> memref<80x64xi32, #tpu.memory_space<hbm>>
      tpu.wait_dma2 semaphore(%run_scoped3A_186 : memref<!tpu.dma_semaphore, #tpu.memory_space<semaphore_mem>>) src(%dma_wait3A_201 : memref<80x64xi32, #tpu.memory_space<hbm>>) dst(%arg7 : memref<80x64xi32, #tpu.memory_space<vmem>>)
      tpu.yield
    }) : () -> ()
    "tpu.region"() ({
      %run_scoped3A_186 = tpu.sem_alloc : memref<!tpu.dma_semaphore, #tpu.memory_space<semaphore_mem>>
      %dma_start3A_187 = arith.constant 0 : i32
      %dma_start3A_188 = arith.constant 0 : i32
      %dma_start3A_189 = tpu.memref_slice %arg4[%add3A, %dma_start3A_187, %dma_start3A_188] : memref<32x160x64xi32, #tpu.memory_space<hbm>> -> memref<1x80x64xi32, #tpu.memory_space<hbm>>
      %dma_start3A_190 = tpu.memref_squeeze %dma_start3A_189 : memref<1x80x64xi32, #tpu.memory_space<hbm>> -> memref<80x64xi32, #tpu.memory_space<hbm>>
      %dma_start3A_191 = arith.constant 0 : i32
      %dma_start3A_192 = arith.constant 0 : i32
      %dma_start3A_193 = tpu.memref_slice %arg4[%add3A, %dma_start3A_191, %dma_start3A_192] : memref<32x160x64xi32, #tpu.memory_space<hbm>> -> memref<1x80x64xi32, #tpu.memory_space<hbm>>
      %dma_start3A_194 = tpu.memref_squeeze %dma_start3A_193 : memref<1x80x64xi32, #tpu.memory_space<hbm>> -> memref<80x64xi32, #tpu.memory_space<hbm>>
      tpu.enqueue_dma source(%dma_start3A_194 : memref<80x64xi32, #tpu.memory_space<hbm>>) target(%arg8 : memref<80x64xi32, #tpu.memory_space<vmem>>) target_semaphore(%run_scoped3A_186 : memref<!tpu.dma_semaphore, #tpu.memory_space<semaphore_mem>>)
      %dma_wait3A = arith.constant 0 : i32
      %dma_wait3A_195 = arith.constant 0 : i32
      %dma_wait3A_196 = tpu.memref_slice %arg4[%add3A, %dma_wait3A, %dma_wait3A_195] : memref<32x160x64xi32, #tpu.memory_space<hbm>> -> memref<1x80x64xi32, #tpu.memory_space<hbm>>
      %dma_wait3A_197 = tpu.memref_squeeze %dma_wait3A_196 : memref<1x80x64xi32, #tpu.memory_space<hbm>> -> memref<80x64xi32, #tpu.memory_space<hbm>>
      %dma_wait3A_198 = arith.constant 0 : i32
      %dma_wait3A_199 = arith.constant 0 : i32
      %dma_wait3A_200 = tpu.memref_slice %arg4[%add3A, %dma_wait3A_198, %dma_wait3A_199] : memref<32x160x64xi32, #tpu.memory_space<hbm>> -> memref<1x80x64xi32, #tpu.memory_space<hbm>>
      %dma_wait3A_201 = tpu.memref_squeeze %dma_wait3A_200 : memref<1x80x64xi32, #tpu.memory_space<hbm>> -> memref<80x64xi32, #tpu.memory_space<hbm>>
      tpu.wait_dma2 semaphore(%run_scoped3A_186 : memref<!tpu.dma_semaphore, #tpu.memory_space<semaphore_mem>>) src(%dma_wait3A_201 : memref<80x64xi32, #tpu.memory_space<hbm>>) dst(%arg8 : memref<80x64xi32, #tpu.memory_space<vmem>>)
      tpu.yield
    }) : () -> ()
    %dma_start3A = arith.constant 0 : i32
    %dma_start3A_51 = arith.constant 0 : i32
    %dma_start3A_52 = arith.constant 0 : i32
    %dma_start3A_53 = arith.constant 0 : i32
    %dma_start3A_54 = tpu.memref_slice %arg9[%dma_start3A_51, %dma_start3A_52, %dma_start3A_53] : memref<2x64x128xf32, #tpu.memory_space<vmem>> -> memref<1x64x128xf32, #tpu.memory_space<vmem>>
    %dma_start3A_55 = tpu.memref_squeeze %dma_start3A_54 : memref<1x64x128xf32, #tpu.memory_space<vmem>> -> memref<64x128xf32, #tpu.memory_space<vmem>>
    %dma_start3A_56 = arith.constant 0 : i32
    %dma_start3A_57 = tpu.memref_slice %arg7[%dma_start3A, %dma_start3A_56] : memref<80x64xi32, #tpu.memory_space<vmem>> -> memref<1x64xi32, #tpu.memory_space<vmem>>
    %dma_start3A_58 = tpu.memref_squeeze %dma_start3A_57 : memref<1x64xi32, #tpu.memory_space<vmem>> -> memref<64xi32, #tpu.memory_space<vmem>>
    %dma_start3A_59 = arith.constant 0 : i32
    %dma_start3A_60 = arith.constant 0 : i32
    %dma_start3A_61 = tpu.memref_slice %arg2[%dma_start3A_59, %dma_start3A_60] : memref<10240x128xf32, #tpu.memory_space<hbm>> -> memref<10240x128xf32, #tpu.memory_space<hbm>>
    tpu.enqueue_indirect_dma source(%dma_start3A_61 : memref<10240x128xf32, #tpu.memory_space<hbm>>) target(%dma_start3A_55 : memref<64x128xf32, #tpu.memory_space<vmem>>) offsets(%dma_start3A_58 : memref<64xi32, #tpu.memory_space<vmem>>) semaphore(%arg11 : memref<!tpu.dma_semaphore, #tpu.memory_space<semaphore_mem>>)
    %scan3A = arith.constant 0 : i32
    %scan3A_62 = arith.constant 0 : i32
    %scan3A_63 = arith.constant 40 : i32
    %scan3A_64 = arith.addi %scan3A_62, %scan3A_63 : i32
    %scan3A_65 = arith.constant 1 : i32
    scf.for %scan3A_186 = %scan3A_62 to %scan3A_64 step %scan3A_65  : i32 {
      %mul3A_187 = arith.constant 2 : i32
      %mul3A_188 = arith.muli %scan3A_186, %mul3A_187 : i32
      %add3A_189 = arith.constant 0 : i32
      %add3A_190 = arith.addi %mul3A_188, %add3A_189 : i32
      %add3A_191 = arith.constant 1 : i32
      %add3A_192 = arith.addi %add3A_190, %add3A_191 : i32
      %lt3A = arith.constant 80 : i32
      %lt3A_193 = arith.cmpi slt, %add3A_192, %lt3A : i32
      %convert_element_type3A = arith.extui %lt3A_193 : i1 to i32
      %cond3A = arith.constant 0 : i32
      %cond3A_194 = arith.cmpi ne, %convert_element_type3A, %cond3A : i32
      scf.if %cond3A_194 {
        %add3A_229 = arith.constant 1 : i32
        %add3A_230 = arith.addi %add3A_190, %add3A_229 : i32
        %dma_start3A_231 = arith.constant 1 : i32
        %dma_start3A_232 = arith.constant 0 : i32
        %dma_start3A_233 = arith.constant 0 : i32
        %dma_start3A_234 = tpu.memref_slice %arg9[%dma_start3A_231, %dma_start3A_232, %dma_start3A_233] : memref<2x64x128xf32, #tpu.memory_space<vmem>> -> memref<1x64x128xf32, #tpu.memory_space<vmem>>
        %dma_start3A_235 = tpu.memref_squeeze %dma_start3A_234 : memref<1x64x128xf32, #tpu.memory_space<vmem>> -> memref<64x128xf32, #tpu.memory_space<vmem>>
        %dma_start3A_236 = arith.constant 0 : i32
        %dma_start3A_237 = tpu.memref_slice %arg7[%add3A_230, %dma_start3A_236] : memref<80x64xi32, #tpu.memory_space<vmem>> -> memref<1x64xi32, #tpu.memory_space<vmem>>
        %dma_start3A_238 = tpu.memref_squeeze %dma_start3A_237 : memref<1x64xi32, #tpu.memory_space<vmem>> -> memref<64xi32, #tpu.memory_space<vmem>>
        %dma_start3A_239 = arith.constant 0 : i32
        %dma_start3A_240 = arith.constant 0 : i32
        %dma_start3A_241 = tpu.memref_slice %arg2[%dma_start3A_239, %dma_start3A_240] : memref<10240x128xf32, #tpu.memory_space<hbm>> -> memref<10240x128xf32, #tpu.memory_space<hbm>>
        tpu.enqueue_indirect_dma source(%dma_start3A_241 : memref<10240x128xf32, #tpu.memory_space<hbm>>) target(%dma_start3A_235 : memref<64x128xf32, #tpu.memory_space<vmem>>) offsets(%dma_start3A_238 : memref<64xi32, #tpu.memory_space<vmem>>) semaphore(%arg12 : memref<!tpu.dma_semaphore, #tpu.memory_space<semaphore_mem>>)
      } else {
      }
      %dma_wait3A = arith.constant 0 : i32
      %dma_wait3A_195 = arith.constant 0 : i32
      %dma_wait3A_196 = arith.constant 0 : i32
      %dma_wait3A_197 = tpu.memref_slice %arg9[%dma_wait3A, %dma_wait3A_195, %dma_wait3A_196] : memref<2x64x128xf32, #tpu.memory_space<vmem>> -> memref<1x64x128xf32, #tpu.memory_space<vmem>>
      %dma_wait3A_198 = tpu.memref_squeeze %dma_wait3A_197 : memref<1x64x128xf32, #tpu.memory_space<vmem>> -> memref<64x128xf32, #tpu.memory_space<vmem>>
      %dma_wait3A_199 = arith.constant 0 : i32
      %dma_wait3A_200 = tpu.memref_slice %arg7[%add3A_190, %dma_wait3A_199] : memref<80x64xi32, #tpu.memory_space<vmem>> -> memref<1x64xi32, #tpu.memory_space<vmem>>
      %dma_wait3A_201 = tpu.memref_squeeze %dma_wait3A_200 : memref<1x64xi32, #tpu.memory_space<vmem>> -> memref<64xi32, #tpu.memory_space<vmem>>
      %dma_wait3A_202 = arith.constant 0 : i32
      %dma_wait3A_203 = arith.constant 0 : i32
      %dma_wait3A_204 = tpu.memref_slice %arg2[%dma_wait3A_202, %dma_wait3A_203] : memref<10240x128xf32, #tpu.memory_space<hbm>> -> memref<10240x128xf32, #tpu.memory_space<hbm>>
      tpu.wait_indirect_dma semaphore(%arg11 : memref<!tpu.dma_semaphore, #tpu.memory_space<semaphore_mem>>) src(%dma_wait3A_204 : memref<10240x128xf32, #tpu.memory_space<hbm>>) dst(%dma_wait3A_198 : memref<64x128xf32, #tpu.memory_space<vmem>>)
      %run_scoped3A_205 = arith.constant 0 : i32
      "tpu.region"() ({
        %run_scoped3A_229 = tpu.sem_alloc : memref<!tpu.dma_semaphore, #tpu.memory_space<semaphore_mem>>
        %dma_start3A_230 = arith.constant 0 : i32
        %dma_start3A_231 = arith.constant 0 : i32
        %dma_start3A_232 = tpu.memref_slice %arg9[%run_scoped3A_205, %dma_start3A_230, %dma_start3A_231] : memref<2x64x128xf32, #tpu.memory_space<vmem>> -> memref<1x64x128xf32, #tpu.memory_space<vmem>>
        %dma_start3A_233 = tpu.memref_squeeze %dma_start3A_232 : memref<1x64x128xf32, #tpu.memory_space<vmem>> -> memref<64x128xf32, #tpu.memory_space<vmem>>
        %dma_start3A_234 = arith.constant 0 : i32
        %dma_start3A_235 = tpu.memref_slice %arg8[%add3A_190, %dma_start3A_234] : memref<80x64xi32, #tpu.memory_space<vmem>> -> memref<1x64xi32, #tpu.memory_space<vmem>>
        %dma_start3A_236 = tpu.memref_squeeze %dma_start3A_235 : memref<1x64xi32, #tpu.memory_space<vmem>> -> memref<64xi32, #tpu.memory_space<vmem>>
        %dma_start3A_237 = arith.constant 0 : i32
        %dma_start3A_238 = arith.constant 0 : i32
        %dma_start3A_239 = tpu.memref_slice %arg10[%dma_start3A_237, %dma_start3A_238] : memref<10240x128xf32, #tpu.memory_space<vmem_shared>> -> memref<10240x128xf32, #tpu.memory_space<vmem_shared>>
        tpu.enqueue_indirect_dma source(%dma_start3A_233 : memref<64x128xf32, #tpu.memory_space<vmem>>) target(%dma_start3A_239 : memref<10240x128xf32, #tpu.memory_space<vmem_shared>>) offsets(%dma_start3A_236 : memref<64xi32, #tpu.memory_space<vmem>>) semaphore(%run_scoped3A_229 : memref<!tpu.dma_semaphore, #tpu.memory_space<semaphore_mem>>) {add = true}
        %dma_wait3A_240 = arith.constant 0 : i32
        %dma_wait3A_241 = arith.constant 0 : i32
        %dma_wait3A_242 = tpu.memref_slice %arg9[%run_scoped3A_205, %dma_wait3A_240, %dma_wait3A_241] : memref<2x64x128xf32, #tpu.memory_space<vmem>> -> memref<1x64x128xf32, #tpu.memory_space<vmem>>
        %dma_wait3A_243 = tpu.memref_squeeze %dma_wait3A_242 : memref<1x64x128xf32, #tpu.memory_space<vmem>> -> memref<64x128xf32, #tpu.memory_space<vmem>>
        %dma_wait3A_244 = arith.constant 0 : i32
        %dma_wait3A_245 = tpu.memref_slice %arg8[%add3A_190, %dma_wait3A_244] : memref<80x64xi32, #tpu.memory_space<vmem>> -> memref<1x64xi32, #tpu.memory_space<vmem>>
        %dma_wait3A_246 = tpu.memref_squeeze %dma_wait3A_245 : memref<1x64xi32, #tpu.memory_space<vmem>> -> memref<64xi32, #tpu.memory_space<vmem>>
        %dma_wait3A_247 = arith.constant 0 : i32
        %dma_wait3A_248 = arith.constant 0 : i32
        %dma_wait3A_249 = tpu.memref_slice %arg10[%dma_wait3A_247, %dma_wait3A_248] : memref<10240x128xf32, #tpu.memory_space<vmem_shared>> -> memref<10240x128xf32, #tpu.memory_space<vmem_shared>>
        tpu.wait_indirect_dma semaphore(%run_scoped3A_229 : memref<!tpu.dma_semaphore, #tpu.memory_space<semaphore_mem>>) src(%dma_wait3A_243 : memref<64x128xf32, #tpu.memory_space<vmem>>) dst(%dma_wait3A_249 : memref<10240x128xf32, #tpu.memory_space<vmem_shared>>)
        tpu.yield
      }) : () -> ()
      %mul3A_206 = arith.constant 2 : i32
      %mul3A_207 = arith.muli %scan3A_186, %mul3A_206 : i32
      %add3A_208 = arith.constant 1 : i32
      %add3A_209 = arith.addi %mul3A_207, %add3A_208 : i32
      %add3A_210 = arith.constant 1 : i32
      %add3A_211 = arith.addi %add3A_209, %add3A_210 : i32
      %lt3A_212 = arith.constant 80 : i32
      %lt3A_213 = arith.cmpi slt, %add3A_211, %lt3A_212 : i32
      %convert_element_type3A_214 = arith.extui %lt3A_213 : i1 to i32
      %cond3A_215 = arith.constant 0 : i32
      %cond3A_216 = arith.cmpi ne, %convert_element_type3A_214, %cond3A_215 : i32
      scf.if %cond3A_216 {
        %add3A_229 = arith.constant 1 : i32
        %add3A_230 = arith.addi %add3A_209, %add3A_229 : i32
        %dma_start3A_231 = arith.constant 0 : i32
        %dma_start3A_232 = arith.constant 0 : i32
        %dma_start3A_233 = arith.constant 0 : i32
        %dma_start3A_234 = tpu.memref_slice %arg9[%dma_start3A_231, %dma_start3A_232, %dma_start3A_233] : memref<2x64x128xf32, #tpu.memory_space<vmem>> -> memref<1x64x128xf32, #tpu.memory_space<vmem>>
        %dma_start3A_235 = tpu.memref_squeeze %dma_start3A_234 : memref<1x64x128xf32, #tpu.memory_space<vmem>> -> memref<64x128xf32, #tpu.memory_space<vmem>>
        %dma_start3A_236 = arith.constant 0 : i32
        %dma_start3A_237 = tpu.memref_slice %arg7[%add3A_230, %dma_start3A_236] : memref<80x64xi32, #tpu.memory_space<vmem>> -> memref<1x64xi32, #tpu.memory_space<vmem>>
        %dma_start3A_238 = tpu.memref_squeeze %dma_start3A_237 : memref<1x64xi32, #tpu.memory_space<vmem>> -> memref<64xi32, #tpu.memory_space<vmem>>
        %dma_start3A_239 = arith.constant 0 : i32
        %dma_start3A_240 = arith.constant 0 : i32
        %dma_start3A_241 = tpu.memref_slice %arg2[%dma_start3A_239, %dma_start3A_240] : memref<10240x128xf32, #tpu.memory_space<hbm>> -> memref<10240x128xf32, #tpu.memory_space<hbm>>
        tpu.enqueue_indirect_dma source(%dma_start3A_241 : memref<10240x128xf32, #tpu.memory_space<hbm>>) target(%dma_start3A_235 : memref<64x128xf32, #tpu.memory_space<vmem>>) offsets(%dma_start3A_238 : memref<64xi32, #tpu.memory_space<vmem>>) semaphore(%arg11 : memref<!tpu.dma_semaphore, #tpu.memory_space<semaphore_mem>>)
      } else {
      }
      %dma_wait3A_217 = arith.constant 1 : i32
      %dma_wait3A_218 = arith.constant 0 : i32
      %dma_wait3A_219 = arith.constant 0 : i32
      %dma_wait3A_220 = tpu.memref_slice %arg9[%dma_wait3A_217, %dma_wait3A_218, %dma_wait3A_219] : memref<2x64x128xf32, #tpu.memory_space<vmem>> -> memref<1x64x128xf32, #tpu.memory_space<vmem>>
      %dma_wait3A_221 = tpu.memref_squeeze %dma_wait3A_220 : memref<1x64x128xf32, #tpu.memory_space<vmem>> -> memref<64x128xf32, #tpu.memory_space<vmem>>
      %dma_wait3A_222 = arith.constant 0 : i32
      %dma_wait3A_223 = tpu.memref_slice %arg7[%add3A_209, %dma_wait3A_222] : memref<80x64xi32, #tpu.memory_space<vmem>> -> memref<1x64xi32, #tpu.memory_space<vmem>>
      %dma_wait3A_224 = tpu.memref_squeeze %dma_wait3A_223 : memref<1x64xi32, #tpu.memory_space<vmem>> -> memref<64xi32, #tpu.memory_space<vmem>>
      %dma_wait3A_225 = arith.constant 0 : i32
      %dma_wait3A_226 = arith.constant 0 : i32
      %dma_wait3A_227 = tpu.memref_slice %arg2[%dma_wait3A_225, %dma_wait3A_226] : memref<10240x128xf32, #tpu.memory_space<hbm>> -> memref<10240x128xf32, #tpu.memory_space<hbm>>
      tpu.wait_indirect_dma semaphore(%arg12 : memref<!tpu.dma_semaphore, #tpu.memory_space<semaphore_mem>>) src(%dma_wait3A_227 : memref<10240x128xf32, #tpu.memory_space<hbm>>) dst(%dma_wait3A_221 : memref<64x128xf32, #tpu.memory_space<vmem>>)
      %run_scoped3A_228 = arith.constant 1 : i32
      "tpu.region"() ({
        %run_scoped3A_229 = tpu.sem_alloc : memref<!tpu.dma_semaphore, #tpu.memory_space<semaphore_mem>>
        %dma_start3A_230 = arith.constant 0 : i32
        %dma_start3A_231 = arith.constant 0 : i32
        %dma_start3A_232 = tpu.memref_slice %arg9[%run_scoped3A_228, %dma_start3A_230, %dma_start3A_231] : memref<2x64x128xf32, #tpu.memory_space<vmem>> -> memref<1x64x128xf32, #tpu.memory_space<vmem>>
        %dma_start3A_233 = tpu.memref_squeeze %dma_start3A_232 : memref<1x64x128xf32, #tpu.memory_space<vmem>> -> memref<64x128xf32, #tpu.memory_space<vmem>>
        %dma_start3A_234 = arith.constant 0 : i32
        %dma_start3A_235 = tpu.memref_slice %arg8[%add3A_209, %dma_start3A_234] : memref<80x64xi32, #tpu.memory_space<vmem>> -> memref<1x64xi32, #tpu.memory_space<vmem>>
        %dma_start3A_236 = tpu.memref_squeeze %dma_start3A_235 : memref<1x64xi32, #tpu.memory_space<vmem>> -> memref<64xi32, #tpu.memory_space<vmem>>
        %dma_start3A_237 = arith.constant 0 : i32
        %dma_start3A_238 = arith.constant 0 : i32
        %dma_start3A_239 = tpu.memref_slice %arg10[%dma_start3A_237, %dma_start3A_238] : memref<10240x128xf32, #tpu.memory_space<vmem_shared>> -> memref<10240x128xf32, #tpu.memory_space<vmem_shared>>
        tpu.enqueue_indirect_dma source(%dma_start3A_233 : memref<64x128xf32, #tpu.memory_space<vmem>>) target(%dma_start3A_239 : memref<10240x128xf32, #tpu.memory_space<vmem_shared>>) offsets(%dma_start3A_236 : memref<64xi32, #tpu.memory_space<vmem>>) semaphore(%run_scoped3A_229 : memref<!tpu.dma_semaphore, #tpu.memory_space<semaphore_mem>>) {add = true}
        %dma_wait3A_240 = arith.constant 0 : i32
        %dma_wait3A_241 = arith.constant 0 : i32
        %dma_wait3A_242 = tpu.memref_slice %arg9[%run_scoped3A_228, %dma_wait3A_240, %dma_wait3A_241] : memref<2x64x128xf32, #tpu.memory_space<vmem>> -> memref<1x64x128xf32, #tpu.memory_space<vmem>>
        %dma_wait3A_243 = tpu.memref_squeeze %dma_wait3A_242 : memref<1x64x128xf32, #tpu.memory_space<vmem>> -> memref<64x128xf32, #tpu.memory_space<vmem>>
        %dma_wait3A_244 = arith.constant 0 : i32
        %dma_wait3A_245 = tpu.memref_slice %arg8[%add3A_209, %dma_wait3A_244] : memref<80x64xi32, #tpu.memory_space<vmem>> -> memref<1x64xi32, #tpu.memory_space<vmem>>
        %dma_wait3A_246 = tpu.memref_squeeze %dma_wait3A_245 : memref<1x64xi32, #tpu.memory_space<vmem>> -> memref<64xi32, #tpu.memory_space<vmem>>
        %dma_wait3A_247 = arith.constant 0 : i32
        %dma_wait3A_248 = arith.constant 0 : i32
        %dma_wait3A_249 = tpu.memref_slice %arg10[%dma_wait3A_247, %dma_wait3A_248] : memref<10240x128xf32, #tpu.memory_space<vmem_shared>> -> memref<10240x128xf32, #tpu.memory_space<vmem_shared>>
        tpu.wait_indirect_dma semaphore(%run_scoped3A_229 : memref<!tpu.dma_semaphore, #tpu.memory_space<semaphore_mem>>) src(%dma_wait3A_243 : memref<64x128xf32, #tpu.memory_space<vmem>>) dst(%dma_wait3A_249 : memref<10240x128xf32, #tpu.memory_space<vmem_shared>>)
        tpu.yield
      }) : () -> ()
    }
    %scan3A_66 = arith.constant 40 : i32
    "tpu.region"() ({
      %run_scoped3A_186 = tpu.sem_alloc : memref<!tpu.dma_semaphore, #tpu.memory_space<semaphore_mem>>
      %dma_start3A_187 = arith.constant 80 : i32
      %dma_start3A_188 = arith.constant 0 : i32
      %dma_start3A_189 = tpu.memref_slice %arg3[%add3A, %dma_start3A_187, %dma_start3A_188] : memref<32x160x64xi32, #tpu.memory_space<hbm>> -> memref<1x80x64xi32, #tpu.memory_space<hbm>>
      %dma_start3A_190 = tpu.memref_squeeze %dma_start3A_189 : memref<1x80x64xi32, #tpu.memory_space<hbm>> -> memref<80x64xi32, #tpu.memory_space<hbm>>
      %dma_start3A_191 = arith.constant 80 : i32
      %dma_start3A_192 = arith.constant 0 : i32
      %dma_start3A_193 = tpu.memref_slice %arg3[%add3A, %dma_start3A_191, %dma_start3A_192] : memref<32x160x64xi32, #tpu.memory_space<hbm>> -> memref<1x80x64xi32, #tpu.memory_space<hbm>>
      %dma_start3A_194 = tpu.memref_squeeze %dma_start3A_193 : memref<1x80x64xi32, #tpu.memory_space<hbm>> -> memref<80x64xi32, #tpu.memory_space<hbm>>
      tpu.enqueue_dma source(%dma_start3A_194 : memref<80x64xi32, #tpu.memory_space<hbm>>) target(%arg7 : memref<80x64xi32, #tpu.memory_space<vmem>>) target_semaphore(%run_scoped3A_186 : memref<!tpu.dma_semaphore, #tpu.memory_space<semaphore_mem>>)
      %dma_wait3A = arith.constant 80 : i32
      %dma_wait3A_195 = arith.constant 0 : i32
      %dma_wait3A_196 = tpu.memref_slice %arg3[%add3A, %dma_wait3A, %dma_wait3A_195] : memref<32x160x64xi32, #tpu.memory_space<hbm>> -> memref<1x80x64xi32, #tpu.memory_space<hbm>>
      %dma_wait3A_197 = tpu.memref_squeeze %dma_wait3A_196 : memref<1x80x64xi32, #tpu.memory_space<hbm>> -> memref<80x64xi32, #tpu.memory_space<hbm>>
      %dma_wait3A_198 = arith.constant 80 : i32
      %dma_wait3A_199 = arith.constant 0 : i32
      %dma_wait3A_200 = tpu.memref_slice %arg3[%add3A, %dma_wait3A_198, %dma_wait3A_199] : memref<32x160x64xi32, #tpu.memory_space<hbm>> -> memref<1x80x64xi32, #tpu.memory_space<hbm>>
      %dma_wait3A_201 = tpu.memref_squeeze %dma_wait3A_200 : memref<1x80x64xi32, #tpu.memory_space<hbm>> -> memref<80x64xi32, #tpu.memory_space<hbm>>
      tpu.wait_dma2 semaphore(%run_scoped3A_186 : memref<!tpu.dma_semaphore, #tpu.memory_space<semaphore_mem>>) src(%dma_wait3A_201 : memref<80x64xi32, #tpu.memory_space<hbm>>) dst(%arg7 : memref<80x64xi32, #tpu.memory_space<vmem>>)
      tpu.yield
    }) : () -> ()
    "tpu.region"() ({
      %run_scoped3A_186 = tpu.sem_alloc : memref<!tpu.dma_semaphore, #tpu.memory_space<semaphore_mem>>
      %dma_start3A_187 = arith.constant 80 : i32
      %dma_start3A_188 = arith.constant 0 : i32
      %dma_start3A_189 = tpu.memref_slice %arg4[%add3A, %dma_start3A_187, %dma_start3A_188] : memref<32x160x64xi32, #tpu.memory_space<hbm>> -> memref<1x80x64xi32, #tpu.memory_space<hbm>>
      %dma_start3A_190 = tpu.memref_squeeze %dma_start3A_189 : memref<1x80x64xi32, #tpu.memory_space<hbm>> -> memref<80x64xi32, #tpu.memory_space<hbm>>
      %dma_start3A_191 = arith.constant 80 : i32
      %dma_start3A_192 = arith.constant 0 : i32
      %dma_start3A_193 = tpu.memref_slice %arg4[%add3A, %dma_start3A_191, %dma_start3A_192] : memref<32x160x64xi32, #tpu.memory_space<hbm>> -> memref<1x80x64xi32, #tpu.memory_space<hbm>>
      %dma_start3A_194 = tpu.memref_squeeze %dma_start3A_193 : memref<1x80x64xi32, #tpu.memory_space<hbm>> -> memref<80x64xi32, #tpu.memory_space<hbm>>
      tpu.enqueue_dma source(%dma_start3A_194 : memref<80x64xi32, #tpu.memory_space<hbm>>) target(%arg8 : memref<80x64xi32, #tpu.memory_space<vmem>>) target_semaphore(%run_scoped3A_186 : memref<!tpu.dma_semaphore, #tpu.memory_space<semaphore_mem>>)
      %dma_wait3A = arith.constant 80 : i32
      %dma_wait3A_195 = arith.constant 0 : i32
      %dma_wait3A_196 = tpu.memref_slice %arg4[%add3A, %dma_wait3A, %dma_wait3A_195] : memref<32x160x64xi32, #tpu.memory_space<hbm>> -> memref<1x80x64xi32, #tpu.memory_space<hbm>>
      %dma_wait3A_197 = tpu.memref_squeeze %dma_wait3A_196 : memref<1x80x64xi32, #tpu.memory_space<hbm>> -> memref<80x64xi32, #tpu.memory_space<hbm>>
      %dma_wait3A_198 = arith.constant 80 : i32
      %dma_wait3A_199 = arith.constant 0 : i32
      %dma_wait3A_200 = tpu.memref_slice %arg4[%add3A, %dma_wait3A_198, %dma_wait3A_199] : memref<32x160x64xi32, #tpu.memory_space<hbm>> -> memref<1x80x64xi32, #tpu.memory_space<hbm>>
      %dma_wait3A_201 = tpu.memref_squeeze %dma_wait3A_200 : memref<1x80x64xi32, #tpu.memory_space<hbm>> -> memref<80x64xi32, #tpu.memory_space<hbm>>
      tpu.wait_dma2 semaphore(%run_scoped3A_186 : memref<!tpu.dma_semaphore, #tpu.memory_space<semaphore_mem>>) src(%dma_wait3A_201 : memref<80x64xi32, #tpu.memory_space<hbm>>) dst(%arg8 : memref<80x64xi32, #tpu.memory_space<vmem>>)
      tpu.yield
    }) : () -> ()
    %dma_start3A_67 = arith.constant 0 : i32
    %dma_start3A_68 = arith.constant 0 : i32
    %dma_start3A_69 = arith.constant 0 : i32
    %dma_start3A_70 = arith.constant 0 : i32
    %dma_start3A_71 = tpu.memref_slice %arg9[%dma_start3A_68, %dma_start3A_69, %dma_start3A_70] : memref<2x64x128xf32, #tpu.memory_space<vmem>> -> memref<1x64x128xf32, #tpu.memory_space<vmem>>
    %dma_start3A_72 = tpu.memref_squeeze %dma_start3A_71 : memref<1x64x128xf32, #tpu.memory_space<vmem>> -> memref<64x128xf32, #tpu.memory_space<vmem>>
    %dma_start3A_73 = arith.constant 0 : i32
    %dma_start3A_74 = tpu.memref_slice %arg7[%dma_start3A_67, %dma_start3A_73] : memref<80x64xi32, #tpu.memory_space<vmem>> -> memref<1x64xi32, #tpu.memory_space<vmem>>
    %dma_start3A_75 = tpu.memref_squeeze %dma_start3A_74 : memref<1x64xi32, #tpu.memory_space<vmem>> -> memref<64xi32, #tpu.memory_space<vmem>>
    %dma_start3A_76 = arith.constant 0 : i32
    %dma_start3A_77 = arith.constant 0 : i32
    %dma_start3A_78 = tpu.memref_slice %arg2[%dma_start3A_76, %dma_start3A_77] : memref<10240x128xf32, #tpu.memory_space<hbm>> -> memref<10240x128xf32, #tpu.memory_space<hbm>>
    tpu.enqueue_indirect_dma source(%dma_start3A_78 : memref<10240x128xf32, #tpu.memory_space<hbm>>) target(%dma_start3A_72 : memref<64x128xf32, #tpu.memory_space<vmem>>) offsets(%dma_start3A_75 : memref<64xi32, #tpu.memory_space<vmem>>) semaphore(%arg11 : memref<!tpu.dma_semaphore, #tpu.memory_space<semaphore_mem>>)
    %scan3A_79 = arith.constant 0 : i32
    %scan3A_80 = arith.constant 0 : i32
    %scan3A_81 = arith.constant 40 : i32
    %scan3A_82 = arith.addi %scan3A_80, %scan3A_81 : i32
    %scan3A_83 = arith.constant 1 : i32
    scf.for %scan3A_186 = %scan3A_80 to %scan3A_82 step %scan3A_83  : i32 {
      %mul3A_187 = arith.constant 2 : i32
      %mul3A_188 = arith.muli %scan3A_186, %mul3A_187 : i32
      %add3A_189 = arith.constant 0 : i32
      %add3A_190 = arith.addi %mul3A_188, %add3A_189 : i32
      %add3A_191 = arith.constant 1 : i32
      %add3A_192 = arith.addi %add3A_190, %add3A_191 : i32
      %lt3A = arith.constant 80 : i32
      %lt3A_193 = arith.cmpi slt, %add3A_192, %lt3A : i32
      %convert_element_type3A = arith.extui %lt3A_193 : i1 to i32
      %cond3A = arith.constant 0 : i32
      %cond3A_194 = arith.cmpi ne, %convert_element_type3A, %cond3A : i32
      scf.if %cond3A_194 {
        %add3A_229 = arith.constant 1 : i32
        %add3A_230 = arith.addi %add3A_190, %add3A_229 : i32
        %dma_start3A_231 = arith.constant 1 : i32
        %dma_start3A_232 = arith.constant 0 : i32
        %dma_start3A_233 = arith.constant 0 : i32
        %dma_start3A_234 = tpu.memref_slice %arg9[%dma_start3A_231, %dma_start3A_232, %dma_start3A_233] : memref<2x64x128xf32, #tpu.memory_space<vmem>> -> memref<1x64x128xf32, #tpu.memory_space<vmem>>
        %dma_start3A_235 = tpu.memref_squeeze %dma_start3A_234 : memref<1x64x128xf32, #tpu.memory_space<vmem>> -> memref<64x128xf32, #tpu.memory_space<vmem>>
        %dma_start3A_236 = arith.constant 0 : i32
        %dma_start3A_237 = tpu.memref_slice %arg7[%add3A_230, %dma_start3A_236] : memref<80x64xi32, #tpu.memory_space<vmem>> -> memref<1x64xi32, #tpu.memory_space<vmem>>
        %dma_start3A_238 = tpu.memref_squeeze %dma_start3A_237 : memref<1x64xi32, #tpu.memory_space<vmem>> -> memref<64xi32, #tpu.memory_space<vmem>>
        %dma_start3A_239 = arith.constant 0 : i32
        %dma_start3A_240 = arith.constant 0 : i32
        %dma_start3A_241 = tpu.memref_slice %arg2[%dma_start3A_239, %dma_start3A_240] : memref<10240x128xf32, #tpu.memory_space<hbm>> -> memref<10240x128xf32, #tpu.memory_space<hbm>>
        tpu.enqueue_indirect_dma source(%dma_start3A_241 : memref<10240x128xf32, #tpu.memory_space<hbm>>) target(%dma_start3A_235 : memref<64x128xf32, #tpu.memory_space<vmem>>) offsets(%dma_start3A_238 : memref<64xi32, #tpu.memory_space<vmem>>) semaphore(%arg12 : memref<!tpu.dma_semaphore, #tpu.memory_space<semaphore_mem>>)
      } else {
      }
      %dma_wait3A = arith.constant 0 : i32
      %dma_wait3A_195 = arith.constant 0 : i32
      %dma_wait3A_196 = arith.constant 0 : i32
      %dma_wait3A_197 = tpu.memref_slice %arg9[%dma_wait3A, %dma_wait3A_195, %dma_wait3A_196] : memref<2x64x128xf32, #tpu.memory_space<vmem>> -> memref<1x64x128xf32, #tpu.memory_space<vmem>>
      %dma_wait3A_198 = tpu.memref_squeeze %dma_wait3A_197 : memref<1x64x128xf32, #tpu.memory_space<vmem>> -> memref<64x128xf32, #tpu.memory_space<vmem>>
      %dma_wait3A_199 = arith.constant 0 : i32
      %dma_wait3A_200 = tpu.memref_slice %arg7[%add3A_190, %dma_wait3A_199] : memref<80x64xi32, #tpu.memory_space<vmem>> -> memref<1x64xi32, #tpu.memory_space<vmem>>
      %dma_wait3A_201 = tpu.memref_squeeze %dma_wait3A_200 : memref<1x64xi32, #tpu.memory_space<vmem>> -> memref<64xi32, #tpu.memory_space<vmem>>
      %dma_wait3A_202 = arith.constant 0 : i32
      %dma_wait3A_203 = arith.constant 0 : i32
      %dma_wait3A_204 = tpu.memref_slice %arg2[%dma_wait3A_202, %dma_wait3A_203] : memref<10240x128xf32, #tpu.memory_space<hbm>> -> memref<10240x128xf32, #tpu.memory_space<hbm>>
      tpu.wait_indirect_dma semaphore(%arg11 : memref<!tpu.dma_semaphore, #tpu.memory_space<semaphore_mem>>) src(%dma_wait3A_204 : memref<10240x128xf32, #tpu.memory_space<hbm>>) dst(%dma_wait3A_198 : memref<64x128xf32, #tpu.memory_space<vmem>>)
      %run_scoped3A_205 = arith.constant 0 : i32
      "tpu.region"() ({
        %run_scoped3A_229 = tpu.sem_alloc : memref<!tpu.dma_semaphore, #tpu.memory_space<semaphore_mem>>
        %dma_start3A_230 = arith.constant 0 : i32
        %dma_start3A_231 = arith.constant 0 : i32
        %dma_start3A_232 = tpu.memref_slice %arg9[%run_scoped3A_205, %dma_start3A_230, %dma_start3A_231] : memref<2x64x128xf32, #tpu.memory_space<vmem>> -> memref<1x64x128xf32, #tpu.memory_space<vmem>>
        %dma_start3A_233 = tpu.memref_squeeze %dma_start3A_232 : memref<1x64x128xf32, #tpu.memory_space<vmem>> -> memref<64x128xf32, #tpu.memory_space<vmem>>
        %dma_start3A_234 = arith.constant 0 : i32
        %dma_start3A_235 = tpu.memref_slice %arg8[%add3A_190, %dma_start3A_234] : memref<80x64xi32, #tpu.memory_space<vmem>> -> memref<1x64xi32, #tpu.memory_space<vmem>>
        %dma_start3A_236 = tpu.memref_squeeze %dma_start3A_235 : memref<1x64xi32, #tpu.memory_space<vmem>> -> memref<64xi32, #tpu.memory_space<vmem>>
        %dma_start3A_237 = arith.constant 0 : i32
        %dma_start3A_238 = arith.constant 0 : i32
        %dma_start3A_239 = tpu.memref_slice %arg10[%dma_start3A_237, %dma_start3A_238] : memref<10240x128xf32, #tpu.memory_space<vmem_shared>> -> memref<10240x128xf32, #tpu.memory_space<vmem_shared>>
        tpu.enqueue_indirect_dma source(%dma_start3A_233 : memref<64x128xf32, #tpu.memory_space<vmem>>) target(%dma_start3A_239 : memref<10240x128xf32, #tpu.memory_space<vmem_shared>>) offsets(%dma_start3A_236 : memref<64xi32, #tpu.memory_space<vmem>>) semaphore(%run_scoped3A_229 : memref<!tpu.dma_semaphore, #tpu.memory_space<semaphore_mem>>) {add = true}
        %dma_wait3A_240 = arith.constant 0 : i32
        %dma_wait3A_241 = arith.constant 0 : i32
        %dma_wait3A_242 = tpu.memref_slice %arg9[%run_scoped3A_205, %dma_wait3A_240, %dma_wait3A_241] : memref<2x64x128xf32, #tpu.memory_space<vmem>> -> memref<1x64x128xf32, #tpu.memory_space<vmem>>
        %dma_wait3A_243 = tpu.memref_squeeze %dma_wait3A_242 : memref<1x64x128xf32, #tpu.memory_space<vmem>> -> memref<64x128xf32, #tpu.memory_space<vmem>>
        %dma_wait3A_244 = arith.constant 0 : i32
        %dma_wait3A_245 = tpu.memref_slice %arg8[%add3A_190, %dma_wait3A_244] : memref<80x64xi32, #tpu.memory_space<vmem>> -> memref<1x64xi32, #tpu.memory_space<vmem>>
        %dma_wait3A_246 = tpu.memref_squeeze %dma_wait3A_245 : memref<1x64xi32, #tpu.memory_space<vmem>> -> memref<64xi32, #tpu.memory_space<vmem>>
        %dma_wait3A_247 = arith.constant 0 : i32
        %dma_wait3A_248 = arith.constant 0 : i32
        %dma_wait3A_249 = tpu.memref_slice %arg10[%dma_wait3A_247, %dma_wait3A_248] : memref<10240x128xf32, #tpu.memory_space<vmem_shared>> -> memref<10240x128xf32, #tpu.memory_space<vmem_shared>>
        tpu.wait_indirect_dma semaphore(%run_scoped3A_229 : memref<!tpu.dma_semaphore, #tpu.memory_space<semaphore_mem>>) src(%dma_wait3A_243 : memref<64x128xf32, #tpu.memory_space<vmem>>) dst(%dma_wait3A_249 : memref<10240x128xf32, #tpu.memory_space<vmem_shared>>)
        tpu.yield
      }) : () -> ()
      %mul3A_206 = arith.constant 2 : i32
      %mul3A_207 = arith.muli %scan3A_186, %mul3A_206 : i32
      %add3A_208 = arith.constant 1 : i32
      %add3A_209 = arith.addi %mul3A_207, %add3A_208 : i32
      %add3A_210 = arith.constant 1 : i32
      %add3A_211 = arith.addi %add3A_209, %add3A_210 : i32
      %lt3A_212 = arith.constant 80 : i32
      %lt3A_213 = arith.cmpi slt, %add3A_211, %lt3A_212 : i32
      %convert_element_type3A_214 = arith.extui %lt3A_213 : i1 to i32
      %cond3A_215 = arith.constant 0 : i32
      %cond3A_216 = arith.cmpi ne, %convert_element_type3A_214, %cond3A_215 : i32
      scf.if %cond3A_216 {
        %add3A_229 = arith.constant 1 : i32
        %add3A_230 = arith.addi %add3A_209, %add3A_229 : i32
        %dma_start3A_231 = arith.constant 0 : i32
        %dma_start3A_232 = arith.constant 0 : i32
        %dma_start3A_233 = arith.constant 0 : i32
        %dma_start3A_234 = tpu.memref_slice %arg9[%dma_start3A_231, %dma_start3A_232, %dma_start3A_233] : memref<2x64x128xf32, #tpu.memory_space<vmem>> -> memref<1x64x128xf32, #tpu.memory_space<vmem>>
        %dma_start3A_235 = tpu.memref_squeeze %dma_start3A_234 : memref<1x64x128xf32, #tpu.memory_space<vmem>> -> memref<64x128xf32, #tpu.memory_space<vmem>>
        %dma_start3A_236 = arith.constant 0 : i32
        %dma_start3A_237 = tpu.memref_slice %arg7[%add3A_230, %dma_start3A_236] : memref<80x64xi32, #tpu.memory_space<vmem>> -> memref<1x64xi32, #tpu.memory_space<vmem>>
        %dma_start3A_238 = tpu.memref_squeeze %dma_start3A_237 : memref<1x64xi32, #tpu.memory_space<vmem>> -> memref<64xi32, #tpu.memory_space<vmem>>
        %dma_start3A_239 = arith.constant 0 : i32
        %dma_start3A_240 = arith.constant 0 : i32
        %dma_start3A_241 = tpu.memref_slice %arg2[%dma_start3A_239, %dma_start3A_240] : memref<10240x128xf32, #tpu.memory_space<hbm>> -> memref<10240x128xf32, #tpu.memory_space<hbm>>
        tpu.enqueue_indirect_dma source(%dma_start3A_241 : memref<10240x128xf32, #tpu.memory_space<hbm>>) target(%dma_start3A_235 : memref<64x128xf32, #tpu.memory_space<vmem>>) offsets(%dma_start3A_238 : memref<64xi32, #tpu.memory_space<vmem>>) semaphore(%arg11 : memref<!tpu.dma_semaphore, #tpu.memory_space<semaphore_mem>>)
      } else {
      }
      %dma_wait3A_217 = arith.constant 1 : i32
      %dma_wait3A_218 = arith.constant 0 : i32
      %dma_wait3A_219 = arith.constant 0 : i32
      %dma_wait3A_220 = tpu.memref_slice %arg9[%dma_wait3A_217, %dma_wait3A_218, %dma_wait3A_219] : memref<2x64x128xf32, #tpu.memory_space<vmem>> -> memref<1x64x128xf32, #tpu.memory_space<vmem>>
      %dma_wait3A_221 = tpu.memref_squeeze %dma_wait3A_220 : memref<1x64x128xf32, #tpu.memory_space<vmem>> -> memref<64x128xf32, #tpu.memory_space<vmem>>
      %dma_wait3A_222 = arith.constant 0 : i32
      %dma_wait3A_223 = tpu.memref_slice %arg7[%add3A_209, %dma_wait3A_222] : memref<80x64xi32, #tpu.memory_space<vmem>> -> memref<1x64xi32, #tpu.memory_space<vmem>>
      %dma_wait3A_224 = tpu.memref_squeeze %dma_wait3A_223 : memref<1x64xi32, #tpu.memory_space<vmem>> -> memref<64xi32, #tpu.memory_space<vmem>>
      %dma_wait3A_225 = arith.constant 0 : i32
      %dma_wait3A_226 = arith.constant 0 : i32
      %dma_wait3A_227 = tpu.memref_slice %arg2[%dma_wait3A_225, %dma_wait3A_226] : memref<10240x128xf32, #tpu.memory_space<hbm>> -> memref<10240x128xf32, #tpu.memory_space<hbm>>
      tpu.wait_indirect_dma semaphore(%arg12 : memref<!tpu.dma_semaphore, #tpu.memory_space<semaphore_mem>>) src(%dma_wait3A_227 : memref<10240x128xf32, #tpu.memory_space<hbm>>) dst(%dma_wait3A_221 : memref<64x128xf32, #tpu.memory_space<vmem>>)
      %run_scoped3A_228 = arith.constant 1 : i32
      "tpu.region"() ({
        %run_scoped3A_229 = tpu.sem_alloc : memref<!tpu.dma_semaphore, #tpu.memory_space<semaphore_mem>>
        %dma_start3A_230 = arith.constant 0 : i32
        %dma_start3A_231 = arith.constant 0 : i32
        %dma_start3A_232 = tpu.memref_slice %arg9[%run_scoped3A_228, %dma_start3A_230, %dma_start3A_231] : memref<2x64x128xf32, #tpu.memory_space<vmem>> -> memref<1x64x128xf32, #tpu.memory_space<vmem>>
        %dma_start3A_233 = tpu.memref_squeeze %dma_start3A_232 : memref<1x64x128xf32, #tpu.memory_space<vmem>> -> memref<64x128xf32, #tpu.memory_space<vmem>>
        %dma_start3A_234 = arith.constant 0 : i32
        %dma_start3A_235 = tpu.memref_slice %arg8[%add3A_209, %dma_start3A_234] : memref<80x64xi32, #tpu.memory_space<vmem>> -> memref<1x64xi32, #tpu.memory_space<vmem>>
        %dma_start3A_236 = tpu.memref_squeeze %dma_start3A_235 : memref<1x64xi32, #tpu.memory_space<vmem>> -> memref<64xi32, #tpu.memory_space<vmem>>
        %dma_start3A_237 = arith.constant 0 : i32
        %dma_start3A_238 = arith.constant 0 : i32
        %dma_start3A_239 = tpu.memref_slice %arg10[%dma_start3A_237, %dma_start3A_238] : memref<10240x128xf32, #tpu.memory_space<vmem_shared>> -> memref<10240x128xf32, #tpu.memory_space<vmem_shared>>
        tpu.enqueue_indirect_dma source(%dma_start3A_233 : memref<64x128xf32, #tpu.memory_space<vmem>>) target(%dma_start3A_239 : memref<10240x128xf32, #tpu.memory_space<vmem_shared>>) offsets(%dma_start3A_236 : memref<64xi32, #tpu.memory_space<vmem>>) semaphore(%run_scoped3A_229 : memref<!tpu.dma_semaphore, #tpu.memory_space<semaphore_mem>>) {add = true}
        %dma_wait3A_240 = arith.constant 0 : i32
        %dma_wait3A_241 = arith.constant 0 : i32
        %dma_wait3A_242 = tpu.memref_slice %arg9[%run_scoped3A_228, %dma_wait3A_240, %dma_wait3A_241] : memref<2x64x128xf32, #tpu.memory_space<vmem>> -> memref<1x64x128xf32, #tpu.memory_space<vmem>>
        %dma_wait3A_243 = tpu.memref_squeeze %dma_wait3A_242 : memref<1x64x128xf32, #tpu.memory_space<vmem>> -> memref<64x128xf32, #tpu.memory_space<vmem>>
        %dma_wait3A_244 = arith.constant 0 : i32
        %dma_wait3A_245 = tpu.memref_slice %arg8[%add3A_209, %dma_wait3A_244] : memref<80x64xi32, #tpu.memory_space<vmem>> -> memref<1x64xi32, #tpu.memory_space<vmem>>
        %dma_wait3A_246 = tpu.memref_squeeze %dma_wait3A_245 : memref<1x64xi32, #tpu.memory_space<vmem>> -> memref<64xi32, #tpu.memory_space<vmem>>
        %dma_wait3A_247 = arith.constant 0 : i32
        %dma_wait3A_248 = arith.constant 0 : i32
        %dma_wait3A_249 = tpu.memref_slice %arg10[%dma_wait3A_247, %dma_wait3A_248] : memref<10240x128xf32, #tpu.memory_space<vmem_shared>> -> memref<10240x128xf32, #tpu.memory_space<vmem_shared>>
        tpu.wait_indirect_dma semaphore(%run_scoped3A_229 : memref<!tpu.dma_semaphore, #tpu.memory_space<semaphore_mem>>) src(%dma_wait3A_243 : memref<64x128xf32, #tpu.memory_space<vmem>>) dst(%dma_wait3A_249 : memref<10240x128xf32, #tpu.memory_space<vmem_shared>>)
        tpu.yield
      }) : () -> ()
    }
    %scan3A_84 = arith.constant 40 : i32
    %barrier3A_85 = arith.constant 0 : index
    tpu.barrier barrier_id(%barrier3A_85)
    %mul3A_86 = arith.constant 640 : i32
    %mul3A_87 = arith.muli %arg1, %mul3A_86 : i32
    %add3A_88 = arith.constant 0 : i32
    %add3A_89 = arith.addi %mul3A_87, %add3A_88 : i32
    %run_scoped3A_90 = arith.constant 0 : i32
    "tpu.region"() ({
      %run_scoped3A_186 = tpu.sem_alloc : memref<!tpu.dma_semaphore, #tpu.memory_space<semaphore_mem>>
      %dma_start3A_187 = arith.constant 0 : i32
      %dma_start3A_188 = arith.constant 0 : i32
      %dma_start3A_189 = tpu.memref_slice %arg9[%run_scoped3A_90, %dma_start3A_187, %dma_start3A_188] : memref<2x64x128xf32, #tpu.memory_space<vmem>> -> memref<1x64x128xf32, #tpu.memory_space<vmem>>
      %dma_start3A_190 = tpu.memref_squeeze %dma_start3A_189 : memref<1x64x128xf32, #tpu.memory_space<vmem>> -> memref<64x128xf32, #tpu.memory_space<vmem>>
      %dma_start3A_191 = arith.constant 0 : i32
      %dma_start3A_192 = tpu.memref_slice %arg10[%add3A_89, %dma_start3A_191] : memref<10240x128xf32, #tpu.memory_space<vmem_shared>> -> memref<64x128xf32, #tpu.memory_space<vmem_shared>>
      %dma_start3A_193 = arith.constant 0 : i32
      %dma_start3A_194 = arith.constant 0 : i32
      %dma_start3A_195 = tpu.memref_slice %arg9[%run_scoped3A_90, %dma_start3A_193, %dma_start3A_194] : memref<2x64x128xf32, #tpu.memory_space<vmem>> -> memref<1x64x128xf32, #tpu.memory_space<vmem>>
      %dma_start3A_196 = tpu.memref_squeeze %dma_start3A_195 : memref<1x64x128xf32, #tpu.memory_space<vmem>> -> memref<64x128xf32, #tpu.memory_space<vmem>>
      %dma_start3A_197 = arith.constant 0 : i32
      %dma_start3A_198 = tpu.memref_slice %arg10[%add3A_89, %dma_start3A_197] : memref<10240x128xf32, #tpu.memory_space<vmem_shared>> -> memref<64x128xf32, #tpu.memory_space<vmem_shared>>
      tpu.enqueue_dma source(%dma_start3A_198 : memref<64x128xf32, #tpu.memory_space<vmem_shared>>) target(%dma_start3A_196 : memref<64x128xf32, #tpu.memory_space<vmem>>) target_semaphore(%run_scoped3A_186 : memref<!tpu.dma_semaphore, #tpu.memory_space<semaphore_mem>>)
      %dma_wait3A = arith.constant 0 : i32
      %dma_wait3A_199 = arith.constant 0 : i32
      %dma_wait3A_200 = tpu.memref_slice %arg9[%run_scoped3A_90, %dma_wait3A, %dma_wait3A_199] : memref<2x64x128xf32, #tpu.memory_space<vmem>> -> memref<1x64x128xf32, #tpu.memory_space<vmem>>
      %dma_wait3A_201 = tpu.memref_squeeze %dma_wait3A_200 : memref<1x64x128xf32, #tpu.memory_space<vmem>> -> memref<64x128xf32, #tpu.memory_space<vmem>>
      %dma_wait3A_202 = arith.constant 0 : i32
      %dma_wait3A_203 = tpu.memref_slice %arg10[%add3A_89, %dma_wait3A_202] : memref<10240x128xf32, #tpu.memory_space<vmem_shared>> -> memref<64x128xf32, #tpu.memory_space<vmem_shared>>
      %dma_wait3A_204 = arith.constant 0 : i32
      %dma_wait3A_205 = arith.constant 0 : i32
      %dma_wait3A_206 = tpu.memref_slice %arg9[%run_scoped3A_90, %dma_wait3A_204, %dma_wait3A_205] : memref<2x64x128xf32, #tpu.memory_space<vmem>> -> memref<1x64x128xf32, #tpu.memory_space<vmem>>
      %dma_wait3A_207 = tpu.memref_squeeze %dma_wait3A_206 : memref<1x64x128xf32, #tpu.memory_space<vmem>> -> memref<64x128xf32, #tpu.memory_space<vmem>>
      %dma_wait3A_208 = arith.constant 0 : i32
      %dma_wait3A_209 = tpu.memref_slice %arg10[%add3A_89, %dma_wait3A_208] : memref<10240x128xf32, #tpu.memory_space<vmem_shared>> -> memref<64x128xf32, #tpu.memory_space<vmem_shared>>
      tpu.wait_dma2 semaphore(%run_scoped3A_186 : memref<!tpu.dma_semaphore, #tpu.memory_space<semaphore_mem>>) src(%dma_wait3A_209 : memref<64x128xf32, #tpu.memory_space<vmem_shared>>) dst(%dma_wait3A_207 : memref<64x128xf32, #tpu.memory_space<vmem>>)
      tpu.yield
    }) : () -> ()
    %mul3A_91 = arith.constant 640 : i32
    %mul3A_92 = arith.muli %arg1, %mul3A_91 : i32
    %add3A_93 = arith.constant 0 : i32
    %add3A_94 = arith.addi %mul3A_92, %add3A_93 : i32
    %run_scoped3A_95 = arith.constant 0 : i32
    "tpu.region"() ({
      %run_scoped3A_186 = tpu.sem_alloc : memref<!tpu.dma_semaphore, #tpu.memory_space<semaphore_mem>>
      %dma_start3A_187 = arith.constant 0 : i32
      %dma_start3A_188 = arith.constant 0 : i32
      %dma_start3A_189 = tpu.memref_slice %arg9[%run_scoped3A_95, %dma_start3A_187, %dma_start3A_188] : memref<2x64x128xf32, #tpu.memory_space<vmem>> -> memref<1x64x128xf32, #tpu.memory_space<vmem>>
      %dma_start3A_190 = tpu.memref_squeeze %dma_start3A_189 : memref<1x64x128xf32, #tpu.memory_space<vmem>> -> memref<64x128xf32, #tpu.memory_space<vmem>>
      %dma_start3A_191 = arith.constant 0 : i32
      %dma_start3A_192 = tpu.memref_slice %arg6[%arg0, %add3A_94, %dma_start3A_191] : memref<2x10240x128xf32, #tpu.memory_space<hbm>> -> memref<1x64x128xf32, #tpu.memory_space<hbm>>
      %dma_start3A_193 = tpu.memref_squeeze %dma_start3A_192 : memref<1x64x128xf32, #tpu.memory_space<hbm>> -> memref<64x128xf32, #tpu.memory_space<hbm>>
      %dma_start3A_194 = arith.constant 0 : i32
      %dma_start3A_195 = tpu.memref_slice %arg6[%arg0, %add3A_94, %dma_start3A_194] : memref<2x10240x128xf32, #tpu.memory_space<hbm>> -> memref<1x64x128xf32, #tpu.memory_space<hbm>>
      %dma_start3A_196 = tpu.memref_squeeze %dma_start3A_195 : memref<1x64x128xf32, #tpu.memory_space<hbm>> -> memref<64x128xf32, #tpu.memory_space<hbm>>
      %dma_start3A_197 = arith.constant 0 : i32
      %dma_start3A_198 = arith.constant 0 : i32
      %dma_start3A_199 = tpu.memref_slice %arg9[%run_scoped3A_95, %dma_start3A_197, %dma_start3A_198] : memref<2x64x128xf32, #tpu.memory_space<vmem>> -> memref<1x64x128xf32, #tpu.memory_space<vmem>>
      %dma_start3A_200 = tpu.memref_squeeze %dma_start3A_199 : memref<1x64x128xf32, #tpu.memory_space<vmem>> -> memref<64x128xf32, #tpu.memory_space<vmem>>
      tpu.enqueue_dma source(%dma_start3A_200 : memref<64x128xf32, #tpu.memory_space<vmem>>) target(%dma_start3A_196 : memref<64x128xf32, #tpu.memory_space<hbm>>) target_semaphore(%run_scoped3A_186 : memref<!tpu.dma_semaphore, #tpu.memory_space<semaphore_mem>>)
      %dma_wait3A = arith.constant 0 : i32
      %dma_wait3A_201 = arith.constant 0 : i32
      %dma_wait3A_202 = tpu.memref_slice %arg9[%run_scoped3A_95, %dma_wait3A, %dma_wait3A_201] : memref<2x64x128xf32, #tpu.memory_space<vmem>> -> memref<1x64x128xf32, #tpu.memory_space<vmem>>
      %dma_wait3A_203 = tpu.memref_squeeze %dma_wait3A_202 : memref<1x64x128xf32, #tpu.memory_space<vmem>> -> memref<64x128xf32, #tpu.memory_space<vmem>>
      %dma_wait3A_204 = arith.constant 0 : i32
      %dma_wait3A_205 = tpu.memref_slice %arg6[%arg0, %add3A_94, %dma_wait3A_204] : memref<2x10240x128xf32, #tpu.memory_space<hbm>> -> memref<1x64x128xf32, #tpu.memory_space<hbm>>
      %dma_wait3A_206 = tpu.memref_squeeze %dma_wait3A_205 : memref<1x64x128xf32, #tpu.memory_space<hbm>> -> memref<64x128xf32, #tpu.memory_space<hbm>>
      %dma_wait3A_207 = arith.constant 0 : i32
      %dma_wait3A_208 = tpu.memref_slice %arg6[%arg0, %add3A_94, %dma_wait3A_207] : memref<2x10240x128xf32, #tpu.memory_space<hbm>> -> memref<1x64x128xf32, #tpu.memory_space<hbm>>
      %dma_wait3A_209 = tpu.memref_squeeze %dma_wait3A_208 : memref<1x64x128xf32, #tpu.memory_space<hbm>> -> memref<64x128xf32, #tpu.memory_space<hbm>>
      %dma_wait3A_210 = arith.constant 0 : i32
      %dma_wait3A_211 = arith.constant 0 : i32
      %dma_wait3A_212 = tpu.memref_slice %arg9[%run_scoped3A_95, %dma_wait3A_210, %dma_wait3A_211] : memref<2x64x128xf32, #tpu.memory_space<vmem>> -> memref<1x64x128xf32, #tpu.memory_space<vmem>>
      %dma_wait3A_213 = tpu.memref_squeeze %dma_wait3A_212 : memref<1x64x128xf32, #tpu.memory_space<vmem>> -> memref<64x128xf32, #tpu.memory_space<vmem>>
      tpu.wait_dma2 semaphore(%run_scoped3A_186 : memref<!tpu.dma_semaphore, #tpu.memory_space<semaphore_mem>>) src(%dma_wait3A_213 : memref<64x128xf32, #tpu.memory_space<vmem>>) dst(%dma_wait3A_209 : memref<64x128xf32, #tpu.memory_space<hbm>>)
      tpu.yield
    }) : () -> ()
    %mul3A_96 = arith.constant 640 : i32
    %mul3A_97 = arith.muli %arg1, %mul3A_96 : i32
    %add3A_98 = arith.constant 64 : i32
    %add3A_99 = arith.addi %mul3A_97, %add3A_98 : i32
    %run_scoped3A_100 = arith.constant 0 : i32
    "tpu.region"() ({
      %run_scoped3A_186 = tpu.sem_alloc : memref<!tpu.dma_semaphore, #tpu.memory_space<semaphore_mem>>
      %dma_start3A_187 = arith.constant 0 : i32
      %dma_start3A_188 = arith.constant 0 : i32
      %dma_start3A_189 = tpu.memref_slice %arg9[%run_scoped3A_100, %dma_start3A_187, %dma_start3A_188] : memref<2x64x128xf32, #tpu.memory_space<vmem>> -> memref<1x64x128xf32, #tpu.memory_space<vmem>>
      %dma_start3A_190 = tpu.memref_squeeze %dma_start3A_189 : memref<1x64x128xf32, #tpu.memory_space<vmem>> -> memref<64x128xf32, #tpu.memory_space<vmem>>
      %dma_start3A_191 = arith.constant 0 : i32
      %dma_start3A_192 = tpu.memref_slice %arg10[%add3A_99, %dma_start3A_191] : memref<10240x128xf32, #tpu.memory_space<vmem_shared>> -> memref<64x128xf32, #tpu.memory_space<vmem_shared>>
      %dma_start3A_193 = arith.constant 0 : i32
      %dma_start3A_194 = arith.constant 0 : i32
      %dma_start3A_195 = tpu.memref_slice %arg9[%run_scoped3A_100, %dma_start3A_193, %dma_start3A_194] : memref<2x64x128xf32, #tpu.memory_space<vmem>> -> memref<1x64x128xf32, #tpu.memory_space<vmem>>
      %dma_start3A_196 = tpu.memref_squeeze %dma_start3A_195 : memref<1x64x128xf32, #tpu.memory_space<vmem>> -> memref<64x128xf32, #tpu.memory_space<vmem>>
      %dma_start3A_197 = arith.constant 0 : i32
      %dma_start3A_198 = tpu.memref_slice %arg10[%add3A_99, %dma_start3A_197] : memref<10240x128xf32, #tpu.memory_space<vmem_shared>> -> memref<64x128xf32, #tpu.memory_space<vmem_shared>>
      tpu.enqueue_dma source(%dma_start3A_198 : memref<64x128xf32, #tpu.memory_space<vmem_shared>>) target(%dma_start3A_196 : memref<64x128xf32, #tpu.memory_space<vmem>>) target_semaphore(%run_scoped3A_186 : memref<!tpu.dma_semaphore, #tpu.memory_space<semaphore_mem>>)
      %dma_wait3A = arith.constant 0 : i32
      %dma_wait3A_199 = arith.constant 0 : i32
      %dma_wait3A_200 = tpu.memref_slice %arg9[%run_scoped3A_100, %dma_wait3A, %dma_wait3A_199] : memref<2x64x128xf32, #tpu.memory_space<vmem>> -> memref<1x64x128xf32, #tpu.memory_space<vmem>>
      %dma_wait3A_201 = tpu.memref_squeeze %dma_wait3A_200 : memref<1x64x128xf32, #tpu.memory_space<vmem>> -> memref<64x128xf32, #tpu.memory_space<vmem>>
      %dma_wait3A_202 = arith.constant 0 : i32
      %dma_wait3A_203 = tpu.memref_slice %arg10[%add3A_99, %dma_wait3A_202] : memref<10240x128xf32, #tpu.memory_space<vmem_shared>> -> memref<64x128xf32, #tpu.memory_space<vmem_shared>>
      %dma_wait3A_204 = arith.constant 0 : i32
      %dma_wait3A_205 = arith.constant 0 : i32
      %dma_wait3A_206 = tpu.memref_slice %arg9[%run_scoped3A_100, %dma_wait3A_204, %dma_wait3A_205] : memref<2x64x128xf32, #tpu.memory_space<vmem>> -> memref<1x64x128xf32, #tpu.memory_space<vmem>>
      %dma_wait3A_207 = tpu.memref_squeeze %dma_wait3A_206 : memref<1x64x128xf32, #tpu.memory_space<vmem>> -> memref<64x128xf32, #tpu.memory_space<vmem>>
      %dma_wait3A_208 = arith.constant 0 : i32
      %dma_wait3A_209 = tpu.memref_slice %arg10[%add3A_99, %dma_wait3A_208] : memref<10240x128xf32, #tpu.memory_space<vmem_shared>> -> memref<64x128xf32, #tpu.memory_space<vmem_shared>>
      tpu.wait_dma2 semaphore(%run_scoped3A_186 : memref<!tpu.dma_semaphore, #tpu.memory_space<semaphore_mem>>) src(%dma_wait3A_209 : memref<64x128xf32, #tpu.memory_space<vmem_shared>>) dst(%dma_wait3A_207 : memref<64x128xf32, #tpu.memory_space<vmem>>)
      tpu.yield
    }) : () -> ()
    %mul3A_101 = arith.constant 640 : i32
    %mul3A_102 = arith.muli %arg1, %mul3A_101 : i32
    %add3A_103 = arith.constant 64 : i32
    %add3A_104 = arith.addi %mul3A_102, %add3A_103 : i32
    %run_scoped3A_105 = arith.constant 0 : i32
    "tpu.region"() ({
      %run_scoped3A_186 = tpu.sem_alloc : memref<!tpu.dma_semaphore, #tpu.memory_space<semaphore_mem>>
      %dma_start3A_187 = arith.constant 0 : i32
      %dma_start3A_188 = arith.constant 0 : i32
      %dma_start3A_189 = tpu.memref_slice %arg9[%run_scoped3A_105, %dma_start3A_187, %dma_start3A_188] : memref<2x64x128xf32, #tpu.memory_space<vmem>> -> memref<1x64x128xf32, #tpu.memory_space<vmem>>
      %dma_start3A_190 = tpu.memref_squeeze %dma_start3A_189 : memref<1x64x128xf32, #tpu.memory_space<vmem>> -> memref<64x128xf32, #tpu.memory_space<vmem>>
      %dma_start3A_191 = arith.constant 0 : i32
      %dma_start3A_192 = tpu.memref_slice %arg6[%arg0, %add3A_104, %dma_start3A_191] : memref<2x10240x128xf32, #tpu.memory_space<hbm>> -> memref<1x64x128xf32, #tpu.memory_space<hbm>>
      %dma_start3A_193 = tpu.memref_squeeze %dma_start3A_192 : memref<1x64x128xf32, #tpu.memory_space<hbm>> -> memref<64x128xf32, #tpu.memory_space<hbm>>
      %dma_start3A_194 = arith.constant 0 : i32
      %dma_start3A_195 = tpu.memref_slice %arg6[%arg0, %add3A_104, %dma_start3A_194] : memref<2x10240x128xf32, #tpu.memory_space<hbm>> -> memref<1x64x128xf32, #tpu.memory_space<hbm>>
      %dma_start3A_196 = tpu.memref_squeeze %dma_start3A_195 : memref<1x64x128xf32, #tpu.memory_space<hbm>> -> memref<64x128xf32, #tpu.memory_space<hbm>>
      %dma_start3A_197 = arith.constant 0 : i32
      %dma_start3A_198 = arith.constant 0 : i32
      %dma_start3A_199 = tpu.memref_slice %arg9[%run_scoped3A_105, %dma_start3A_197, %dma_start3A_198] : memref<2x64x128xf32, #tpu.memory_space<vmem>> -> memref<1x64x128xf32, #tpu.memory_space<vmem>>
      %dma_start3A_200 = tpu.memref_squeeze %dma_start3A_199 : memref<1x64x128xf32, #tpu.memory_space<vmem>> -> memref<64x128xf32, #tpu.memory_space<vmem>>
      tpu.enqueue_dma source(%dma_start3A_200 : memref<64x128xf32, #tpu.memory_space<vmem>>) target(%dma_start3A_196 : memref<64x128xf32, #tpu.memory_space<hbm>>) target_semaphore(%run_scoped3A_186 : memref<!tpu.dma_semaphore, #tpu.memory_space<semaphore_mem>>)
      %dma_wait3A = arith.constant 0 : i32
      %dma_wait3A_201 = arith.constant 0 : i32
      %dma_wait3A_202 = tpu.memref_slice %arg9[%run_scoped3A_105, %dma_wait3A, %dma_wait3A_201] : memref<2x64x128xf32, #tpu.memory_space<vmem>> -> memref<1x64x128xf32, #tpu.memory_space<vmem>>
      %dma_wait3A_203 = tpu.memref_squeeze %dma_wait3A_202 : memref<1x64x128xf32, #tpu.memory_space<vmem>> -> memref<64x128xf32, #tpu.memory_space<vmem>>
      %dma_wait3A_204 = arith.constant 0 : i32
      %dma_wait3A_205 = tpu.memref_slice %arg6[%arg0, %add3A_104, %dma_wait3A_204] : memref<2x10240x128xf32, #tpu.memory_space<hbm>> -> memref<1x64x128xf32, #tpu.memory_space<hbm>>
      %dma_wait3A_206 = tpu.memref_squeeze %dma_wait3A_205 : memref<1x64x128xf32, #tpu.memory_space<hbm>> -> memref<64x128xf32, #tpu.memory_space<hbm>>
      %dma_wait3A_207 = arith.constant 0 : i32
      %dma_wait3A_208 = tpu.memref_slice %arg6[%arg0, %add3A_104, %dma_wait3A_207] : memref<2x10240x128xf32, #tpu.memory_space<hbm>> -> memref<1x64x128xf32, #tpu.memory_space<hbm>>
      %dma_wait3A_209 = tpu.memref_squeeze %dma_wait3A_208 : memref<1x64x128xf32, #tpu.memory_space<hbm>> -> memref<64x128xf32, #tpu.memory_space<hbm>>
      %dma_wait3A_210 = arith.constant 0 : i32
      %dma_wait3A_211 = arith.constant 0 : i32
      %dma_wait3A_212 = tpu.memref_slice %arg9[%run_scoped3A_105, %dma_wait3A_210, %dma_wait3A_211] : memref<2x64x128xf32, #tpu.memory_space<vmem>> -> memref<1x64x128xf32, #tpu.memory_space<vmem>>
      %dma_wait3A_213 = tpu.memref_squeeze %dma_wait3A_212 : memref<1x64x128xf32, #tpu.memory_space<vmem>> -> memref<64x128xf32, #tpu.memory_space<vmem>>
      tpu.wait_dma2 semaphore(%run_scoped3A_186 : memref<!tpu.dma_semaphore, #tpu.memory_space<semaphore_mem>>) src(%dma_wait3A_213 : memref<64x128xf32, #tpu.memory_space<vmem>>) dst(%dma_wait3A_209 : memref<64x128xf32, #tpu.memory_space<hbm>>)
      tpu.yield
    }) : () -> ()
    %mul3A_106 = arith.constant 640 : i32
    %mul3A_107 = arith.muli %arg1, %mul3A_106 : i32
    %add3A_108 = arith.constant 128 : i32
    %add3A_109 = arith.addi %mul3A_107, %add3A_108 : i32
    %run_scoped3A_110 = arith.constant 0 : i32
    "tpu.region"() ({
      %run_scoped3A_186 = tpu.sem_alloc : memref<!tpu.dma_semaphore, #tpu.memory_space<semaphore_mem>>
      %dma_start3A_187 = arith.constant 0 : i32
      %dma_start3A_188 = arith.constant 0 : i32
      %dma_start3A_189 = tpu.memref_slice %arg9[%run_scoped3A_110, %dma_start3A_187, %dma_start3A_188] : memref<2x64x128xf32, #tpu.memory_space<vmem>> -> memref<1x64x128xf32, #tpu.memory_space<vmem>>
      %dma_start3A_190 = tpu.memref_squeeze %dma_start3A_189 : memref<1x64x128xf32, #tpu.memory_space<vmem>> -> memref<64x128xf32, #tpu.memory_space<vmem>>
      %dma_start3A_191 = arith.constant 0 : i32
      %dma_start3A_192 = tpu.memref_slice %arg10[%add3A_109, %dma_start3A_191] : memref<10240x128xf32, #tpu.memory_space<vmem_shared>> -> memref<64x128xf32, #tpu.memory_space<vmem_shared>>
      %dma_start3A_193 = arith.constant 0 : i32
      %dma_start3A_194 = arith.constant 0 : i32
      %dma_start3A_195 = tpu.memref_slice %arg9[%run_scoped3A_110, %dma_start3A_193, %dma_start3A_194] : memref<2x64x128xf32, #tpu.memory_space<vmem>> -> memref<1x64x128xf32, #tpu.memory_space<vmem>>
      %dma_start3A_196 = tpu.memref_squeeze %dma_start3A_195 : memref<1x64x128xf32, #tpu.memory_space<vmem>> -> memref<64x128xf32, #tpu.memory_space<vmem>>
      %dma_start3A_197 = arith.constant 0 : i32
      %dma_start3A_198 = tpu.memref_slice %arg10[%add3A_109, %dma_start3A_197] : memref<10240x128xf32, #tpu.memory_space<vmem_shared>> -> memref<64x128xf32, #tpu.memory_space<vmem_shared>>
      tpu.enqueue_dma source(%dma_start3A_198 : memref<64x128xf32, #tpu.memory_space<vmem_shared>>) target(%dma_start3A_196 : memref<64x128xf32, #tpu.memory_space<vmem>>) target_semaphore(%run_scoped3A_186 : memref<!tpu.dma_semaphore, #tpu.memory_space<semaphore_mem>>)
      %dma_wait3A = arith.constant 0 : i32
      %dma_wait3A_199 = arith.constant 0 : i32
      %dma_wait3A_200 = tpu.memref_slice %arg9[%run_scoped3A_110, %dma_wait3A, %dma_wait3A_199] : memref<2x64x128xf32, #tpu.memory_space<vmem>> -> memref<1x64x128xf32, #tpu.memory_space<vmem>>
      %dma_wait3A_201 = tpu.memref_squeeze %dma_wait3A_200 : memref<1x64x128xf32, #tpu.memory_space<vmem>> -> memref<64x128xf32, #tpu.memory_space<vmem>>
      %dma_wait3A_202 = arith.constant 0 : i32
      %dma_wait3A_203 = tpu.memref_slice %arg10[%add3A_109, %dma_wait3A_202] : memref<10240x128xf32, #tpu.memory_space<vmem_shared>> -> memref<64x128xf32, #tpu.memory_space<vmem_shared>>
      %dma_wait3A_204 = arith.constant 0 : i32
      %dma_wait3A_205 = arith.constant 0 : i32
      %dma_wait3A_206 = tpu.memref_slice %arg9[%run_scoped3A_110, %dma_wait3A_204, %dma_wait3A_205] : memref<2x64x128xf32, #tpu.memory_space<vmem>> -> memref<1x64x128xf32, #tpu.memory_space<vmem>>
      %dma_wait3A_207 = tpu.memref_squeeze %dma_wait3A_206 : memref<1x64x128xf32, #tpu.memory_space<vmem>> -> memref<64x128xf32, #tpu.memory_space<vmem>>
      %dma_wait3A_208 = arith.constant 0 : i32
      %dma_wait3A_209 = tpu.memref_slice %arg10[%add3A_109, %dma_wait3A_208] : memref<10240x128xf32, #tpu.memory_space<vmem_shared>> -> memref<64x128xf32, #tpu.memory_space<vmem_shared>>
      tpu.wait_dma2 semaphore(%run_scoped3A_186 : memref<!tpu.dma_semaphore, #tpu.memory_space<semaphore_mem>>) src(%dma_wait3A_209 : memref<64x128xf32, #tpu.memory_space<vmem_shared>>) dst(%dma_wait3A_207 : memref<64x128xf32, #tpu.memory_space<vmem>>)
      tpu.yield
    }) : () -> ()
    %mul3A_111 = arith.constant 640 : i32
    %mul3A_112 = arith.muli %arg1, %mul3A_111 : i32
    %add3A_113 = arith.constant 128 : i32
    %add3A_114 = arith.addi %mul3A_112, %add3A_113 : i32
    %run_scoped3A_115 = arith.constant 0 : i32
    "tpu.region"() ({
      %run_scoped3A_186 = tpu.sem_alloc : memref<!tpu.dma_semaphore, #tpu.memory_space<semaphore_mem>>
      %dma_start3A_187 = arith.constant 0 : i32
      %dma_start3A_188 = arith.constant 0 : i32
      %dma_start3A_189 = tpu.memref_slice %arg9[%run_scoped3A_115, %dma_start3A_187, %dma_start3A_188] : memref<2x64x128xf32, #tpu.memory_space<vmem>> -> memref<1x64x128xf32, #tpu.memory_space<vmem>>
      %dma_start3A_190 = tpu.memref_squeeze %dma_start3A_189 : memref<1x64x128xf32, #tpu.memory_space<vmem>> -> memref<64x128xf32, #tpu.memory_space<vmem>>
      %dma_start3A_191 = arith.constant 0 : i32
      %dma_start3A_192 = tpu.memref_slice %arg6[%arg0, %add3A_114, %dma_start3A_191] : memref<2x10240x128xf32, #tpu.memory_space<hbm>> -> memref<1x64x128xf32, #tpu.memory_space<hbm>>
      %dma_start3A_193 = tpu.memref_squeeze %dma_start3A_192 : memref<1x64x128xf32, #tpu.memory_space<hbm>> -> memref<64x128xf32, #tpu.memory_space<hbm>>
      %dma_start3A_194 = arith.constant 0 : i32
      %dma_start3A_195 = tpu.memref_slice %arg6[%arg0, %add3A_114, %dma_start3A_194] : memref<2x10240x128xf32, #tpu.memory_space<hbm>> -> memref<1x64x128xf32, #tpu.memory_space<hbm>>
      %dma_start3A_196 = tpu.memref_squeeze %dma_start3A_195 : memref<1x64x128xf32, #tpu.memory_space<hbm>> -> memref<64x128xf32, #tpu.memory_space<hbm>>
      %dma_start3A_197 = arith.constant 0 : i32
      %dma_start3A_198 = arith.constant 0 : i32
      %dma_start3A_199 = tpu.memref_slice %arg9[%run_scoped3A_115, %dma_start3A_197, %dma_start3A_198] : memref<2x64x128xf32, #tpu.memory_space<vmem>> -> memref<1x64x128xf32, #tpu.memory_space<vmem>>
      %dma_start3A_200 = tpu.memref_squeeze %dma_start3A_199 : memref<1x64x128xf32, #tpu.memory_space<vmem>> -> memref<64x128xf32, #tpu.memory_space<vmem>>
      tpu.enqueue_dma source(%dma_start3A_200 : memref<64x128xf32, #tpu.memory_space<vmem>>) target(%dma_start3A_196 : memref<64x128xf32, #tpu.memory_space<hbm>>) target_semaphore(%run_scoped3A_186 : memref<!tpu.dma_semaphore, #tpu.memory_space<semaphore_mem>>)
      %dma_wait3A = arith.constant 0 : i32
      %dma_wait3A_201 = arith.constant 0 : i32
      %dma_wait3A_202 = tpu.memref_slice %arg9[%run_scoped3A_115, %dma_wait3A, %dma_wait3A_201] : memref<2x64x128xf32, #tpu.memory_space<vmem>> -> memref<1x64x128xf32, #tpu.memory_space<vmem>>
      %dma_wait3A_203 = tpu.memref_squeeze %dma_wait3A_202 : memref<1x64x128xf32, #tpu.memory_space<vmem>> -> memref<64x128xf32, #tpu.memory_space<vmem>>
      %dma_wait3A_204 = arith.constant 0 : i32
      %dma_wait3A_205 = tpu.memref_slice %arg6[%arg0, %add3A_114, %dma_wait3A_204] : memref<2x10240x128xf32, #tpu.memory_space<hbm>> -> memref<1x64x128xf32, #tpu.memory_space<hbm>>
      %dma_wait3A_206 = tpu.memref_squeeze %dma_wait3A_205 : memref<1x64x128xf32, #tpu.memory_space<hbm>> -> memref<64x128xf32, #tpu.memory_space<hbm>>
      %dma_wait3A_207 = arith.constant 0 : i32
      %dma_wait3A_208 = tpu.memref_slice %arg6[%arg0, %add3A_114, %dma_wait3A_207] : memref<2x10240x128xf32, #tpu.memory_space<hbm>> -> memref<1x64x128xf32, #tpu.memory_space<hbm>>
      %dma_wait3A_209 = tpu.memref_squeeze %dma_wait3A_208 : memref<1x64x128xf32, #tpu.memory_space<hbm>> -> memref<64x128xf32, #tpu.memory_space<hbm>>
      %dma_wait3A_210 = arith.constant 0 : i32
      %dma_wait3A_211 = arith.constant 0 : i32
      %dma_wait3A_212 = tpu.memref_slice %arg9[%run_scoped3A_115, %dma_wait3A_210, %dma_wait3A_211] : memref<2x64x128xf32, #tpu.memory_space<vmem>> -> memref<1x64x128xf32, #tpu.memory_space<vmem>>
      %dma_wait3A_213 = tpu.memref_squeeze %dma_wait3A_212 : memref<1x64x128xf32, #tpu.memory_space<vmem>> -> memref<64x128xf32, #tpu.memory_space<vmem>>
      tpu.wait_dma2 semaphore(%run_scoped3A_186 : memref<!tpu.dma_semaphore, #tpu.memory_space<semaphore_mem>>) src(%dma_wait3A_213 : memref<64x128xf32, #tpu.memory_space<vmem>>) dst(%dma_wait3A_209 : memref<64x128xf32, #tpu.memory_space<hbm>>)
      tpu.yield
    }) : () -> ()
    %mul3A_116 = arith.constant 640 : i32
    %mul3A_117 = arith.muli %arg1, %mul3A_116 : i32
    %add3A_118 = arith.constant 192 : i32
    %add3A_119 = arith.addi %mul3A_117, %add3A_118 : i32
    %run_scoped3A_120 = arith.constant 0 : i32
    "tpu.region"() ({
      %run_scoped3A_186 = tpu.sem_alloc : memref<!tpu.dma_semaphore, #tpu.memory_space<semaphore_mem>>
      %dma_start3A_187 = arith.constant 0 : i32
      %dma_start3A_188 = arith.constant 0 : i32
      %dma_start3A_189 = tpu.memref_slice %arg9[%run_scoped3A_120, %dma_start3A_187, %dma_start3A_188] : memref<2x64x128xf32, #tpu.memory_space<vmem>> -> memref<1x64x128xf32, #tpu.memory_space<vmem>>
      %dma_start3A_190 = tpu.memref_squeeze %dma_start3A_189 : memref<1x64x128xf32, #tpu.memory_space<vmem>> -> memref<64x128xf32, #tpu.memory_space<vmem>>
      %dma_start3A_191 = arith.constant 0 : i32
      %dma_start3A_192 = tpu.memref_slice %arg10[%add3A_119, %dma_start3A_191] : memref<10240x128xf32, #tpu.memory_space<vmem_shared>> -> memref<64x128xf32, #tpu.memory_space<vmem_shared>>
      %dma_start3A_193 = arith.constant 0 : i32
      %dma_start3A_194 = arith.constant 0 : i32
      %dma_start3A_195 = tpu.memref_slice %arg9[%run_scoped3A_120, %dma_start3A_193, %dma_start3A_194] : memref<2x64x128xf32, #tpu.memory_space<vmem>> -> memref<1x64x128xf32, #tpu.memory_space<vmem>>
      %dma_start3A_196 = tpu.memref_squeeze %dma_start3A_195 : memref<1x64x128xf32, #tpu.memory_space<vmem>> -> memref<64x128xf32, #tpu.memory_space<vmem>>
      %dma_start3A_197 = arith.constant 0 : i32
      %dma_start3A_198 = tpu.memref_slice %arg10[%add3A_119, %dma_start3A_197] : memref<10240x128xf32, #tpu.memory_space<vmem_shared>> -> memref<64x128xf32, #tpu.memory_space<vmem_shared>>
      tpu.enqueue_dma source(%dma_start3A_198 : memref<64x128xf32, #tpu.memory_space<vmem_shared>>) target(%dma_start3A_196 : memref<64x128xf32, #tpu.memory_space<vmem>>) target_semaphore(%run_scoped3A_186 : memref<!tpu.dma_semaphore, #tpu.memory_space<semaphore_mem>>)
      %dma_wait3A = arith.constant 0 : i32
      %dma_wait3A_199 = arith.constant 0 : i32
      %dma_wait3A_200 = tpu.memref_slice %arg9[%run_scoped3A_120, %dma_wait3A, %dma_wait3A_199] : memref<2x64x128xf32, #tpu.memory_space<vmem>> -> memref<1x64x128xf32, #tpu.memory_space<vmem>>
      %dma_wait3A_201 = tpu.memref_squeeze %dma_wait3A_200 : memref<1x64x128xf32, #tpu.memory_space<vmem>> -> memref<64x128xf32, #tpu.memory_space<vmem>>
      %dma_wait3A_202 = arith.constant 0 : i32
      %dma_wait3A_203 = tpu.memref_slice %arg10[%add3A_119, %dma_wait3A_202] : memref<10240x128xf32, #tpu.memory_space<vmem_shared>> -> memref<64x128xf32, #tpu.memory_space<vmem_shared>>
      %dma_wait3A_204 = arith.constant 0 : i32
      %dma_wait3A_205 = arith.constant 0 : i32
      %dma_wait3A_206 = tpu.memref_slice %arg9[%run_scoped3A_120, %dma_wait3A_204, %dma_wait3A_205] : memref<2x64x128xf32, #tpu.memory_space<vmem>> -> memref<1x64x128xf32, #tpu.memory_space<vmem>>
      %dma_wait3A_207 = tpu.memref_squeeze %dma_wait3A_206 : memref<1x64x128xf32, #tpu.memory_space<vmem>> -> memref<64x128xf32, #tpu.memory_space<vmem>>
      %dma_wait3A_208 = arith.constant 0 : i32
      %dma_wait3A_209 = tpu.memref_slice %arg10[%add3A_119, %dma_wait3A_208] : memref<10240x128xf32, #tpu.memory_space<vmem_shared>> -> memref<64x128xf32, #tpu.memory_space<vmem_shared>>
      tpu.wait_dma2 semaphore(%run_scoped3A_186 : memref<!tpu.dma_semaphore, #tpu.memory_space<semaphore_mem>>) src(%dma_wait3A_209 : memref<64x128xf32, #tpu.memory_space<vmem_shared>>) dst(%dma_wait3A_207 : memref<64x128xf32, #tpu.memory_space<vmem>>)
      tpu.yield
    }) : () -> ()
    %mul3A_121 = arith.constant 640 : i32
    %mul3A_122 = arith.muli %arg1, %mul3A_121 : i32
    %add3A_123 = arith.constant 192 : i32
    %add3A_124 = arith.addi %mul3A_122, %add3A_123 : i32
    %run_scoped3A_125 = arith.constant 0 : i32
    "tpu.region"() ({
      %run_scoped3A_186 = tpu.sem_alloc : memref<!tpu.dma_semaphore, #tpu.memory_space<semaphore_mem>>
      %dma_start3A_187 = arith.constant 0 : i32
      %dma_start3A_188 = arith.constant 0 : i32
      %dma_start3A_189 = tpu.memref_slice %arg9[%run_scoped3A_125, %dma_start3A_187, %dma_start3A_188] : memref<2x64x128xf32, #tpu.memory_space<vmem>> -> memref<1x64x128xf32, #tpu.memory_space<vmem>>
      %dma_start3A_190 = tpu.memref_squeeze %dma_start3A_189 : memref<1x64x128xf32, #tpu.memory_space<vmem>> -> memref<64x128xf32, #tpu.memory_space<vmem>>
      %dma_start3A_191 = arith.constant 0 : i32
      %dma_start3A_192 = tpu.memref_slice %arg6[%arg0, %add3A_124, %dma_start3A_191] : memref<2x10240x128xf32, #tpu.memory_space<hbm>> -> memref<1x64x128xf32, #tpu.memory_space<hbm>>
      %dma_start3A_193 = tpu.memref_squeeze %dma_start3A_192 : memref<1x64x128xf32, #tpu.memory_space<hbm>> -> memref<64x128xf32, #tpu.memory_space<hbm>>
      %dma_start3A_194 = arith.constant 0 : i32
      %dma_start3A_195 = tpu.memref_slice %arg6[%arg0, %add3A_124, %dma_start3A_194] : memref<2x10240x128xf32, #tpu.memory_space<hbm>> -> memref<1x64x128xf32, #tpu.memory_space<hbm>>
      %dma_start3A_196 = tpu.memref_squeeze %dma_start3A_195 : memref<1x64x128xf32, #tpu.memory_space<hbm>> -> memref<64x128xf32, #tpu.memory_space<hbm>>
      %dma_start3A_197 = arith.constant 0 : i32
      %dma_start3A_198 = arith.constant 0 : i32
      %dma_start3A_199 = tpu.memref_slice %arg9[%run_scoped3A_125, %dma_start3A_197, %dma_start3A_198] : memref<2x64x128xf32, #tpu.memory_space<vmem>> -> memref<1x64x128xf32, #tpu.memory_space<vmem>>
      %dma_start3A_200 = tpu.memref_squeeze %dma_start3A_199 : memref<1x64x128xf32, #tpu.memory_space<vmem>> -> memref<64x128xf32, #tpu.memory_space<vmem>>
      tpu.enqueue_dma source(%dma_start3A_200 : memref<64x128xf32, #tpu.memory_space<vmem>>) target(%dma_start3A_196 : memref<64x128xf32, #tpu.memory_space<hbm>>) target_semaphore(%run_scoped3A_186 : memref<!tpu.dma_semaphore, #tpu.memory_space<semaphore_mem>>)
      %dma_wait3A = arith.constant 0 : i32
      %dma_wait3A_201 = arith.constant 0 : i32
      %dma_wait3A_202 = tpu.memref_slice %arg9[%run_scoped3A_125, %dma_wait3A, %dma_wait3A_201] : memref<2x64x128xf32, #tpu.memory_space<vmem>> -> memref<1x64x128xf32, #tpu.memory_space<vmem>>
      %dma_wait3A_203 = tpu.memref_squeeze %dma_wait3A_202 : memref<1x64x128xf32, #tpu.memory_space<vmem>> -> memref<64x128xf32, #tpu.memory_space<vmem>>
      %dma_wait3A_204 = arith.constant 0 : i32
      %dma_wait3A_205 = tpu.memref_slice %arg6[%arg0, %add3A_124, %dma_wait3A_204] : memref<2x10240x128xf32, #tpu.memory_space<hbm>> -> memref<1x64x128xf32, #tpu.memory_space<hbm>>
      %dma_wait3A_206 = tpu.memref_squeeze %dma_wait3A_205 : memref<1x64x128xf32, #tpu.memory_space<hbm>> -> memref<64x128xf32, #tpu.memory_space<hbm>>
      %dma_wait3A_207 = arith.constant 0 : i32
      %dma_wait3A_208 = tpu.memref_slice %arg6[%arg0, %add3A_124, %dma_wait3A_207] : memref<2x10240x128xf32, #tpu.memory_space<hbm>> -> memref<1x64x128xf32, #tpu.memory_space<hbm>>
      %dma_wait3A_209 = tpu.memref_squeeze %dma_wait3A_208 : memref<1x64x128xf32, #tpu.memory_space<hbm>> -> memref<64x128xf32, #tpu.memory_space<hbm>>
      %dma_wait3A_210 = arith.constant 0 : i32
      %dma_wait3A_211 = arith.constant 0 : i32
      %dma_wait3A_212 = tpu.memref_slice %arg9[%run_scoped3A_125, %dma_wait3A_210, %dma_wait3A_211] : memref<2x64x128xf32, #tpu.memory_space<vmem>> -> memref<1x64x128xf32, #tpu.memory_space<vmem>>
      %dma_wait3A_213 = tpu.memref_squeeze %dma_wait3A_212 : memref<1x64x128xf32, #tpu.memory_space<vmem>> -> memref<64x128xf32, #tpu.memory_space<vmem>>
      tpu.wait_dma2 semaphore(%run_scoped3A_186 : memref<!tpu.dma_semaphore, #tpu.memory_space<semaphore_mem>>) src(%dma_wait3A_213 : memref<64x128xf32, #tpu.memory_space<vmem>>) dst(%dma_wait3A_209 : memref<64x128xf32, #tpu.memory_space<hbm>>)
      tpu.yield
    }) : () -> ()
    %mul3A_126 = arith.constant 640 : i32
    %mul3A_127 = arith.muli %arg1, %mul3A_126 : i32
    %add3A_128 = arith.constant 256 : i32
    %add3A_129 = arith.addi %mul3A_127, %add3A_128 : i32
    %run_scoped3A_130 = arith.constant 0 : i32
    "tpu.region"() ({
      %run_scoped3A_186 = tpu.sem_alloc : memref<!tpu.dma_semaphore, #tpu.memory_space<semaphore_mem>>
      %dma_start3A_187 = arith.constant 0 : i32
      %dma_start3A_188 = arith.constant 0 : i32
      %dma_start3A_189 = tpu.memref_slice %arg9[%run_scoped3A_130, %dma_start3A_187, %dma_start3A_188] : memref<2x64x128xf32, #tpu.memory_space<vmem>> -> memref<1x64x128xf32, #tpu.memory_space<vmem>>
      %dma_start3A_190 = tpu.memref_squeeze %dma_start3A_189 : memref<1x64x128xf32, #tpu.memory_space<vmem>> -> memref<64x128xf32, #tpu.memory_space<vmem>>
      %dma_start3A_191 = arith.constant 0 : i32
      %dma_start3A_192 = tpu.memref_slice %arg10[%add3A_129, %dma_start3A_191] : memref<10240x128xf32, #tpu.memory_space<vmem_shared>> -> memref<64x128xf32, #tpu.memory_space<vmem_shared>>
      %dma_start3A_193 = arith.constant 0 : i32
      %dma_start3A_194 = arith.constant 0 : i32
      %dma_start3A_195 = tpu.memref_slice %arg9[%run_scoped3A_130, %dma_start3A_193, %dma_start3A_194] : memref<2x64x128xf32, #tpu.memory_space<vmem>> -> memref<1x64x128xf32, #tpu.memory_space<vmem>>
      %dma_start3A_196 = tpu.memref_squeeze %dma_start3A_195 : memref<1x64x128xf32, #tpu.memory_space<vmem>> -> memref<64x128xf32, #tpu.memory_space<vmem>>
      %dma_start3A_197 = arith.constant 0 : i32
      %dma_start3A_198 = tpu.memref_slice %arg10[%add3A_129, %dma_start3A_197] : memref<10240x128xf32, #tpu.memory_space<vmem_shared>> -> memref<64x128xf32, #tpu.memory_space<vmem_shared>>
      tpu.enqueue_dma source(%dma_start3A_198 : memref<64x128xf32, #tpu.memory_space<vmem_shared>>) target(%dma_start3A_196 : memref<64x128xf32, #tpu.memory_space<vmem>>) target_semaphore(%run_scoped3A_186 : memref<!tpu.dma_semaphore, #tpu.memory_space<semaphore_mem>>)
      %dma_wait3A = arith.constant 0 : i32
      %dma_wait3A_199 = arith.constant 0 : i32
      %dma_wait3A_200 = tpu.memref_slice %arg9[%run_scoped3A_130, %dma_wait3A, %dma_wait3A_199] : memref<2x64x128xf32, #tpu.memory_space<vmem>> -> memref<1x64x128xf32, #tpu.memory_space<vmem>>
      %dma_wait3A_201 = tpu.memref_squeeze %dma_wait3A_200 : memref<1x64x128xf32, #tpu.memory_space<vmem>> -> memref<64x128xf32, #tpu.memory_space<vmem>>
      %dma_wait3A_202 = arith.constant 0 : i32
      %dma_wait3A_203 = tpu.memref_slice %arg10[%add3A_129, %dma_wait3A_202] : memref<10240x128xf32, #tpu.memory_space<vmem_shared>> -> memref<64x128xf32, #tpu.memory_space<vmem_shared>>
      %dma_wait3A_204 = arith.constant 0 : i32
      %dma_wait3A_205 = arith.constant 0 : i32
      %dma_wait3A_206 = tpu.memref_slice %arg9[%run_scoped3A_130, %dma_wait3A_204, %dma_wait3A_205] : memref<2x64x128xf32, #tpu.memory_space<vmem>> -> memref<1x64x128xf32, #tpu.memory_space<vmem>>
      %dma_wait3A_207 = tpu.memref_squeeze %dma_wait3A_206 : memref<1x64x128xf32, #tpu.memory_space<vmem>> -> memref<64x128xf32, #tpu.memory_space<vmem>>
      %dma_wait3A_208 = arith.constant 0 : i32
      %dma_wait3A_209 = tpu.memref_slice %arg10[%add3A_129, %dma_wait3A_208] : memref<10240x128xf32, #tpu.memory_space<vmem_shared>> -> memref<64x128xf32, #tpu.memory_space<vmem_shared>>
      tpu.wait_dma2 semaphore(%run_scoped3A_186 : memref<!tpu.dma_semaphore, #tpu.memory_space<semaphore_mem>>) src(%dma_wait3A_209 : memref<64x128xf32, #tpu.memory_space<vmem_shared>>) dst(%dma_wait3A_207 : memref<64x128xf32, #tpu.memory_space<vmem>>)
      tpu.yield
    }) : () -> ()
    %mul3A_131 = arith.constant 640 : i32
    %mul3A_132 = arith.muli %arg1, %mul3A_131 : i32
    %add3A_133 = arith.constant 256 : i32
    %add3A_134 = arith.addi %mul3A_132, %add3A_133 : i32
    %run_scoped3A_135 = arith.constant 0 : i32
    "tpu.region"() ({
      %run_scoped3A_186 = tpu.sem_alloc : memref<!tpu.dma_semaphore, #tpu.memory_space<semaphore_mem>>
      %dma_start3A_187 = arith.constant 0 : i32
      %dma_start3A_188 = arith.constant 0 : i32
      %dma_start3A_189 = tpu.memref_slice %arg9[%run_scoped3A_135, %dma_start3A_187, %dma_start3A_188] : memref<2x64x128xf32, #tpu.memory_space<vmem>> -> memref<1x64x128xf32, #tpu.memory_space<vmem>>
      %dma_start3A_190 = tpu.memref_squeeze %dma_start3A_189 : memref<1x64x128xf32, #tpu.memory_space<vmem>> -> memref<64x128xf32, #tpu.memory_space<vmem>>
      %dma_start3A_191 = arith.constant 0 : i32
      %dma_start3A_192 = tpu.memref_slice %arg6[%arg0, %add3A_134, %dma_start3A_191] : memref<2x10240x128xf32, #tpu.memory_space<hbm>> -> memref<1x64x128xf32, #tpu.memory_space<hbm>>
      %dma_start3A_193 = tpu.memref_squeeze %dma_start3A_192 : memref<1x64x128xf32, #tpu.memory_space<hbm>> -> memref<64x128xf32, #tpu.memory_space<hbm>>
      %dma_start3A_194 = arith.constant 0 : i32
      %dma_start3A_195 = tpu.memref_slice %arg6[%arg0, %add3A_134, %dma_start3A_194] : memref<2x10240x128xf32, #tpu.memory_space<hbm>> -> memref<1x64x128xf32, #tpu.memory_space<hbm>>
      %dma_start3A_196 = tpu.memref_squeeze %dma_start3A_195 : memref<1x64x128xf32, #tpu.memory_space<hbm>> -> memref<64x128xf32, #tpu.memory_space<hbm>>
      %dma_start3A_197 = arith.constant 0 : i32
      %dma_start3A_198 = arith.constant 0 : i32
      %dma_start3A_199 = tpu.memref_slice %arg9[%run_scoped3A_135, %dma_start3A_197, %dma_start3A_198] : memref<2x64x128xf32, #tpu.memory_space<vmem>> -> memref<1x64x128xf32, #tpu.memory_space<vmem>>
      %dma_start3A_200 = tpu.memref_squeeze %dma_start3A_199 : memref<1x64x128xf32, #tpu.memory_space<vmem>> -> memref<64x128xf32, #tpu.memory_space<vmem>>
      tpu.enqueue_dma source(%dma_start3A_200 : memref<64x128xf32, #tpu.memory_space<vmem>>) target(%dma_start3A_196 : memref<64x128xf32, #tpu.memory_space<hbm>>) target_semaphore(%run_scoped3A_186 : memref<!tpu.dma_semaphore, #tpu.memory_space<semaphore_mem>>)
      %dma_wait3A = arith.constant 0 : i32
      %dma_wait3A_201 = arith.constant 0 : i32
      %dma_wait3A_202 = tpu.memref_slice %arg9[%run_scoped3A_135, %dma_wait3A, %dma_wait3A_201] : memref<2x64x128xf32, #tpu.memory_space<vmem>> -> memref<1x64x128xf32, #tpu.memory_space<vmem>>
      %dma_wait3A_203 = tpu.memref_squeeze %dma_wait3A_202 : memref<1x64x128xf32, #tpu.memory_space<vmem>> -> memref<64x128xf32, #tpu.memory_space<vmem>>
      %dma_wait3A_204 = arith.constant 0 : i32
      %dma_wait3A_205 = tpu.memref_slice %arg6[%arg0, %add3A_134, %dma_wait3A_204] : memref<2x10240x128xf32, #tpu.memory_space<hbm>> -> memref<1x64x128xf32, #tpu.memory_space<hbm>>
      %dma_wait3A_206 = tpu.memref_squeeze %dma_wait3A_205 : memref<1x64x128xf32, #tpu.memory_space<hbm>> -> memref<64x128xf32, #tpu.memory_space<hbm>>
      %dma_wait3A_207 = arith.constant 0 : i32
      %dma_wait3A_208 = tpu.memref_slice %arg6[%arg0, %add3A_134, %dma_wait3A_207] : memref<2x10240x128xf32, #tpu.memory_space<hbm>> -> memref<1x64x128xf32, #tpu.memory_space<hbm>>
      %dma_wait3A_209 = tpu.memref_squeeze %dma_wait3A_208 : memref<1x64x128xf32, #tpu.memory_space<hbm>> -> memref<64x128xf32, #tpu.memory_space<hbm>>
      %dma_wait3A_210 = arith.constant 0 : i32
      %dma_wait3A_211 = arith.constant 0 : i32
      %dma_wait3A_212 = tpu.memref_slice %arg9[%run_scoped3A_135, %dma_wait3A_210, %dma_wait3A_211] : memref<2x64x128xf32, #tpu.memory_space<vmem>> -> memref<1x64x128xf32, #tpu.memory_space<vmem>>
      %dma_wait3A_213 = tpu.memref_squeeze %dma_wait3A_212 : memref<1x64x128xf32, #tpu.memory_space<vmem>> -> memref<64x128xf32, #tpu.memory_space<vmem>>
      tpu.wait_dma2 semaphore(%run_scoped3A_186 : memref<!tpu.dma_semaphore, #tpu.memory_space<semaphore_mem>>) src(%dma_wait3A_213 : memref<64x128xf32, #tpu.memory_space<vmem>>) dst(%dma_wait3A_209 : memref<64x128xf32, #tpu.memory_space<hbm>>)
      tpu.yield
    }) : () -> ()
    %mul3A_136 = arith.constant 640 : i32
    %mul3A_137 = arith.muli %arg1, %mul3A_136 : i32
    %add3A_138 = arith.constant 320 : i32
    %add3A_139 = arith.addi %mul3A_137, %add3A_138 : i32
    %run_scoped3A_140 = arith.constant 0 : i32
    "tpu.region"() ({
      %run_scoped3A_186 = tpu.sem_alloc : memref<!tpu.dma_semaphore, #tpu.memory_space<semaphore_mem>>
      %dma_start3A_187 = arith.constant 0 : i32
      %dma_start3A_188 = arith.constant 0 : i32
      %dma_start3A_189 = tpu.memref_slice %arg9[%run_scoped3A_140, %dma_start3A_187, %dma_start3A_188] : memref<2x64x128xf32, #tpu.memory_space<vmem>> -> memref<1x64x128xf32, #tpu.memory_space<vmem>>
      %dma_start3A_190 = tpu.memref_squeeze %dma_start3A_189 : memref<1x64x128xf32, #tpu.memory_space<vmem>> -> memref<64x128xf32, #tpu.memory_space<vmem>>
      %dma_start3A_191 = arith.constant 0 : i32
      %dma_start3A_192 = tpu.memref_slice %arg10[%add3A_139, %dma_start3A_191] : memref<10240x128xf32, #tpu.memory_space<vmem_shared>> -> memref<64x128xf32, #tpu.memory_space<vmem_shared>>
      %dma_start3A_193 = arith.constant 0 : i32
      %dma_start3A_194 = arith.constant 0 : i32
      %dma_start3A_195 = tpu.memref_slice %arg9[%run_scoped3A_140, %dma_start3A_193, %dma_start3A_194] : memref<2x64x128xf32, #tpu.memory_space<vmem>> -> memref<1x64x128xf32, #tpu.memory_space<vmem>>
      %dma_start3A_196 = tpu.memref_squeeze %dma_start3A_195 : memref<1x64x128xf32, #tpu.memory_space<vmem>> -> memref<64x128xf32, #tpu.memory_space<vmem>>
      %dma_start3A_197 = arith.constant 0 : i32
      %dma_start3A_198 = tpu.memref_slice %arg10[%add3A_139, %dma_start3A_197] : memref<10240x128xf32, #tpu.memory_space<vmem_shared>> -> memref<64x128xf32, #tpu.memory_space<vmem_shared>>
      tpu.enqueue_dma source(%dma_start3A_198 : memref<64x128xf32, #tpu.memory_space<vmem_shared>>) target(%dma_start3A_196 : memref<64x128xf32, #tpu.memory_space<vmem>>) target_semaphore(%run_scoped3A_186 : memref<!tpu.dma_semaphore, #tpu.memory_space<semaphore_mem>>)
      %dma_wait3A = arith.constant 0 : i32
      %dma_wait3A_199 = arith.constant 0 : i32
      %dma_wait3A_200 = tpu.memref_slice %arg9[%run_scoped3A_140, %dma_wait3A, %dma_wait3A_199] : memref<2x64x128xf32, #tpu.memory_space<vmem>> -> memref<1x64x128xf32, #tpu.memory_space<vmem>>
      %dma_wait3A_201 = tpu.memref_squeeze %dma_wait3A_200 : memref<1x64x128xf32, #tpu.memory_space<vmem>> -> memref<64x128xf32, #tpu.memory_space<vmem>>
      %dma_wait3A_202 = arith.constant 0 : i32
      %dma_wait3A_203 = tpu.memref_slice %arg10[%add3A_139, %dma_wait3A_202] : memref<10240x128xf32, #tpu.memory_space<vmem_shared>> -> memref<64x128xf32, #tpu.memory_space<vmem_shared>>
      %dma_wait3A_204 = arith.constant 0 : i32
      %dma_wait3A_205 = arith.constant 0 : i32
      %dma_wait3A_206 = tpu.memref_slice %arg9[%run_scoped3A_140, %dma_wait3A_204, %dma_wait3A_205] : memref<2x64x128xf32, #tpu.memory_space<vmem>> -> memref<1x64x128xf32, #tpu.memory_space<vmem>>
      %dma_wait3A_207 = tpu.memref_squeeze %dma_wait3A_206 : memref<1x64x128xf32, #tpu.memory_space<vmem>> -> memref<64x128xf32, #tpu.memory_space<vmem>>
      %dma_wait3A_208 = arith.constant 0 : i32
      %dma_wait3A_209 = tpu.memref_slice %arg10[%add3A_139, %dma_wait3A_208] : memref<10240x128xf32, #tpu.memory_space<vmem_shared>> -> memref<64x128xf32, #tpu.memory_space<vmem_shared>>
      tpu.wait_dma2 semaphore(%run_scoped3A_186 : memref<!tpu.dma_semaphore, #tpu.memory_space<semaphore_mem>>) src(%dma_wait3A_209 : memref<64x128xf32, #tpu.memory_space<vmem_shared>>) dst(%dma_wait3A_207 : memref<64x128xf32, #tpu.memory_space<vmem>>)
      tpu.yield
    }) : () -> ()
    %mul3A_141 = arith.constant 640 : i32
    %mul3A_142 = arith.muli %arg1, %mul3A_141 : i32
    %add3A_143 = arith.constant 320 : i32
    %add3A_144 = arith.addi %mul3A_142, %add3A_143 : i32
    %run_scoped3A_145 = arith.constant 0 : i32
    "tpu.region"() ({
      %run_scoped3A_186 = tpu.sem_alloc : memref<!tpu.dma_semaphore, #tpu.memory_space<semaphore_mem>>
      %dma_start3A_187 = arith.constant 0 : i32
      %dma_start3A_188 = arith.constant 0 : i32
      %dma_start3A_189 = tpu.memref_slice %arg9[%run_scoped3A_145, %dma_start3A_187, %dma_start3A_188] : memref<2x64x128xf32, #tpu.memory_space<vmem>> -> memref<1x64x128xf32, #tpu.memory_space<vmem>>
      %dma_start3A_190 = tpu.memref_squeeze %dma_start3A_189 : memref<1x64x128xf32, #tpu.memory_space<vmem>> -> memref<64x128xf32, #tpu.memory_space<vmem>>
      %dma_start3A_191 = arith.constant 0 : i32
      %dma_start3A_192 = tpu.memref_slice %arg6[%arg0, %add3A_144, %dma_start3A_191] : memref<2x10240x128xf32, #tpu.memory_space<hbm>> -> memref<1x64x128xf32, #tpu.memory_space<hbm>>
      %dma_start3A_193 = tpu.memref_squeeze %dma_start3A_192 : memref<1x64x128xf32, #tpu.memory_space<hbm>> -> memref<64x128xf32, #tpu.memory_space<hbm>>
      %dma_start3A_194 = arith.constant 0 : i32
      %dma_start3A_195 = tpu.memref_slice %arg6[%arg0, %add3A_144, %dma_start3A_194] : memref<2x10240x128xf32, #tpu.memory_space<hbm>> -> memref<1x64x128xf32, #tpu.memory_space<hbm>>
      %dma_start3A_196 = tpu.memref_squeeze %dma_start3A_195 : memref<1x64x128xf32, #tpu.memory_space<hbm>> -> memref<64x128xf32, #tpu.memory_space<hbm>>
      %dma_start3A_197 = arith.constant 0 : i32
      %dma_start3A_198 = arith.constant 0 : i32
      %dma_start3A_199 = tpu.memref_slice %arg9[%run_scoped3A_145, %dma_start3A_197, %dma_start3A_198] : memref<2x64x128xf32, #tpu.memory_space<vmem>> -> memref<1x64x128xf32, #tpu.memory_space<vmem>>
      %dma_start3A_200 = tpu.memref_squeeze %dma_start3A_199 : memref<1x64x128xf32, #tpu.memory_space<vmem>> -> memref<64x128xf32, #tpu.memory_space<vmem>>
      tpu.enqueue_dma source(%dma_start3A_200 : memref<64x128xf32, #tpu.memory_space<vmem>>) target(%dma_start3A_196 : memref<64x128xf32, #tpu.memory_space<hbm>>) target_semaphore(%run_scoped3A_186 : memref<!tpu.dma_semaphore, #tpu.memory_space<semaphore_mem>>)
      %dma_wait3A = arith.constant 0 : i32
      %dma_wait3A_201 = arith.constant 0 : i32
      %dma_wait3A_202 = tpu.memref_slice %arg9[%run_scoped3A_145, %dma_wait3A, %dma_wait3A_201] : memref<2x64x128xf32, #tpu.memory_space<vmem>> -> memref<1x64x128xf32, #tpu.memory_space<vmem>>
      %dma_wait3A_203 = tpu.memref_squeeze %dma_wait3A_202 : memref<1x64x128xf32, #tpu.memory_space<vmem>> -> memref<64x128xf32, #tpu.memory_space<vmem>>
      %dma_wait3A_204 = arith.constant 0 : i32
      %dma_wait3A_205 = tpu.memref_slice %arg6[%arg0, %add3A_144, %dma_wait3A_204] : memref<2x10240x128xf32, #tpu.memory_space<hbm>> -> memref<1x64x128xf32, #tpu.memory_space<hbm>>
      %dma_wait3A_206 = tpu.memref_squeeze %dma_wait3A_205 : memref<1x64x128xf32, #tpu.memory_space<hbm>> -> memref<64x128xf32, #tpu.memory_space<hbm>>
      %dma_wait3A_207 = arith.constant 0 : i32
      %dma_wait3A_208 = tpu.memref_slice %arg6[%arg0, %add3A_144, %dma_wait3A_207] : memref<2x10240x128xf32, #tpu.memory_space<hbm>> -> memref<1x64x128xf32, #tpu.memory_space<hbm>>
      %dma_wait3A_209 = tpu.memref_squeeze %dma_wait3A_208 : memref<1x64x128xf32, #tpu.memory_space<hbm>> -> memref<64x128xf32, #tpu.memory_space<hbm>>
      %dma_wait3A_210 = arith.constant 0 : i32
      %dma_wait3A_211 = arith.constant 0 : i32
      %dma_wait3A_212 = tpu.memref_slice %arg9[%run_scoped3A_145, %dma_wait3A_210, %dma_wait3A_211] : memref<2x64x128xf32, #tpu.memory_space<vmem>> -> memref<1x64x128xf32, #tpu.memory_space<vmem>>
      %dma_wait3A_213 = tpu.memref_squeeze %dma_wait3A_212 : memref<1x64x128xf32, #tpu.memory_space<vmem>> -> memref<64x128xf32, #tpu.memory_space<vmem>>
      tpu.wait_dma2 semaphore(%run_scoped3A_186 : memref<!tpu.dma_semaphore, #tpu.memory_space<semaphore_mem>>) src(%dma_wait3A_213 : memref<64x128xf32, #tpu.memory_space<vmem>>) dst(%dma_wait3A_209 : memref<64x128xf32, #tpu.memory_space<hbm>>)
      tpu.yield
    }) : () -> ()
    %mul3A_146 = arith.constant 640 : i32
    %mul3A_147 = arith.muli %arg1, %mul3A_146 : i32
    %add3A_148 = arith.constant 384 : i32
    %add3A_149 = arith.addi %mul3A_147, %add3A_148 : i32
    %run_scoped3A_150 = arith.constant 0 : i32
    "tpu.region"() ({
      %run_scoped3A_186 = tpu.sem_alloc : memref<!tpu.dma_semaphore, #tpu.memory_space<semaphore_mem>>
      %dma_start3A_187 = arith.constant 0 : i32
      %dma_start3A_188 = arith.constant 0 : i32
      %dma_start3A_189 = tpu.memref_slice %arg9[%run_scoped3A_150, %dma_start3A_187, %dma_start3A_188] : memref<2x64x128xf32, #tpu.memory_space<vmem>> -> memref<1x64x128xf32, #tpu.memory_space<vmem>>
      %dma_start3A_190 = tpu.memref_squeeze %dma_start3A_189 : memref<1x64x128xf32, #tpu.memory_space<vmem>> -> memref<64x128xf32, #tpu.memory_space<vmem>>
      %dma_start3A_191 = arith.constant 0 : i32
      %dma_start3A_192 = tpu.memref_slice %arg10[%add3A_149, %dma_start3A_191] : memref<10240x128xf32, #tpu.memory_space<vmem_shared>> -> memref<64x128xf32, #tpu.memory_space<vmem_shared>>
      %dma_start3A_193 = arith.constant 0 : i32
      %dma_start3A_194 = arith.constant 0 : i32
      %dma_start3A_195 = tpu.memref_slice %arg9[%run_scoped3A_150, %dma_start3A_193, %dma_start3A_194] : memref<2x64x128xf32, #tpu.memory_space<vmem>> -> memref<1x64x128xf32, #tpu.memory_space<vmem>>
      %dma_start3A_196 = tpu.memref_squeeze %dma_start3A_195 : memref<1x64x128xf32, #tpu.memory_space<vmem>> -> memref<64x128xf32, #tpu.memory_space<vmem>>
      %dma_start3A_197 = arith.constant 0 : i32
      %dma_start3A_198 = tpu.memref_slice %arg10[%add3A_149, %dma_start3A_197] : memref<10240x128xf32, #tpu.memory_space<vmem_shared>> -> memref<64x128xf32, #tpu.memory_space<vmem_shared>>
      tpu.enqueue_dma source(%dma_start3A_198 : memref<64x128xf32, #tpu.memory_space<vmem_shared>>) target(%dma_start3A_196 : memref<64x128xf32, #tpu.memory_space<vmem>>) target_semaphore(%run_scoped3A_186 : memref<!tpu.dma_semaphore, #tpu.memory_space<semaphore_mem>>)
      %dma_wait3A = arith.constant 0 : i32
      %dma_wait3A_199 = arith.constant 0 : i32
      %dma_wait3A_200 = tpu.memref_slice %arg9[%run_scoped3A_150, %dma_wait3A, %dma_wait3A_199] : memref<2x64x128xf32, #tpu.memory_space<vmem>> -> memref<1x64x128xf32, #tpu.memory_space<vmem>>
      %dma_wait3A_201 = tpu.memref_squeeze %dma_wait3A_200 : memref<1x64x128xf32, #tpu.memory_space<vmem>> -> memref<64x128xf32, #tpu.memory_space<vmem>>
      %dma_wait3A_202 = arith.constant 0 : i32
      %dma_wait3A_203 = tpu.memref_slice %arg10[%add3A_149, %dma_wait3A_202] : memref<10240x128xf32, #tpu.memory_space<vmem_shared>> -> memref<64x128xf32, #tpu.memory_space<vmem_shared>>
      %dma_wait3A_204 = arith.constant 0 : i32
      %dma_wait3A_205 = arith.constant 0 : i32
      %dma_wait3A_206 = tpu.memref_slice %arg9[%run_scoped3A_150, %dma_wait3A_204, %dma_wait3A_205] : memref<2x64x128xf32, #tpu.memory_space<vmem>> -> memref<1x64x128xf32, #tpu.memory_space<vmem>>
      %dma_wait3A_207 = tpu.memref_squeeze %dma_wait3A_206 : memref<1x64x128xf32, #tpu.memory_space<vmem>> -> memref<64x128xf32, #tpu.memory_space<vmem>>
      %dma_wait3A_208 = arith.constant 0 : i32
      %dma_wait3A_209 = tpu.memref_slice %arg10[%add3A_149, %dma_wait3A_208] : memref<10240x128xf32, #tpu.memory_space<vmem_shared>> -> memref<64x128xf32, #tpu.memory_space<vmem_shared>>
      tpu.wait_dma2 semaphore(%run_scoped3A_186 : memref<!tpu.dma_semaphore, #tpu.memory_space<semaphore_mem>>) src(%dma_wait3A_209 : memref<64x128xf32, #tpu.memory_space<vmem_shared>>) dst(%dma_wait3A_207 : memref<64x128xf32, #tpu.memory_space<vmem>>)
      tpu.yield
    }) : () -> ()
    %mul3A_151 = arith.constant 640 : i32
    %mul3A_152 = arith.muli %arg1, %mul3A_151 : i32
    %add3A_153 = arith.constant 384 : i32
    %add3A_154 = arith.addi %mul3A_152, %add3A_153 : i32
    %run_scoped3A_155 = arith.constant 0 : i32
    "tpu.region"() ({
      %run_scoped3A_186 = tpu.sem_alloc : memref<!tpu.dma_semaphore, #tpu.memory_space<semaphore_mem>>
      %dma_start3A_187 = arith.constant 0 : i32
      %dma_start3A_188 = arith.constant 0 : i32
      %dma_start3A_189 = tpu.memref_slice %arg9[%run_scoped3A_155, %dma_start3A_187, %dma_start3A_188] : memref<2x64x128xf32, #tpu.memory_space<vmem>> -> memref<1x64x128xf32, #tpu.memory_space<vmem>>
      %dma_start3A_190 = tpu.memref_squeeze %dma_start3A_189 : memref<1x64x128xf32, #tpu.memory_space<vmem>> -> memref<64x128xf32, #tpu.memory_space<vmem>>
      %dma_start3A_191 = arith.constant 0 : i32
      %dma_start3A_192 = tpu.memref_slice %arg6[%arg0, %add3A_154, %dma_start3A_191] : memref<2x10240x128xf32, #tpu.memory_space<hbm>> -> memref<1x64x128xf32, #tpu.memory_space<hbm>>
      %dma_start3A_193 = tpu.memref_squeeze %dma_start3A_192 : memref<1x64x128xf32, #tpu.memory_space<hbm>> -> memref<64x128xf32, #tpu.memory_space<hbm>>
      %dma_start3A_194 = arith.constant 0 : i32
      %dma_start3A_195 = tpu.memref_slice %arg6[%arg0, %add3A_154, %dma_start3A_194] : memref<2x10240x128xf32, #tpu.memory_space<hbm>> -> memref<1x64x128xf32, #tpu.memory_space<hbm>>
      %dma_start3A_196 = tpu.memref_squeeze %dma_start3A_195 : memref<1x64x128xf32, #tpu.memory_space<hbm>> -> memref<64x128xf32, #tpu.memory_space<hbm>>
      %dma_start3A_197 = arith.constant 0 : i32
      %dma_start3A_198 = arith.constant 0 : i32
      %dma_start3A_199 = tpu.memref_slice %arg9[%run_scoped3A_155, %dma_start3A_197, %dma_start3A_198] : memref<2x64x128xf32, #tpu.memory_space<vmem>> -> memref<1x64x128xf32, #tpu.memory_space<vmem>>
      %dma_start3A_200 = tpu.memref_squeeze %dma_start3A_199 : memref<1x64x128xf32, #tpu.memory_space<vmem>> -> memref<64x128xf32, #tpu.memory_space<vmem>>
      tpu.enqueue_dma source(%dma_start3A_200 : memref<64x128xf32, #tpu.memory_space<vmem>>) target(%dma_start3A_196 : memref<64x128xf32, #tpu.memory_space<hbm>>) target_semaphore(%run_scoped3A_186 : memref<!tpu.dma_semaphore, #tpu.memory_space<semaphore_mem>>)
      %dma_wait3A = arith.constant 0 : i32
      %dma_wait3A_201 = arith.constant 0 : i32
      %dma_wait3A_202 = tpu.memref_slice %arg9[%run_scoped3A_155, %dma_wait3A, %dma_wait3A_201] : memref<2x64x128xf32, #tpu.memory_space<vmem>> -> memref<1x64x128xf32, #tpu.memory_space<vmem>>
      %dma_wait3A_203 = tpu.memref_squeeze %dma_wait3A_202 : memref<1x64x128xf32, #tpu.memory_space<vmem>> -> memref<64x128xf32, #tpu.memory_space<vmem>>
      %dma_wait3A_204 = arith.constant 0 : i32
      %dma_wait3A_205 = tpu.memref_slice %arg6[%arg0, %add3A_154, %dma_wait3A_204] : memref<2x10240x128xf32, #tpu.memory_space<hbm>> -> memref<1x64x128xf32, #tpu.memory_space<hbm>>
      %dma_wait3A_206 = tpu.memref_squeeze %dma_wait3A_205 : memref<1x64x128xf32, #tpu.memory_space<hbm>> -> memref<64x128xf32, #tpu.memory_space<hbm>>
      %dma_wait3A_207 = arith.constant 0 : i32
      %dma_wait3A_208 = tpu.memref_slice %arg6[%arg0, %add3A_154, %dma_wait3A_207] : memref<2x10240x128xf32, #tpu.memory_space<hbm>> -> memref<1x64x128xf32, #tpu.memory_space<hbm>>
      %dma_wait3A_209 = tpu.memref_squeeze %dma_wait3A_208 : memref<1x64x128xf32, #tpu.memory_space<hbm>> -> memref<64x128xf32, #tpu.memory_space<hbm>>
      %dma_wait3A_210 = arith.constant 0 : i32
      %dma_wait3A_211 = arith.constant 0 : i32
      %dma_wait3A_212 = tpu.memref_slice %arg9[%run_scoped3A_155, %dma_wait3A_210, %dma_wait3A_211] : memref<2x64x128xf32, #tpu.memory_space<vmem>> -> memref<1x64x128xf32, #tpu.memory_space<vmem>>
      %dma_wait3A_213 = tpu.memref_squeeze %dma_wait3A_212 : memref<1x64x128xf32, #tpu.memory_space<vmem>> -> memref<64x128xf32, #tpu.memory_space<vmem>>
      tpu.wait_dma2 semaphore(%run_scoped3A_186 : memref<!tpu.dma_semaphore, #tpu.memory_space<semaphore_mem>>) src(%dma_wait3A_213 : memref<64x128xf32, #tpu.memory_space<vmem>>) dst(%dma_wait3A_209 : memref<64x128xf32, #tpu.memory_space<hbm>>)
      tpu.yield
    }) : () -> ()
    %mul3A_156 = arith.constant 640 : i32
    %mul3A_157 = arith.muli %arg1, %mul3A_156 : i32
    %add3A_158 = arith.constant 448 : i32
    %add3A_159 = arith.addi %mul3A_157, %add3A_158 : i32
    %run_scoped3A_160 = arith.constant 0 : i32
    "tpu.region"() ({
      %run_scoped3A_186 = tpu.sem_alloc : memref<!tpu.dma_semaphore, #tpu.memory_space<semaphore_mem>>
      %dma_start3A_187 = arith.constant 0 : i32
      %dma_start3A_188 = arith.constant 0 : i32
      %dma_start3A_189 = tpu.memref_slice %arg9[%run_scoped3A_160, %dma_start3A_187, %dma_start3A_188] : memref<2x64x128xf32, #tpu.memory_space<vmem>> -> memref<1x64x128xf32, #tpu.memory_space<vmem>>
      %dma_start3A_190 = tpu.memref_squeeze %dma_start3A_189 : memref<1x64x128xf32, #tpu.memory_space<vmem>> -> memref<64x128xf32, #tpu.memory_space<vmem>>
      %dma_start3A_191 = arith.constant 0 : i32
      %dma_start3A_192 = tpu.memref_slice %arg10[%add3A_159, %dma_start3A_191] : memref<10240x128xf32, #tpu.memory_space<vmem_shared>> -> memref<64x128xf32, #tpu.memory_space<vmem_shared>>
      %dma_start3A_193 = arith.constant 0 : i32
      %dma_start3A_194 = arith.constant 0 : i32
      %dma_start3A_195 = tpu.memref_slice %arg9[%run_scoped3A_160, %dma_start3A_193, %dma_start3A_194] : memref<2x64x128xf32, #tpu.memory_space<vmem>> -> memref<1x64x128xf32, #tpu.memory_space<vmem>>
      %dma_start3A_196 = tpu.memref_squeeze %dma_start3A_195 : memref<1x64x128xf32, #tpu.memory_space<vmem>> -> memref<64x128xf32, #tpu.memory_space<vmem>>
      %dma_start3A_197 = arith.constant 0 : i32
      %dma_start3A_198 = tpu.memref_slice %arg10[%add3A_159, %dma_start3A_197] : memref<10240x128xf32, #tpu.memory_space<vmem_shared>> -> memref<64x128xf32, #tpu.memory_space<vmem_shared>>
      tpu.enqueue_dma source(%dma_start3A_198 : memref<64x128xf32, #tpu.memory_space<vmem_shared>>) target(%dma_start3A_196 : memref<64x128xf32, #tpu.memory_space<vmem>>) target_semaphore(%run_scoped3A_186 : memref<!tpu.dma_semaphore, #tpu.memory_space<semaphore_mem>>)
      %dma_wait3A = arith.constant 0 : i32
      %dma_wait3A_199 = arith.constant 0 : i32
      %dma_wait3A_200 = tpu.memref_slice %arg9[%run_scoped3A_160, %dma_wait3A, %dma_wait3A_199] : memref<2x64x128xf32, #tpu.memory_space<vmem>> -> memref<1x64x128xf32, #tpu.memory_space<vmem>>
      %dma_wait3A_201 = tpu.memref_squeeze %dma_wait3A_200 : memref<1x64x128xf32, #tpu.memory_space<vmem>> -> memref<64x128xf32, #tpu.memory_space<vmem>>
      %dma_wait3A_202 = arith.constant 0 : i32
      %dma_wait3A_203 = tpu.memref_slice %arg10[%add3A_159, %dma_wait3A_202] : memref<10240x128xf32, #tpu.memory_space<vmem_shared>> -> memref<64x128xf32, #tpu.memory_space<vmem_shared>>
      %dma_wait3A_204 = arith.constant 0 : i32
      %dma_wait3A_205 = arith.constant 0 : i32
      %dma_wait3A_206 = tpu.memref_slice %arg9[%run_scoped3A_160, %dma_wait3A_204, %dma_wait3A_205] : memref<2x64x128xf32, #tpu.memory_space<vmem>> -> memref<1x64x128xf32, #tpu.memory_space<vmem>>
      %dma_wait3A_207 = tpu.memref_squeeze %dma_wait3A_206 : memref<1x64x128xf32, #tpu.memory_space<vmem>> -> memref<64x128xf32, #tpu.memory_space<vmem>>
      %dma_wait3A_208 = arith.constant 0 : i32
      %dma_wait3A_209 = tpu.memref_slice %arg10[%add3A_159, %dma_wait3A_208] : memref<10240x128xf32, #tpu.memory_space<vmem_shared>> -> memref<64x128xf32, #tpu.memory_space<vmem_shared>>
      tpu.wait_dma2 semaphore(%run_scoped3A_186 : memref<!tpu.dma_semaphore, #tpu.memory_space<semaphore_mem>>) src(%dma_wait3A_209 : memref<64x128xf32, #tpu.memory_space<vmem_shared>>) dst(%dma_wait3A_207 : memref<64x128xf32, #tpu.memory_space<vmem>>)
      tpu.yield
    }) : () -> ()
    %mul3A_161 = arith.constant 640 : i32
    %mul3A_162 = arith.muli %arg1, %mul3A_161 : i32
    %add3A_163 = arith.constant 448 : i32
    %add3A_164 = arith.addi %mul3A_162, %add3A_163 : i32
    %run_scoped3A_165 = arith.constant 0 : i32
    "tpu.region"() ({
      %run_scoped3A_186 = tpu.sem_alloc : memref<!tpu.dma_semaphore, #tpu.memory_space<semaphore_mem>>
      %dma_start3A_187 = arith.constant 0 : i32
      %dma_start3A_188 = arith.constant 0 : i32
      %dma_start3A_189 = tpu.memref_slice %arg9[%run_scoped3A_165, %dma_start3A_187, %dma_start3A_188] : memref<2x64x128xf32, #tpu.memory_space<vmem>> -> memref<1x64x128xf32, #tpu.memory_space<vmem>>
      %dma_start3A_190 = tpu.memref_squeeze %dma_start3A_189 : memref<1x64x128xf32, #tpu.memory_space<vmem>> -> memref<64x128xf32, #tpu.memory_space<vmem>>
      %dma_start3A_191 = arith.constant 0 : i32
      %dma_start3A_192 = tpu.memref_slice %arg6[%arg0, %add3A_164, %dma_start3A_191] : memref<2x10240x128xf32, #tpu.memory_space<hbm>> -> memref<1x64x128xf32, #tpu.memory_space<hbm>>
      %dma_start3A_193 = tpu.memref_squeeze %dma_start3A_192 : memref<1x64x128xf32, #tpu.memory_space<hbm>> -> memref<64x128xf32, #tpu.memory_space<hbm>>
      %dma_start3A_194 = arith.constant 0 : i32
      %dma_start3A_195 = tpu.memref_slice %arg6[%arg0, %add3A_164, %dma_start3A_194] : memref<2x10240x128xf32, #tpu.memory_space<hbm>> -> memref<1x64x128xf32, #tpu.memory_space<hbm>>
      %dma_start3A_196 = tpu.memref_squeeze %dma_start3A_195 : memref<1x64x128xf32, #tpu.memory_space<hbm>> -> memref<64x128xf32, #tpu.memory_space<hbm>>
      %dma_start3A_197 = arith.constant 0 : i32
      %dma_start3A_198 = arith.constant 0 : i32
      %dma_start3A_199 = tpu.memref_slice %arg9[%run_scoped3A_165, %dma_start3A_197, %dma_start3A_198] : memref<2x64x128xf32, #tpu.memory_space<vmem>> -> memref<1x64x128xf32, #tpu.memory_space<vmem>>
      %dma_start3A_200 = tpu.memref_squeeze %dma_start3A_199 : memref<1x64x128xf32, #tpu.memory_space<vmem>> -> memref<64x128xf32, #tpu.memory_space<vmem>>
      tpu.enqueue_dma source(%dma_start3A_200 : memref<64x128xf32, #tpu.memory_space<vmem>>) target(%dma_start3A_196 : memref<64x128xf32, #tpu.memory_space<hbm>>) target_semaphore(%run_scoped3A_186 : memref<!tpu.dma_semaphore, #tpu.memory_space<semaphore_mem>>)
      %dma_wait3A = arith.constant 0 : i32
      %dma_wait3A_201 = arith.constant 0 : i32
      %dma_wait3A_202 = tpu.memref_slice %arg9[%run_scoped3A_165, %dma_wait3A, %dma_wait3A_201] : memref<2x64x128xf32, #tpu.memory_space<vmem>> -> memref<1x64x128xf32, #tpu.memory_space<vmem>>
      %dma_wait3A_203 = tpu.memref_squeeze %dma_wait3A_202 : memref<1x64x128xf32, #tpu.memory_space<vmem>> -> memref<64x128xf32, #tpu.memory_space<vmem>>
      %dma_wait3A_204 = arith.constant 0 : i32
      %dma_wait3A_205 = tpu.memref_slice %arg6[%arg0, %add3A_164, %dma_wait3A_204] : memref<2x10240x128xf32, #tpu.memory_space<hbm>> -> memref<1x64x128xf32, #tpu.memory_space<hbm>>
      %dma_wait3A_206 = tpu.memref_squeeze %dma_wait3A_205 : memref<1x64x128xf32, #tpu.memory_space<hbm>> -> memref<64x128xf32, #tpu.memory_space<hbm>>
      %dma_wait3A_207 = arith.constant 0 : i32
      %dma_wait3A_208 = tpu.memref_slice %arg6[%arg0, %add3A_164, %dma_wait3A_207] : memref<2x10240x128xf32, #tpu.memory_space<hbm>> -> memref<1x64x128xf32, #tpu.memory_space<hbm>>
      %dma_wait3A_209 = tpu.memref_squeeze %dma_wait3A_208 : memref<1x64x128xf32, #tpu.memory_space<hbm>> -> memref<64x128xf32, #tpu.memory_space<hbm>>
      %dma_wait3A_210 = arith.constant 0 : i32
      %dma_wait3A_211 = arith.constant 0 : i32
      %dma_wait3A_212 = tpu.memref_slice %arg9[%run_scoped3A_165, %dma_wait3A_210, %dma_wait3A_211] : memref<2x64x128xf32, #tpu.memory_space<vmem>> -> memref<1x64x128xf32, #tpu.memory_space<vmem>>
      %dma_wait3A_213 = tpu.memref_squeeze %dma_wait3A_212 : memref<1x64x128xf32, #tpu.memory_space<vmem>> -> memref<64x128xf32, #tpu.memory_space<vmem>>
      tpu.wait_dma2 semaphore(%run_scoped3A_186 : memref<!tpu.dma_semaphore, #tpu.memory_space<semaphore_mem>>) src(%dma_wait3A_213 : memref<64x128xf32, #tpu.memory_space<vmem>>) dst(%dma_wait3A_209 : memref<64x128xf32, #tpu.memory_space<hbm>>)
      tpu.yield
    }) : () -> ()
    %mul3A_166 = arith.constant 640 : i32
    %mul3A_167 = arith.muli %arg1, %mul3A_166 : i32
    %add3A_168 = arith.constant 512 : i32
    %add3A_169 = arith.addi %mul3A_167, %add3A_168 : i32
    %run_scoped3A_170 = arith.constant 0 : i32
    "tpu.region"() ({
      %run_scoped3A_186 = tpu.sem_alloc : memref<!tpu.dma_semaphore, #tpu.memory_space<semaphore_mem>>
      %dma_start3A_187 = arith.constant 0 : i32
      %dma_start3A_188 = arith.constant 0 : i32
      %dma_start3A_189 = tpu.memref_slice %arg9[%run_scoped3A_170, %dma_start3A_187, %dma_start3A_188] : memref<2x64x128xf32, #tpu.memory_space<vmem>> -> memref<1x64x128xf32, #tpu.memory_space<vmem>>
      %dma_start3A_190 = tpu.memref_squeeze %dma_start3A_189 : memref<1x64x128xf32, #tpu.memory_space<vmem>> -> memref<64x128xf32, #tpu.memory_space<vmem>>
      %dma_start3A_191 = arith.constant 0 : i32
      %dma_start3A_192 = tpu.memref_slice %arg10[%add3A_169, %dma_start3A_191] : memref<10240x128xf32, #tpu.memory_space<vmem_shared>> -> memref<64x128xf32, #tpu.memory_space<vmem_shared>>
      %dma_start3A_193 = arith.constant 0 : i32
      %dma_start3A_194 = arith.constant 0 : i32
      %dma_start3A_195 = tpu.memref_slice %arg9[%run_scoped3A_170, %dma_start3A_193, %dma_start3A_194] : memref<2x64x128xf32, #tpu.memory_space<vmem>> -> memref<1x64x128xf32, #tpu.memory_space<vmem>>
      %dma_start3A_196 = tpu.memref_squeeze %dma_start3A_195 : memref<1x64x128xf32, #tpu.memory_space<vmem>> -> memref<64x128xf32, #tpu.memory_space<vmem>>
      %dma_start3A_197 = arith.constant 0 : i32
      %dma_start3A_198 = tpu.memref_slice %arg10[%add3A_169, %dma_start3A_197] : memref<10240x128xf32, #tpu.memory_space<vmem_shared>> -> memref<64x128xf32, #tpu.memory_space<vmem_shared>>
      tpu.enqueue_dma source(%dma_start3A_198 : memref<64x128xf32, #tpu.memory_space<vmem_shared>>) target(%dma_start3A_196 : memref<64x128xf32, #tpu.memory_space<vmem>>) target_semaphore(%run_scoped3A_186 : memref<!tpu.dma_semaphore, #tpu.memory_space<semaphore_mem>>)
      %dma_wait3A = arith.constant 0 : i32
      %dma_wait3A_199 = arith.constant 0 : i32
      %dma_wait3A_200 = tpu.memref_slice %arg9[%run_scoped3A_170, %dma_wait3A, %dma_wait3A_199] : memref<2x64x128xf32, #tpu.memory_space<vmem>> -> memref<1x64x128xf32, #tpu.memory_space<vmem>>
      %dma_wait3A_201 = tpu.memref_squeeze %dma_wait3A_200 : memref<1x64x128xf32, #tpu.memory_space<vmem>> -> memref<64x128xf32, #tpu.memory_space<vmem>>
      %dma_wait3A_202 = arith.constant 0 : i32
      %dma_wait3A_203 = tpu.memref_slice %arg10[%add3A_169, %dma_wait3A_202] : memref<10240x128xf32, #tpu.memory_space<vmem_shared>> -> memref<64x128xf32, #tpu.memory_space<vmem_shared>>
      %dma_wait3A_204 = arith.constant 0 : i32
      %dma_wait3A_205 = arith.constant 0 : i32
      %dma_wait3A_206 = tpu.memref_slice %arg9[%run_scoped3A_170, %dma_wait3A_204, %dma_wait3A_205] : memref<2x64x128xf32, #tpu.memory_space<vmem>> -> memref<1x64x128xf32, #tpu.memory_space<vmem>>
      %dma_wait3A_207 = tpu.memref_squeeze %dma_wait3A_206 : memref<1x64x128xf32, #tpu.memory_space<vmem>> -> memref<64x128xf32, #tpu.memory_space<vmem>>
      %dma_wait3A_208 = arith.constant 0 : i32
      %dma_wait3A_209 = tpu.memref_slice %arg10[%add3A_169, %dma_wait3A_208] : memref<10240x128xf32, #tpu.memory_space<vmem_shared>> -> memref<64x128xf32, #tpu.memory_space<vmem_shared>>
      tpu.wait_dma2 semaphore(%run_scoped3A_186 : memref<!tpu.dma_semaphore, #tpu.memory_space<semaphore_mem>>) src(%dma_wait3A_209 : memref<64x128xf32, #tpu.memory_space<vmem_shared>>) dst(%dma_wait3A_207 : memref<64x128xf32, #tpu.memory_space<vmem>>)
      tpu.yield
    }) : () -> ()
    %mul3A_171 = arith.constant 640 : i32
    %mul3A_172 = arith.muli %arg1, %mul3A_171 : i32
    %add3A_173 = arith.constant 512 : i32
    %add3A_174 = arith.addi %mul3A_172, %add3A_173 : i32
    %run_scoped3A_175 = arith.constant 0 : i32
    "tpu.region"() ({
      %run_scoped3A_186 = tpu.sem_alloc : memref<!tpu.dma_semaphore, #tpu.memory_space<semaphore_mem>>
      %dma_start3A_187 = arith.constant 0 : i32
      %dma_start3A_188 = arith.constant 0 : i32
      %dma_start3A_189 = tpu.memref_slice %arg9[%run_scoped3A_175, %dma_start3A_187, %dma_start3A_188] : memref<2x64x128xf32, #tpu.memory_space<vmem>> -> memref<1x64x128xf32, #tpu.memory_space<vmem>>
      %dma_start3A_190 = tpu.memref_squeeze %dma_start3A_189 : memref<1x64x128xf32, #tpu.memory_space<vmem>> -> memref<64x128xf32, #tpu.memory_space<vmem>>
      %dma_start3A_191 = arith.constant 0 : i32
      %dma_start3A_192 = tpu.memref_slice %arg6[%arg0, %add3A_174, %dma_start3A_191] : memref<2x10240x128xf32, #tpu.memory_space<hbm>> -> memref<1x64x128xf32, #tpu.memory_space<hbm>>
      %dma_start3A_193 = tpu.memref_squeeze %dma_start3A_192 : memref<1x64x128xf32, #tpu.memory_space<hbm>> -> memref<64x128xf32, #tpu.memory_space<hbm>>
      %dma_start3A_194 = arith.constant 0 : i32
      %dma_start3A_195 = tpu.memref_slice %arg6[%arg0, %add3A_174, %dma_start3A_194] : memref<2x10240x128xf32, #tpu.memory_space<hbm>> -> memref<1x64x128xf32, #tpu.memory_space<hbm>>
      %dma_start3A_196 = tpu.memref_squeeze %dma_start3A_195 : memref<1x64x128xf32, #tpu.memory_space<hbm>> -> memref<64x128xf32, #tpu.memory_space<hbm>>
      %dma_start3A_197 = arith.constant 0 : i32
      %dma_start3A_198 = arith.constant 0 : i32
      %dma_start3A_199 = tpu.memref_slice %arg9[%run_scoped3A_175, %dma_start3A_197, %dma_start3A_198] : memref<2x64x128xf32, #tpu.memory_space<vmem>> -> memref<1x64x128xf32, #tpu.memory_space<vmem>>
      %dma_start3A_200 = tpu.memref_squeeze %dma_start3A_199 : memref<1x64x128xf32, #tpu.memory_space<vmem>> -> memref<64x128xf32, #tpu.memory_space<vmem>>
      tpu.enqueue_dma source(%dma_start3A_200 : memref<64x128xf32, #tpu.memory_space<vmem>>) target(%dma_start3A_196 : memref<64x128xf32, #tpu.memory_space<hbm>>) target_semaphore(%run_scoped3A_186 : memref<!tpu.dma_semaphore, #tpu.memory_space<semaphore_mem>>)
      %dma_wait3A = arith.constant 0 : i32
      %dma_wait3A_201 = arith.constant 0 : i32
      %dma_wait3A_202 = tpu.memref_slice %arg9[%run_scoped3A_175, %dma_wait3A, %dma_wait3A_201] : memref<2x64x128xf32, #tpu.memory_space<vmem>> -> memref<1x64x128xf32, #tpu.memory_space<vmem>>
      %dma_wait3A_203 = tpu.memref_squeeze %dma_wait3A_202 : memref<1x64x128xf32, #tpu.memory_space<vmem>> -> memref<64x128xf32, #tpu.memory_space<vmem>>
      %dma_wait3A_204 = arith.constant 0 : i32
      %dma_wait3A_205 = tpu.memref_slice %arg6[%arg0, %add3A_174, %dma_wait3A_204] : memref<2x10240x128xf32, #tpu.memory_space<hbm>> -> memref<1x64x128xf32, #tpu.memory_space<hbm>>
      %dma_wait3A_206 = tpu.memref_squeeze %dma_wait3A_205 : memref<1x64x128xf32, #tpu.memory_space<hbm>> -> memref<64x128xf32, #tpu.memory_space<hbm>>
      %dma_wait3A_207 = arith.constant 0 : i32
      %dma_wait3A_208 = tpu.memref_slice %arg6[%arg0, %add3A_174, %dma_wait3A_207] : memref<2x10240x128xf32, #tpu.memory_space<hbm>> -> memref<1x64x128xf32, #tpu.memory_space<hbm>>
      %dma_wait3A_209 = tpu.memref_squeeze %dma_wait3A_208 : memref<1x64x128xf32, #tpu.memory_space<hbm>> -> memref<64x128xf32, #tpu.memory_space<hbm>>
      %dma_wait3A_210 = arith.constant 0 : i32
      %dma_wait3A_211 = arith.constant 0 : i32
      %dma_wait3A_212 = tpu.memref_slice %arg9[%run_scoped3A_175, %dma_wait3A_210, %dma_wait3A_211] : memref<2x64x128xf32, #tpu.memory_space<vmem>> -> memref<1x64x128xf32, #tpu.memory_space<vmem>>
      %dma_wait3A_213 = tpu.memref_squeeze %dma_wait3A_212 : memref<1x64x128xf32, #tpu.memory_space<vmem>> -> memref<64x128xf32, #tpu.memory_space<vmem>>
      tpu.wait_dma2 semaphore(%run_scoped3A_186 : memref<!tpu.dma_semaphore, #tpu.memory_space<semaphore_mem>>) src(%dma_wait3A_213 : memref<64x128xf32, #tpu.memory_space<vmem>>) dst(%dma_wait3A_209 : memref<64x128xf32, #tpu.memory_space<hbm>>)
      tpu.yield
    }) : () -> ()
    %mul3A_176 = arith.constant 640 : i32
    %mul3A_177 = arith.muli %arg1, %mul3A_176 : i32
    %add3A_178 = arith.constant 576 : i32
    %add3A_179 = arith.addi %mul3A_177, %add3A_178 : i32
    %run_scoped3A_180 = arith.constant 0 : i32
    "tpu.region"() ({
      %run_scoped3A_186 = tpu.sem_alloc : memref<!tpu.dma_semaphore, #tpu.memory_space<semaphore_mem>>
      %dma_start3A_187 = arith.constant 0 : i32
      %dma_start3A_188 = arith.constant 0 : i32
      %dma_start3A_189 = tpu.memref_slice %arg9[%run_scoped3A_180, %dma_start3A_187, %dma_start3A_188] : memref<2x64x128xf32, #tpu.memory_space<vmem>> -> memref<1x64x128xf32, #tpu.memory_space<vmem>>
      %dma_start3A_190 = tpu.memref_squeeze %dma_start3A_189 : memref<1x64x128xf32, #tpu.memory_space<vmem>> -> memref<64x128xf32, #tpu.memory_space<vmem>>
      %dma_start3A_191 = arith.constant 0 : i32
      %dma_start3A_192 = tpu.memref_slice %arg10[%add3A_179, %dma_start3A_191] : memref<10240x128xf32, #tpu.memory_space<vmem_shared>> -> memref<64x128xf32, #tpu.memory_space<vmem_shared>>
      %dma_start3A_193 = arith.constant 0 : i32
      %dma_start3A_194 = arith.constant 0 : i32
      %dma_start3A_195 = tpu.memref_slice %arg9[%run_scoped3A_180, %dma_start3A_193, %dma_start3A_194] : memref<2x64x128xf32, #tpu.memory_space<vmem>> -> memref<1x64x128xf32, #tpu.memory_space<vmem>>
      %dma_start3A_196 = tpu.memref_squeeze %dma_start3A_195 : memref<1x64x128xf32, #tpu.memory_space<vmem>> -> memref<64x128xf32, #tpu.memory_space<vmem>>
      %dma_start3A_197 = arith.constant 0 : i32
      %dma_start3A_198 = tpu.memref_slice %arg10[%add3A_179, %dma_start3A_197] : memref<10240x128xf32, #tpu.memory_space<vmem_shared>> -> memref<64x128xf32, #tpu.memory_space<vmem_shared>>
      tpu.enqueue_dma source(%dma_start3A_198 : memref<64x128xf32, #tpu.memory_space<vmem_shared>>) target(%dma_start3A_196 : memref<64x128xf32, #tpu.memory_space<vmem>>) target_semaphore(%run_scoped3A_186 : memref<!tpu.dma_semaphore, #tpu.memory_space<semaphore_mem>>)
      %dma_wait3A = arith.constant 0 : i32
      %dma_wait3A_199 = arith.constant 0 : i32
      %dma_wait3A_200 = tpu.memref_slice %arg9[%run_scoped3A_180, %dma_wait3A, %dma_wait3A_199] : memref<2x64x128xf32, #tpu.memory_space<vmem>> -> memref<1x64x128xf32, #tpu.memory_space<vmem>>
      %dma_wait3A_201 = tpu.memref_squeeze %dma_wait3A_200 : memref<1x64x128xf32, #tpu.memory_space<vmem>> -> memref<64x128xf32, #tpu.memory_space<vmem>>
      %dma_wait3A_202 = arith.constant 0 : i32
      %dma_wait3A_203 = tpu.memref_slice %arg10[%add3A_179, %dma_wait3A_202] : memref<10240x128xf32, #tpu.memory_space<vmem_shared>> -> memref<64x128xf32, #tpu.memory_space<vmem_shared>>
      %dma_wait3A_204 = arith.constant 0 : i32
      %dma_wait3A_205 = arith.constant 0 : i32
      %dma_wait3A_206 = tpu.memref_slice %arg9[%run_scoped3A_180, %dma_wait3A_204, %dma_wait3A_205] : memref<2x64x128xf32, #tpu.memory_space<vmem>> -> memref<1x64x128xf32, #tpu.memory_space<vmem>>
      %dma_wait3A_207 = tpu.memref_squeeze %dma_wait3A_206 : memref<1x64x128xf32, #tpu.memory_space<vmem>> -> memref<64x128xf32, #tpu.memory_space<vmem>>
      %dma_wait3A_208 = arith.constant 0 : i32
      %dma_wait3A_209 = tpu.memref_slice %arg10[%add3A_179, %dma_wait3A_208] : memref<10240x128xf32, #tpu.memory_space<vmem_shared>> -> memref<64x128xf32, #tpu.memory_space<vmem_shared>>
      tpu.wait_dma2 semaphore(%run_scoped3A_186 : memref<!tpu.dma_semaphore, #tpu.memory_space<semaphore_mem>>) src(%dma_wait3A_209 : memref<64x128xf32, #tpu.memory_space<vmem_shared>>) dst(%dma_wait3A_207 : memref<64x128xf32, #tpu.memory_space<vmem>>)
      tpu.yield
    }) : () -> ()
    %mul3A_181 = arith.constant 640 : i32
    %mul3A_182 = arith.muli %arg1, %mul3A_181 : i32
    %add3A_183 = arith.constant 576 : i32
    %add3A_184 = arith.addi %mul3A_182, %add3A_183 : i32
    %run_scoped3A_185 = arith.constant 0 : i32
    "tpu.region"() ({
      %run_scoped3A_186 = tpu.sem_alloc : memref<!tpu.dma_semaphore, #tpu.memory_space<semaphore_mem>>
      %dma_start3A_187 = arith.constant 0 : i32
      %dma_start3A_188 = arith.constant 0 : i32
      %dma_start3A_189 = tpu.memref_slice %arg9[%run_scoped3A_185, %dma_start3A_187, %dma_start3A_188] : memref<2x64x128xf32, #tpu.memory_space<vmem>> -> memref<1x64x128xf32, #tpu.memory_space<vmem>>
      %dma_start3A_190 = tpu.memref_squeeze %dma_start3A_189 : memref<1x64x128xf32, #tpu.memory_space<vmem>> -> memref<64x128xf32, #tpu.memory_space<vmem>>
      %dma_start3A_191 = arith.constant 0 : i32
      %dma_start3A_192 = tpu.memref_slice %arg6[%arg0, %add3A_184, %dma_start3A_191] : memref<2x10240x128xf32, #tpu.memory_space<hbm>> -> memref<1x64x128xf32, #tpu.memory_space<hbm>>
      %dma_start3A_193 = tpu.memref_squeeze %dma_start3A_192 : memref<1x64x128xf32, #tpu.memory_space<hbm>> -> memref<64x128xf32, #tpu.memory_space<hbm>>
      %dma_start3A_194 = arith.constant 0 : i32
      %dma_start3A_195 = tpu.memref_slice %arg6[%arg0, %add3A_184, %dma_start3A_194] : memref<2x10240x128xf32, #tpu.memory_space<hbm>> -> memref<1x64x128xf32, #tpu.memory_space<hbm>>
      %dma_start3A_196 = tpu.memref_squeeze %dma_start3A_195 : memref<1x64x128xf32, #tpu.memory_space<hbm>> -> memref<64x128xf32, #tpu.memory_space<hbm>>
      %dma_start3A_197 = arith.constant 0 : i32
      %dma_start3A_198 = arith.constant 0 : i32
      %dma_start3A_199 = tpu.memref_slice %arg9[%run_scoped3A_185, %dma_start3A_197, %dma_start3A_198] : memref<2x64x128xf32, #tpu.memory_space<vmem>> -> memref<1x64x128xf32, #tpu.memory_space<vmem>>
      %dma_start3A_200 = tpu.memref_squeeze %dma_start3A_199 : memref<1x64x128xf32, #tpu.memory_space<vmem>> -> memref<64x128xf32, #tpu.memory_space<vmem>>
      tpu.enqueue_dma source(%dma_start3A_200 : memref<64x128xf32, #tpu.memory_space<vmem>>) target(%dma_start3A_196 : memref<64x128xf32, #tpu.memory_space<hbm>>) target_semaphore(%run_scoped3A_186 : memref<!tpu.dma_semaphore, #tpu.memory_space<semaphore_mem>>)
      %dma_wait3A = arith.constant 0 : i32
      %dma_wait3A_201 = arith.constant 0 : i32
      %dma_wait3A_202 = tpu.memref_slice %arg9[%run_scoped3A_185, %dma_wait3A, %dma_wait3A_201] : memref<2x64x128xf32, #tpu.memory_space<vmem>> -> memref<1x64x128xf32, #tpu.memory_space<vmem>>
      %dma_wait3A_203 = tpu.memref_squeeze %dma_wait3A_202 : memref<1x64x128xf32, #tpu.memory_space<vmem>> -> memref<64x128xf32, #tpu.memory_space<vmem>>
      %dma_wait3A_204 = arith.constant 0 : i32
      %dma_wait3A_205 = tpu.memref_slice %arg6[%arg0, %add3A_184, %dma_wait3A_204] : memref<2x10240x128xf32, #tpu.memory_space<hbm>> -> memref<1x64x128xf32, #tpu.memory_space<hbm>>
      %dma_wait3A_206 = tpu.memref_squeeze %dma_wait3A_205 : memref<1x64x128xf32, #tpu.memory_space<hbm>> -> memref<64x128xf32, #tpu.memory_space<hbm>>
      %dma_wait3A_207 = arith.constant 0 : i32
      %dma_wait3A_208 = tpu.memref_slice %arg6[%arg0, %add3A_184, %dma_wait3A_207] : memref<2x10240x128xf32, #tpu.memory_space<hbm>> -> memref<1x64x128xf32, #tpu.memory_space<hbm>>
      %dma_wait3A_209 = tpu.memref_squeeze %dma_wait3A_208 : memref<1x64x128xf32, #tpu.memory_space<hbm>> -> memref<64x128xf32, #tpu.memory_space<hbm>>
      %dma_wait3A_210 = arith.constant 0 : i32
      %dma_wait3A_211 = arith.constant 0 : i32
      %dma_wait3A_212 = tpu.memref_slice %arg9[%run_scoped3A_185, %dma_wait3A_210, %dma_wait3A_211] : memref<2x64x128xf32, #tpu.memory_space<vmem>> -> memref<1x64x128xf32, #tpu.memory_space<vmem>>
      %dma_wait3A_213 = tpu.memref_squeeze %dma_wait3A_212 : memref<1x64x128xf32, #tpu.memory_space<vmem>> -> memref<64x128xf32, #tpu.memory_space<vmem>>
      tpu.wait_dma2 semaphore(%run_scoped3A_186 : memref<!tpu.dma_semaphore, #tpu.memory_space<semaphore_mem>>) src(%dma_wait3A_213 : memref<64x128xf32, #tpu.memory_space<vmem>>) dst(%dma_wait3A_209 : memref<64x128xf32, #tpu.memory_space<hbm>>)
      tpu.yield
    }) : () -> ()
    return
  }
}

#map = affine_map<(d0, d1) -> (0, 0)>
#map1 = affine_map<(d0, d1) -> (0, 0, 0)>
module attributes {stable_mosaic.version = 14 : i64} {
  func.func @_sc_agg(%arg0: i32, %arg1: i32, %arg2: memref<10240x128xf32, #tpu.memory_space<hbm>>, %arg3: memref<32x160x64xi32, #tpu.memory_space<hbm>>, %arg4: memref<32x160x64xi32, #tpu.memory_space<hbm>>, %arg5: memref<64x128xf32, #tpu.memory_space<hbm>>, %arg6: memref<2x10240x128xf32, #tpu.memory_space<hbm>>, %arg7: memref<80x64xi32, #tpu.memory_space<vmem>>, %arg8: memref<80x64xi32, #tpu.memory_space<vmem>>, %arg9: memref<2x64x128xf32, #tpu.memory_space<vmem>>, %arg10: memref<10240x128xf32, #tpu.memory_space<vmem_shared>>, %arg11: memref<!tpu.dma_semaphore, #tpu.memory_space<semaphore_mem>>, %arg12: memref<!tpu.dma_semaphore, #tpu.memory_space<semaphore_mem>>) attributes {dimension_semantics = [#tpu.dimension_semantics<core_parallel>, #tpu.dimension_semantics<subcore_parallel>], iteration_bounds = array<i64: 2, 16>, scalar_prefetch = 0 : i64, scratch_operands = 6 : i64, tpu.core_type = #tpu.core_type<sc_vector_subcore>, window_params = [{transform_indices = #map}, {transform_indices = #map1}, {transform_indices = #map1}, {transform_indices = #map}, {transform_indices = #map1}]} {
    %mul3A = arith.constant 16 : i32
    %mul3A_0 = arith.muli %arg0, %mul3A : i32
    %add3A = arith.addi %mul3A_0, %arg1 : i32
    %run_scoped3A = arith.constant 0 : i32
    "tpu.region"() ({
      %run_scoped3A_186 = tpu.sem_alloc : memref<!tpu.dma_semaphore, #tpu.memory_space<semaphore_mem>>
      %dma_start3A_187 = arith.constant 0 : i32
      %dma_start3A_188 = arith.constant 0 : i32
      %dma_start3A_189 = tpu.memref_slice %arg9[%run_scoped3A, %dma_start3A_187, %dma_start3A_188] : memref<2x64x128xf32, #tpu.memory_space<vmem>> -> memref<1x64x128xf32, #tpu.memory_space<vmem>>
      %dma_start3A_190 = tpu.memref_squeeze %dma_start3A_189 : memref<1x64x128xf32, #tpu.memory_space<vmem>> -> memref<64x128xf32, #tpu.memory_space<vmem>>
      %dma_start3A_191 = arith.constant 0 : i32
      %dma_start3A_192 = arith.constant 0 : i32
      %dma_start3A_193 = tpu.memref_slice %arg9[%run_scoped3A, %dma_start3A_191, %dma_start3A_192] : memref<2x64x128xf32, #tpu.memory_space<vmem>> -> memref<1x64x128xf32, #tpu.memory_space<vmem>>
      %dma_start3A_194 = tpu.memref_squeeze %dma_start3A_193 : memref<1x64x128xf32, #tpu.memory_space<vmem>> -> memref<64x128xf32, #tpu.memory_space<vmem>>
      tpu.enqueue_dma source(%arg5 : memref<64x128xf32, #tpu.memory_space<hbm>>) target(%dma_start3A_194 : memref<64x128xf32, #tpu.memory_space<vmem>>) target_semaphore(%run_scoped3A_186 : memref<!tpu.dma_semaphore, #tpu.memory_space<semaphore_mem>>)
      %dma_wait3A = arith.constant 0 : i32
      %dma_wait3A_195 = arith.constant 0 : i32
      %dma_wait3A_196 = tpu.memref_slice %arg9[%run_scoped3A, %dma_wait3A, %dma_wait3A_195] : memref<2x64x128xf32, #tpu.memory_space<vmem>> -> memref<1x64x128xf32, #tpu.memory_space<vmem>>
      %dma_wait3A_197 = tpu.memref_squeeze %dma_wait3A_196 : memref<1x64x128xf32, #tpu.memory_space<vmem>> -> memref<64x128xf32, #tpu.memory_space<vmem>>
      %dma_wait3A_198 = arith.constant 0 : i32
      %dma_wait3A_199 = arith.constant 0 : i32
      %dma_wait3A_200 = tpu.memref_slice %arg9[%run_scoped3A, %dma_wait3A_198, %dma_wait3A_199] : memref<2x64x128xf32, #tpu.memory_space<vmem>> -> memref<1x64x128xf32, #tpu.memory_space<vmem>>
      %dma_wait3A_201 = tpu.memref_squeeze %dma_wait3A_200 : memref<1x64x128xf32, #tpu.memory_space<vmem>> -> memref<64x128xf32, #tpu.memory_space<vmem>>
      tpu.wait_dma2 semaphore(%run_scoped3A_186 : memref<!tpu.dma_semaphore, #tpu.memory_space<semaphore_mem>>) src(%arg5 : memref<64x128xf32, #tpu.memory_space<hbm>>) dst(%dma_wait3A_201 : memref<64x128xf32, #tpu.memory_space<vmem>>)
      tpu.yield
    }) : () -> ()
    %mul3A_1 = arith.constant 640 : i32
    %mul3A_2 = arith.muli %arg1, %mul3A_1 : i32
    %add3A_3 = arith.constant 0 : i32
    %add3A_4 = arith.addi %mul3A_2, %add3A_3 : i32
    %run_scoped3A_5 = arith.constant 0 : i32
    "tpu.region"() ({
      %run_scoped3A_186 = tpu.sem_alloc : memref<!tpu.dma_semaphore, #tpu.memory_space<semaphore_mem>>
      %dma_start3A_187 = arith.constant 0 : i32
      %dma_start3A_188 = arith.constant 0 : i32
      %dma_start3A_189 = tpu.memref_slice %arg9[%run_scoped3A_5, %dma_start3A_187, %dma_start3A_188] : memref<2x64x128xf32, #tpu.memory_space<vmem>> -> memref<1x64x128xf32, #tpu.memory_space<vmem>>
      %dma_start3A_190 = tpu.memref_squeeze %dma_start3A_189 : memref<1x64x128xf32, #tpu.memory_space<vmem>> -> memref<64x128xf32, #tpu.memory_space<vmem>>
      %dma_start3A_191 = arith.constant 0 : i32
      %dma_start3A_192 = tpu.memref_slice %arg10[%add3A_4, %dma_start3A_191] : memref<10240x128xf32, #tpu.memory_space<vmem_shared>> -> memref<64x128xf32, #tpu.memory_space<vmem_shared>>
      %dma_start3A_193 = arith.constant 0 : i32
      %dma_start3A_194 = tpu.memref_slice %arg10[%add3A_4, %dma_start3A_193] : memref<10240x128xf32, #tpu.memory_space<vmem_shared>> -> memref<64x128xf32, #tpu.memory_space<vmem_shared>>
      %dma_start3A_195 = arith.constant 0 : i32
      %dma_start3A_196 = arith.constant 0 : i32
      %dma_start3A_197 = tpu.memref_slice %arg9[%run_scoped3A_5, %dma_start3A_195, %dma_start3A_196] : memref<2x64x128xf32, #tpu.memory_space<vmem>> -> memref<1x64x128xf32, #tpu.memory_space<vmem>>
      %dma_start3A_198 = tpu.memref_squeeze %dma_start3A_197 : memref<1x64x128xf32, #tpu.memory_space<vmem>> -> memref<64x128xf32, #tpu.memory_space<vmem>>
      tpu.enqueue_dma source(%dma_start3A_198 : memref<64x128xf32, #tpu.memory_space<vmem>>) target(%dma_start3A_194 : memref<64x128xf32, #tpu.memory_space<vmem_shared>>) target_semaphore(%run_scoped3A_186 : memref<!tpu.dma_semaphore, #tpu.memory_space<semaphore_mem>>)
      %dma_wait3A = arith.constant 0 : i32
      %dma_wait3A_199 = arith.constant 0 : i32
      %dma_wait3A_200 = tpu.memref_slice %arg9[%run_scoped3A_5, %dma_wait3A, %dma_wait3A_199] : memref<2x64x128xf32, #tpu.memory_space<vmem>> -> memref<1x64x128xf32, #tpu.memory_space<vmem>>
      %dma_wait3A_201 = tpu.memref_squeeze %dma_wait3A_200 : memref<1x64x128xf32, #tpu.memory_space<vmem>> -> memref<64x128xf32, #tpu.memory_space<vmem>>
      %dma_wait3A_202 = arith.constant 0 : i32
      %dma_wait3A_203 = tpu.memref_slice %arg10[%add3A_4, %dma_wait3A_202] : memref<10240x128xf32, #tpu.memory_space<vmem_shared>> -> memref<64x128xf32, #tpu.memory_space<vmem_shared>>
      %dma_wait3A_204 = arith.constant 0 : i32
      %dma_wait3A_205 = tpu.memref_slice %arg10[%add3A_4, %dma_wait3A_204] : memref<10240x128xf32, #tpu.memory_space<vmem_shared>> -> memref<64x128xf32, #tpu.memory_space<vmem_shared>>
      %dma_wait3A_206 = arith.constant 0 : i32
      %dma_wait3A_207 = arith.constant 0 : i32
      %dma_wait3A_208 = tpu.memref_slice %arg9[%run_scoped3A_5, %dma_wait3A_206, %dma_wait3A_207] : memref<2x64x128xf32, #tpu.memory_space<vmem>> -> memref<1x64x128xf32, #tpu.memory_space<vmem>>
      %dma_wait3A_209 = tpu.memref_squeeze %dma_wait3A_208 : memref<1x64x128xf32, #tpu.memory_space<vmem>> -> memref<64x128xf32, #tpu.memory_space<vmem>>
      tpu.wait_dma2 semaphore(%run_scoped3A_186 : memref<!tpu.dma_semaphore, #tpu.memory_space<semaphore_mem>>) src(%dma_wait3A_209 : memref<64x128xf32, #tpu.memory_space<vmem>>) dst(%dma_wait3A_205 : memref<64x128xf32, #tpu.memory_space<vmem_shared>>)
      tpu.yield
    }) : () -> ()
    %mul3A_6 = arith.constant 640 : i32
    %mul3A_7 = arith.muli %arg1, %mul3A_6 : i32
    %add3A_8 = arith.constant 64 : i32
    %add3A_9 = arith.addi %mul3A_7, %add3A_8 : i32
    %run_scoped3A_10 = arith.constant 0 : i32
    "tpu.region"() ({
      %run_scoped3A_186 = tpu.sem_alloc : memref<!tpu.dma_semaphore, #tpu.memory_space<semaphore_mem>>
      %dma_start3A_187 = arith.constant 0 : i32
      %dma_start3A_188 = arith.constant 0 : i32
      %dma_start3A_189 = tpu.memref_slice %arg9[%run_scoped3A_10, %dma_start3A_187, %dma_start3A_188] : memref<2x64x128xf32, #tpu.memory_space<vmem>> -> memref<1x64x128xf32, #tpu.memory_space<vmem>>
      %dma_start3A_190 = tpu.memref_squeeze %dma_start3A_189 : memref<1x64x128xf32, #tpu.memory_space<vmem>> -> memref<64x128xf32, #tpu.memory_space<vmem>>
      %dma_start3A_191 = arith.constant 0 : i32
      %dma_start3A_192 = tpu.memref_slice %arg10[%add3A_9, %dma_start3A_191] : memref<10240x128xf32, #tpu.memory_space<vmem_shared>> -> memref<64x128xf32, #tpu.memory_space<vmem_shared>>
      %dma_start3A_193 = arith.constant 0 : i32
      %dma_start3A_194 = tpu.memref_slice %arg10[%add3A_9, %dma_start3A_193] : memref<10240x128xf32, #tpu.memory_space<vmem_shared>> -> memref<64x128xf32, #tpu.memory_space<vmem_shared>>
      %dma_start3A_195 = arith.constant 0 : i32
      %dma_start3A_196 = arith.constant 0 : i32
      %dma_start3A_197 = tpu.memref_slice %arg9[%run_scoped3A_10, %dma_start3A_195, %dma_start3A_196] : memref<2x64x128xf32, #tpu.memory_space<vmem>> -> memref<1x64x128xf32, #tpu.memory_space<vmem>>
      %dma_start3A_198 = tpu.memref_squeeze %dma_start3A_197 : memref<1x64x128xf32, #tpu.memory_space<vmem>> -> memref<64x128xf32, #tpu.memory_space<vmem>>
      tpu.enqueue_dma source(%dma_start3A_198 : memref<64x128xf32, #tpu.memory_space<vmem>>) target(%dma_start3A_194 : memref<64x128xf32, #tpu.memory_space<vmem_shared>>) target_semaphore(%run_scoped3A_186 : memref<!tpu.dma_semaphore, #tpu.memory_space<semaphore_mem>>)
      %dma_wait3A = arith.constant 0 : i32
      %dma_wait3A_199 = arith.constant 0 : i32
      %dma_wait3A_200 = tpu.memref_slice %arg9[%run_scoped3A_10, %dma_wait3A, %dma_wait3A_199] : memref<2x64x128xf32, #tpu.memory_space<vmem>> -> memref<1x64x128xf32, #tpu.memory_space<vmem>>
      %dma_wait3A_201 = tpu.memref_squeeze %dma_wait3A_200 : memref<1x64x128xf32, #tpu.memory_space<vmem>> -> memref<64x128xf32, #tpu.memory_space<vmem>>
      %dma_wait3A_202 = arith.constant 0 : i32
      %dma_wait3A_203 = tpu.memref_slice %arg10[%add3A_9, %dma_wait3A_202] : memref<10240x128xf32, #tpu.memory_space<vmem_shared>> -> memref<64x128xf32, #tpu.memory_space<vmem_shared>>
      %dma_wait3A_204 = arith.constant 0 : i32
      %dma_wait3A_205 = tpu.memref_slice %arg10[%add3A_9, %dma_wait3A_204] : memref<10240x128xf32, #tpu.memory_space<vmem_shared>> -> memref<64x128xf32, #tpu.memory_space<vmem_shared>>
      %dma_wait3A_206 = arith.constant 0 : i32
      %dma_wait3A_207 = arith.constant 0 : i32
      %dma_wait3A_208 = tpu.memref_slice %arg9[%run_scoped3A_10, %dma_wait3A_206, %dma_wait3A_207] : memref<2x64x128xf32, #tpu.memory_space<vmem>> -> memref<1x64x128xf32, #tpu.memory_space<vmem>>
      %dma_wait3A_209 = tpu.memref_squeeze %dma_wait3A_208 : memref<1x64x128xf32, #tpu.memory_space<vmem>> -> memref<64x128xf32, #tpu.memory_space<vmem>>
      tpu.wait_dma2 semaphore(%run_scoped3A_186 : memref<!tpu.dma_semaphore, #tpu.memory_space<semaphore_mem>>) src(%dma_wait3A_209 : memref<64x128xf32, #tpu.memory_space<vmem>>) dst(%dma_wait3A_205 : memref<64x128xf32, #tpu.memory_space<vmem_shared>>)
      tpu.yield
    }) : () -> ()
    %mul3A_11 = arith.constant 640 : i32
    %mul3A_12 = arith.muli %arg1, %mul3A_11 : i32
    %add3A_13 = arith.constant 128 : i32
    %add3A_14 = arith.addi %mul3A_12, %add3A_13 : i32
    %run_scoped3A_15 = arith.constant 0 : i32
    "tpu.region"() ({
      %run_scoped3A_186 = tpu.sem_alloc : memref<!tpu.dma_semaphore, #tpu.memory_space<semaphore_mem>>
      %dma_start3A_187 = arith.constant 0 : i32
      %dma_start3A_188 = arith.constant 0 : i32
      %dma_start3A_189 = tpu.memref_slice %arg9[%run_scoped3A_15, %dma_start3A_187, %dma_start3A_188] : memref<2x64x128xf32, #tpu.memory_space<vmem>> -> memref<1x64x128xf32, #tpu.memory_space<vmem>>
      %dma_start3A_190 = tpu.memref_squeeze %dma_start3A_189 : memref<1x64x128xf32, #tpu.memory_space<vmem>> -> memref<64x128xf32, #tpu.memory_space<vmem>>
      %dma_start3A_191 = arith.constant 0 : i32
      %dma_start3A_192 = tpu.memref_slice %arg10[%add3A_14, %dma_start3A_191] : memref<10240x128xf32, #tpu.memory_space<vmem_shared>> -> memref<64x128xf32, #tpu.memory_space<vmem_shared>>
      %dma_start3A_193 = arith.constant 0 : i32
      %dma_start3A_194 = tpu.memref_slice %arg10[%add3A_14, %dma_start3A_193] : memref<10240x128xf32, #tpu.memory_space<vmem_shared>> -> memref<64x128xf32, #tpu.memory_space<vmem_shared>>
      %dma_start3A_195 = arith.constant 0 : i32
      %dma_start3A_196 = arith.constant 0 : i32
      %dma_start3A_197 = tpu.memref_slice %arg9[%run_scoped3A_15, %dma_start3A_195, %dma_start3A_196] : memref<2x64x128xf32, #tpu.memory_space<vmem>> -> memref<1x64x128xf32, #tpu.memory_space<vmem>>
      %dma_start3A_198 = tpu.memref_squeeze %dma_start3A_197 : memref<1x64x128xf32, #tpu.memory_space<vmem>> -> memref<64x128xf32, #tpu.memory_space<vmem>>
      tpu.enqueue_dma source(%dma_start3A_198 : memref<64x128xf32, #tpu.memory_space<vmem>>) target(%dma_start3A_194 : memref<64x128xf32, #tpu.memory_space<vmem_shared>>) target_semaphore(%run_scoped3A_186 : memref<!tpu.dma_semaphore, #tpu.memory_space<semaphore_mem>>)
      %dma_wait3A = arith.constant 0 : i32
      %dma_wait3A_199 = arith.constant 0 : i32
      %dma_wait3A_200 = tpu.memref_slice %arg9[%run_scoped3A_15, %dma_wait3A, %dma_wait3A_199] : memref<2x64x128xf32, #tpu.memory_space<vmem>> -> memref<1x64x128xf32, #tpu.memory_space<vmem>>
      %dma_wait3A_201 = tpu.memref_squeeze %dma_wait3A_200 : memref<1x64x128xf32, #tpu.memory_space<vmem>> -> memref<64x128xf32, #tpu.memory_space<vmem>>
      %dma_wait3A_202 = arith.constant 0 : i32
      %dma_wait3A_203 = tpu.memref_slice %arg10[%add3A_14, %dma_wait3A_202] : memref<10240x128xf32, #tpu.memory_space<vmem_shared>> -> memref<64x128xf32, #tpu.memory_space<vmem_shared>>
      %dma_wait3A_204 = arith.constant 0 : i32
      %dma_wait3A_205 = tpu.memref_slice %arg10[%add3A_14, %dma_wait3A_204] : memref<10240x128xf32, #tpu.memory_space<vmem_shared>> -> memref<64x128xf32, #tpu.memory_space<vmem_shared>>
      %dma_wait3A_206 = arith.constant 0 : i32
      %dma_wait3A_207 = arith.constant 0 : i32
      %dma_wait3A_208 = tpu.memref_slice %arg9[%run_scoped3A_15, %dma_wait3A_206, %dma_wait3A_207] : memref<2x64x128xf32, #tpu.memory_space<vmem>> -> memref<1x64x128xf32, #tpu.memory_space<vmem>>
      %dma_wait3A_209 = tpu.memref_squeeze %dma_wait3A_208 : memref<1x64x128xf32, #tpu.memory_space<vmem>> -> memref<64x128xf32, #tpu.memory_space<vmem>>
      tpu.wait_dma2 semaphore(%run_scoped3A_186 : memref<!tpu.dma_semaphore, #tpu.memory_space<semaphore_mem>>) src(%dma_wait3A_209 : memref<64x128xf32, #tpu.memory_space<vmem>>) dst(%dma_wait3A_205 : memref<64x128xf32, #tpu.memory_space<vmem_shared>>)
      tpu.yield
    }) : () -> ()
    %mul3A_16 = arith.constant 640 : i32
    %mul3A_17 = arith.muli %arg1, %mul3A_16 : i32
    %add3A_18 = arith.constant 192 : i32
    %add3A_19 = arith.addi %mul3A_17, %add3A_18 : i32
    %run_scoped3A_20 = arith.constant 0 : i32
    "tpu.region"() ({
      %run_scoped3A_186 = tpu.sem_alloc : memref<!tpu.dma_semaphore, #tpu.memory_space<semaphore_mem>>
      %dma_start3A_187 = arith.constant 0 : i32
      %dma_start3A_188 = arith.constant 0 : i32
      %dma_start3A_189 = tpu.memref_slice %arg9[%run_scoped3A_20, %dma_start3A_187, %dma_start3A_188] : memref<2x64x128xf32, #tpu.memory_space<vmem>> -> memref<1x64x128xf32, #tpu.memory_space<vmem>>
      %dma_start3A_190 = tpu.memref_squeeze %dma_start3A_189 : memref<1x64x128xf32, #tpu.memory_space<vmem>> -> memref<64x128xf32, #tpu.memory_space<vmem>>
      %dma_start3A_191 = arith.constant 0 : i32
      %dma_start3A_192 = tpu.memref_slice %arg10[%add3A_19, %dma_start3A_191] : memref<10240x128xf32, #tpu.memory_space<vmem_shared>> -> memref<64x128xf32, #tpu.memory_space<vmem_shared>>
      %dma_start3A_193 = arith.constant 0 : i32
      %dma_start3A_194 = tpu.memref_slice %arg10[%add3A_19, %dma_start3A_193] : memref<10240x128xf32, #tpu.memory_space<vmem_shared>> -> memref<64x128xf32, #tpu.memory_space<vmem_shared>>
      %dma_start3A_195 = arith.constant 0 : i32
      %dma_start3A_196 = arith.constant 0 : i32
      %dma_start3A_197 = tpu.memref_slice %arg9[%run_scoped3A_20, %dma_start3A_195, %dma_start3A_196] : memref<2x64x128xf32, #tpu.memory_space<vmem>> -> memref<1x64x128xf32, #tpu.memory_space<vmem>>
      %dma_start3A_198 = tpu.memref_squeeze %dma_start3A_197 : memref<1x64x128xf32, #tpu.memory_space<vmem>> -> memref<64x128xf32, #tpu.memory_space<vmem>>
      tpu.enqueue_dma source(%dma_start3A_198 : memref<64x128xf32, #tpu.memory_space<vmem>>) target(%dma_start3A_194 : memref<64x128xf32, #tpu.memory_space<vmem_shared>>) target_semaphore(%run_scoped3A_186 : memref<!tpu.dma_semaphore, #tpu.memory_space<semaphore_mem>>)
      %dma_wait3A = arith.constant 0 : i32
      %dma_wait3A_199 = arith.constant 0 : i32
      %dma_wait3A_200 = tpu.memref_slice %arg9[%run_scoped3A_20, %dma_wait3A, %dma_wait3A_199] : memref<2x64x128xf32, #tpu.memory_space<vmem>> -> memref<1x64x128xf32, #tpu.memory_space<vmem>>
      %dma_wait3A_201 = tpu.memref_squeeze %dma_wait3A_200 : memref<1x64x128xf32, #tpu.memory_space<vmem>> -> memref<64x128xf32, #tpu.memory_space<vmem>>
      %dma_wait3A_202 = arith.constant 0 : i32
      %dma_wait3A_203 = tpu.memref_slice %arg10[%add3A_19, %dma_wait3A_202] : memref<10240x128xf32, #tpu.memory_space<vmem_shared>> -> memref<64x128xf32, #tpu.memory_space<vmem_shared>>
      %dma_wait3A_204 = arith.constant 0 : i32
      %dma_wait3A_205 = tpu.memref_slice %arg10[%add3A_19, %dma_wait3A_204] : memref<10240x128xf32, #tpu.memory_space<vmem_shared>> -> memref<64x128xf32, #tpu.memory_space<vmem_shared>>
      %dma_wait3A_206 = arith.constant 0 : i32
      %dma_wait3A_207 = arith.constant 0 : i32
      %dma_wait3A_208 = tpu.memref_slice %arg9[%run_scoped3A_20, %dma_wait3A_206, %dma_wait3A_207] : memref<2x64x128xf32, #tpu.memory_space<vmem>> -> memref<1x64x128xf32, #tpu.memory_space<vmem>>
      %dma_wait3A_209 = tpu.memref_squeeze %dma_wait3A_208 : memref<1x64x128xf32, #tpu.memory_space<vmem>> -> memref<64x128xf32, #tpu.memory_space<vmem>>
      tpu.wait_dma2 semaphore(%run_scoped3A_186 : memref<!tpu.dma_semaphore, #tpu.memory_space<semaphore_mem>>) src(%dma_wait3A_209 : memref<64x128xf32, #tpu.memory_space<vmem>>) dst(%dma_wait3A_205 : memref<64x128xf32, #tpu.memory_space<vmem_shared>>)
      tpu.yield
    }) : () -> ()
    %mul3A_21 = arith.constant 640 : i32
    %mul3A_22 = arith.muli %arg1, %mul3A_21 : i32
    %add3A_23 = arith.constant 256 : i32
    %add3A_24 = arith.addi %mul3A_22, %add3A_23 : i32
    %run_scoped3A_25 = arith.constant 0 : i32
    "tpu.region"() ({
      %run_scoped3A_186 = tpu.sem_alloc : memref<!tpu.dma_semaphore, #tpu.memory_space<semaphore_mem>>
      %dma_start3A_187 = arith.constant 0 : i32
      %dma_start3A_188 = arith.constant 0 : i32
      %dma_start3A_189 = tpu.memref_slice %arg9[%run_scoped3A_25, %dma_start3A_187, %dma_start3A_188] : memref<2x64x128xf32, #tpu.memory_space<vmem>> -> memref<1x64x128xf32, #tpu.memory_space<vmem>>
      %dma_start3A_190 = tpu.memref_squeeze %dma_start3A_189 : memref<1x64x128xf32, #tpu.memory_space<vmem>> -> memref<64x128xf32, #tpu.memory_space<vmem>>
      %dma_start3A_191 = arith.constant 0 : i32
      %dma_start3A_192 = tpu.memref_slice %arg10[%add3A_24, %dma_start3A_191] : memref<10240x128xf32, #tpu.memory_space<vmem_shared>> -> memref<64x128xf32, #tpu.memory_space<vmem_shared>>
      %dma_start3A_193 = arith.constant 0 : i32
      %dma_start3A_194 = tpu.memref_slice %arg10[%add3A_24, %dma_start3A_193] : memref<10240x128xf32, #tpu.memory_space<vmem_shared>> -> memref<64x128xf32, #tpu.memory_space<vmem_shared>>
      %dma_start3A_195 = arith.constant 0 : i32
      %dma_start3A_196 = arith.constant 0 : i32
      %dma_start3A_197 = tpu.memref_slice %arg9[%run_scoped3A_25, %dma_start3A_195, %dma_start3A_196] : memref<2x64x128xf32, #tpu.memory_space<vmem>> -> memref<1x64x128xf32, #tpu.memory_space<vmem>>
      %dma_start3A_198 = tpu.memref_squeeze %dma_start3A_197 : memref<1x64x128xf32, #tpu.memory_space<vmem>> -> memref<64x128xf32, #tpu.memory_space<vmem>>
      tpu.enqueue_dma source(%dma_start3A_198 : memref<64x128xf32, #tpu.memory_space<vmem>>) target(%dma_start3A_194 : memref<64x128xf32, #tpu.memory_space<vmem_shared>>) target_semaphore(%run_scoped3A_186 : memref<!tpu.dma_semaphore, #tpu.memory_space<semaphore_mem>>)
      %dma_wait3A = arith.constant 0 : i32
      %dma_wait3A_199 = arith.constant 0 : i32
      %dma_wait3A_200 = tpu.memref_slice %arg9[%run_scoped3A_25, %dma_wait3A, %dma_wait3A_199] : memref<2x64x128xf32, #tpu.memory_space<vmem>> -> memref<1x64x128xf32, #tpu.memory_space<vmem>>
      %dma_wait3A_201 = tpu.memref_squeeze %dma_wait3A_200 : memref<1x64x128xf32, #tpu.memory_space<vmem>> -> memref<64x128xf32, #tpu.memory_space<vmem>>
      %dma_wait3A_202 = arith.constant 0 : i32
      %dma_wait3A_203 = tpu.memref_slice %arg10[%add3A_24, %dma_wait3A_202] : memref<10240x128xf32, #tpu.memory_space<vmem_shared>> -> memref<64x128xf32, #tpu.memory_space<vmem_shared>>
      %dma_wait3A_204 = arith.constant 0 : i32
      %dma_wait3A_205 = tpu.memref_slice %arg10[%add3A_24, %dma_wait3A_204] : memref<10240x128xf32, #tpu.memory_space<vmem_shared>> -> memref<64x128xf32, #tpu.memory_space<vmem_shared>>
      %dma_wait3A_206 = arith.constant 0 : i32
      %dma_wait3A_207 = arith.constant 0 : i32
      %dma_wait3A_208 = tpu.memref_slice %arg9[%run_scoped3A_25, %dma_wait3A_206, %dma_wait3A_207] : memref<2x64x128xf32, #tpu.memory_space<vmem>> -> memref<1x64x128xf32, #tpu.memory_space<vmem>>
      %dma_wait3A_209 = tpu.memref_squeeze %dma_wait3A_208 : memref<1x64x128xf32, #tpu.memory_space<vmem>> -> memref<64x128xf32, #tpu.memory_space<vmem>>
      tpu.wait_dma2 semaphore(%run_scoped3A_186 : memref<!tpu.dma_semaphore, #tpu.memory_space<semaphore_mem>>) src(%dma_wait3A_209 : memref<64x128xf32, #tpu.memory_space<vmem>>) dst(%dma_wait3A_205 : memref<64x128xf32, #tpu.memory_space<vmem_shared>>)
      tpu.yield
    }) : () -> ()
    %mul3A_26 = arith.constant 640 : i32
    %mul3A_27 = arith.muli %arg1, %mul3A_26 : i32
    %add3A_28 = arith.constant 320 : i32
    %add3A_29 = arith.addi %mul3A_27, %add3A_28 : i32
    %run_scoped3A_30 = arith.constant 0 : i32
    "tpu.region"() ({
      %run_scoped3A_186 = tpu.sem_alloc : memref<!tpu.dma_semaphore, #tpu.memory_space<semaphore_mem>>
      %dma_start3A_187 = arith.constant 0 : i32
      %dma_start3A_188 = arith.constant 0 : i32
      %dma_start3A_189 = tpu.memref_slice %arg9[%run_scoped3A_30, %dma_start3A_187, %dma_start3A_188] : memref<2x64x128xf32, #tpu.memory_space<vmem>> -> memref<1x64x128xf32, #tpu.memory_space<vmem>>
      %dma_start3A_190 = tpu.memref_squeeze %dma_start3A_189 : memref<1x64x128xf32, #tpu.memory_space<vmem>> -> memref<64x128xf32, #tpu.memory_space<vmem>>
      %dma_start3A_191 = arith.constant 0 : i32
      %dma_start3A_192 = tpu.memref_slice %arg10[%add3A_29, %dma_start3A_191] : memref<10240x128xf32, #tpu.memory_space<vmem_shared>> -> memref<64x128xf32, #tpu.memory_space<vmem_shared>>
      %dma_start3A_193 = arith.constant 0 : i32
      %dma_start3A_194 = tpu.memref_slice %arg10[%add3A_29, %dma_start3A_193] : memref<10240x128xf32, #tpu.memory_space<vmem_shared>> -> memref<64x128xf32, #tpu.memory_space<vmem_shared>>
      %dma_start3A_195 = arith.constant 0 : i32
      %dma_start3A_196 = arith.constant 0 : i32
      %dma_start3A_197 = tpu.memref_slice %arg9[%run_scoped3A_30, %dma_start3A_195, %dma_start3A_196] : memref<2x64x128xf32, #tpu.memory_space<vmem>> -> memref<1x64x128xf32, #tpu.memory_space<vmem>>
      %dma_start3A_198 = tpu.memref_squeeze %dma_start3A_197 : memref<1x64x128xf32, #tpu.memory_space<vmem>> -> memref<64x128xf32, #tpu.memory_space<vmem>>
      tpu.enqueue_dma source(%dma_start3A_198 : memref<64x128xf32, #tpu.memory_space<vmem>>) target(%dma_start3A_194 : memref<64x128xf32, #tpu.memory_space<vmem_shared>>) target_semaphore(%run_scoped3A_186 : memref<!tpu.dma_semaphore, #tpu.memory_space<semaphore_mem>>)
      %dma_wait3A = arith.constant 0 : i32
      %dma_wait3A_199 = arith.constant 0 : i32
      %dma_wait3A_200 = tpu.memref_slice %arg9[%run_scoped3A_30, %dma_wait3A, %dma_wait3A_199] : memref<2x64x128xf32, #tpu.memory_space<vmem>> -> memref<1x64x128xf32, #tpu.memory_space<vmem>>
      %dma_wait3A_201 = tpu.memref_squeeze %dma_wait3A_200 : memref<1x64x128xf32, #tpu.memory_space<vmem>> -> memref<64x128xf32, #tpu.memory_space<vmem>>
      %dma_wait3A_202 = arith.constant 0 : i32
      %dma_wait3A_203 = tpu.memref_slice %arg10[%add3A_29, %dma_wait3A_202] : memref<10240x128xf32, #tpu.memory_space<vmem_shared>> -> memref<64x128xf32, #tpu.memory_space<vmem_shared>>
      %dma_wait3A_204 = arith.constant 0 : i32
      %dma_wait3A_205 = tpu.memref_slice %arg10[%add3A_29, %dma_wait3A_204] : memref<10240x128xf32, #tpu.memory_space<vmem_shared>> -> memref<64x128xf32, #tpu.memory_space<vmem_shared>>
      %dma_wait3A_206 = arith.constant 0 : i32
      %dma_wait3A_207 = arith.constant 0 : i32
      %dma_wait3A_208 = tpu.memref_slice %arg9[%run_scoped3A_30, %dma_wait3A_206, %dma_wait3A_207] : memref<2x64x128xf32, #tpu.memory_space<vmem>> -> memref<1x64x128xf32, #tpu.memory_space<vmem>>
      %dma_wait3A_209 = tpu.memref_squeeze %dma_wait3A_208 : memref<1x64x128xf32, #tpu.memory_space<vmem>> -> memref<64x128xf32, #tpu.memory_space<vmem>>
      tpu.wait_dma2 semaphore(%run_scoped3A_186 : memref<!tpu.dma_semaphore, #tpu.memory_space<semaphore_mem>>) src(%dma_wait3A_209 : memref<64x128xf32, #tpu.memory_space<vmem>>) dst(%dma_wait3A_205 : memref<64x128xf32, #tpu.memory_space<vmem_shared>>)
      tpu.yield
    }) : () -> ()
    %mul3A_31 = arith.constant 640 : i32
    %mul3A_32 = arith.muli %arg1, %mul3A_31 : i32
    %add3A_33 = arith.constant 384 : i32
    %add3A_34 = arith.addi %mul3A_32, %add3A_33 : i32
    %run_scoped3A_35 = arith.constant 0 : i32
    "tpu.region"() ({
      %run_scoped3A_186 = tpu.sem_alloc : memref<!tpu.dma_semaphore, #tpu.memory_space<semaphore_mem>>
      %dma_start3A_187 = arith.constant 0 : i32
      %dma_start3A_188 = arith.constant 0 : i32
      %dma_start3A_189 = tpu.memref_slice %arg9[%run_scoped3A_35, %dma_start3A_187, %dma_start3A_188] : memref<2x64x128xf32, #tpu.memory_space<vmem>> -> memref<1x64x128xf32, #tpu.memory_space<vmem>>
      %dma_start3A_190 = tpu.memref_squeeze %dma_start3A_189 : memref<1x64x128xf32, #tpu.memory_space<vmem>> -> memref<64x128xf32, #tpu.memory_space<vmem>>
      %dma_start3A_191 = arith.constant 0 : i32
      %dma_start3A_192 = tpu.memref_slice %arg10[%add3A_34, %dma_start3A_191] : memref<10240x128xf32, #tpu.memory_space<vmem_shared>> -> memref<64x128xf32, #tpu.memory_space<vmem_shared>>
      %dma_start3A_193 = arith.constant 0 : i32
      %dma_start3A_194 = tpu.memref_slice %arg10[%add3A_34, %dma_start3A_193] : memref<10240x128xf32, #tpu.memory_space<vmem_shared>> -> memref<64x128xf32, #tpu.memory_space<vmem_shared>>
      %dma_start3A_195 = arith.constant 0 : i32
      %dma_start3A_196 = arith.constant 0 : i32
      %dma_start3A_197 = tpu.memref_slice %arg9[%run_scoped3A_35, %dma_start3A_195, %dma_start3A_196] : memref<2x64x128xf32, #tpu.memory_space<vmem>> -> memref<1x64x128xf32, #tpu.memory_space<vmem>>
      %dma_start3A_198 = tpu.memref_squeeze %dma_start3A_197 : memref<1x64x128xf32, #tpu.memory_space<vmem>> -> memref<64x128xf32, #tpu.memory_space<vmem>>
      tpu.enqueue_dma source(%dma_start3A_198 : memref<64x128xf32, #tpu.memory_space<vmem>>) target(%dma_start3A_194 : memref<64x128xf32, #tpu.memory_space<vmem_shared>>) target_semaphore(%run_scoped3A_186 : memref<!tpu.dma_semaphore, #tpu.memory_space<semaphore_mem>>)
      %dma_wait3A = arith.constant 0 : i32
      %dma_wait3A_199 = arith.constant 0 : i32
      %dma_wait3A_200 = tpu.memref_slice %arg9[%run_scoped3A_35, %dma_wait3A, %dma_wait3A_199] : memref<2x64x128xf32, #tpu.memory_space<vmem>> -> memref<1x64x128xf32, #tpu.memory_space<vmem>>
      %dma_wait3A_201 = tpu.memref_squeeze %dma_wait3A_200 : memref<1x64x128xf32, #tpu.memory_space<vmem>> -> memref<64x128xf32, #tpu.memory_space<vmem>>
      %dma_wait3A_202 = arith.constant 0 : i32
      %dma_wait3A_203 = tpu.memref_slice %arg10[%add3A_34, %dma_wait3A_202] : memref<10240x128xf32, #tpu.memory_space<vmem_shared>> -> memref<64x128xf32, #tpu.memory_space<vmem_shared>>
      %dma_wait3A_204 = arith.constant 0 : i32
      %dma_wait3A_205 = tpu.memref_slice %arg10[%add3A_34, %dma_wait3A_204] : memref<10240x128xf32, #tpu.memory_space<vmem_shared>> -> memref<64x128xf32, #tpu.memory_space<vmem_shared>>
      %dma_wait3A_206 = arith.constant 0 : i32
      %dma_wait3A_207 = arith.constant 0 : i32
      %dma_wait3A_208 = tpu.memref_slice %arg9[%run_scoped3A_35, %dma_wait3A_206, %dma_wait3A_207] : memref<2x64x128xf32, #tpu.memory_space<vmem>> -> memref<1x64x128xf32, #tpu.memory_space<vmem>>
      %dma_wait3A_209 = tpu.memref_squeeze %dma_wait3A_208 : memref<1x64x128xf32, #tpu.memory_space<vmem>> -> memref<64x128xf32, #tpu.memory_space<vmem>>
      tpu.wait_dma2 semaphore(%run_scoped3A_186 : memref<!tpu.dma_semaphore, #tpu.memory_space<semaphore_mem>>) src(%dma_wait3A_209 : memref<64x128xf32, #tpu.memory_space<vmem>>) dst(%dma_wait3A_205 : memref<64x128xf32, #tpu.memory_space<vmem_shared>>)
      tpu.yield
    }) : () -> ()
    %mul3A_36 = arith.constant 640 : i32
    %mul3A_37 = arith.muli %arg1, %mul3A_36 : i32
    %add3A_38 = arith.constant 448 : i32
    %add3A_39 = arith.addi %mul3A_37, %add3A_38 : i32
    %run_scoped3A_40 = arith.constant 0 : i32
    "tpu.region"() ({
      %run_scoped3A_186 = tpu.sem_alloc : memref<!tpu.dma_semaphore, #tpu.memory_space<semaphore_mem>>
      %dma_start3A_187 = arith.constant 0 : i32
      %dma_start3A_188 = arith.constant 0 : i32
      %dma_start3A_189 = tpu.memref_slice %arg9[%run_scoped3A_40, %dma_start3A_187, %dma_start3A_188] : memref<2x64x128xf32, #tpu.memory_space<vmem>> -> memref<1x64x128xf32, #tpu.memory_space<vmem>>
      %dma_start3A_190 = tpu.memref_squeeze %dma_start3A_189 : memref<1x64x128xf32, #tpu.memory_space<vmem>> -> memref<64x128xf32, #tpu.memory_space<vmem>>
      %dma_start3A_191 = arith.constant 0 : i32
      %dma_start3A_192 = tpu.memref_slice %arg10[%add3A_39, %dma_start3A_191] : memref<10240x128xf32, #tpu.memory_space<vmem_shared>> -> memref<64x128xf32, #tpu.memory_space<vmem_shared>>
      %dma_start3A_193 = arith.constant 0 : i32
      %dma_start3A_194 = tpu.memref_slice %arg10[%add3A_39, %dma_start3A_193] : memref<10240x128xf32, #tpu.memory_space<vmem_shared>> -> memref<64x128xf32, #tpu.memory_space<vmem_shared>>
      %dma_start3A_195 = arith.constant 0 : i32
      %dma_start3A_196 = arith.constant 0 : i32
      %dma_start3A_197 = tpu.memref_slice %arg9[%run_scoped3A_40, %dma_start3A_195, %dma_start3A_196] : memref<2x64x128xf32, #tpu.memory_space<vmem>> -> memref<1x64x128xf32, #tpu.memory_space<vmem>>
      %dma_start3A_198 = tpu.memref_squeeze %dma_start3A_197 : memref<1x64x128xf32, #tpu.memory_space<vmem>> -> memref<64x128xf32, #tpu.memory_space<vmem>>
      tpu.enqueue_dma source(%dma_start3A_198 : memref<64x128xf32, #tpu.memory_space<vmem>>) target(%dma_start3A_194 : memref<64x128xf32, #tpu.memory_space<vmem_shared>>) target_semaphore(%run_scoped3A_186 : memref<!tpu.dma_semaphore, #tpu.memory_space<semaphore_mem>>)
      %dma_wait3A = arith.constant 0 : i32
      %dma_wait3A_199 = arith.constant 0 : i32
      %dma_wait3A_200 = tpu.memref_slice %arg9[%run_scoped3A_40, %dma_wait3A, %dma_wait3A_199] : memref<2x64x128xf32, #tpu.memory_space<vmem>> -> memref<1x64x128xf32, #tpu.memory_space<vmem>>
      %dma_wait3A_201 = tpu.memref_squeeze %dma_wait3A_200 : memref<1x64x128xf32, #tpu.memory_space<vmem>> -> memref<64x128xf32, #tpu.memory_space<vmem>>
      %dma_wait3A_202 = arith.constant 0 : i32
      %dma_wait3A_203 = tpu.memref_slice %arg10[%add3A_39, %dma_wait3A_202] : memref<10240x128xf32, #tpu.memory_space<vmem_shared>> -> memref<64x128xf32, #tpu.memory_space<vmem_shared>>
      %dma_wait3A_204 = arith.constant 0 : i32
      %dma_wait3A_205 = tpu.memref_slice %arg10[%add3A_39, %dma_wait3A_204] : memref<10240x128xf32, #tpu.memory_space<vmem_shared>> -> memref<64x128xf32, #tpu.memory_space<vmem_shared>>
      %dma_wait3A_206 = arith.constant 0 : i32
      %dma_wait3A_207 = arith.constant 0 : i32
      %dma_wait3A_208 = tpu.memref_slice %arg9[%run_scoped3A_40, %dma_wait3A_206, %dma_wait3A_207] : memref<2x64x128xf32, #tpu.memory_space<vmem>> -> memref<1x64x128xf32, #tpu.memory_space<vmem>>
      %dma_wait3A_209 = tpu.memref_squeeze %dma_wait3A_208 : memref<1x64x128xf32, #tpu.memory_space<vmem>> -> memref<64x128xf32, #tpu.memory_space<vmem>>
      tpu.wait_dma2 semaphore(%run_scoped3A_186 : memref<!tpu.dma_semaphore, #tpu.memory_space<semaphore_mem>>) src(%dma_wait3A_209 : memref<64x128xf32, #tpu.memory_space<vmem>>) dst(%dma_wait3A_205 : memref<64x128xf32, #tpu.memory_space<vmem_shared>>)
      tpu.yield
    }) : () -> ()
    %mul3A_41 = arith.constant 640 : i32
    %mul3A_42 = arith.muli %arg1, %mul3A_41 : i32
    %add3A_43 = arith.constant 512 : i32
    %add3A_44 = arith.addi %mul3A_42, %add3A_43 : i32
    %run_scoped3A_45 = arith.constant 0 : i32
    "tpu.region"() ({
      %run_scoped3A_186 = tpu.sem_alloc : memref<!tpu.dma_semaphore, #tpu.memory_space<semaphore_mem>>
      %dma_start3A_187 = arith.constant 0 : i32
      %dma_start3A_188 = arith.constant 0 : i32
      %dma_start3A_189 = tpu.memref_slice %arg9[%run_scoped3A_45, %dma_start3A_187, %dma_start3A_188] : memref<2x64x128xf32, #tpu.memory_space<vmem>> -> memref<1x64x128xf32, #tpu.memory_space<vmem>>
      %dma_start3A_190 = tpu.memref_squeeze %dma_start3A_189 : memref<1x64x128xf32, #tpu.memory_space<vmem>> -> memref<64x128xf32, #tpu.memory_space<vmem>>
      %dma_start3A_191 = arith.constant 0 : i32
      %dma_start3A_192 = tpu.memref_slice %arg10[%add3A_44, %dma_start3A_191] : memref<10240x128xf32, #tpu.memory_space<vmem_shared>> -> memref<64x128xf32, #tpu.memory_space<vmem_shared>>
      %dma_start3A_193 = arith.constant 0 : i32
      %dma_start3A_194 = tpu.memref_slice %arg10[%add3A_44, %dma_start3A_193] : memref<10240x128xf32, #tpu.memory_space<vmem_shared>> -> memref<64x128xf32, #tpu.memory_space<vmem_shared>>
      %dma_start3A_195 = arith.constant 0 : i32
      %dma_start3A_196 = arith.constant 0 : i32
      %dma_start3A_197 = tpu.memref_slice %arg9[%run_scoped3A_45, %dma_start3A_195, %dma_start3A_196] : memref<2x64x128xf32, #tpu.memory_space<vmem>> -> memref<1x64x128xf32, #tpu.memory_space<vmem>>
      %dma_start3A_198 = tpu.memref_squeeze %dma_start3A_197 : memref<1x64x128xf32, #tpu.memory_space<vmem>> -> memref<64x128xf32, #tpu.memory_space<vmem>>
      tpu.enqueue_dma source(%dma_start3A_198 : memref<64x128xf32, #tpu.memory_space<vmem>>) target(%dma_start3A_194 : memref<64x128xf32, #tpu.memory_space<vmem_shared>>) target_semaphore(%run_scoped3A_186 : memref<!tpu.dma_semaphore, #tpu.memory_space<semaphore_mem>>)
      %dma_wait3A = arith.constant 0 : i32
      %dma_wait3A_199 = arith.constant 0 : i32
      %dma_wait3A_200 = tpu.memref_slice %arg9[%run_scoped3A_45, %dma_wait3A, %dma_wait3A_199] : memref<2x64x128xf32, #tpu.memory_space<vmem>> -> memref<1x64x128xf32, #tpu.memory_space<vmem>>
      %dma_wait3A_201 = tpu.memref_squeeze %dma_wait3A_200 : memref<1x64x128xf32, #tpu.memory_space<vmem>> -> memref<64x128xf32, #tpu.memory_space<vmem>>
      %dma_wait3A_202 = arith.constant 0 : i32
      %dma_wait3A_203 = tpu.memref_slice %arg10[%add3A_44, %dma_wait3A_202] : memref<10240x128xf32, #tpu.memory_space<vmem_shared>> -> memref<64x128xf32, #tpu.memory_space<vmem_shared>>
      %dma_wait3A_204 = arith.constant 0 : i32
      %dma_wait3A_205 = tpu.memref_slice %arg10[%add3A_44, %dma_wait3A_204] : memref<10240x128xf32, #tpu.memory_space<vmem_shared>> -> memref<64x128xf32, #tpu.memory_space<vmem_shared>>
      %dma_wait3A_206 = arith.constant 0 : i32
      %dma_wait3A_207 = arith.constant 0 : i32
      %dma_wait3A_208 = tpu.memref_slice %arg9[%run_scoped3A_45, %dma_wait3A_206, %dma_wait3A_207] : memref<2x64x128xf32, #tpu.memory_space<vmem>> -> memref<1x64x128xf32, #tpu.memory_space<vmem>>
      %dma_wait3A_209 = tpu.memref_squeeze %dma_wait3A_208 : memref<1x64x128xf32, #tpu.memory_space<vmem>> -> memref<64x128xf32, #tpu.memory_space<vmem>>
      tpu.wait_dma2 semaphore(%run_scoped3A_186 : memref<!tpu.dma_semaphore, #tpu.memory_space<semaphore_mem>>) src(%dma_wait3A_209 : memref<64x128xf32, #tpu.memory_space<vmem>>) dst(%dma_wait3A_205 : memref<64x128xf32, #tpu.memory_space<vmem_shared>>)
      tpu.yield
    }) : () -> ()
    %mul3A_46 = arith.constant 640 : i32
    %mul3A_47 = arith.muli %arg1, %mul3A_46 : i32
    %add3A_48 = arith.constant 576 : i32
    %add3A_49 = arith.addi %mul3A_47, %add3A_48 : i32
    %run_scoped3A_50 = arith.constant 0 : i32
    "tpu.region"() ({
      %run_scoped3A_186 = tpu.sem_alloc : memref<!tpu.dma_semaphore, #tpu.memory_space<semaphore_mem>>
      %dma_start3A_187 = arith.constant 0 : i32
      %dma_start3A_188 = arith.constant 0 : i32
      %dma_start3A_189 = tpu.memref_slice %arg9[%run_scoped3A_50, %dma_start3A_187, %dma_start3A_188] : memref<2x64x128xf32, #tpu.memory_space<vmem>> -> memref<1x64x128xf32, #tpu.memory_space<vmem>>
      %dma_start3A_190 = tpu.memref_squeeze %dma_start3A_189 : memref<1x64x128xf32, #tpu.memory_space<vmem>> -> memref<64x128xf32, #tpu.memory_space<vmem>>
      %dma_start3A_191 = arith.constant 0 : i32
      %dma_start3A_192 = tpu.memref_slice %arg10[%add3A_49, %dma_start3A_191] : memref<10240x128xf32, #tpu.memory_space<vmem_shared>> -> memref<64x128xf32, #tpu.memory_space<vmem_shared>>
      %dma_start3A_193 = arith.constant 0 : i32
      %dma_start3A_194 = tpu.memref_slice %arg10[%add3A_49, %dma_start3A_193] : memref<10240x128xf32, #tpu.memory_space<vmem_shared>> -> memref<64x128xf32, #tpu.memory_space<vmem_shared>>
      %dma_start3A_195 = arith.constant 0 : i32
      %dma_start3A_196 = arith.constant 0 : i32
      %dma_start3A_197 = tpu.memref_slice %arg9[%run_scoped3A_50, %dma_start3A_195, %dma_start3A_196] : memref<2x64x128xf32, #tpu.memory_space<vmem>> -> memref<1x64x128xf32, #tpu.memory_space<vmem>>
      %dma_start3A_198 = tpu.memref_squeeze %dma_start3A_197 : memref<1x64x128xf32, #tpu.memory_space<vmem>> -> memref<64x128xf32, #tpu.memory_space<vmem>>
      tpu.enqueue_dma source(%dma_start3A_198 : memref<64x128xf32, #tpu.memory_space<vmem>>) target(%dma_start3A_194 : memref<64x128xf32, #tpu.memory_space<vmem_shared>>) target_semaphore(%run_scoped3A_186 : memref<!tpu.dma_semaphore, #tpu.memory_space<semaphore_mem>>)
      %dma_wait3A = arith.constant 0 : i32
      %dma_wait3A_199 = arith.constant 0 : i32
      %dma_wait3A_200 = tpu.memref_slice %arg9[%run_scoped3A_50, %dma_wait3A, %dma_wait3A_199] : memref<2x64x128xf32, #tpu.memory_space<vmem>> -> memref<1x64x128xf32, #tpu.memory_space<vmem>>
      %dma_wait3A_201 = tpu.memref_squeeze %dma_wait3A_200 : memref<1x64x128xf32, #tpu.memory_space<vmem>> -> memref<64x128xf32, #tpu.memory_space<vmem>>
      %dma_wait3A_202 = arith.constant 0 : i32
      %dma_wait3A_203 = tpu.memref_slice %arg10[%add3A_49, %dma_wait3A_202] : memref<10240x128xf32, #tpu.memory_space<vmem_shared>> -> memref<64x128xf32, #tpu.memory_space<vmem_shared>>
      %dma_wait3A_204 = arith.constant 0 : i32
      %dma_wait3A_205 = tpu.memref_slice %arg10[%add3A_49, %dma_wait3A_204] : memref<10240x128xf32, #tpu.memory_space<vmem_shared>> -> memref<64x128xf32, #tpu.memory_space<vmem_shared>>
      %dma_wait3A_206 = arith.constant 0 : i32
      %dma_wait3A_207 = arith.constant 0 : i32
      %dma_wait3A_208 = tpu.memref_slice %arg9[%run_scoped3A_50, %dma_wait3A_206, %dma_wait3A_207] : memref<2x64x128xf32, #tpu.memory_space<vmem>> -> memref<1x64x128xf32, #tpu.memory_space<vmem>>
      %dma_wait3A_209 = tpu.memref_squeeze %dma_wait3A_208 : memref<1x64x128xf32, #tpu.memory_space<vmem>> -> memref<64x128xf32, #tpu.memory_space<vmem>>
      tpu.wait_dma2 semaphore(%run_scoped3A_186 : memref<!tpu.dma_semaphore, #tpu.memory_space<semaphore_mem>>) src(%dma_wait3A_209 : memref<64x128xf32, #tpu.memory_space<vmem>>) dst(%dma_wait3A_205 : memref<64x128xf32, #tpu.memory_space<vmem_shared>>)
      tpu.yield
    }) : () -> ()
    %barrier3A = arith.constant 0 : index
    tpu.barrier barrier_id(%barrier3A)
    "tpu.region"() ({
      %run_scoped3A_186 = tpu.sem_alloc : memref<!tpu.dma_semaphore, #tpu.memory_space<semaphore_mem>>
      %dma_start3A_187 = arith.constant 0 : i32
      %dma_start3A_188 = arith.constant 0 : i32
      %dma_start3A_189 = tpu.memref_slice %arg3[%add3A, %dma_start3A_187, %dma_start3A_188] : memref<32x160x64xi32, #tpu.memory_space<hbm>> -> memref<1x80x64xi32, #tpu.memory_space<hbm>>
      %dma_start3A_190 = tpu.memref_squeeze %dma_start3A_189 : memref<1x80x64xi32, #tpu.memory_space<hbm>> -> memref<80x64xi32, #tpu.memory_space<hbm>>
      %dma_start3A_191 = arith.constant 0 : i32
      %dma_start3A_192 = arith.constant 0 : i32
      %dma_start3A_193 = tpu.memref_slice %arg3[%add3A, %dma_start3A_191, %dma_start3A_192] : memref<32x160x64xi32, #tpu.memory_space<hbm>> -> memref<1x80x64xi32, #tpu.memory_space<hbm>>
      %dma_start3A_194 = tpu.memref_squeeze %dma_start3A_193 : memref<1x80x64xi32, #tpu.memory_space<hbm>> -> memref<80x64xi32, #tpu.memory_space<hbm>>
      tpu.enqueue_dma source(%dma_start3A_194 : memref<80x64xi32, #tpu.memory_space<hbm>>) target(%arg7 : memref<80x64xi32, #tpu.memory_space<vmem>>) target_semaphore(%run_scoped3A_186 : memref<!tpu.dma_semaphore, #tpu.memory_space<semaphore_mem>>)
      %dma_wait3A = arith.constant 0 : i32
      %dma_wait3A_195 = arith.constant 0 : i32
      %dma_wait3A_196 = tpu.memref_slice %arg3[%add3A, %dma_wait3A, %dma_wait3A_195] : memref<32x160x64xi32, #tpu.memory_space<hbm>> -> memref<1x80x64xi32, #tpu.memory_space<hbm>>
      %dma_wait3A_197 = tpu.memref_squeeze %dma_wait3A_196 : memref<1x80x64xi32, #tpu.memory_space<hbm>> -> memref<80x64xi32, #tpu.memory_space<hbm>>
      %dma_wait3A_198 = arith.constant 0 : i32
      %dma_wait3A_199 = arith.constant 0 : i32
      %dma_wait3A_200 = tpu.memref_slice %arg3[%add3A, %dma_wait3A_198, %dma_wait3A_199] : memref<32x160x64xi32, #tpu.memory_space<hbm>> -> memref<1x80x64xi32, #tpu.memory_space<hbm>>
      %dma_wait3A_201 = tpu.memref_squeeze %dma_wait3A_200 : memref<1x80x64xi32, #tpu.memory_space<hbm>> -> memref<80x64xi32, #tpu.memory_space<hbm>>
      tpu.wait_dma2 semaphore(%run_scoped3A_186 : memref<!tpu.dma_semaphore, #tpu.memory_space<semaphore_mem>>) src(%dma_wait3A_201 : memref<80x64xi32, #tpu.memory_space<hbm>>) dst(%arg7 : memref<80x64xi32, #tpu.memory_space<vmem>>)
      tpu.yield
    }) : () -> ()
    "tpu.region"() ({
      %run_scoped3A_186 = tpu.sem_alloc : memref<!tpu.dma_semaphore, #tpu.memory_space<semaphore_mem>>
      %dma_start3A_187 = arith.constant 0 : i32
      %dma_start3A_188 = arith.constant 0 : i32
      %dma_start3A_189 = tpu.memref_slice %arg4[%add3A, %dma_start3A_187, %dma_start3A_188] : memref<32x160x64xi32, #tpu.memory_space<hbm>> -> memref<1x80x64xi32, #tpu.memory_space<hbm>>
      %dma_start3A_190 = tpu.memref_squeeze %dma_start3A_189 : memref<1x80x64xi32, #tpu.memory_space<hbm>> -> memref<80x64xi32, #tpu.memory_space<hbm>>
      %dma_start3A_191 = arith.constant 0 : i32
      %dma_start3A_192 = arith.constant 0 : i32
      %dma_start3A_193 = tpu.memref_slice %arg4[%add3A, %dma_start3A_191, %dma_start3A_192] : memref<32x160x64xi32, #tpu.memory_space<hbm>> -> memref<1x80x64xi32, #tpu.memory_space<hbm>>
      %dma_start3A_194 = tpu.memref_squeeze %dma_start3A_193 : memref<1x80x64xi32, #tpu.memory_space<hbm>> -> memref<80x64xi32, #tpu.memory_space<hbm>>
      tpu.enqueue_dma source(%dma_start3A_194 : memref<80x64xi32, #tpu.memory_space<hbm>>) target(%arg8 : memref<80x64xi32, #tpu.memory_space<vmem>>) target_semaphore(%run_scoped3A_186 : memref<!tpu.dma_semaphore, #tpu.memory_space<semaphore_mem>>)
      %dma_wait3A = arith.constant 0 : i32
      %dma_wait3A_195 = arith.constant 0 : i32
      %dma_wait3A_196 = tpu.memref_slice %arg4[%add3A, %dma_wait3A, %dma_wait3A_195] : memref<32x160x64xi32, #tpu.memory_space<hbm>> -> memref<1x80x64xi32, #tpu.memory_space<hbm>>
      %dma_wait3A_197 = tpu.memref_squeeze %dma_wait3A_196 : memref<1x80x64xi32, #tpu.memory_space<hbm>> -> memref<80x64xi32, #tpu.memory_space<hbm>>
      %dma_wait3A_198 = arith.constant 0 : i32
      %dma_wait3A_199 = arith.constant 0 : i32
      %dma_wait3A_200 = tpu.memref_slice %arg4[%add3A, %dma_wait3A_198, %dma_wait3A_199] : memref<32x160x64xi32, #tpu.memory_space<hbm>> -> memref<1x80x64xi32, #tpu.memory_space<hbm>>
      %dma_wait3A_201 = tpu.memref_squeeze %dma_wait3A_200 : memref<1x80x64xi32, #tpu.memory_space<hbm>> -> memref<80x64xi32, #tpu.memory_space<hbm>>
      tpu.wait_dma2 semaphore(%run_scoped3A_186 : memref<!tpu.dma_semaphore, #tpu.memory_space<semaphore_mem>>) src(%dma_wait3A_201 : memref<80x64xi32, #tpu.memory_space<hbm>>) dst(%arg8 : memref<80x64xi32, #tpu.memory_space<vmem>>)
      tpu.yield
    }) : () -> ()
    %dma_start3A = arith.constant 0 : i32
    %dma_start3A_51 = arith.constant 0 : i32
    %dma_start3A_52 = arith.constant 0 : i32
    %dma_start3A_53 = arith.constant 0 : i32
    %dma_start3A_54 = tpu.memref_slice %arg9[%dma_start3A_51, %dma_start3A_52, %dma_start3A_53] : memref<2x64x128xf32, #tpu.memory_space<vmem>> -> memref<1x64x128xf32, #tpu.memory_space<vmem>>
    %dma_start3A_55 = tpu.memref_squeeze %dma_start3A_54 : memref<1x64x128xf32, #tpu.memory_space<vmem>> -> memref<64x128xf32, #tpu.memory_space<vmem>>
    %dma_start3A_56 = arith.constant 0 : i32
    %dma_start3A_57 = tpu.memref_slice %arg7[%dma_start3A, %dma_start3A_56] : memref<80x64xi32, #tpu.memory_space<vmem>> -> memref<1x64xi32, #tpu.memory_space<vmem>>
    %dma_start3A_58 = tpu.memref_squeeze %dma_start3A_57 : memref<1x64xi32, #tpu.memory_space<vmem>> -> memref<64xi32, #tpu.memory_space<vmem>>
    %dma_start3A_59 = arith.constant 0 : i32
    %dma_start3A_60 = arith.constant 0 : i32
    %dma_start3A_61 = tpu.memref_slice %arg2[%dma_start3A_59, %dma_start3A_60] : memref<10240x128xf32, #tpu.memory_space<hbm>> -> memref<10240x128xf32, #tpu.memory_space<hbm>>
    tpu.enqueue_indirect_dma source(%dma_start3A_61 : memref<10240x128xf32, #tpu.memory_space<hbm>>) target(%dma_start3A_55 : memref<64x128xf32, #tpu.memory_space<vmem>>) offsets(%dma_start3A_58 : memref<64xi32, #tpu.memory_space<vmem>>) semaphore(%arg11 : memref<!tpu.dma_semaphore, #tpu.memory_space<semaphore_mem>>)
    %scan3A = arith.constant 0 : i32
    %scan3A_62 = arith.constant 0 : i32
    %scan3A_63 = arith.constant 40 : i32
    %scan3A_64 = arith.addi %scan3A_62, %scan3A_63 : i32
    %scan3A_65 = arith.constant 1 : i32
    scf.for %scan3A_186 = %scan3A_62 to %scan3A_64 step %scan3A_65  : i32 {
      %mul3A_187 = arith.constant 2 : i32
      %mul3A_188 = arith.muli %scan3A_186, %mul3A_187 : i32
      %add3A_189 = arith.constant 0 : i32
      %add3A_190 = arith.addi %mul3A_188, %add3A_189 : i32
      %add3A_191 = arith.constant 1 : i32
      %add3A_192 = arith.addi %add3A_190, %add3A_191 : i32
      %lt3A = arith.constant 80 : i32
      %lt3A_193 = arith.cmpi slt, %add3A_192, %lt3A : i32
      %convert_element_type3A = arith.extui %lt3A_193 : i1 to i32
      %cond3A = arith.constant 0 : i32
      %cond3A_194 = arith.cmpi ne, %convert_element_type3A, %cond3A : i32
      scf.if %cond3A_194 {
        %add3A_229 = arith.constant 1 : i32
        %add3A_230 = arith.addi %add3A_190, %add3A_229 : i32
        %dma_start3A_231 = arith.constant 1 : i32
        %dma_start3A_232 = arith.constant 0 : i32
        %dma_start3A_233 = arith.constant 0 : i32
        %dma_start3A_234 = tpu.memref_slice %arg9[%dma_start3A_231, %dma_start3A_232, %dma_start3A_233] : memref<2x64x128xf32, #tpu.memory_space<vmem>> -> memref<1x64x128xf32, #tpu.memory_space<vmem>>
        %dma_start3A_235 = tpu.memref_squeeze %dma_start3A_234 : memref<1x64x128xf32, #tpu.memory_space<vmem>> -> memref<64x128xf32, #tpu.memory_space<vmem>>
        %dma_start3A_236 = arith.constant 0 : i32
        %dma_start3A_237 = tpu.memref_slice %arg7[%add3A_230, %dma_start3A_236] : memref<80x64xi32, #tpu.memory_space<vmem>> -> memref<1x64xi32, #tpu.memory_space<vmem>>
        %dma_start3A_238 = tpu.memref_squeeze %dma_start3A_237 : memref<1x64xi32, #tpu.memory_space<vmem>> -> memref<64xi32, #tpu.memory_space<vmem>>
        %dma_start3A_239 = arith.constant 0 : i32
        %dma_start3A_240 = arith.constant 0 : i32
        %dma_start3A_241 = tpu.memref_slice %arg2[%dma_start3A_239, %dma_start3A_240] : memref<10240x128xf32, #tpu.memory_space<hbm>> -> memref<10240x128xf32, #tpu.memory_space<hbm>>
        tpu.enqueue_indirect_dma source(%dma_start3A_241 : memref<10240x128xf32, #tpu.memory_space<hbm>>) target(%dma_start3A_235 : memref<64x128xf32, #tpu.memory_space<vmem>>) offsets(%dma_start3A_238 : memref<64xi32, #tpu.memory_space<vmem>>) semaphore(%arg12 : memref<!tpu.dma_semaphore, #tpu.memory_space<semaphore_mem>>)
      } else {
      }
      %dma_wait3A = arith.constant 0 : i32
      %dma_wait3A_195 = arith.constant 0 : i32
      %dma_wait3A_196 = arith.constant 0 : i32
      %dma_wait3A_197 = tpu.memref_slice %arg9[%dma_wait3A, %dma_wait3A_195, %dma_wait3A_196] : memref<2x64x128xf32, #tpu.memory_space<vmem>> -> memref<1x64x128xf32, #tpu.memory_space<vmem>>
      %dma_wait3A_198 = tpu.memref_squeeze %dma_wait3A_197 : memref<1x64x128xf32, #tpu.memory_space<vmem>> -> memref<64x128xf32, #tpu.memory_space<vmem>>
      %dma_wait3A_199 = arith.constant 0 : i32
      %dma_wait3A_200 = tpu.memref_slice %arg7[%add3A_190, %dma_wait3A_199] : memref<80x64xi32, #tpu.memory_space<vmem>> -> memref<1x64xi32, #tpu.memory_space<vmem>>
      %dma_wait3A_201 = tpu.memref_squeeze %dma_wait3A_200 : memref<1x64xi32, #tpu.memory_space<vmem>> -> memref<64xi32, #tpu.memory_space<vmem>>
      %dma_wait3A_202 = arith.constant 0 : i32
      %dma_wait3A_203 = arith.constant 0 : i32
      %dma_wait3A_204 = tpu.memref_slice %arg2[%dma_wait3A_202, %dma_wait3A_203] : memref<10240x128xf32, #tpu.memory_space<hbm>> -> memref<10240x128xf32, #tpu.memory_space<hbm>>
      tpu.wait_indirect_dma semaphore(%arg11 : memref<!tpu.dma_semaphore, #tpu.memory_space<semaphore_mem>>) src(%dma_wait3A_204 : memref<10240x128xf32, #tpu.memory_space<hbm>>) dst(%dma_wait3A_198 : memref<64x128xf32, #tpu.memory_space<vmem>>)
      %run_scoped3A_205 = arith.constant 0 : i32
      "tpu.region"() ({
        %run_scoped3A_229 = tpu.sem_alloc : memref<!tpu.dma_semaphore, #tpu.memory_space<semaphore_mem>>
        %dma_start3A_230 = arith.constant 0 : i32
        %dma_start3A_231 = arith.constant 0 : i32
        %dma_start3A_232 = tpu.memref_slice %arg9[%run_scoped3A_205, %dma_start3A_230, %dma_start3A_231] : memref<2x64x128xf32, #tpu.memory_space<vmem>> -> memref<1x64x128xf32, #tpu.memory_space<vmem>>
        %dma_start3A_233 = tpu.memref_squeeze %dma_start3A_232 : memref<1x64x128xf32, #tpu.memory_space<vmem>> -> memref<64x128xf32, #tpu.memory_space<vmem>>
        %dma_start3A_234 = arith.constant 0 : i32
        %dma_start3A_235 = tpu.memref_slice %arg8[%add3A_190, %dma_start3A_234] : memref<80x64xi32, #tpu.memory_space<vmem>> -> memref<1x64xi32, #tpu.memory_space<vmem>>
        %dma_start3A_236 = tpu.memref_squeeze %dma_start3A_235 : memref<1x64xi32, #tpu.memory_space<vmem>> -> memref<64xi32, #tpu.memory_space<vmem>>
        %dma_start3A_237 = arith.constant 0 : i32
        %dma_start3A_238 = arith.constant 0 : i32
        %dma_start3A_239 = tpu.memref_slice %arg10[%dma_start3A_237, %dma_start3A_238] : memref<10240x128xf32, #tpu.memory_space<vmem_shared>> -> memref<10240x128xf32, #tpu.memory_space<vmem_shared>>
        tpu.enqueue_indirect_dma source(%dma_start3A_233 : memref<64x128xf32, #tpu.memory_space<vmem>>) target(%dma_start3A_239 : memref<10240x128xf32, #tpu.memory_space<vmem_shared>>) offsets(%dma_start3A_236 : memref<64xi32, #tpu.memory_space<vmem>>) semaphore(%run_scoped3A_229 : memref<!tpu.dma_semaphore, #tpu.memory_space<semaphore_mem>>) {add = true}
        %dma_wait3A_240 = arith.constant 0 : i32
        %dma_wait3A_241 = arith.constant 0 : i32
        %dma_wait3A_242 = tpu.memref_slice %arg9[%run_scoped3A_205, %dma_wait3A_240, %dma_wait3A_241] : memref<2x64x128xf32, #tpu.memory_space<vmem>> -> memref<1x64x128xf32, #tpu.memory_space<vmem>>
        %dma_wait3A_243 = tpu.memref_squeeze %dma_wait3A_242 : memref<1x64x128xf32, #tpu.memory_space<vmem>> -> memref<64x128xf32, #tpu.memory_space<vmem>>
        %dma_wait3A_244 = arith.constant 0 : i32
        %dma_wait3A_245 = tpu.memref_slice %arg8[%add3A_190, %dma_wait3A_244] : memref<80x64xi32, #tpu.memory_space<vmem>> -> memref<1x64xi32, #tpu.memory_space<vmem>>
        %dma_wait3A_246 = tpu.memref_squeeze %dma_wait3A_245 : memref<1x64xi32, #tpu.memory_space<vmem>> -> memref<64xi32, #tpu.memory_space<vmem>>
        %dma_wait3A_247 = arith.constant 0 : i32
        %dma_wait3A_248 = arith.constant 0 : i32
        %dma_wait3A_249 = tpu.memref_slice %arg10[%dma_wait3A_247, %dma_wait3A_248] : memref<10240x128xf32, #tpu.memory_space<vmem_shared>> -> memref<10240x128xf32, #tpu.memory_space<vmem_shared>>
        tpu.wait_indirect_dma semaphore(%run_scoped3A_229 : memref<!tpu.dma_semaphore, #tpu.memory_space<semaphore_mem>>) src(%dma_wait3A_243 : memref<64x128xf32, #tpu.memory_space<vmem>>) dst(%dma_wait3A_249 : memref<10240x128xf32, #tpu.memory_space<vmem_shared>>)
        tpu.yield
      }) : () -> ()
      %mul3A_206 = arith.constant 2 : i32
      %mul3A_207 = arith.muli %scan3A_186, %mul3A_206 : i32
      %add3A_208 = arith.constant 1 : i32
      %add3A_209 = arith.addi %mul3A_207, %add3A_208 : i32
      %add3A_210 = arith.constant 1 : i32
      %add3A_211 = arith.addi %add3A_209, %add3A_210 : i32
      %lt3A_212 = arith.constant 80 : i32
      %lt3A_213 = arith.cmpi slt, %add3A_211, %lt3A_212 : i32
      %convert_element_type3A_214 = arith.extui %lt3A_213 : i1 to i32
      %cond3A_215 = arith.constant 0 : i32
      %cond3A_216 = arith.cmpi ne, %convert_element_type3A_214, %cond3A_215 : i32
      scf.if %cond3A_216 {
        %add3A_229 = arith.constant 1 : i32
        %add3A_230 = arith.addi %add3A_209, %add3A_229 : i32
        %dma_start3A_231 = arith.constant 0 : i32
        %dma_start3A_232 = arith.constant 0 : i32
        %dma_start3A_233 = arith.constant 0 : i32
        %dma_start3A_234 = tpu.memref_slice %arg9[%dma_start3A_231, %dma_start3A_232, %dma_start3A_233] : memref<2x64x128xf32, #tpu.memory_space<vmem>> -> memref<1x64x128xf32, #tpu.memory_space<vmem>>
        %dma_start3A_235 = tpu.memref_squeeze %dma_start3A_234 : memref<1x64x128xf32, #tpu.memory_space<vmem>> -> memref<64x128xf32, #tpu.memory_space<vmem>>
        %dma_start3A_236 = arith.constant 0 : i32
        %dma_start3A_237 = tpu.memref_slice %arg7[%add3A_230, %dma_start3A_236] : memref<80x64xi32, #tpu.memory_space<vmem>> -> memref<1x64xi32, #tpu.memory_space<vmem>>
        %dma_start3A_238 = tpu.memref_squeeze %dma_start3A_237 : memref<1x64xi32, #tpu.memory_space<vmem>> -> memref<64xi32, #tpu.memory_space<vmem>>
        %dma_start3A_239 = arith.constant 0 : i32
        %dma_start3A_240 = arith.constant 0 : i32
        %dma_start3A_241 = tpu.memref_slice %arg2[%dma_start3A_239, %dma_start3A_240] : memref<10240x128xf32, #tpu.memory_space<hbm>> -> memref<10240x128xf32, #tpu.memory_space<hbm>>
        tpu.enqueue_indirect_dma source(%dma_start3A_241 : memref<10240x128xf32, #tpu.memory_space<hbm>>) target(%dma_start3A_235 : memref<64x128xf32, #tpu.memory_space<vmem>>) offsets(%dma_start3A_238 : memref<64xi32, #tpu.memory_space<vmem>>) semaphore(%arg11 : memref<!tpu.dma_semaphore, #tpu.memory_space<semaphore_mem>>)
      } else {
      }
      %dma_wait3A_217 = arith.constant 1 : i32
      %dma_wait3A_218 = arith.constant 0 : i32
      %dma_wait3A_219 = arith.constant 0 : i32
      %dma_wait3A_220 = tpu.memref_slice %arg9[%dma_wait3A_217, %dma_wait3A_218, %dma_wait3A_219] : memref<2x64x128xf32, #tpu.memory_space<vmem>> -> memref<1x64x128xf32, #tpu.memory_space<vmem>>
      %dma_wait3A_221 = tpu.memref_squeeze %dma_wait3A_220 : memref<1x64x128xf32, #tpu.memory_space<vmem>> -> memref<64x128xf32, #tpu.memory_space<vmem>>
      %dma_wait3A_222 = arith.constant 0 : i32
      %dma_wait3A_223 = tpu.memref_slice %arg7[%add3A_209, %dma_wait3A_222] : memref<80x64xi32, #tpu.memory_space<vmem>> -> memref<1x64xi32, #tpu.memory_space<vmem>>
      %dma_wait3A_224 = tpu.memref_squeeze %dma_wait3A_223 : memref<1x64xi32, #tpu.memory_space<vmem>> -> memref<64xi32, #tpu.memory_space<vmem>>
      %dma_wait3A_225 = arith.constant 0 : i32
      %dma_wait3A_226 = arith.constant 0 : i32
      %dma_wait3A_227 = tpu.memref_slice %arg2[%dma_wait3A_225, %dma_wait3A_226] : memref<10240x128xf32, #tpu.memory_space<hbm>> -> memref<10240x128xf32, #tpu.memory_space<hbm>>
      tpu.wait_indirect_dma semaphore(%arg12 : memref<!tpu.dma_semaphore, #tpu.memory_space<semaphore_mem>>) src(%dma_wait3A_227 : memref<10240x128xf32, #tpu.memory_space<hbm>>) dst(%dma_wait3A_221 : memref<64x128xf32, #tpu.memory_space<vmem>>)
      %run_scoped3A_228 = arith.constant 1 : i32
      "tpu.region"() ({
        %run_scoped3A_229 = tpu.sem_alloc : memref<!tpu.dma_semaphore, #tpu.memory_space<semaphore_mem>>
        %dma_start3A_230 = arith.constant 0 : i32
        %dma_start3A_231 = arith.constant 0 : i32
        %dma_start3A_232 = tpu.memref_slice %arg9[%run_scoped3A_228, %dma_start3A_230, %dma_start3A_231] : memref<2x64x128xf32, #tpu.memory_space<vmem>> -> memref<1x64x128xf32, #tpu.memory_space<vmem>>
        %dma_start3A_233 = tpu.memref_squeeze %dma_start3A_232 : memref<1x64x128xf32, #tpu.memory_space<vmem>> -> memref<64x128xf32, #tpu.memory_space<vmem>>
        %dma_start3A_234 = arith.constant 0 : i32
        %dma_start3A_235 = tpu.memref_slice %arg8[%add3A_209, %dma_start3A_234] : memref<80x64xi32, #tpu.memory_space<vmem>> -> memref<1x64xi32, #tpu.memory_space<vmem>>
        %dma_start3A_236 = tpu.memref_squeeze %dma_start3A_235 : memref<1x64xi32, #tpu.memory_space<vmem>> -> memref<64xi32, #tpu.memory_space<vmem>>
        %dma_start3A_237 = arith.constant 0 : i32
        %dma_start3A_238 = arith.constant 0 : i32
        %dma_start3A_239 = tpu.memref_slice %arg10[%dma_start3A_237, %dma_start3A_238] : memref<10240x128xf32, #tpu.memory_space<vmem_shared>> -> memref<10240x128xf32, #tpu.memory_space<vmem_shared>>
        tpu.enqueue_indirect_dma source(%dma_start3A_233 : memref<64x128xf32, #tpu.memory_space<vmem>>) target(%dma_start3A_239 : memref<10240x128xf32, #tpu.memory_space<vmem_shared>>) offsets(%dma_start3A_236 : memref<64xi32, #tpu.memory_space<vmem>>) semaphore(%run_scoped3A_229 : memref<!tpu.dma_semaphore, #tpu.memory_space<semaphore_mem>>) {add = true}
        %dma_wait3A_240 = arith.constant 0 : i32
        %dma_wait3A_241 = arith.constant 0 : i32
        %dma_wait3A_242 = tpu.memref_slice %arg9[%run_scoped3A_228, %dma_wait3A_240, %dma_wait3A_241] : memref<2x64x128xf32, #tpu.memory_space<vmem>> -> memref<1x64x128xf32, #tpu.memory_space<vmem>>
        %dma_wait3A_243 = tpu.memref_squeeze %dma_wait3A_242 : memref<1x64x128xf32, #tpu.memory_space<vmem>> -> memref<64x128xf32, #tpu.memory_space<vmem>>
        %dma_wait3A_244 = arith.constant 0 : i32
        %dma_wait3A_245 = tpu.memref_slice %arg8[%add3A_209, %dma_wait3A_244] : memref<80x64xi32, #tpu.memory_space<vmem>> -> memref<1x64xi32, #tpu.memory_space<vmem>>
        %dma_wait3A_246 = tpu.memref_squeeze %dma_wait3A_245 : memref<1x64xi32, #tpu.memory_space<vmem>> -> memref<64xi32, #tpu.memory_space<vmem>>
        %dma_wait3A_247 = arith.constant 0 : i32
        %dma_wait3A_248 = arith.constant 0 : i32
        %dma_wait3A_249 = tpu.memref_slice %arg10[%dma_wait3A_247, %dma_wait3A_248] : memref<10240x128xf32, #tpu.memory_space<vmem_shared>> -> memref<10240x128xf32, #tpu.memory_space<vmem_shared>>
        tpu.wait_indirect_dma semaphore(%run_scoped3A_229 : memref<!tpu.dma_semaphore, #tpu.memory_space<semaphore_mem>>) src(%dma_wait3A_243 : memref<64x128xf32, #tpu.memory_space<vmem>>) dst(%dma_wait3A_249 : memref<10240x128xf32, #tpu.memory_space<vmem_shared>>)
        tpu.yield
      }) : () -> ()
    }
    %scan3A_66 = arith.constant 40 : i32
    "tpu.region"() ({
      %run_scoped3A_186 = tpu.sem_alloc : memref<!tpu.dma_semaphore, #tpu.memory_space<semaphore_mem>>
      %dma_start3A_187 = arith.constant 80 : i32
      %dma_start3A_188 = arith.constant 0 : i32
      %dma_start3A_189 = tpu.memref_slice %arg3[%add3A, %dma_start3A_187, %dma_start3A_188] : memref<32x160x64xi32, #tpu.memory_space<hbm>> -> memref<1x80x64xi32, #tpu.memory_space<hbm>>
      %dma_start3A_190 = tpu.memref_squeeze %dma_start3A_189 : memref<1x80x64xi32, #tpu.memory_space<hbm>> -> memref<80x64xi32, #tpu.memory_space<hbm>>
      %dma_start3A_191 = arith.constant 80 : i32
      %dma_start3A_192 = arith.constant 0 : i32
      %dma_start3A_193 = tpu.memref_slice %arg3[%add3A, %dma_start3A_191, %dma_start3A_192] : memref<32x160x64xi32, #tpu.memory_space<hbm>> -> memref<1x80x64xi32, #tpu.memory_space<hbm>>
      %dma_start3A_194 = tpu.memref_squeeze %dma_start3A_193 : memref<1x80x64xi32, #tpu.memory_space<hbm>> -> memref<80x64xi32, #tpu.memory_space<hbm>>
      tpu.enqueue_dma source(%dma_start3A_194 : memref<80x64xi32, #tpu.memory_space<hbm>>) target(%arg7 : memref<80x64xi32, #tpu.memory_space<vmem>>) target_semaphore(%run_scoped3A_186 : memref<!tpu.dma_semaphore, #tpu.memory_space<semaphore_mem>>)
      %dma_wait3A = arith.constant 80 : i32
      %dma_wait3A_195 = arith.constant 0 : i32
      %dma_wait3A_196 = tpu.memref_slice %arg3[%add3A, %dma_wait3A, %dma_wait3A_195] : memref<32x160x64xi32, #tpu.memory_space<hbm>> -> memref<1x80x64xi32, #tpu.memory_space<hbm>>
      %dma_wait3A_197 = tpu.memref_squeeze %dma_wait3A_196 : memref<1x80x64xi32, #tpu.memory_space<hbm>> -> memref<80x64xi32, #tpu.memory_space<hbm>>
      %dma_wait3A_198 = arith.constant 80 : i32
      %dma_wait3A_199 = arith.constant 0 : i32
      %dma_wait3A_200 = tpu.memref_slice %arg3[%add3A, %dma_wait3A_198, %dma_wait3A_199] : memref<32x160x64xi32, #tpu.memory_space<hbm>> -> memref<1x80x64xi32, #tpu.memory_space<hbm>>
      %dma_wait3A_201 = tpu.memref_squeeze %dma_wait3A_200 : memref<1x80x64xi32, #tpu.memory_space<hbm>> -> memref<80x64xi32, #tpu.memory_space<hbm>>
      tpu.wait_dma2 semaphore(%run_scoped3A_186 : memref<!tpu.dma_semaphore, #tpu.memory_space<semaphore_mem>>) src(%dma_wait3A_201 : memref<80x64xi32, #tpu.memory_space<hbm>>) dst(%arg7 : memref<80x64xi32, #tpu.memory_space<vmem>>)
      tpu.yield
    }) : () -> ()
    "tpu.region"() ({
      %run_scoped3A_186 = tpu.sem_alloc : memref<!tpu.dma_semaphore, #tpu.memory_space<semaphore_mem>>
      %dma_start3A_187 = arith.constant 80 : i32
      %dma_start3A_188 = arith.constant 0 : i32
      %dma_start3A_189 = tpu.memref_slice %arg4[%add3A, %dma_start3A_187, %dma_start3A_188] : memref<32x160x64xi32, #tpu.memory_space<hbm>> -> memref<1x80x64xi32, #tpu.memory_space<hbm>>
      %dma_start3A_190 = tpu.memref_squeeze %dma_start3A_189 : memref<1x80x64xi32, #tpu.memory_space<hbm>> -> memref<80x64xi32, #tpu.memory_space<hbm>>
      %dma_start3A_191 = arith.constant 80 : i32
      %dma_start3A_192 = arith.constant 0 : i32
      %dma_start3A_193 = tpu.memref_slice %arg4[%add3A, %dma_start3A_191, %dma_start3A_192] : memref<32x160x64xi32, #tpu.memory_space<hbm>> -> memref<1x80x64xi32, #tpu.memory_space<hbm>>
      %dma_start3A_194 = tpu.memref_squeeze %dma_start3A_193 : memref<1x80x64xi32, #tpu.memory_space<hbm>> -> memref<80x64xi32, #tpu.memory_space<hbm>>
      tpu.enqueue_dma source(%dma_start3A_194 : memref<80x64xi32, #tpu.memory_space<hbm>>) target(%arg8 : memref<80x64xi32, #tpu.memory_space<vmem>>) target_semaphore(%run_scoped3A_186 : memref<!tpu.dma_semaphore, #tpu.memory_space<semaphore_mem>>)
      %dma_wait3A = arith.constant 80 : i32
      %dma_wait3A_195 = arith.constant 0 : i32
      %dma_wait3A_196 = tpu.memref_slice %arg4[%add3A, %dma_wait3A, %dma_wait3A_195] : memref<32x160x64xi32, #tpu.memory_space<hbm>> -> memref<1x80x64xi32, #tpu.memory_space<hbm>>
      %dma_wait3A_197 = tpu.memref_squeeze %dma_wait3A_196 : memref<1x80x64xi32, #tpu.memory_space<hbm>> -> memref<80x64xi32, #tpu.memory_space<hbm>>
      %dma_wait3A_198 = arith.constant 80 : i32
      %dma_wait3A_199 = arith.constant 0 : i32
      %dma_wait3A_200 = tpu.memref_slice %arg4[%add3A, %dma_wait3A_198, %dma_wait3A_199] : memref<32x160x64xi32, #tpu.memory_space<hbm>> -> memref<1x80x64xi32, #tpu.memory_space<hbm>>
      %dma_wait3A_201 = tpu.memref_squeeze %dma_wait3A_200 : memref<1x80x64xi32, #tpu.memory_space<hbm>> -> memref<80x64xi32, #tpu.memory_space<hbm>>
      tpu.wait_dma2 semaphore(%run_scoped3A_186 : memref<!tpu.dma_semaphore, #tpu.memory_space<semaphore_mem>>) src(%dma_wait3A_201 : memref<80x64xi32, #tpu.memory_space<hbm>>) dst(%arg8 : memref<80x64xi32, #tpu.memory_space<vmem>>)
      tpu.yield
    }) : () -> ()
    %dma_start3A_67 = arith.constant 0 : i32
    %dma_start3A_68 = arith.constant 0 : i32
    %dma_start3A_69 = arith.constant 0 : i32
    %dma_start3A_70 = arith.constant 0 : i32
    %dma_start3A_71 = tpu.memref_slice %arg9[%dma_start3A_68, %dma_start3A_69, %dma_start3A_70] : memref<2x64x128xf32, #tpu.memory_space<vmem>> -> memref<1x64x128xf32, #tpu.memory_space<vmem>>
    %dma_start3A_72 = tpu.memref_squeeze %dma_start3A_71 : memref<1x64x128xf32, #tpu.memory_space<vmem>> -> memref<64x128xf32, #tpu.memory_space<vmem>>
    %dma_start3A_73 = arith.constant 0 : i32
    %dma_start3A_74 = tpu.memref_slice %arg7[%dma_start3A_67, %dma_start3A_73] : memref<80x64xi32, #tpu.memory_space<vmem>> -> memref<1x64xi32, #tpu.memory_space<vmem>>
    %dma_start3A_75 = tpu.memref_squeeze %dma_start3A_74 : memref<1x64xi32, #tpu.memory_space<vmem>> -> memref<64xi32, #tpu.memory_space<vmem>>
    %dma_start3A_76 = arith.constant 0 : i32
    %dma_start3A_77 = arith.constant 0 : i32
    %dma_start3A_78 = tpu.memref_slice %arg2[%dma_start3A_76, %dma_start3A_77] : memref<10240x128xf32, #tpu.memory_space<hbm>> -> memref<10240x128xf32, #tpu.memory_space<hbm>>
    tpu.enqueue_indirect_dma source(%dma_start3A_78 : memref<10240x128xf32, #tpu.memory_space<hbm>>) target(%dma_start3A_72 : memref<64x128xf32, #tpu.memory_space<vmem>>) offsets(%dma_start3A_75 : memref<64xi32, #tpu.memory_space<vmem>>) semaphore(%arg11 : memref<!tpu.dma_semaphore, #tpu.memory_space<semaphore_mem>>)
    %scan3A_79 = arith.constant 0 : i32
    %scan3A_80 = arith.constant 0 : i32
    %scan3A_81 = arith.constant 40 : i32
    %scan3A_82 = arith.addi %scan3A_80, %scan3A_81 : i32
    %scan3A_83 = arith.constant 1 : i32
    scf.for %scan3A_186 = %scan3A_80 to %scan3A_82 step %scan3A_83  : i32 {
      %mul3A_187 = arith.constant 2 : i32
      %mul3A_188 = arith.muli %scan3A_186, %mul3A_187 : i32
      %add3A_189 = arith.constant 0 : i32
      %add3A_190 = arith.addi %mul3A_188, %add3A_189 : i32
      %add3A_191 = arith.constant 1 : i32
      %add3A_192 = arith.addi %add3A_190, %add3A_191 : i32
      %lt3A = arith.constant 80 : i32
      %lt3A_193 = arith.cmpi slt, %add3A_192, %lt3A : i32
      %convert_element_type3A = arith.extui %lt3A_193 : i1 to i32
      %cond3A = arith.constant 0 : i32
      %cond3A_194 = arith.cmpi ne, %convert_element_type3A, %cond3A : i32
      scf.if %cond3A_194 {
        %add3A_229 = arith.constant 1 : i32
        %add3A_230 = arith.addi %add3A_190, %add3A_229 : i32
        %dma_start3A_231 = arith.constant 1 : i32
        %dma_start3A_232 = arith.constant 0 : i32
        %dma_start3A_233 = arith.constant 0 : i32
        %dma_start3A_234 = tpu.memref_slice %arg9[%dma_start3A_231, %dma_start3A_232, %dma_start3A_233] : memref<2x64x128xf32, #tpu.memory_space<vmem>> -> memref<1x64x128xf32, #tpu.memory_space<vmem>>
        %dma_start3A_235 = tpu.memref_squeeze %dma_start3A_234 : memref<1x64x128xf32, #tpu.memory_space<vmem>> -> memref<64x128xf32, #tpu.memory_space<vmem>>
        %dma_start3A_236 = arith.constant 0 : i32
        %dma_start3A_237 = tpu.memref_slice %arg7[%add3A_230, %dma_start3A_236] : memref<80x64xi32, #tpu.memory_space<vmem>> -> memref<1x64xi32, #tpu.memory_space<vmem>>
        %dma_start3A_238 = tpu.memref_squeeze %dma_start3A_237 : memref<1x64xi32, #tpu.memory_space<vmem>> -> memref<64xi32, #tpu.memory_space<vmem>>
        %dma_start3A_239 = arith.constant 0 : i32
        %dma_start3A_240 = arith.constant 0 : i32
        %dma_start3A_241 = tpu.memref_slice %arg2[%dma_start3A_239, %dma_start3A_240] : memref<10240x128xf32, #tpu.memory_space<hbm>> -> memref<10240x128xf32, #tpu.memory_space<hbm>>
        tpu.enqueue_indirect_dma source(%dma_start3A_241 : memref<10240x128xf32, #tpu.memory_space<hbm>>) target(%dma_start3A_235 : memref<64x128xf32, #tpu.memory_space<vmem>>) offsets(%dma_start3A_238 : memref<64xi32, #tpu.memory_space<vmem>>) semaphore(%arg12 : memref<!tpu.dma_semaphore, #tpu.memory_space<semaphore_mem>>)
      } else {
      }
      %dma_wait3A = arith.constant 0 : i32
      %dma_wait3A_195 = arith.constant 0 : i32
      %dma_wait3A_196 = arith.constant 0 : i32
      %dma_wait3A_197 = tpu.memref_slice %arg9[%dma_wait3A, %dma_wait3A_195, %dma_wait3A_196] : memref<2x64x128xf32, #tpu.memory_space<vmem>> -> memref<1x64x128xf32, #tpu.memory_space<vmem>>
      %dma_wait3A_198 = tpu.memref_squeeze %dma_wait3A_197 : memref<1x64x128xf32, #tpu.memory_space<vmem>> -> memref<64x128xf32, #tpu.memory_space<vmem>>
      %dma_wait3A_199 = arith.constant 0 : i32
      %dma_wait3A_200 = tpu.memref_slice %arg7[%add3A_190, %dma_wait3A_199] : memref<80x64xi32, #tpu.memory_space<vmem>> -> memref<1x64xi32, #tpu.memory_space<vmem>>
      %dma_wait3A_201 = tpu.memref_squeeze %dma_wait3A_200 : memref<1x64xi32, #tpu.memory_space<vmem>> -> memref<64xi32, #tpu.memory_space<vmem>>
      %dma_wait3A_202 = arith.constant 0 : i32
      %dma_wait3A_203 = arith.constant 0 : i32
      %dma_wait3A_204 = tpu.memref_slice %arg2[%dma_wait3A_202, %dma_wait3A_203] : memref<10240x128xf32, #tpu.memory_space<hbm>> -> memref<10240x128xf32, #tpu.memory_space<hbm>>
      tpu.wait_indirect_dma semaphore(%arg11 : memref<!tpu.dma_semaphore, #tpu.memory_space<semaphore_mem>>) src(%dma_wait3A_204 : memref<10240x128xf32, #tpu.memory_space<hbm>>) dst(%dma_wait3A_198 : memref<64x128xf32, #tpu.memory_space<vmem>>)
      %run_scoped3A_205 = arith.constant 0 : i32
      "tpu.region"() ({
        %run_scoped3A_229 = tpu.sem_alloc : memref<!tpu.dma_semaphore, #tpu.memory_space<semaphore_mem>>
        %dma_start3A_230 = arith.constant 0 : i32
        %dma_start3A_231 = arith.constant 0 : i32
        %dma_start3A_232 = tpu.memref_slice %arg9[%run_scoped3A_205, %dma_start3A_230, %dma_start3A_231] : memref<2x64x128xf32, #tpu.memory_space<vmem>> -> memref<1x64x128xf32, #tpu.memory_space<vmem>>
        %dma_start3A_233 = tpu.memref_squeeze %dma_start3A_232 : memref<1x64x128xf32, #tpu.memory_space<vmem>> -> memref<64x128xf32, #tpu.memory_space<vmem>>
        %dma_start3A_234 = arith.constant 0 : i32
        %dma_start3A_235 = tpu.memref_slice %arg8[%add3A_190, %dma_start3A_234] : memref<80x64xi32, #tpu.memory_space<vmem>> -> memref<1x64xi32, #tpu.memory_space<vmem>>
        %dma_start3A_236 = tpu.memref_squeeze %dma_start3A_235 : memref<1x64xi32, #tpu.memory_space<vmem>> -> memref<64xi32, #tpu.memory_space<vmem>>
        %dma_start3A_237 = arith.constant 0 : i32
        %dma_start3A_238 = arith.constant 0 : i32
        %dma_start3A_239 = tpu.memref_slice %arg10[%dma_start3A_237, %dma_start3A_238] : memref<10240x128xf32, #tpu.memory_space<vmem_shared>> -> memref<10240x128xf32, #tpu.memory_space<vmem_shared>>
        tpu.enqueue_indirect_dma source(%dma_start3A_233 : memref<64x128xf32, #tpu.memory_space<vmem>>) target(%dma_start3A_239 : memref<10240x128xf32, #tpu.memory_space<vmem_shared>>) offsets(%dma_start3A_236 : memref<64xi32, #tpu.memory_space<vmem>>) semaphore(%run_scoped3A_229 : memref<!tpu.dma_semaphore, #tpu.memory_space<semaphore_mem>>) {add = true}
        %dma_wait3A_240 = arith.constant 0 : i32
        %dma_wait3A_241 = arith.constant 0 : i32
        %dma_wait3A_242 = tpu.memref_slice %arg9[%run_scoped3A_205, %dma_wait3A_240, %dma_wait3A_241] : memref<2x64x128xf32, #tpu.memory_space<vmem>> -> memref<1x64x128xf32, #tpu.memory_space<vmem>>
        %dma_wait3A_243 = tpu.memref_squeeze %dma_wait3A_242 : memref<1x64x128xf32, #tpu.memory_space<vmem>> -> memref<64x128xf32, #tpu.memory_space<vmem>>
        %dma_wait3A_244 = arith.constant 0 : i32
        %dma_wait3A_245 = tpu.memref_slice %arg8[%add3A_190, %dma_wait3A_244] : memref<80x64xi32, #tpu.memory_space<vmem>> -> memref<1x64xi32, #tpu.memory_space<vmem>>
        %dma_wait3A_246 = tpu.memref_squeeze %dma_wait3A_245 : memref<1x64xi32, #tpu.memory_space<vmem>> -> memref<64xi32, #tpu.memory_space<vmem>>
        %dma_wait3A_247 = arith.constant 0 : i32
        %dma_wait3A_248 = arith.constant 0 : i32
        %dma_wait3A_249 = tpu.memref_slice %arg10[%dma_wait3A_247, %dma_wait3A_248] : memref<10240x128xf32, #tpu.memory_space<vmem_shared>> -> memref<10240x128xf32, #tpu.memory_space<vmem_shared>>
        tpu.wait_indirect_dma semaphore(%run_scoped3A_229 : memref<!tpu.dma_semaphore, #tpu.memory_space<semaphore_mem>>) src(%dma_wait3A_243 : memref<64x128xf32, #tpu.memory_space<vmem>>) dst(%dma_wait3A_249 : memref<10240x128xf32, #tpu.memory_space<vmem_shared>>)
        tpu.yield
      }) : () -> ()
      %mul3A_206 = arith.constant 2 : i32
      %mul3A_207 = arith.muli %scan3A_186, %mul3A_206 : i32
      %add3A_208 = arith.constant 1 : i32
      %add3A_209 = arith.addi %mul3A_207, %add3A_208 : i32
      %add3A_210 = arith.constant 1 : i32
      %add3A_211 = arith.addi %add3A_209, %add3A_210 : i32
      %lt3A_212 = arith.constant 80 : i32
      %lt3A_213 = arith.cmpi slt, %add3A_211, %lt3A_212 : i32
      %convert_element_type3A_214 = arith.extui %lt3A_213 : i1 to i32
      %cond3A_215 = arith.constant 0 : i32
      %cond3A_216 = arith.cmpi ne, %convert_element_type3A_214, %cond3A_215 : i32
      scf.if %cond3A_216 {
        %add3A_229 = arith.constant 1 : i32
        %add3A_230 = arith.addi %add3A_209, %add3A_229 : i32
        %dma_start3A_231 = arith.constant 0 : i32
        %dma_start3A_232 = arith.constant 0 : i32
        %dma_start3A_233 = arith.constant 0 : i32
        %dma_start3A_234 = tpu.memref_slice %arg9[%dma_start3A_231, %dma_start3A_232, %dma_start3A_233] : memref<2x64x128xf32, #tpu.memory_space<vmem>> -> memref<1x64x128xf32, #tpu.memory_space<vmem>>
        %dma_start3A_235 = tpu.memref_squeeze %dma_start3A_234 : memref<1x64x128xf32, #tpu.memory_space<vmem>> -> memref<64x128xf32, #tpu.memory_space<vmem>>
        %dma_start3A_236 = arith.constant 0 : i32
        %dma_start3A_237 = tpu.memref_slice %arg7[%add3A_230, %dma_start3A_236] : memref<80x64xi32, #tpu.memory_space<vmem>> -> memref<1x64xi32, #tpu.memory_space<vmem>>
        %dma_start3A_238 = tpu.memref_squeeze %dma_start3A_237 : memref<1x64xi32, #tpu.memory_space<vmem>> -> memref<64xi32, #tpu.memory_space<vmem>>
        %dma_start3A_239 = arith.constant 0 : i32
        %dma_start3A_240 = arith.constant 0 : i32
        %dma_start3A_241 = tpu.memref_slice %arg2[%dma_start3A_239, %dma_start3A_240] : memref<10240x128xf32, #tpu.memory_space<hbm>> -> memref<10240x128xf32, #tpu.memory_space<hbm>>
        tpu.enqueue_indirect_dma source(%dma_start3A_241 : memref<10240x128xf32, #tpu.memory_space<hbm>>) target(%dma_start3A_235 : memref<64x128xf32, #tpu.memory_space<vmem>>) offsets(%dma_start3A_238 : memref<64xi32, #tpu.memory_space<vmem>>) semaphore(%arg11 : memref<!tpu.dma_semaphore, #tpu.memory_space<semaphore_mem>>)
      } else {
      }
      %dma_wait3A_217 = arith.constant 1 : i32
      %dma_wait3A_218 = arith.constant 0 : i32
      %dma_wait3A_219 = arith.constant 0 : i32
      %dma_wait3A_220 = tpu.memref_slice %arg9[%dma_wait3A_217, %dma_wait3A_218, %dma_wait3A_219] : memref<2x64x128xf32, #tpu.memory_space<vmem>> -> memref<1x64x128xf32, #tpu.memory_space<vmem>>
      %dma_wait3A_221 = tpu.memref_squeeze %dma_wait3A_220 : memref<1x64x128xf32, #tpu.memory_space<vmem>> -> memref<64x128xf32, #tpu.memory_space<vmem>>
      %dma_wait3A_222 = arith.constant 0 : i32
      %dma_wait3A_223 = tpu.memref_slice %arg7[%add3A_209, %dma_wait3A_222] : memref<80x64xi32, #tpu.memory_space<vmem>> -> memref<1x64xi32, #tpu.memory_space<vmem>>
      %dma_wait3A_224 = tpu.memref_squeeze %dma_wait3A_223 : memref<1x64xi32, #tpu.memory_space<vmem>> -> memref<64xi32, #tpu.memory_space<vmem>>
      %dma_wait3A_225 = arith.constant 0 : i32
      %dma_wait3A_226 = arith.constant 0 : i32
      %dma_wait3A_227 = tpu.memref_slice %arg2[%dma_wait3A_225, %dma_wait3A_226] : memref<10240x128xf32, #tpu.memory_space<hbm>> -> memref<10240x128xf32, #tpu.memory_space<hbm>>
      tpu.wait_indirect_dma semaphore(%arg12 : memref<!tpu.dma_semaphore, #tpu.memory_space<semaphore_mem>>) src(%dma_wait3A_227 : memref<10240x128xf32, #tpu.memory_space<hbm>>) dst(%dma_wait3A_221 : memref<64x128xf32, #tpu.memory_space<vmem>>)
      %run_scoped3A_228 = arith.constant 1 : i32
      "tpu.region"() ({
        %run_scoped3A_229 = tpu.sem_alloc : memref<!tpu.dma_semaphore, #tpu.memory_space<semaphore_mem>>
        %dma_start3A_230 = arith.constant 0 : i32
        %dma_start3A_231 = arith.constant 0 : i32
        %dma_start3A_232 = tpu.memref_slice %arg9[%run_scoped3A_228, %dma_start3A_230, %dma_start3A_231] : memref<2x64x128xf32, #tpu.memory_space<vmem>> -> memref<1x64x128xf32, #tpu.memory_space<vmem>>
        %dma_start3A_233 = tpu.memref_squeeze %dma_start3A_232 : memref<1x64x128xf32, #tpu.memory_space<vmem>> -> memref<64x128xf32, #tpu.memory_space<vmem>>
        %dma_start3A_234 = arith.constant 0 : i32
        %dma_start3A_235 = tpu.memref_slice %arg8[%add3A_209, %dma_start3A_234] : memref<80x64xi32, #tpu.memory_space<vmem>> -> memref<1x64xi32, #tpu.memory_space<vmem>>
        %dma_start3A_236 = tpu.memref_squeeze %dma_start3A_235 : memref<1x64xi32, #tpu.memory_space<vmem>> -> memref<64xi32, #tpu.memory_space<vmem>>
        %dma_start3A_237 = arith.constant 0 : i32
        %dma_start3A_238 = arith.constant 0 : i32
        %dma_start3A_239 = tpu.memref_slice %arg10[%dma_start3A_237, %dma_start3A_238] : memref<10240x128xf32, #tpu.memory_space<vmem_shared>> -> memref<10240x128xf32, #tpu.memory_space<vmem_shared>>
        tpu.enqueue_indirect_dma source(%dma_start3A_233 : memref<64x128xf32, #tpu.memory_space<vmem>>) target(%dma_start3A_239 : memref<10240x128xf32, #tpu.memory_space<vmem_shared>>) offsets(%dma_start3A_236 : memref<64xi32, #tpu.memory_space<vmem>>) semaphore(%run_scoped3A_229 : memref<!tpu.dma_semaphore, #tpu.memory_space<semaphore_mem>>) {add = true}
        %dma_wait3A_240 = arith.constant 0 : i32
        %dma_wait3A_241 = arith.constant 0 : i32
        %dma_wait3A_242 = tpu.memref_slice %arg9[%run_scoped3A_228, %dma_wait3A_240, %dma_wait3A_241] : memref<2x64x128xf32, #tpu.memory_space<vmem>> -> memref<1x64x128xf32, #tpu.memory_space<vmem>>
        %dma_wait3A_243 = tpu.memref_squeeze %dma_wait3A_242 : memref<1x64x128xf32, #tpu.memory_space<vmem>> -> memref<64x128xf32, #tpu.memory_space<vmem>>
        %dma_wait3A_244 = arith.constant 0 : i32
        %dma_wait3A_245 = tpu.memref_slice %arg8[%add3A_209, %dma_wait3A_244] : memref<80x64xi32, #tpu.memory_space<vmem>> -> memref<1x64xi32, #tpu.memory_space<vmem>>
        %dma_wait3A_246 = tpu.memref_squeeze %dma_wait3A_245 : memref<1x64xi32, #tpu.memory_space<vmem>> -> memref<64xi32, #tpu.memory_space<vmem>>
        %dma_wait3A_247 = arith.constant 0 : i32
        %dma_wait3A_248 = arith.constant 0 : i32
        %dma_wait3A_249 = tpu.memref_slice %arg10[%dma_wait3A_247, %dma_wait3A_248] : memref<10240x128xf32, #tpu.memory_space<vmem_shared>> -> memref<10240x128xf32, #tpu.memory_space<vmem_shared>>
        tpu.wait_indirect_dma semaphore(%run_scoped3A_229 : memref<!tpu.dma_semaphore, #tpu.memory_space<semaphore_mem>>) src(%dma_wait3A_243 : memref<64x128xf32, #tpu.memory_space<vmem>>) dst(%dma_wait3A_249 : memref<10240x128xf32, #tpu.memory_space<vmem_shared>>)
        tpu.yield
      }) : () -> ()
    }
    %scan3A_84 = arith.constant 40 : i32
    %barrier3A_85 = arith.constant 0 : index
    tpu.barrier barrier_id(%barrier3A_85)
    %mul3A_86 = arith.constant 640 : i32
    %mul3A_87 = arith.muli %arg1, %mul3A_86 : i32
    %add3A_88 = arith.constant 0 : i32
    %add3A_89 = arith.addi %mul3A_87, %add3A_88 : i32
    %run_scoped3A_90 = arith.constant 0 : i32
    "tpu.region"() ({
      %run_scoped3A_186 = tpu.sem_alloc : memref<!tpu.dma_semaphore, #tpu.memory_space<semaphore_mem>>
      %dma_start3A_187 = arith.constant 0 : i32
      %dma_start3A_188 = arith.constant 0 : i32
      %dma_start3A_189 = tpu.memref_slice %arg9[%run_scoped3A_90, %dma_start3A_187, %dma_start3A_188] : memref<2x64x128xf32, #tpu.memory_space<vmem>> -> memref<1x64x128xf32, #tpu.memory_space<vmem>>
      %dma_start3A_190 = tpu.memref_squeeze %dma_start3A_189 : memref<1x64x128xf32, #tpu.memory_space<vmem>> -> memref<64x128xf32, #tpu.memory_space<vmem>>
      %dma_start3A_191 = arith.constant 0 : i32
      %dma_start3A_192 = tpu.memref_slice %arg10[%add3A_89, %dma_start3A_191] : memref<10240x128xf32, #tpu.memory_space<vmem_shared>> -> memref<64x128xf32, #tpu.memory_space<vmem_shared>>
      %dma_start3A_193 = arith.constant 0 : i32
      %dma_start3A_194 = arith.constant 0 : i32
      %dma_start3A_195 = tpu.memref_slice %arg9[%run_scoped3A_90, %dma_start3A_193, %dma_start3A_194] : memref<2x64x128xf32, #tpu.memory_space<vmem>> -> memref<1x64x128xf32, #tpu.memory_space<vmem>>
      %dma_start3A_196 = tpu.memref_squeeze %dma_start3A_195 : memref<1x64x128xf32, #tpu.memory_space<vmem>> -> memref<64x128xf32, #tpu.memory_space<vmem>>
      %dma_start3A_197 = arith.constant 0 : i32
      %dma_start3A_198 = tpu.memref_slice %arg10[%add3A_89, %dma_start3A_197] : memref<10240x128xf32, #tpu.memory_space<vmem_shared>> -> memref<64x128xf32, #tpu.memory_space<vmem_shared>>
      tpu.enqueue_dma source(%dma_start3A_198 : memref<64x128xf32, #tpu.memory_space<vmem_shared>>) target(%dma_start3A_196 : memref<64x128xf32, #tpu.memory_space<vmem>>) target_semaphore(%run_scoped3A_186 : memref<!tpu.dma_semaphore, #tpu.memory_space<semaphore_mem>>)
      %dma_wait3A = arith.constant 0 : i32
      %dma_wait3A_199 = arith.constant 0 : i32
      %dma_wait3A_200 = tpu.memref_slice %arg9[%run_scoped3A_90, %dma_wait3A, %dma_wait3A_199] : memref<2x64x128xf32, #tpu.memory_space<vmem>> -> memref<1x64x128xf32, #tpu.memory_space<vmem>>
      %dma_wait3A_201 = tpu.memref_squeeze %dma_wait3A_200 : memref<1x64x128xf32, #tpu.memory_space<vmem>> -> memref<64x128xf32, #tpu.memory_space<vmem>>
      %dma_wait3A_202 = arith.constant 0 : i32
      %dma_wait3A_203 = tpu.memref_slice %arg10[%add3A_89, %dma_wait3A_202] : memref<10240x128xf32, #tpu.memory_space<vmem_shared>> -> memref<64x128xf32, #tpu.memory_space<vmem_shared>>
      %dma_wait3A_204 = arith.constant 0 : i32
      %dma_wait3A_205 = arith.constant 0 : i32
      %dma_wait3A_206 = tpu.memref_slice %arg9[%run_scoped3A_90, %dma_wait3A_204, %dma_wait3A_205] : memref<2x64x128xf32, #tpu.memory_space<vmem>> -> memref<1x64x128xf32, #tpu.memory_space<vmem>>
      %dma_wait3A_207 = tpu.memref_squeeze %dma_wait3A_206 : memref<1x64x128xf32, #tpu.memory_space<vmem>> -> memref<64x128xf32, #tpu.memory_space<vmem>>
      %dma_wait3A_208 = arith.constant 0 : i32
      %dma_wait3A_209 = tpu.memref_slice %arg10[%add3A_89, %dma_wait3A_208] : memref<10240x128xf32, #tpu.memory_space<vmem_shared>> -> memref<64x128xf32, #tpu.memory_space<vmem_shared>>
      tpu.wait_dma2 semaphore(%run_scoped3A_186 : memref<!tpu.dma_semaphore, #tpu.memory_space<semaphore_mem>>) src(%dma_wait3A_209 : memref<64x128xf32, #tpu.memory_space<vmem_shared>>) dst(%dma_wait3A_207 : memref<64x128xf32, #tpu.memory_space<vmem>>)
      tpu.yield
    }) : () -> ()
    %mul3A_91 = arith.constant 640 : i32
    %mul3A_92 = arith.muli %arg1, %mul3A_91 : i32
    %add3A_93 = arith.constant 0 : i32
    %add3A_94 = arith.addi %mul3A_92, %add3A_93 : i32
    %run_scoped3A_95 = arith.constant 0 : i32
    "tpu.region"() ({
      %run_scoped3A_186 = tpu.sem_alloc : memref<!tpu.dma_semaphore, #tpu.memory_space<semaphore_mem>>
      %dma_start3A_187 = arith.constant 0 : i32
      %dma_start3A_188 = arith.constant 0 : i32
      %dma_start3A_189 = tpu.memref_slice %arg9[%run_scoped3A_95, %dma_start3A_187, %dma_start3A_188] : memref<2x64x128xf32, #tpu.memory_space<vmem>> -> memref<1x64x128xf32, #tpu.memory_space<vmem>>
      %dma_start3A_190 = tpu.memref_squeeze %dma_start3A_189 : memref<1x64x128xf32, #tpu.memory_space<vmem>> -> memref<64x128xf32, #tpu.memory_space<vmem>>
      %dma_start3A_191 = arith.constant 0 : i32
      %dma_start3A_192 = tpu.memref_slice %arg6[%arg0, %add3A_94, %dma_start3A_191] : memref<2x10240x128xf32, #tpu.memory_space<hbm>> -> memref<1x64x128xf32, #tpu.memory_space<hbm>>
      %dma_start3A_193 = tpu.memref_squeeze %dma_start3A_192 : memref<1x64x128xf32, #tpu.memory_space<hbm>> -> memref<64x128xf32, #tpu.memory_space<hbm>>
      %dma_start3A_194 = arith.constant 0 : i32
      %dma_start3A_195 = tpu.memref_slice %arg6[%arg0, %add3A_94, %dma_start3A_194] : memref<2x10240x128xf32, #tpu.memory_space<hbm>> -> memref<1x64x128xf32, #tpu.memory_space<hbm>>
      %dma_start3A_196 = tpu.memref_squeeze %dma_start3A_195 : memref<1x64x128xf32, #tpu.memory_space<hbm>> -> memref<64x128xf32, #tpu.memory_space<hbm>>
      %dma_start3A_197 = arith.constant 0 : i32
      %dma_start3A_198 = arith.constant 0 : i32
      %dma_start3A_199 = tpu.memref_slice %arg9[%run_scoped3A_95, %dma_start3A_197, %dma_start3A_198] : memref<2x64x128xf32, #tpu.memory_space<vmem>> -> memref<1x64x128xf32, #tpu.memory_space<vmem>>
      %dma_start3A_200 = tpu.memref_squeeze %dma_start3A_199 : memref<1x64x128xf32, #tpu.memory_space<vmem>> -> memref<64x128xf32, #tpu.memory_space<vmem>>
      tpu.enqueue_dma source(%dma_start3A_200 : memref<64x128xf32, #tpu.memory_space<vmem>>) target(%dma_start3A_196 : memref<64x128xf32, #tpu.memory_space<hbm>>) target_semaphore(%run_scoped3A_186 : memref<!tpu.dma_semaphore, #tpu.memory_space<semaphore_mem>>)
      %dma_wait3A = arith.constant 0 : i32
      %dma_wait3A_201 = arith.constant 0 : i32
      %dma_wait3A_202 = tpu.memref_slice %arg9[%run_scoped3A_95, %dma_wait3A, %dma_wait3A_201] : memref<2x64x128xf32, #tpu.memory_space<vmem>> -> memref<1x64x128xf32, #tpu.memory_space<vmem>>
      %dma_wait3A_203 = tpu.memref_squeeze %dma_wait3A_202 : memref<1x64x128xf32, #tpu.memory_space<vmem>> -> memref<64x128xf32, #tpu.memory_space<vmem>>
      %dma_wait3A_204 = arith.constant 0 : i32
      %dma_wait3A_205 = tpu.memref_slice %arg6[%arg0, %add3A_94, %dma_wait3A_204] : memref<2x10240x128xf32, #tpu.memory_space<hbm>> -> memref<1x64x128xf32, #tpu.memory_space<hbm>>
      %dma_wait3A_206 = tpu.memref_squeeze %dma_wait3A_205 : memref<1x64x128xf32, #tpu.memory_space<hbm>> -> memref<64x128xf32, #tpu.memory_space<hbm>>
      %dma_wait3A_207 = arith.constant 0 : i32
      %dma_wait3A_208 = tpu.memref_slice %arg6[%arg0, %add3A_94, %dma_wait3A_207] : memref<2x10240x128xf32, #tpu.memory_space<hbm>> -> memref<1x64x128xf32, #tpu.memory_space<hbm>>
      %dma_wait3A_209 = tpu.memref_squeeze %dma_wait3A_208 : memref<1x64x128xf32, #tpu.memory_space<hbm>> -> memref<64x128xf32, #tpu.memory_space<hbm>>
      %dma_wait3A_210 = arith.constant 0 : i32
      %dma_wait3A_211 = arith.constant 0 : i32
      %dma_wait3A_212 = tpu.memref_slice %arg9[%run_scoped3A_95, %dma_wait3A_210, %dma_wait3A_211] : memref<2x64x128xf32, #tpu.memory_space<vmem>> -> memref<1x64x128xf32, #tpu.memory_space<vmem>>
      %dma_wait3A_213 = tpu.memref_squeeze %dma_wait3A_212 : memref<1x64x128xf32, #tpu.memory_space<vmem>> -> memref<64x128xf32, #tpu.memory_space<vmem>>
      tpu.wait_dma2 semaphore(%run_scoped3A_186 : memref<!tpu.dma_semaphore, #tpu.memory_space<semaphore_mem>>) src(%dma_wait3A_213 : memref<64x128xf32, #tpu.memory_space<vmem>>) dst(%dma_wait3A_209 : memref<64x128xf32, #tpu.memory_space<hbm>>)
      tpu.yield
    }) : () -> ()
    %mul3A_96 = arith.constant 640 : i32
    %mul3A_97 = arith.muli %arg1, %mul3A_96 : i32
    %add3A_98 = arith.constant 64 : i32
    %add3A_99 = arith.addi %mul3A_97, %add3A_98 : i32
    %run_scoped3A_100 = arith.constant 0 : i32
    "tpu.region"() ({
      %run_scoped3A_186 = tpu.sem_alloc : memref<!tpu.dma_semaphore, #tpu.memory_space<semaphore_mem>>
      %dma_start3A_187 = arith.constant 0 : i32
      %dma_start3A_188 = arith.constant 0 : i32
      %dma_start3A_189 = tpu.memref_slice %arg9[%run_scoped3A_100, %dma_start3A_187, %dma_start3A_188] : memref<2x64x128xf32, #tpu.memory_space<vmem>> -> memref<1x64x128xf32, #tpu.memory_space<vmem>>
      %dma_start3A_190 = tpu.memref_squeeze %dma_start3A_189 : memref<1x64x128xf32, #tpu.memory_space<vmem>> -> memref<64x128xf32, #tpu.memory_space<vmem>>
      %dma_start3A_191 = arith.constant 0 : i32
      %dma_start3A_192 = tpu.memref_slice %arg10[%add3A_99, %dma_start3A_191] : memref<10240x128xf32, #tpu.memory_space<vmem_shared>> -> memref<64x128xf32, #tpu.memory_space<vmem_shared>>
      %dma_start3A_193 = arith.constant 0 : i32
      %dma_start3A_194 = arith.constant 0 : i32
      %dma_start3A_195 = tpu.memref_slice %arg9[%run_scoped3A_100, %dma_start3A_193, %dma_start3A_194] : memref<2x64x128xf32, #tpu.memory_space<vmem>> -> memref<1x64x128xf32, #tpu.memory_space<vmem>>
      %dma_start3A_196 = tpu.memref_squeeze %dma_start3A_195 : memref<1x64x128xf32, #tpu.memory_space<vmem>> -> memref<64x128xf32, #tpu.memory_space<vmem>>
      %dma_start3A_197 = arith.constant 0 : i32
      %dma_start3A_198 = tpu.memref_slice %arg10[%add3A_99, %dma_start3A_197] : memref<10240x128xf32, #tpu.memory_space<vmem_shared>> -> memref<64x128xf32, #tpu.memory_space<vmem_shared>>
      tpu.enqueue_dma source(%dma_start3A_198 : memref<64x128xf32, #tpu.memory_space<vmem_shared>>) target(%dma_start3A_196 : memref<64x128xf32, #tpu.memory_space<vmem>>) target_semaphore(%run_scoped3A_186 : memref<!tpu.dma_semaphore, #tpu.memory_space<semaphore_mem>>)
      %dma_wait3A = arith.constant 0 : i32
      %dma_wait3A_199 = arith.constant 0 : i32
      %dma_wait3A_200 = tpu.memref_slice %arg9[%run_scoped3A_100, %dma_wait3A, %dma_wait3A_199] : memref<2x64x128xf32, #tpu.memory_space<vmem>> -> memref<1x64x128xf32, #tpu.memory_space<vmem>>
      %dma_wait3A_201 = tpu.memref_squeeze %dma_wait3A_200 : memref<1x64x128xf32, #tpu.memory_space<vmem>> -> memref<64x128xf32, #tpu.memory_space<vmem>>
      %dma_wait3A_202 = arith.constant 0 : i32
      %dma_wait3A_203 = tpu.memref_slice %arg10[%add3A_99, %dma_wait3A_202] : memref<10240x128xf32, #tpu.memory_space<vmem_shared>> -> memref<64x128xf32, #tpu.memory_space<vmem_shared>>
      %dma_wait3A_204 = arith.constant 0 : i32
      %dma_wait3A_205 = arith.constant 0 : i32
      %dma_wait3A_206 = tpu.memref_slice %arg9[%run_scoped3A_100, %dma_wait3A_204, %dma_wait3A_205] : memref<2x64x128xf32, #tpu.memory_space<vmem>> -> memref<1x64x128xf32, #tpu.memory_space<vmem>>
      %dma_wait3A_207 = tpu.memref_squeeze %dma_wait3A_206 : memref<1x64x128xf32, #tpu.memory_space<vmem>> -> memref<64x128xf32, #tpu.memory_space<vmem>>
      %dma_wait3A_208 = arith.constant 0 : i32
      %dma_wait3A_209 = tpu.memref_slice %arg10[%add3A_99, %dma_wait3A_208] : memref<10240x128xf32, #tpu.memory_space<vmem_shared>> -> memref<64x128xf32, #tpu.memory_space<vmem_shared>>
      tpu.wait_dma2 semaphore(%run_scoped3A_186 : memref<!tpu.dma_semaphore, #tpu.memory_space<semaphore_mem>>) src(%dma_wait3A_209 : memref<64x128xf32, #tpu.memory_space<vmem_shared>>) dst(%dma_wait3A_207 : memref<64x128xf32, #tpu.memory_space<vmem>>)
      tpu.yield
    }) : () -> ()
    %mul3A_101 = arith.constant 640 : i32
    %mul3A_102 = arith.muli %arg1, %mul3A_101 : i32
    %add3A_103 = arith.constant 64 : i32
    %add3A_104 = arith.addi %mul3A_102, %add3A_103 : i32
    %run_scoped3A_105 = arith.constant 0 : i32
    "tpu.region"() ({
      %run_scoped3A_186 = tpu.sem_alloc : memref<!tpu.dma_semaphore, #tpu.memory_space<semaphore_mem>>
      %dma_start3A_187 = arith.constant 0 : i32
      %dma_start3A_188 = arith.constant 0 : i32
      %dma_start3A_189 = tpu.memref_slice %arg9[%run_scoped3A_105, %dma_start3A_187, %dma_start3A_188] : memref<2x64x128xf32, #tpu.memory_space<vmem>> -> memref<1x64x128xf32, #tpu.memory_space<vmem>>
      %dma_start3A_190 = tpu.memref_squeeze %dma_start3A_189 : memref<1x64x128xf32, #tpu.memory_space<vmem>> -> memref<64x128xf32, #tpu.memory_space<vmem>>
      %dma_start3A_191 = arith.constant 0 : i32
      %dma_start3A_192 = tpu.memref_slice %arg6[%arg0, %add3A_104, %dma_start3A_191] : memref<2x10240x128xf32, #tpu.memory_space<hbm>> -> memref<1x64x128xf32, #tpu.memory_space<hbm>>
      %dma_start3A_193 = tpu.memref_squeeze %dma_start3A_192 : memref<1x64x128xf32, #tpu.memory_space<hbm>> -> memref<64x128xf32, #tpu.memory_space<hbm>>
      %dma_start3A_194 = arith.constant 0 : i32
      %dma_start3A_195 = tpu.memref_slice %arg6[%arg0, %add3A_104, %dma_start3A_194] : memref<2x10240x128xf32, #tpu.memory_space<hbm>> -> memref<1x64x128xf32, #tpu.memory_space<hbm>>
      %dma_start3A_196 = tpu.memref_squeeze %dma_start3A_195 : memref<1x64x128xf32, #tpu.memory_space<hbm>> -> memref<64x128xf32, #tpu.memory_space<hbm>>
      %dma_start3A_197 = arith.constant 0 : i32
      %dma_start3A_198 = arith.constant 0 : i32
      %dma_start3A_199 = tpu.memref_slice %arg9[%run_scoped3A_105, %dma_start3A_197, %dma_start3A_198] : memref<2x64x128xf32, #tpu.memory_space<vmem>> -> memref<1x64x128xf32, #tpu.memory_space<vmem>>
      %dma_start3A_200 = tpu.memref_squeeze %dma_start3A_199 : memref<1x64x128xf32, #tpu.memory_space<vmem>> -> memref<64x128xf32, #tpu.memory_space<vmem>>
      tpu.enqueue_dma source(%dma_start3A_200 : memref<64x128xf32, #tpu.memory_space<vmem>>) target(%dma_start3A_196 : memref<64x128xf32, #tpu.memory_space<hbm>>) target_semaphore(%run_scoped3A_186 : memref<!tpu.dma_semaphore, #tpu.memory_space<semaphore_mem>>)
      %dma_wait3A = arith.constant 0 : i32
      %dma_wait3A_201 = arith.constant 0 : i32
      %dma_wait3A_202 = tpu.memref_slice %arg9[%run_scoped3A_105, %dma_wait3A, %dma_wait3A_201] : memref<2x64x128xf32, #tpu.memory_space<vmem>> -> memref<1x64x128xf32, #tpu.memory_space<vmem>>
      %dma_wait3A_203 = tpu.memref_squeeze %dma_wait3A_202 : memref<1x64x128xf32, #tpu.memory_space<vmem>> -> memref<64x128xf32, #tpu.memory_space<vmem>>
      %dma_wait3A_204 = arith.constant 0 : i32
      %dma_wait3A_205 = tpu.memref_slice %arg6[%arg0, %add3A_104, %dma_wait3A_204] : memref<2x10240x128xf32, #tpu.memory_space<hbm>> -> memref<1x64x128xf32, #tpu.memory_space<hbm>>
      %dma_wait3A_206 = tpu.memref_squeeze %dma_wait3A_205 : memref<1x64x128xf32, #tpu.memory_space<hbm>> -> memref<64x128xf32, #tpu.memory_space<hbm>>
      %dma_wait3A_207 = arith.constant 0 : i32
      %dma_wait3A_208 = tpu.memref_slice %arg6[%arg0, %add3A_104, %dma_wait3A_207] : memref<2x10240x128xf32, #tpu.memory_space<hbm>> -> memref<1x64x128xf32, #tpu.memory_space<hbm>>
      %dma_wait3A_209 = tpu.memref_squeeze %dma_wait3A_208 : memref<1x64x128xf32, #tpu.memory_space<hbm>> -> memref<64x128xf32, #tpu.memory_space<hbm>>
      %dma_wait3A_210 = arith.constant 0 : i32
      %dma_wait3A_211 = arith.constant 0 : i32
      %dma_wait3A_212 = tpu.memref_slice %arg9[%run_scoped3A_105, %dma_wait3A_210, %dma_wait3A_211] : memref<2x64x128xf32, #tpu.memory_space<vmem>> -> memref<1x64x128xf32, #tpu.memory_space<vmem>>
      %dma_wait3A_213 = tpu.memref_squeeze %dma_wait3A_212 : memref<1x64x128xf32, #tpu.memory_space<vmem>> -> memref<64x128xf32, #tpu.memory_space<vmem>>
      tpu.wait_dma2 semaphore(%run_scoped3A_186 : memref<!tpu.dma_semaphore, #tpu.memory_space<semaphore_mem>>) src(%dma_wait3A_213 : memref<64x128xf32, #tpu.memory_space<vmem>>) dst(%dma_wait3A_209 : memref<64x128xf32, #tpu.memory_space<hbm>>)
      tpu.yield
    }) : () -> ()
    %mul3A_106 = arith.constant 640 : i32
    %mul3A_107 = arith.muli %arg1, %mul3A_106 : i32
    %add3A_108 = arith.constant 128 : i32
    %add3A_109 = arith.addi %mul3A_107, %add3A_108 : i32
    %run_scoped3A_110 = arith.constant 0 : i32
    "tpu.region"() ({
      %run_scoped3A_186 = tpu.sem_alloc : memref<!tpu.dma_semaphore, #tpu.memory_space<semaphore_mem>>
      %dma_start3A_187 = arith.constant 0 : i32
      %dma_start3A_188 = arith.constant 0 : i32
      %dma_start3A_189 = tpu.memref_slice %arg9[%run_scoped3A_110, %dma_start3A_187, %dma_start3A_188] : memref<2x64x128xf32, #tpu.memory_space<vmem>> -> memref<1x64x128xf32, #tpu.memory_space<vmem>>
      %dma_start3A_190 = tpu.memref_squeeze %dma_start3A_189 : memref<1x64x128xf32, #tpu.memory_space<vmem>> -> memref<64x128xf32, #tpu.memory_space<vmem>>
      %dma_start3A_191 = arith.constant 0 : i32
      %dma_start3A_192 = tpu.memref_slice %arg10[%add3A_109, %dma_start3A_191] : memref<10240x128xf32, #tpu.memory_space<vmem_shared>> -> memref<64x128xf32, #tpu.memory_space<vmem_shared>>
      %dma_start3A_193 = arith.constant 0 : i32
      %dma_start3A_194 = arith.constant 0 : i32
      %dma_start3A_195 = tpu.memref_slice %arg9[%run_scoped3A_110, %dma_start3A_193, %dma_start3A_194] : memref<2x64x128xf32, #tpu.memory_space<vmem>> -> memref<1x64x128xf32, #tpu.memory_space<vmem>>
      %dma_start3A_196 = tpu.memref_squeeze %dma_start3A_195 : memref<1x64x128xf32, #tpu.memory_space<vmem>> -> memref<64x128xf32, #tpu.memory_space<vmem>>
      %dma_start3A_197 = arith.constant 0 : i32
      %dma_start3A_198 = tpu.memref_slice %arg10[%add3A_109, %dma_start3A_197] : memref<10240x128xf32, #tpu.memory_space<vmem_shared>> -> memref<64x128xf32, #tpu.memory_space<vmem_shared>>
      tpu.enqueue_dma source(%dma_start3A_198 : memref<64x128xf32, #tpu.memory_space<vmem_shared>>) target(%dma_start3A_196 : memref<64x128xf32, #tpu.memory_space<vmem>>) target_semaphore(%run_scoped3A_186 : memref<!tpu.dma_semaphore, #tpu.memory_space<semaphore_mem>>)
      %dma_wait3A = arith.constant 0 : i32
      %dma_wait3A_199 = arith.constant 0 : i32
      %dma_wait3A_200 = tpu.memref_slice %arg9[%run_scoped3A_110, %dma_wait3A, %dma_wait3A_199] : memref<2x64x128xf32, #tpu.memory_space<vmem>> -> memref<1x64x128xf32, #tpu.memory_space<vmem>>
      %dma_wait3A_201 = tpu.memref_squeeze %dma_wait3A_200 : memref<1x64x128xf32, #tpu.memory_space<vmem>> -> memref<64x128xf32, #tpu.memory_space<vmem>>
      %dma_wait3A_202 = arith.constant 0 : i32
      %dma_wait3A_203 = tpu.memref_slice %arg10[%add3A_109, %dma_wait3A_202] : memref<10240x128xf32, #tpu.memory_space<vmem_shared>> -> memref<64x128xf32, #tpu.memory_space<vmem_shared>>
      %dma_wait3A_204 = arith.constant 0 : i32
      %dma_wait3A_205 = arith.constant 0 : i32
      %dma_wait3A_206 = tpu.memref_slice %arg9[%run_scoped3A_110, %dma_wait3A_204, %dma_wait3A_205] : memref<2x64x128xf32, #tpu.memory_space<vmem>> -> memref<1x64x128xf32, #tpu.memory_space<vmem>>
      %dma_wait3A_207 = tpu.memref_squeeze %dma_wait3A_206 : memref<1x64x128xf32, #tpu.memory_space<vmem>> -> memref<64x128xf32, #tpu.memory_space<vmem>>
      %dma_wait3A_208 = arith.constant 0 : i32
      %dma_wait3A_209 = tpu.memref_slice %arg10[%add3A_109, %dma_wait3A_208] : memref<10240x128xf32, #tpu.memory_space<vmem_shared>> -> memref<64x128xf32, #tpu.memory_space<vmem_shared>>
      tpu.wait_dma2 semaphore(%run_scoped3A_186 : memref<!tpu.dma_semaphore, #tpu.memory_space<semaphore_mem>>) src(%dma_wait3A_209 : memref<64x128xf32, #tpu.memory_space<vmem_shared>>) dst(%dma_wait3A_207 : memref<64x128xf32, #tpu.memory_space<vmem>>)
      tpu.yield
    }) : () -> ()
    %mul3A_111 = arith.constant 640 : i32
    %mul3A_112 = arith.muli %arg1, %mul3A_111 : i32
    %add3A_113 = arith.constant 128 : i32
    %add3A_114 = arith.addi %mul3A_112, %add3A_113 : i32
    %run_scoped3A_115 = arith.constant 0 : i32
    "tpu.region"() ({
      %run_scoped3A_186 = tpu.sem_alloc : memref<!tpu.dma_semaphore, #tpu.memory_space<semaphore_mem>>
      %dma_start3A_187 = arith.constant 0 : i32
      %dma_start3A_188 = arith.constant 0 : i32
      %dma_start3A_189 = tpu.memref_slice %arg9[%run_scoped3A_115, %dma_start3A_187, %dma_start3A_188] : memref<2x64x128xf32, #tpu.memory_space<vmem>> -> memref<1x64x128xf32, #tpu.memory_space<vmem>>
      %dma_start3A_190 = tpu.memref_squeeze %dma_start3A_189 : memref<1x64x128xf32, #tpu.memory_space<vmem>> -> memref<64x128xf32, #tpu.memory_space<vmem>>
      %dma_start3A_191 = arith.constant 0 : i32
      %dma_start3A_192 = tpu.memref_slice %arg6[%arg0, %add3A_114, %dma_start3A_191] : memref<2x10240x128xf32, #tpu.memory_space<hbm>> -> memref<1x64x128xf32, #tpu.memory_space<hbm>>
      %dma_start3A_193 = tpu.memref_squeeze %dma_start3A_192 : memref<1x64x128xf32, #tpu.memory_space<hbm>> -> memref<64x128xf32, #tpu.memory_space<hbm>>
      %dma_start3A_194 = arith.constant 0 : i32
      %dma_start3A_195 = tpu.memref_slice %arg6[%arg0, %add3A_114, %dma_start3A_194] : memref<2x10240x128xf32, #tpu.memory_space<hbm>> -> memref<1x64x128xf32, #tpu.memory_space<hbm>>
      %dma_start3A_196 = tpu.memref_squeeze %dma_start3A_195 : memref<1x64x128xf32, #tpu.memory_space<hbm>> -> memref<64x128xf32, #tpu.memory_space<hbm>>
      %dma_start3A_197 = arith.constant 0 : i32
      %dma_start3A_198 = arith.constant 0 : i32
      %dma_start3A_199 = tpu.memref_slice %arg9[%run_scoped3A_115, %dma_start3A_197, %dma_start3A_198] : memref<2x64x128xf32, #tpu.memory_space<vmem>> -> memref<1x64x128xf32, #tpu.memory_space<vmem>>
      %dma_start3A_200 = tpu.memref_squeeze %dma_start3A_199 : memref<1x64x128xf32, #tpu.memory_space<vmem>> -> memref<64x128xf32, #tpu.memory_space<vmem>>
      tpu.enqueue_dma source(%dma_start3A_200 : memref<64x128xf32, #tpu.memory_space<vmem>>) target(%dma_start3A_196 : memref<64x128xf32, #tpu.memory_space<hbm>>) target_semaphore(%run_scoped3A_186 : memref<!tpu.dma_semaphore, #tpu.memory_space<semaphore_mem>>)
      %dma_wait3A = arith.constant 0 : i32
      %dma_wait3A_201 = arith.constant 0 : i32
      %dma_wait3A_202 = tpu.memref_slice %arg9[%run_scoped3A_115, %dma_wait3A, %dma_wait3A_201] : memref<2x64x128xf32, #tpu.memory_space<vmem>> -> memref<1x64x128xf32, #tpu.memory_space<vmem>>
      %dma_wait3A_203 = tpu.memref_squeeze %dma_wait3A_202 : memref<1x64x128xf32, #tpu.memory_space<vmem>> -> memref<64x128xf32, #tpu.memory_space<vmem>>
      %dma_wait3A_204 = arith.constant 0 : i32
      %dma_wait3A_205 = tpu.memref_slice %arg6[%arg0, %add3A_114, %dma_wait3A_204] : memref<2x10240x128xf32, #tpu.memory_space<hbm>> -> memref<1x64x128xf32, #tpu.memory_space<hbm>>
      %dma_wait3A_206 = tpu.memref_squeeze %dma_wait3A_205 : memref<1x64x128xf32, #tpu.memory_space<hbm>> -> memref<64x128xf32, #tpu.memory_space<hbm>>
      %dma_wait3A_207 = arith.constant 0 : i32
      %dma_wait3A_208 = tpu.memref_slice %arg6[%arg0, %add3A_114, %dma_wait3A_207] : memref<2x10240x128xf32, #tpu.memory_space<hbm>> -> memref<1x64x128xf32, #tpu.memory_space<hbm>>
      %dma_wait3A_209 = tpu.memref_squeeze %dma_wait3A_208 : memref<1x64x128xf32, #tpu.memory_space<hbm>> -> memref<64x128xf32, #tpu.memory_space<hbm>>
      %dma_wait3A_210 = arith.constant 0 : i32
      %dma_wait3A_211 = arith.constant 0 : i32
      %dma_wait3A_212 = tpu.memref_slice %arg9[%run_scoped3A_115, %dma_wait3A_210, %dma_wait3A_211] : memref<2x64x128xf32, #tpu.memory_space<vmem>> -> memref<1x64x128xf32, #tpu.memory_space<vmem>>
      %dma_wait3A_213 = tpu.memref_squeeze %dma_wait3A_212 : memref<1x64x128xf32, #tpu.memory_space<vmem>> -> memref<64x128xf32, #tpu.memory_space<vmem>>
      tpu.wait_dma2 semaphore(%run_scoped3A_186 : memref<!tpu.dma_semaphore, #tpu.memory_space<semaphore_mem>>) src(%dma_wait3A_213 : memref<64x128xf32, #tpu.memory_space<vmem>>) dst(%dma_wait3A_209 : memref<64x128xf32, #tpu.memory_space<hbm>>)
      tpu.yield
    }) : () -> ()
    %mul3A_116 = arith.constant 640 : i32
    %mul3A_117 = arith.muli %arg1, %mul3A_116 : i32
    %add3A_118 = arith.constant 192 : i32
    %add3A_119 = arith.addi %mul3A_117, %add3A_118 : i32
    %run_scoped3A_120 = arith.constant 0 : i32
    "tpu.region"() ({
      %run_scoped3A_186 = tpu.sem_alloc : memref<!tpu.dma_semaphore, #tpu.memory_space<semaphore_mem>>
      %dma_start3A_187 = arith.constant 0 : i32
      %dma_start3A_188 = arith.constant 0 : i32
      %dma_start3A_189 = tpu.memref_slice %arg9[%run_scoped3A_120, %dma_start3A_187, %dma_start3A_188] : memref<2x64x128xf32, #tpu.memory_space<vmem>> -> memref<1x64x128xf32, #tpu.memory_space<vmem>>
      %dma_start3A_190 = tpu.memref_squeeze %dma_start3A_189 : memref<1x64x128xf32, #tpu.memory_space<vmem>> -> memref<64x128xf32, #tpu.memory_space<vmem>>
      %dma_start3A_191 = arith.constant 0 : i32
      %dma_start3A_192 = tpu.memref_slice %arg10[%add3A_119, %dma_start3A_191] : memref<10240x128xf32, #tpu.memory_space<vmem_shared>> -> memref<64x128xf32, #tpu.memory_space<vmem_shared>>
      %dma_start3A_193 = arith.constant 0 : i32
      %dma_start3A_194 = arith.constant 0 : i32
      %dma_start3A_195 = tpu.memref_slice %arg9[%run_scoped3A_120, %dma_start3A_193, %dma_start3A_194] : memref<2x64x128xf32, #tpu.memory_space<vmem>> -> memref<1x64x128xf32, #tpu.memory_space<vmem>>
      %dma_start3A_196 = tpu.memref_squeeze %dma_start3A_195 : memref<1x64x128xf32, #tpu.memory_space<vmem>> -> memref<64x128xf32, #tpu.memory_space<vmem>>
      %dma_start3A_197 = arith.constant 0 : i32
      %dma_start3A_198 = tpu.memref_slice %arg10[%add3A_119, %dma_start3A_197] : memref<10240x128xf32, #tpu.memory_space<vmem_shared>> -> memref<64x128xf32, #tpu.memory_space<vmem_shared>>
      tpu.enqueue_dma source(%dma_start3A_198 : memref<64x128xf32, #tpu.memory_space<vmem_shared>>) target(%dma_start3A_196 : memref<64x128xf32, #tpu.memory_space<vmem>>) target_semaphore(%run_scoped3A_186 : memref<!tpu.dma_semaphore, #tpu.memory_space<semaphore_mem>>)
      %dma_wait3A = arith.constant 0 : i32
      %dma_wait3A_199 = arith.constant 0 : i32
      %dma_wait3A_200 = tpu.memref_slice %arg9[%run_scoped3A_120, %dma_wait3A, %dma_wait3A_199] : memref<2x64x128xf32, #tpu.memory_space<vmem>> -> memref<1x64x128xf32, #tpu.memory_space<vmem>>
      %dma_wait3A_201 = tpu.memref_squeeze %dma_wait3A_200 : memref<1x64x128xf32, #tpu.memory_space<vmem>> -> memref<64x128xf32, #tpu.memory_space<vmem>>
      %dma_wait3A_202 = arith.constant 0 : i32
      %dma_wait3A_203 = tpu.memref_slice %arg10[%add3A_119, %dma_wait3A_202] : memref<10240x128xf32, #tpu.memory_space<vmem_shared>> -> memref<64x128xf32, #tpu.memory_space<vmem_shared>>
      %dma_wait3A_204 = arith.constant 0 : i32
      %dma_wait3A_205 = arith.constant 0 : i32
      %dma_wait3A_206 = tpu.memref_slice %arg9[%run_scoped3A_120, %dma_wait3A_204, %dma_wait3A_205] : memref<2x64x128xf32, #tpu.memory_space<vmem>> -> memref<1x64x128xf32, #tpu.memory_space<vmem>>
      %dma_wait3A_207 = tpu.memref_squeeze %dma_wait3A_206 : memref<1x64x128xf32, #tpu.memory_space<vmem>> -> memref<64x128xf32, #tpu.memory_space<vmem>>
      %dma_wait3A_208 = arith.constant 0 : i32
      %dma_wait3A_209 = tpu.memref_slice %arg10[%add3A_119, %dma_wait3A_208] : memref<10240x128xf32, #tpu.memory_space<vmem_shared>> -> memref<64x128xf32, #tpu.memory_space<vmem_shared>>
      tpu.wait_dma2 semaphore(%run_scoped3A_186 : memref<!tpu.dma_semaphore, #tpu.memory_space<semaphore_mem>>) src(%dma_wait3A_209 : memref<64x128xf32, #tpu.memory_space<vmem_shared>>) dst(%dma_wait3A_207 : memref<64x128xf32, #tpu.memory_space<vmem>>)
      tpu.yield
    }) : () -> ()
    %mul3A_121 = arith.constant 640 : i32
    %mul3A_122 = arith.muli %arg1, %mul3A_121 : i32
    %add3A_123 = arith.constant 192 : i32
    %add3A_124 = arith.addi %mul3A_122, %add3A_123 : i32
    %run_scoped3A_125 = arith.constant 0 : i32
    "tpu.region"() ({
      %run_scoped3A_186 = tpu.sem_alloc : memref<!tpu.dma_semaphore, #tpu.memory_space<semaphore_mem>>
      %dma_start3A_187 = arith.constant 0 : i32
      %dma_start3A_188 = arith.constant 0 : i32
      %dma_start3A_189 = tpu.memref_slice %arg9[%run_scoped3A_125, %dma_start3A_187, %dma_start3A_188] : memref<2x64x128xf32, #tpu.memory_space<vmem>> -> memref<1x64x128xf32, #tpu.memory_space<vmem>>
      %dma_start3A_190 = tpu.memref_squeeze %dma_start3A_189 : memref<1x64x128xf32, #tpu.memory_space<vmem>> -> memref<64x128xf32, #tpu.memory_space<vmem>>
      %dma_start3A_191 = arith.constant 0 : i32
      %dma_start3A_192 = tpu.memref_slice %arg6[%arg0, %add3A_124, %dma_start3A_191] : memref<2x10240x128xf32, #tpu.memory_space<hbm>> -> memref<1x64x128xf32, #tpu.memory_space<hbm>>
      %dma_start3A_193 = tpu.memref_squeeze %dma_start3A_192 : memref<1x64x128xf32, #tpu.memory_space<hbm>> -> memref<64x128xf32, #tpu.memory_space<hbm>>
      %dma_start3A_194 = arith.constant 0 : i32
      %dma_start3A_195 = tpu.memref_slice %arg6[%arg0, %add3A_124, %dma_start3A_194] : memref<2x10240x128xf32, #tpu.memory_space<hbm>> -> memref<1x64x128xf32, #tpu.memory_space<hbm>>
      %dma_start3A_196 = tpu.memref_squeeze %dma_start3A_195 : memref<1x64x128xf32, #tpu.memory_space<hbm>> -> memref<64x128xf32, #tpu.memory_space<hbm>>
      %dma_start3A_197 = arith.constant 0 : i32
      %dma_start3A_198 = arith.constant 0 : i32
      %dma_start3A_199 = tpu.memref_slice %arg9[%run_scoped3A_125, %dma_start3A_197, %dma_start3A_198] : memref<2x64x128xf32, #tpu.memory_space<vmem>> -> memref<1x64x128xf32, #tpu.memory_space<vmem>>
      %dma_start3A_200 = tpu.memref_squeeze %dma_start3A_199 : memref<1x64x128xf32, #tpu.memory_space<vmem>> -> memref<64x128xf32, #tpu.memory_space<vmem>>
      tpu.enqueue_dma source(%dma_start3A_200 : memref<64x128xf32, #tpu.memory_space<vmem>>) target(%dma_start3A_196 : memref<64x128xf32, #tpu.memory_space<hbm>>) target_semaphore(%run_scoped3A_186 : memref<!tpu.dma_semaphore, #tpu.memory_space<semaphore_mem>>)
      %dma_wait3A = arith.constant 0 : i32
      %dma_wait3A_201 = arith.constant 0 : i32
      %dma_wait3A_202 = tpu.memref_slice %arg9[%run_scoped3A_125, %dma_wait3A, %dma_wait3A_201] : memref<2x64x128xf32, #tpu.memory_space<vmem>> -> memref<1x64x128xf32, #tpu.memory_space<vmem>>
      %dma_wait3A_203 = tpu.memref_squeeze %dma_wait3A_202 : memref<1x64x128xf32, #tpu.memory_space<vmem>> -> memref<64x128xf32, #tpu.memory_space<vmem>>
      %dma_wait3A_204 = arith.constant 0 : i32
      %dma_wait3A_205 = tpu.memref_slice %arg6[%arg0, %add3A_124, %dma_wait3A_204] : memref<2x10240x128xf32, #tpu.memory_space<hbm>> -> memref<1x64x128xf32, #tpu.memory_space<hbm>>
      %dma_wait3A_206 = tpu.memref_squeeze %dma_wait3A_205 : memref<1x64x128xf32, #tpu.memory_space<hbm>> -> memref<64x128xf32, #tpu.memory_space<hbm>>
      %dma_wait3A_207 = arith.constant 0 : i32
      %dma_wait3A_208 = tpu.memref_slice %arg6[%arg0, %add3A_124, %dma_wait3A_207] : memref<2x10240x128xf32, #tpu.memory_space<hbm>> -> memref<1x64x128xf32, #tpu.memory_space<hbm>>
      %dma_wait3A_209 = tpu.memref_squeeze %dma_wait3A_208 : memref<1x64x128xf32, #tpu.memory_space<hbm>> -> memref<64x128xf32, #tpu.memory_space<hbm>>
      %dma_wait3A_210 = arith.constant 0 : i32
      %dma_wait3A_211 = arith.constant 0 : i32
      %dma_wait3A_212 = tpu.memref_slice %arg9[%run_scoped3A_125, %dma_wait3A_210, %dma_wait3A_211] : memref<2x64x128xf32, #tpu.memory_space<vmem>> -> memref<1x64x128xf32, #tpu.memory_space<vmem>>
      %dma_wait3A_213 = tpu.memref_squeeze %dma_wait3A_212 : memref<1x64x128xf32, #tpu.memory_space<vmem>> -> memref<64x128xf32, #tpu.memory_space<vmem>>
      tpu.wait_dma2 semaphore(%run_scoped3A_186 : memref<!tpu.dma_semaphore, #tpu.memory_space<semaphore_mem>>) src(%dma_wait3A_213 : memref<64x128xf32, #tpu.memory_space<vmem>>) dst(%dma_wait3A_209 : memref<64x128xf32, #tpu.memory_space<hbm>>)
      tpu.yield
    }) : () -> ()
    %mul3A_126 = arith.constant 640 : i32
    %mul3A_127 = arith.muli %arg1, %mul3A_126 : i32
    %add3A_128 = arith.constant 256 : i32
    %add3A_129 = arith.addi %mul3A_127, %add3A_128 : i32
    %run_scoped3A_130 = arith.constant 0 : i32
    "tpu.region"() ({
      %run_scoped3A_186 = tpu.sem_alloc : memref<!tpu.dma_semaphore, #tpu.memory_space<semaphore_mem>>
      %dma_start3A_187 = arith.constant 0 : i32
      %dma_start3A_188 = arith.constant 0 : i32
      %dma_start3A_189 = tpu.memref_slice %arg9[%run_scoped3A_130, %dma_start3A_187, %dma_start3A_188] : memref<2x64x128xf32, #tpu.memory_space<vmem>> -> memref<1x64x128xf32, #tpu.memory_space<vmem>>
      %dma_start3A_190 = tpu.memref_squeeze %dma_start3A_189 : memref<1x64x128xf32, #tpu.memory_space<vmem>> -> memref<64x128xf32, #tpu.memory_space<vmem>>
      %dma_start3A_191 = arith.constant 0 : i32
      %dma_start3A_192 = tpu.memref_slice %arg10[%add3A_129, %dma_start3A_191] : memref<10240x128xf32, #tpu.memory_space<vmem_shared>> -> memref<64x128xf32, #tpu.memory_space<vmem_shared>>
      %dma_start3A_193 = arith.constant 0 : i32
      %dma_start3A_194 = arith.constant 0 : i32
      %dma_start3A_195 = tpu.memref_slice %arg9[%run_scoped3A_130, %dma_start3A_193, %dma_start3A_194] : memref<2x64x128xf32, #tpu.memory_space<vmem>> -> memref<1x64x128xf32, #tpu.memory_space<vmem>>
      %dma_start3A_196 = tpu.memref_squeeze %dma_start3A_195 : memref<1x64x128xf32, #tpu.memory_space<vmem>> -> memref<64x128xf32, #tpu.memory_space<vmem>>
      %dma_start3A_197 = arith.constant 0 : i32
      %dma_start3A_198 = tpu.memref_slice %arg10[%add3A_129, %dma_start3A_197] : memref<10240x128xf32, #tpu.memory_space<vmem_shared>> -> memref<64x128xf32, #tpu.memory_space<vmem_shared>>
      tpu.enqueue_dma source(%dma_start3A_198 : memref<64x128xf32, #tpu.memory_space<vmem_shared>>) target(%dma_start3A_196 : memref<64x128xf32, #tpu.memory_space<vmem>>) target_semaphore(%run_scoped3A_186 : memref<!tpu.dma_semaphore, #tpu.memory_space<semaphore_mem>>)
      %dma_wait3A = arith.constant 0 : i32
      %dma_wait3A_199 = arith.constant 0 : i32
      %dma_wait3A_200 = tpu.memref_slice %arg9[%run_scoped3A_130, %dma_wait3A, %dma_wait3A_199] : memref<2x64x128xf32, #tpu.memory_space<vmem>> -> memref<1x64x128xf32, #tpu.memory_space<vmem>>
      %dma_wait3A_201 = tpu.memref_squeeze %dma_wait3A_200 : memref<1x64x128xf32, #tpu.memory_space<vmem>> -> memref<64x128xf32, #tpu.memory_space<vmem>>
      %dma_wait3A_202 = arith.constant 0 : i32
      %dma_wait3A_203 = tpu.memref_slice %arg10[%add3A_129, %dma_wait3A_202] : memref<10240x128xf32, #tpu.memory_space<vmem_shared>> -> memref<64x128xf32, #tpu.memory_space<vmem_shared>>
      %dma_wait3A_204 = arith.constant 0 : i32
      %dma_wait3A_205 = arith.constant 0 : i32
      %dma_wait3A_206 = tpu.memref_slice %arg9[%run_scoped3A_130, %dma_wait3A_204, %dma_wait3A_205] : memref<2x64x128xf32, #tpu.memory_space<vmem>> -> memref<1x64x128xf32, #tpu.memory_space<vmem>>
      %dma_wait3A_207 = tpu.memref_squeeze %dma_wait3A_206 : memref<1x64x128xf32, #tpu.memory_space<vmem>> -> memref<64x128xf32, #tpu.memory_space<vmem>>
      %dma_wait3A_208 = arith.constant 0 : i32
      %dma_wait3A_209 = tpu.memref_slice %arg10[%add3A_129, %dma_wait3A_208] : memref<10240x128xf32, #tpu.memory_space<vmem_shared>> -> memref<64x128xf32, #tpu.memory_space<vmem_shared>>
      tpu.wait_dma2 semaphore(%run_scoped3A_186 : memref<!tpu.dma_semaphore, #tpu.memory_space<semaphore_mem>>) src(%dma_wait3A_209 : memref<64x128xf32, #tpu.memory_space<vmem_shared>>) dst(%dma_wait3A_207 : memref<64x128xf32, #tpu.memory_space<vmem>>)
      tpu.yield
    }) : () -> ()
    %mul3A_131 = arith.constant 640 : i32
    %mul3A_132 = arith.muli %arg1, %mul3A_131 : i32
    %add3A_133 = arith.constant 256 : i32
    %add3A_134 = arith.addi %mul3A_132, %add3A_133 : i32
    %run_scoped3A_135 = arith.constant 0 : i32
    "tpu.region"() ({
      %run_scoped3A_186 = tpu.sem_alloc : memref<!tpu.dma_semaphore, #tpu.memory_space<semaphore_mem>>
      %dma_start3A_187 = arith.constant 0 : i32
      %dma_start3A_188 = arith.constant 0 : i32
      %dma_start3A_189 = tpu.memref_slice %arg9[%run_scoped3A_135, %dma_start3A_187, %dma_start3A_188] : memref<2x64x128xf32, #tpu.memory_space<vmem>> -> memref<1x64x128xf32, #tpu.memory_space<vmem>>
      %dma_start3A_190 = tpu.memref_squeeze %dma_start3A_189 : memref<1x64x128xf32, #tpu.memory_space<vmem>> -> memref<64x128xf32, #tpu.memory_space<vmem>>
      %dma_start3A_191 = arith.constant 0 : i32
      %dma_start3A_192 = tpu.memref_slice %arg6[%arg0, %add3A_134, %dma_start3A_191] : memref<2x10240x128xf32, #tpu.memory_space<hbm>> -> memref<1x64x128xf32, #tpu.memory_space<hbm>>
      %dma_start3A_193 = tpu.memref_squeeze %dma_start3A_192 : memref<1x64x128xf32, #tpu.memory_space<hbm>> -> memref<64x128xf32, #tpu.memory_space<hbm>>
      %dma_start3A_194 = arith.constant 0 : i32
      %dma_start3A_195 = tpu.memref_slice %arg6[%arg0, %add3A_134, %dma_start3A_194] : memref<2x10240x128xf32, #tpu.memory_space<hbm>> -> memref<1x64x128xf32, #tpu.memory_space<hbm>>
      %dma_start3A_196 = tpu.memref_squeeze %dma_start3A_195 : memref<1x64x128xf32, #tpu.memory_space<hbm>> -> memref<64x128xf32, #tpu.memory_space<hbm>>
      %dma_start3A_197 = arith.constant 0 : i32
      %dma_start3A_198 = arith.constant 0 : i32
      %dma_start3A_199 = tpu.memref_slice %arg9[%run_scoped3A_135, %dma_start3A_197, %dma_start3A_198] : memref<2x64x128xf32, #tpu.memory_space<vmem>> -> memref<1x64x128xf32, #tpu.memory_space<vmem>>
      %dma_start3A_200 = tpu.memref_squeeze %dma_start3A_199 : memref<1x64x128xf32, #tpu.memory_space<vmem>> -> memref<64x128xf32, #tpu.memory_space<vmem>>
      tpu.enqueue_dma source(%dma_start3A_200 : memref<64x128xf32, #tpu.memory_space<vmem>>) target(%dma_start3A_196 : memref<64x128xf32, #tpu.memory_space<hbm>>) target_semaphore(%run_scoped3A_186 : memref<!tpu.dma_semaphore, #tpu.memory_space<semaphore_mem>>)
      %dma_wait3A = arith.constant 0 : i32
      %dma_wait3A_201 = arith.constant 0 : i32
      %dma_wait3A_202 = tpu.memref_slice %arg9[%run_scoped3A_135, %dma_wait3A, %dma_wait3A_201] : memref<2x64x128xf32, #tpu.memory_space<vmem>> -> memref<1x64x128xf32, #tpu.memory_space<vmem>>
      %dma_wait3A_203 = tpu.memref_squeeze %dma_wait3A_202 : memref<1x64x128xf32, #tpu.memory_space<vmem>> -> memref<64x128xf32, #tpu.memory_space<vmem>>
      %dma_wait3A_204 = arith.constant 0 : i32
      %dma_wait3A_205 = tpu.memref_slice %arg6[%arg0, %add3A_134, %dma_wait3A_204] : memref<2x10240x128xf32, #tpu.memory_space<hbm>> -> memref<1x64x128xf32, #tpu.memory_space<hbm>>
      %dma_wait3A_206 = tpu.memref_squeeze %dma_wait3A_205 : memref<1x64x128xf32, #tpu.memory_space<hbm>> -> memref<64x128xf32, #tpu.memory_space<hbm>>
      %dma_wait3A_207 = arith.constant 0 : i32
      %dma_wait3A_208 = tpu.memref_slice %arg6[%arg0, %add3A_134, %dma_wait3A_207] : memref<2x10240x128xf32, #tpu.memory_space<hbm>> -> memref<1x64x128xf32, #tpu.memory_space<hbm>>
      %dma_wait3A_209 = tpu.memref_squeeze %dma_wait3A_208 : memref<1x64x128xf32, #tpu.memory_space<hbm>> -> memref<64x128xf32, #tpu.memory_space<hbm>>
      %dma_wait3A_210 = arith.constant 0 : i32
      %dma_wait3A_211 = arith.constant 0 : i32
      %dma_wait3A_212 = tpu.memref_slice %arg9[%run_scoped3A_135, %dma_wait3A_210, %dma_wait3A_211] : memref<2x64x128xf32, #tpu.memory_space<vmem>> -> memref<1x64x128xf32, #tpu.memory_space<vmem>>
      %dma_wait3A_213 = tpu.memref_squeeze %dma_wait3A_212 : memref<1x64x128xf32, #tpu.memory_space<vmem>> -> memref<64x128xf32, #tpu.memory_space<vmem>>
      tpu.wait_dma2 semaphore(%run_scoped3A_186 : memref<!tpu.dma_semaphore, #tpu.memory_space<semaphore_mem>>) src(%dma_wait3A_213 : memref<64x128xf32, #tpu.memory_space<vmem>>) dst(%dma_wait3A_209 : memref<64x128xf32, #tpu.memory_space<hbm>>)
      tpu.yield
    }) : () -> ()
    %mul3A_136 = arith.constant 640 : i32
    %mul3A_137 = arith.muli %arg1, %mul3A_136 : i32
    %add3A_138 = arith.constant 320 : i32
    %add3A_139 = arith.addi %mul3A_137, %add3A_138 : i32
    %run_scoped3A_140 = arith.constant 0 : i32
    "tpu.region"() ({
      %run_scoped3A_186 = tpu.sem_alloc : memref<!tpu.dma_semaphore, #tpu.memory_space<semaphore_mem>>
      %dma_start3A_187 = arith.constant 0 : i32
      %dma_start3A_188 = arith.constant 0 : i32
      %dma_start3A_189 = tpu.memref_slice %arg9[%run_scoped3A_140, %dma_start3A_187, %dma_start3A_188] : memref<2x64x128xf32, #tpu.memory_space<vmem>> -> memref<1x64x128xf32, #tpu.memory_space<vmem>>
      %dma_start3A_190 = tpu.memref_squeeze %dma_start3A_189 : memref<1x64x128xf32, #tpu.memory_space<vmem>> -> memref<64x128xf32, #tpu.memory_space<vmem>>
      %dma_start3A_191 = arith.constant 0 : i32
      %dma_start3A_192 = tpu.memref_slice %arg10[%add3A_139, %dma_start3A_191] : memref<10240x128xf32, #tpu.memory_space<vmem_shared>> -> memref<64x128xf32, #tpu.memory_space<vmem_shared>>
      %dma_start3A_193 = arith.constant 0 : i32
      %dma_start3A_194 = arith.constant 0 : i32
      %dma_start3A_195 = tpu.memref_slice %arg9[%run_scoped3A_140, %dma_start3A_193, %dma_start3A_194] : memref<2x64x128xf32, #tpu.memory_space<vmem>> -> memref<1x64x128xf32, #tpu.memory_space<vmem>>
      %dma_start3A_196 = tpu.memref_squeeze %dma_start3A_195 : memref<1x64x128xf32, #tpu.memory_space<vmem>> -> memref<64x128xf32, #tpu.memory_space<vmem>>
      %dma_start3A_197 = arith.constant 0 : i32
      %dma_start3A_198 = tpu.memref_slice %arg10[%add3A_139, %dma_start3A_197] : memref<10240x128xf32, #tpu.memory_space<vmem_shared>> -> memref<64x128xf32, #tpu.memory_space<vmem_shared>>
      tpu.enqueue_dma source(%dma_start3A_198 : memref<64x128xf32, #tpu.memory_space<vmem_shared>>) target(%dma_start3A_196 : memref<64x128xf32, #tpu.memory_space<vmem>>) target_semaphore(%run_scoped3A_186 : memref<!tpu.dma_semaphore, #tpu.memory_space<semaphore_mem>>)
      %dma_wait3A = arith.constant 0 : i32
      %dma_wait3A_199 = arith.constant 0 : i32
      %dma_wait3A_200 = tpu.memref_slice %arg9[%run_scoped3A_140, %dma_wait3A, %dma_wait3A_199] : memref<2x64x128xf32, #tpu.memory_space<vmem>> -> memref<1x64x128xf32, #tpu.memory_space<vmem>>
      %dma_wait3A_201 = tpu.memref_squeeze %dma_wait3A_200 : memref<1x64x128xf32, #tpu.memory_space<vmem>> -> memref<64x128xf32, #tpu.memory_space<vmem>>
      %dma_wait3A_202 = arith.constant 0 : i32
      %dma_wait3A_203 = tpu.memref_slice %arg10[%add3A_139, %dma_wait3A_202] : memref<10240x128xf32, #tpu.memory_space<vmem_shared>> -> memref<64x128xf32, #tpu.memory_space<vmem_shared>>
      %dma_wait3A_204 = arith.constant 0 : i32
      %dma_wait3A_205 = arith.constant 0 : i32
      %dma_wait3A_206 = tpu.memref_slice %arg9[%run_scoped3A_140, %dma_wait3A_204, %dma_wait3A_205] : memref<2x64x128xf32, #tpu.memory_space<vmem>> -> memref<1x64x128xf32, #tpu.memory_space<vmem>>
      %dma_wait3A_207 = tpu.memref_squeeze %dma_wait3A_206 : memref<1x64x128xf32, #tpu.memory_space<vmem>> -> memref<64x128xf32, #tpu.memory_space<vmem>>
      %dma_wait3A_208 = arith.constant 0 : i32
      %dma_wait3A_209 = tpu.memref_slice %arg10[%add3A_139, %dma_wait3A_208] : memref<10240x128xf32, #tpu.memory_space<vmem_shared>> -> memref<64x128xf32, #tpu.memory_space<vmem_shared>>
      tpu.wait_dma2 semaphore(%run_scoped3A_186 : memref<!tpu.dma_semaphore, #tpu.memory_space<semaphore_mem>>) src(%dma_wait3A_209 : memref<64x128xf32, #tpu.memory_space<vmem_shared>>) dst(%dma_wait3A_207 : memref<64x128xf32, #tpu.memory_space<vmem>>)
      tpu.yield
    }) : () -> ()
    %mul3A_141 = arith.constant 640 : i32
    %mul3A_142 = arith.muli %arg1, %mul3A_141 : i32
    %add3A_143 = arith.constant 320 : i32
    %add3A_144 = arith.addi %mul3A_142, %add3A_143 : i32
    %run_scoped3A_145 = arith.constant 0 : i32
    "tpu.region"() ({
      %run_scoped3A_186 = tpu.sem_alloc : memref<!tpu.dma_semaphore, #tpu.memory_space<semaphore_mem>>
      %dma_start3A_187 = arith.constant 0 : i32
      %dma_start3A_188 = arith.constant 0 : i32
      %dma_start3A_189 = tpu.memref_slice %arg9[%run_scoped3A_145, %dma_start3A_187, %dma_start3A_188] : memref<2x64x128xf32, #tpu.memory_space<vmem>> -> memref<1x64x128xf32, #tpu.memory_space<vmem>>
      %dma_start3A_190 = tpu.memref_squeeze %dma_start3A_189 : memref<1x64x128xf32, #tpu.memory_space<vmem>> -> memref<64x128xf32, #tpu.memory_space<vmem>>
      %dma_start3A_191 = arith.constant 0 : i32
      %dma_start3A_192 = tpu.memref_slice %arg6[%arg0, %add3A_144, %dma_start3A_191] : memref<2x10240x128xf32, #tpu.memory_space<hbm>> -> memref<1x64x128xf32, #tpu.memory_space<hbm>>
      %dma_start3A_193 = tpu.memref_squeeze %dma_start3A_192 : memref<1x64x128xf32, #tpu.memory_space<hbm>> -> memref<64x128xf32, #tpu.memory_space<hbm>>
      %dma_start3A_194 = arith.constant 0 : i32
      %dma_start3A_195 = tpu.memref_slice %arg6[%arg0, %add3A_144, %dma_start3A_194] : memref<2x10240x128xf32, #tpu.memory_space<hbm>> -> memref<1x64x128xf32, #tpu.memory_space<hbm>>
      %dma_start3A_196 = tpu.memref_squeeze %dma_start3A_195 : memref<1x64x128xf32, #tpu.memory_space<hbm>> -> memref<64x128xf32, #tpu.memory_space<hbm>>
      %dma_start3A_197 = arith.constant 0 : i32
      %dma_start3A_198 = arith.constant 0 : i32
      %dma_start3A_199 = tpu.memref_slice %arg9[%run_scoped3A_145, %dma_start3A_197, %dma_start3A_198] : memref<2x64x128xf32, #tpu.memory_space<vmem>> -> memref<1x64x128xf32, #tpu.memory_space<vmem>>
      %dma_start3A_200 = tpu.memref_squeeze %dma_start3A_199 : memref<1x64x128xf32, #tpu.memory_space<vmem>> -> memref<64x128xf32, #tpu.memory_space<vmem>>
      tpu.enqueue_dma source(%dma_start3A_200 : memref<64x128xf32, #tpu.memory_space<vmem>>) target(%dma_start3A_196 : memref<64x128xf32, #tpu.memory_space<hbm>>) target_semaphore(%run_scoped3A_186 : memref<!tpu.dma_semaphore, #tpu.memory_space<semaphore_mem>>)
      %dma_wait3A = arith.constant 0 : i32
      %dma_wait3A_201 = arith.constant 0 : i32
      %dma_wait3A_202 = tpu.memref_slice %arg9[%run_scoped3A_145, %dma_wait3A, %dma_wait3A_201] : memref<2x64x128xf32, #tpu.memory_space<vmem>> -> memref<1x64x128xf32, #tpu.memory_space<vmem>>
      %dma_wait3A_203 = tpu.memref_squeeze %dma_wait3A_202 : memref<1x64x128xf32, #tpu.memory_space<vmem>> -> memref<64x128xf32, #tpu.memory_space<vmem>>
      %dma_wait3A_204 = arith.constant 0 : i32
      %dma_wait3A_205 = tpu.memref_slice %arg6[%arg0, %add3A_144, %dma_wait3A_204] : memref<2x10240x128xf32, #tpu.memory_space<hbm>> -> memref<1x64x128xf32, #tpu.memory_space<hbm>>
      %dma_wait3A_206 = tpu.memref_squeeze %dma_wait3A_205 : memref<1x64x128xf32, #tpu.memory_space<hbm>> -> memref<64x128xf32, #tpu.memory_space<hbm>>
      %dma_wait3A_207 = arith.constant 0 : i32
      %dma_wait3A_208 = tpu.memref_slice %arg6[%arg0, %add3A_144, %dma_wait3A_207] : memref<2x10240x128xf32, #tpu.memory_space<hbm>> -> memref<1x64x128xf32, #tpu.memory_space<hbm>>
      %dma_wait3A_209 = tpu.memref_squeeze %dma_wait3A_208 : memref<1x64x128xf32, #tpu.memory_space<hbm>> -> memref<64x128xf32, #tpu.memory_space<hbm>>
      %dma_wait3A_210 = arith.constant 0 : i32
      %dma_wait3A_211 = arith.constant 0 : i32
      %dma_wait3A_212 = tpu.memref_slice %arg9[%run_scoped3A_145, %dma_wait3A_210, %dma_wait3A_211] : memref<2x64x128xf32, #tpu.memory_space<vmem>> -> memref<1x64x128xf32, #tpu.memory_space<vmem>>
      %dma_wait3A_213 = tpu.memref_squeeze %dma_wait3A_212 : memref<1x64x128xf32, #tpu.memory_space<vmem>> -> memref<64x128xf32, #tpu.memory_space<vmem>>
      tpu.wait_dma2 semaphore(%run_scoped3A_186 : memref<!tpu.dma_semaphore, #tpu.memory_space<semaphore_mem>>) src(%dma_wait3A_213 : memref<64x128xf32, #tpu.memory_space<vmem>>) dst(%dma_wait3A_209 : memref<64x128xf32, #tpu.memory_space<hbm>>)
      tpu.yield
    }) : () -> ()
    %mul3A_146 = arith.constant 640 : i32
    %mul3A_147 = arith.muli %arg1, %mul3A_146 : i32
    %add3A_148 = arith.constant 384 : i32
    %add3A_149 = arith.addi %mul3A_147, %add3A_148 : i32
    %run_scoped3A_150 = arith.constant 0 : i32
    "tpu.region"() ({
      %run_scoped3A_186 = tpu.sem_alloc : memref<!tpu.dma_semaphore, #tpu.memory_space<semaphore_mem>>
      %dma_start3A_187 = arith.constant 0 : i32
      %dma_start3A_188 = arith.constant 0 : i32
      %dma_start3A_189 = tpu.memref_slice %arg9[%run_scoped3A_150, %dma_start3A_187, %dma_start3A_188] : memref<2x64x128xf32, #tpu.memory_space<vmem>> -> memref<1x64x128xf32, #tpu.memory_space<vmem>>
      %dma_start3A_190 = tpu.memref_squeeze %dma_start3A_189 : memref<1x64x128xf32, #tpu.memory_space<vmem>> -> memref<64x128xf32, #tpu.memory_space<vmem>>
      %dma_start3A_191 = arith.constant 0 : i32
      %dma_start3A_192 = tpu.memref_slice %arg10[%add3A_149, %dma_start3A_191] : memref<10240x128xf32, #tpu.memory_space<vmem_shared>> -> memref<64x128xf32, #tpu.memory_space<vmem_shared>>
      %dma_start3A_193 = arith.constant 0 : i32
      %dma_start3A_194 = arith.constant 0 : i32
      %dma_start3A_195 = tpu.memref_slice %arg9[%run_scoped3A_150, %dma_start3A_193, %dma_start3A_194] : memref<2x64x128xf32, #tpu.memory_space<vmem>> -> memref<1x64x128xf32, #tpu.memory_space<vmem>>
      %dma_start3A_196 = tpu.memref_squeeze %dma_start3A_195 : memref<1x64x128xf32, #tpu.memory_space<vmem>> -> memref<64x128xf32, #tpu.memory_space<vmem>>
      %dma_start3A_197 = arith.constant 0 : i32
      %dma_start3A_198 = tpu.memref_slice %arg10[%add3A_149, %dma_start3A_197] : memref<10240x128xf32, #tpu.memory_space<vmem_shared>> -> memref<64x128xf32, #tpu.memory_space<vmem_shared>>
      tpu.enqueue_dma source(%dma_start3A_198 : memref<64x128xf32, #tpu.memory_space<vmem_shared>>) target(%dma_start3A_196 : memref<64x128xf32, #tpu.memory_space<vmem>>) target_semaphore(%run_scoped3A_186 : memref<!tpu.dma_semaphore, #tpu.memory_space<semaphore_mem>>)
      %dma_wait3A = arith.constant 0 : i32
      %dma_wait3A_199 = arith.constant 0 : i32
      %dma_wait3A_200 = tpu.memref_slice %arg9[%run_scoped3A_150, %dma_wait3A, %dma_wait3A_199] : memref<2x64x128xf32, #tpu.memory_space<vmem>> -> memref<1x64x128xf32, #tpu.memory_space<vmem>>
      %dma_wait3A_201 = tpu.memref_squeeze %dma_wait3A_200 : memref<1x64x128xf32, #tpu.memory_space<vmem>> -> memref<64x128xf32, #tpu.memory_space<vmem>>
      %dma_wait3A_202 = arith.constant 0 : i32
      %dma_wait3A_203 = tpu.memref_slice %arg10[%add3A_149, %dma_wait3A_202] : memref<10240x128xf32, #tpu.memory_space<vmem_shared>> -> memref<64x128xf32, #tpu.memory_space<vmem_shared>>
      %dma_wait3A_204 = arith.constant 0 : i32
      %dma_wait3A_205 = arith.constant 0 : i32
      %dma_wait3A_206 = tpu.memref_slice %arg9[%run_scoped3A_150, %dma_wait3A_204, %dma_wait3A_205] : memref<2x64x128xf32, #tpu.memory_space<vmem>> -> memref<1x64x128xf32, #tpu.memory_space<vmem>>
      %dma_wait3A_207 = tpu.memref_squeeze %dma_wait3A_206 : memref<1x64x128xf32, #tpu.memory_space<vmem>> -> memref<64x128xf32, #tpu.memory_space<vmem>>
      %dma_wait3A_208 = arith.constant 0 : i32
      %dma_wait3A_209 = tpu.memref_slice %arg10[%add3A_149, %dma_wait3A_208] : memref<10240x128xf32, #tpu.memory_space<vmem_shared>> -> memref<64x128xf32, #tpu.memory_space<vmem_shared>>
      tpu.wait_dma2 semaphore(%run_scoped3A_186 : memref<!tpu.dma_semaphore, #tpu.memory_space<semaphore_mem>>) src(%dma_wait3A_209 : memref<64x128xf32, #tpu.memory_space<vmem_shared>>) dst(%dma_wait3A_207 : memref<64x128xf32, #tpu.memory_space<vmem>>)
      tpu.yield
    }) : () -> ()
    %mul3A_151 = arith.constant 640 : i32
    %mul3A_152 = arith.muli %arg1, %mul3A_151 : i32
    %add3A_153 = arith.constant 384 : i32
    %add3A_154 = arith.addi %mul3A_152, %add3A_153 : i32
    %run_scoped3A_155 = arith.constant 0 : i32
    "tpu.region"() ({
      %run_scoped3A_186 = tpu.sem_alloc : memref<!tpu.dma_semaphore, #tpu.memory_space<semaphore_mem>>
      %dma_start3A_187 = arith.constant 0 : i32
      %dma_start3A_188 = arith.constant 0 : i32
      %dma_start3A_189 = tpu.memref_slice %arg9[%run_scoped3A_155, %dma_start3A_187, %dma_start3A_188] : memref<2x64x128xf32, #tpu.memory_space<vmem>> -> memref<1x64x128xf32, #tpu.memory_space<vmem>>
      %dma_start3A_190 = tpu.memref_squeeze %dma_start3A_189 : memref<1x64x128xf32, #tpu.memory_space<vmem>> -> memref<64x128xf32, #tpu.memory_space<vmem>>
      %dma_start3A_191 = arith.constant 0 : i32
      %dma_start3A_192 = tpu.memref_slice %arg6[%arg0, %add3A_154, %dma_start3A_191] : memref<2x10240x128xf32, #tpu.memory_space<hbm>> -> memref<1x64x128xf32, #tpu.memory_space<hbm>>
      %dma_start3A_193 = tpu.memref_squeeze %dma_start3A_192 : memref<1x64x128xf32, #tpu.memory_space<hbm>> -> memref<64x128xf32, #tpu.memory_space<hbm>>
      %dma_start3A_194 = arith.constant 0 : i32
      %dma_start3A_195 = tpu.memref_slice %arg6[%arg0, %add3A_154, %dma_start3A_194] : memref<2x10240x128xf32, #tpu.memory_space<hbm>> -> memref<1x64x128xf32, #tpu.memory_space<hbm>>
      %dma_start3A_196 = tpu.memref_squeeze %dma_start3A_195 : memref<1x64x128xf32, #tpu.memory_space<hbm>> -> memref<64x128xf32, #tpu.memory_space<hbm>>
      %dma_start3A_197 = arith.constant 0 : i32
      %dma_start3A_198 = arith.constant 0 : i32
      %dma_start3A_199 = tpu.memref_slice %arg9[%run_scoped3A_155, %dma_start3A_197, %dma_start3A_198] : memref<2x64x128xf32, #tpu.memory_space<vmem>> -> memref<1x64x128xf32, #tpu.memory_space<vmem>>
      %dma_start3A_200 = tpu.memref_squeeze %dma_start3A_199 : memref<1x64x128xf32, #tpu.memory_space<vmem>> -> memref<64x128xf32, #tpu.memory_space<vmem>>
      tpu.enqueue_dma source(%dma_start3A_200 : memref<64x128xf32, #tpu.memory_space<vmem>>) target(%dma_start3A_196 : memref<64x128xf32, #tpu.memory_space<hbm>>) target_semaphore(%run_scoped3A_186 : memref<!tpu.dma_semaphore, #tpu.memory_space<semaphore_mem>>)
      %dma_wait3A = arith.constant 0 : i32
      %dma_wait3A_201 = arith.constant 0 : i32
      %dma_wait3A_202 = tpu.memref_slice %arg9[%run_scoped3A_155, %dma_wait3A, %dma_wait3A_201] : memref<2x64x128xf32, #tpu.memory_space<vmem>> -> memref<1x64x128xf32, #tpu.memory_space<vmem>>
      %dma_wait3A_203 = tpu.memref_squeeze %dma_wait3A_202 : memref<1x64x128xf32, #tpu.memory_space<vmem>> -> memref<64x128xf32, #tpu.memory_space<vmem>>
      %dma_wait3A_204 = arith.constant 0 : i32
      %dma_wait3A_205 = tpu.memref_slice %arg6[%arg0, %add3A_154, %dma_wait3A_204] : memref<2x10240x128xf32, #tpu.memory_space<hbm>> -> memref<1x64x128xf32, #tpu.memory_space<hbm>>
      %dma_wait3A_206 = tpu.memref_squeeze %dma_wait3A_205 : memref<1x64x128xf32, #tpu.memory_space<hbm>> -> memref<64x128xf32, #tpu.memory_space<hbm>>
      %dma_wait3A_207 = arith.constant 0 : i32
      %dma_wait3A_208 = tpu.memref_slice %arg6[%arg0, %add3A_154, %dma_wait3A_207] : memref<2x10240x128xf32, #tpu.memory_space<hbm>> -> memref<1x64x128xf32, #tpu.memory_space<hbm>>
      %dma_wait3A_209 = tpu.memref_squeeze %dma_wait3A_208 : memref<1x64x128xf32, #tpu.memory_space<hbm>> -> memref<64x128xf32, #tpu.memory_space<hbm>>
      %dma_wait3A_210 = arith.constant 0 : i32
      %dma_wait3A_211 = arith.constant 0 : i32
      %dma_wait3A_212 = tpu.memref_slice %arg9[%run_scoped3A_155, %dma_wait3A_210, %dma_wait3A_211] : memref<2x64x128xf32, #tpu.memory_space<vmem>> -> memref<1x64x128xf32, #tpu.memory_space<vmem>>
      %dma_wait3A_213 = tpu.memref_squeeze %dma_wait3A_212 : memref<1x64x128xf32, #tpu.memory_space<vmem>> -> memref<64x128xf32, #tpu.memory_space<vmem>>
      tpu.wait_dma2 semaphore(%run_scoped3A_186 : memref<!tpu.dma_semaphore, #tpu.memory_space<semaphore_mem>>) src(%dma_wait3A_213 : memref<64x128xf32, #tpu.memory_space<vmem>>) dst(%dma_wait3A_209 : memref<64x128xf32, #tpu.memory_space<hbm>>)
      tpu.yield
    }) : () -> ()
    %mul3A_156 = arith.constant 640 : i32
    %mul3A_157 = arith.muli %arg1, %mul3A_156 : i32
    %add3A_158 = arith.constant 448 : i32
    %add3A_159 = arith.addi %mul3A_157, %add3A_158 : i32
    %run_scoped3A_160 = arith.constant 0 : i32
    "tpu.region"() ({
      %run_scoped3A_186 = tpu.sem_alloc : memref<!tpu.dma_semaphore, #tpu.memory_space<semaphore_mem>>
      %dma_start3A_187 = arith.constant 0 : i32
      %dma_start3A_188 = arith.constant 0 : i32
      %dma_start3A_189 = tpu.memref_slice %arg9[%run_scoped3A_160, %dma_start3A_187, %dma_start3A_188] : memref<2x64x128xf32, #tpu.memory_space<vmem>> -> memref<1x64x128xf32, #tpu.memory_space<vmem>>
      %dma_start3A_190 = tpu.memref_squeeze %dma_start3A_189 : memref<1x64x128xf32, #tpu.memory_space<vmem>> -> memref<64x128xf32, #tpu.memory_space<vmem>>
      %dma_start3A_191 = arith.constant 0 : i32
      %dma_start3A_192 = tpu.memref_slice %arg10[%add3A_159, %dma_start3A_191] : memref<10240x128xf32, #tpu.memory_space<vmem_shared>> -> memref<64x128xf32, #tpu.memory_space<vmem_shared>>
      %dma_start3A_193 = arith.constant 0 : i32
      %dma_start3A_194 = arith.constant 0 : i32
      %dma_start3A_195 = tpu.memref_slice %arg9[%run_scoped3A_160, %dma_start3A_193, %dma_start3A_194] : memref<2x64x128xf32, #tpu.memory_space<vmem>> -> memref<1x64x128xf32, #tpu.memory_space<vmem>>
      %dma_start3A_196 = tpu.memref_squeeze %dma_start3A_195 : memref<1x64x128xf32, #tpu.memory_space<vmem>> -> memref<64x128xf32, #tpu.memory_space<vmem>>
      %dma_start3A_197 = arith.constant 0 : i32
      %dma_start3A_198 = tpu.memref_slice %arg10[%add3A_159, %dma_start3A_197] : memref<10240x128xf32, #tpu.memory_space<vmem_shared>> -> memref<64x128xf32, #tpu.memory_space<vmem_shared>>
      tpu.enqueue_dma source(%dma_start3A_198 : memref<64x128xf32, #tpu.memory_space<vmem_shared>>) target(%dma_start3A_196 : memref<64x128xf32, #tpu.memory_space<vmem>>) target_semaphore(%run_scoped3A_186 : memref<!tpu.dma_semaphore, #tpu.memory_space<semaphore_mem>>)
      %dma_wait3A = arith.constant 0 : i32
      %dma_wait3A_199 = arith.constant 0 : i32
      %dma_wait3A_200 = tpu.memref_slice %arg9[%run_scoped3A_160, %dma_wait3A, %dma_wait3A_199] : memref<2x64x128xf32, #tpu.memory_space<vmem>> -> memref<1x64x128xf32, #tpu.memory_space<vmem>>
      %dma_wait3A_201 = tpu.memref_squeeze %dma_wait3A_200 : memref<1x64x128xf32, #tpu.memory_space<vmem>> -> memref<64x128xf32, #tpu.memory_space<vmem>>
      %dma_wait3A_202 = arith.constant 0 : i32
      %dma_wait3A_203 = tpu.memref_slice %arg10[%add3A_159, %dma_wait3A_202] : memref<10240x128xf32, #tpu.memory_space<vmem_shared>> -> memref<64x128xf32, #tpu.memory_space<vmem_shared>>
      %dma_wait3A_204 = arith.constant 0 : i32
      %dma_wait3A_205 = arith.constant 0 : i32
      %dma_wait3A_206 = tpu.memref_slice %arg9[%run_scoped3A_160, %dma_wait3A_204, %dma_wait3A_205] : memref<2x64x128xf32, #tpu.memory_space<vmem>> -> memref<1x64x128xf32, #tpu.memory_space<vmem>>
      %dma_wait3A_207 = tpu.memref_squeeze %dma_wait3A_206 : memref<1x64x128xf32, #tpu.memory_space<vmem>> -> memref<64x128xf32, #tpu.memory_space<vmem>>
      %dma_wait3A_208 = arith.constant 0 : i32
      %dma_wait3A_209 = tpu.memref_slice %arg10[%add3A_159, %dma_wait3A_208] : memref<10240x128xf32, #tpu.memory_space<vmem_shared>> -> memref<64x128xf32, #tpu.memory_space<vmem_shared>>
      tpu.wait_dma2 semaphore(%run_scoped3A_186 : memref<!tpu.dma_semaphore, #tpu.memory_space<semaphore_mem>>) src(%dma_wait3A_209 : memref<64x128xf32, #tpu.memory_space<vmem_shared>>) dst(%dma_wait3A_207 : memref<64x128xf32, #tpu.memory_space<vmem>>)
      tpu.yield
    }) : () -> ()
    %mul3A_161 = arith.constant 640 : i32
    %mul3A_162 = arith.muli %arg1, %mul3A_161 : i32
    %add3A_163 = arith.constant 448 : i32
    %add3A_164 = arith.addi %mul3A_162, %add3A_163 : i32
    %run_scoped3A_165 = arith.constant 0 : i32
    "tpu.region"() ({
      %run_scoped3A_186 = tpu.sem_alloc : memref<!tpu.dma_semaphore, #tpu.memory_space<semaphore_mem>>
      %dma_start3A_187 = arith.constant 0 : i32
      %dma_start3A_188 = arith.constant 0 : i32
      %dma_start3A_189 = tpu.memref_slice %arg9[%run_scoped3A_165, %dma_start3A_187, %dma_start3A_188] : memref<2x64x128xf32, #tpu.memory_space<vmem>> -> memref<1x64x128xf32, #tpu.memory_space<vmem>>
      %dma_start3A_190 = tpu.memref_squeeze %dma_start3A_189 : memref<1x64x128xf32, #tpu.memory_space<vmem>> -> memref<64x128xf32, #tpu.memory_space<vmem>>
      %dma_start3A_191 = arith.constant 0 : i32
      %dma_start3A_192 = tpu.memref_slice %arg6[%arg0, %add3A_164, %dma_start3A_191] : memref<2x10240x128xf32, #tpu.memory_space<hbm>> -> memref<1x64x128xf32, #tpu.memory_space<hbm>>
      %dma_start3A_193 = tpu.memref_squeeze %dma_start3A_192 : memref<1x64x128xf32, #tpu.memory_space<hbm>> -> memref<64x128xf32, #tpu.memory_space<hbm>>
      %dma_start3A_194 = arith.constant 0 : i32
      %dma_start3A_195 = tpu.memref_slice %arg6[%arg0, %add3A_164, %dma_start3A_194] : memref<2x10240x128xf32, #tpu.memory_space<hbm>> -> memref<1x64x128xf32, #tpu.memory_space<hbm>>
      %dma_start3A_196 = tpu.memref_squeeze %dma_start3A_195 : memref<1x64x128xf32, #tpu.memory_space<hbm>> -> memref<64x128xf32, #tpu.memory_space<hbm>>
      %dma_start3A_197 = arith.constant 0 : i32
      %dma_start3A_198 = arith.constant 0 : i32
      %dma_start3A_199 = tpu.memref_slice %arg9[%run_scoped3A_165, %dma_start3A_197, %dma_start3A_198] : memref<2x64x128xf32, #tpu.memory_space<vmem>> -> memref<1x64x128xf32, #tpu.memory_space<vmem>>
      %dma_start3A_200 = tpu.memref_squeeze %dma_start3A_199 : memref<1x64x128xf32, #tpu.memory_space<vmem>> -> memref<64x128xf32, #tpu.memory_space<vmem>>
      tpu.enqueue_dma source(%dma_start3A_200 : memref<64x128xf32, #tpu.memory_space<vmem>>) target(%dma_start3A_196 : memref<64x128xf32, #tpu.memory_space<hbm>>) target_semaphore(%run_scoped3A_186 : memref<!tpu.dma_semaphore, #tpu.memory_space<semaphore_mem>>)
      %dma_wait3A = arith.constant 0 : i32
      %dma_wait3A_201 = arith.constant 0 : i32
      %dma_wait3A_202 = tpu.memref_slice %arg9[%run_scoped3A_165, %dma_wait3A, %dma_wait3A_201] : memref<2x64x128xf32, #tpu.memory_space<vmem>> -> memref<1x64x128xf32, #tpu.memory_space<vmem>>
      %dma_wait3A_203 = tpu.memref_squeeze %dma_wait3A_202 : memref<1x64x128xf32, #tpu.memory_space<vmem>> -> memref<64x128xf32, #tpu.memory_space<vmem>>
      %dma_wait3A_204 = arith.constant 0 : i32
      %dma_wait3A_205 = tpu.memref_slice %arg6[%arg0, %add3A_164, %dma_wait3A_204] : memref<2x10240x128xf32, #tpu.memory_space<hbm>> -> memref<1x64x128xf32, #tpu.memory_space<hbm>>
      %dma_wait3A_206 = tpu.memref_squeeze %dma_wait3A_205 : memref<1x64x128xf32, #tpu.memory_space<hbm>> -> memref<64x128xf32, #tpu.memory_space<hbm>>
      %dma_wait3A_207 = arith.constant 0 : i32
      %dma_wait3A_208 = tpu.memref_slice %arg6[%arg0, %add3A_164, %dma_wait3A_207] : memref<2x10240x128xf32, #tpu.memory_space<hbm>> -> memref<1x64x128xf32, #tpu.memory_space<hbm>>
      %dma_wait3A_209 = tpu.memref_squeeze %dma_wait3A_208 : memref<1x64x128xf32, #tpu.memory_space<hbm>> -> memref<64x128xf32, #tpu.memory_space<hbm>>
      %dma_wait3A_210 = arith.constant 0 : i32
      %dma_wait3A_211 = arith.constant 0 : i32
      %dma_wait3A_212 = tpu.memref_slice %arg9[%run_scoped3A_165, %dma_wait3A_210, %dma_wait3A_211] : memref<2x64x128xf32, #tpu.memory_space<vmem>> -> memref<1x64x128xf32, #tpu.memory_space<vmem>>
      %dma_wait3A_213 = tpu.memref_squeeze %dma_wait3A_212 : memref<1x64x128xf32, #tpu.memory_space<vmem>> -> memref<64x128xf32, #tpu.memory_space<vmem>>
      tpu.wait_dma2 semaphore(%run_scoped3A_186 : memref<!tpu.dma_semaphore, #tpu.memory_space<semaphore_mem>>) src(%dma_wait3A_213 : memref<64x128xf32, #tpu.memory_space<vmem>>) dst(%dma_wait3A_209 : memref<64x128xf32, #tpu.memory_space<hbm>>)
      tpu.yield
    }) : () -> ()
    %mul3A_166 = arith.constant 640 : i32
    %mul3A_167 = arith.muli %arg1, %mul3A_166 : i32
    %add3A_168 = arith.constant 512 : i32
    %add3A_169 = arith.addi %mul3A_167, %add3A_168 : i32
    %run_scoped3A_170 = arith.constant 0 : i32
    "tpu.region"() ({
      %run_scoped3A_186 = tpu.sem_alloc : memref<!tpu.dma_semaphore, #tpu.memory_space<semaphore_mem>>
      %dma_start3A_187 = arith.constant 0 : i32
      %dma_start3A_188 = arith.constant 0 : i32
      %dma_start3A_189 = tpu.memref_slice %arg9[%run_scoped3A_170, %dma_start3A_187, %dma_start3A_188] : memref<2x64x128xf32, #tpu.memory_space<vmem>> -> memref<1x64x128xf32, #tpu.memory_space<vmem>>
      %dma_start3A_190 = tpu.memref_squeeze %dma_start3A_189 : memref<1x64x128xf32, #tpu.memory_space<vmem>> -> memref<64x128xf32, #tpu.memory_space<vmem>>
      %dma_start3A_191 = arith.constant 0 : i32
      %dma_start3A_192 = tpu.memref_slice %arg10[%add3A_169, %dma_start3A_191] : memref<10240x128xf32, #tpu.memory_space<vmem_shared>> -> memref<64x128xf32, #tpu.memory_space<vmem_shared>>
      %dma_start3A_193 = arith.constant 0 : i32
      %dma_start3A_194 = arith.constant 0 : i32
      %dma_start3A_195 = tpu.memref_slice %arg9[%run_scoped3A_170, %dma_start3A_193, %dma_start3A_194] : memref<2x64x128xf32, #tpu.memory_space<vmem>> -> memref<1x64x128xf32, #tpu.memory_space<vmem>>
      %dma_start3A_196 = tpu.memref_squeeze %dma_start3A_195 : memref<1x64x128xf32, #tpu.memory_space<vmem>> -> memref<64x128xf32, #tpu.memory_space<vmem>>
      %dma_start3A_197 = arith.constant 0 : i32
      %dma_start3A_198 = tpu.memref_slice %arg10[%add3A_169, %dma_start3A_197] : memref<10240x128xf32, #tpu.memory_space<vmem_shared>> -> memref<64x128xf32, #tpu.memory_space<vmem_shared>>
      tpu.enqueue_dma source(%dma_start3A_198 : memref<64x128xf32, #tpu.memory_space<vmem_shared>>) target(%dma_start3A_196 : memref<64x128xf32, #tpu.memory_space<vmem>>) target_semaphore(%run_scoped3A_186 : memref<!tpu.dma_semaphore, #tpu.memory_space<semaphore_mem>>)
      %dma_wait3A = arith.constant 0 : i32
      %dma_wait3A_199 = arith.constant 0 : i32
      %dma_wait3A_200 = tpu.memref_slice %arg9[%run_scoped3A_170, %dma_wait3A, %dma_wait3A_199] : memref<2x64x128xf32, #tpu.memory_space<vmem>> -> memref<1x64x128xf32, #tpu.memory_space<vmem>>
      %dma_wait3A_201 = tpu.memref_squeeze %dma_wait3A_200 : memref<1x64x128xf32, #tpu.memory_space<vmem>> -> memref<64x128xf32, #tpu.memory_space<vmem>>
      %dma_wait3A_202 = arith.constant 0 : i32
      %dma_wait3A_203 = tpu.memref_slice %arg10[%add3A_169, %dma_wait3A_202] : memref<10240x128xf32, #tpu.memory_space<vmem_shared>> -> memref<64x128xf32, #tpu.memory_space<vmem_shared>>
      %dma_wait3A_204 = arith.constant 0 : i32
      %dma_wait3A_205 = arith.constant 0 : i32
      %dma_wait3A_206 = tpu.memref_slice %arg9[%run_scoped3A_170, %dma_wait3A_204, %dma_wait3A_205] : memref<2x64x128xf32, #tpu.memory_space<vmem>> -> memref<1x64x128xf32, #tpu.memory_space<vmem>>
      %dma_wait3A_207 = tpu.memref_squeeze %dma_wait3A_206 : memref<1x64x128xf32, #tpu.memory_space<vmem>> -> memref<64x128xf32, #tpu.memory_space<vmem>>
      %dma_wait3A_208 = arith.constant 0 : i32
      %dma_wait3A_209 = tpu.memref_slice %arg10[%add3A_169, %dma_wait3A_208] : memref<10240x128xf32, #tpu.memory_space<vmem_shared>> -> memref<64x128xf32, #tpu.memory_space<vmem_shared>>
      tpu.wait_dma2 semaphore(%run_scoped3A_186 : memref<!tpu.dma_semaphore, #tpu.memory_space<semaphore_mem>>) src(%dma_wait3A_209 : memref<64x128xf32, #tpu.memory_space<vmem_shared>>) dst(%dma_wait3A_207 : memref<64x128xf32, #tpu.memory_space<vmem>>)
      tpu.yield
    }) : () -> ()
    %mul3A_171 = arith.constant 640 : i32
    %mul3A_172 = arith.muli %arg1, %mul3A_171 : i32
    %add3A_173 = arith.constant 512 : i32
    %add3A_174 = arith.addi %mul3A_172, %add3A_173 : i32
    %run_scoped3A_175 = arith.constant 0 : i32
    "tpu.region"() ({
      %run_scoped3A_186 = tpu.sem_alloc : memref<!tpu.dma_semaphore, #tpu.memory_space<semaphore_mem>>
      %dma_start3A_187 = arith.constant 0 : i32
      %dma_start3A_188 = arith.constant 0 : i32
      %dma_start3A_189 = tpu.memref_slice %arg9[%run_scoped3A_175, %dma_start3A_187, %dma_start3A_188] : memref<2x64x128xf32, #tpu.memory_space<vmem>> -> memref<1x64x128xf32, #tpu.memory_space<vmem>>
      %dma_start3A_190 = tpu.memref_squeeze %dma_start3A_189 : memref<1x64x128xf32, #tpu.memory_space<vmem>> -> memref<64x128xf32, #tpu.memory_space<vmem>>
      %dma_start3A_191 = arith.constant 0 : i32
      %dma_start3A_192 = tpu.memref_slice %arg6[%arg0, %add3A_174, %dma_start3A_191] : memref<2x10240x128xf32, #tpu.memory_space<hbm>> -> memref<1x64x128xf32, #tpu.memory_space<hbm>>
      %dma_start3A_193 = tpu.memref_squeeze %dma_start3A_192 : memref<1x64x128xf32, #tpu.memory_space<hbm>> -> memref<64x128xf32, #tpu.memory_space<hbm>>
      %dma_start3A_194 = arith.constant 0 : i32
      %dma_start3A_195 = tpu.memref_slice %arg6[%arg0, %add3A_174, %dma_start3A_194] : memref<2x10240x128xf32, #tpu.memory_space<hbm>> -> memref<1x64x128xf32, #tpu.memory_space<hbm>>
      %dma_start3A_196 = tpu.memref_squeeze %dma_start3A_195 : memref<1x64x128xf32, #tpu.memory_space<hbm>> -> memref<64x128xf32, #tpu.memory_space<hbm>>
      %dma_start3A_197 = arith.constant 0 : i32
      %dma_start3A_198 = arith.constant 0 : i32
      %dma_start3A_199 = tpu.memref_slice %arg9[%run_scoped3A_175, %dma_start3A_197, %dma_start3A_198] : memref<2x64x128xf32, #tpu.memory_space<vmem>> -> memref<1x64x128xf32, #tpu.memory_space<vmem>>
      %dma_start3A_200 = tpu.memref_squeeze %dma_start3A_199 : memref<1x64x128xf32, #tpu.memory_space<vmem>> -> memref<64x128xf32, #tpu.memory_space<vmem>>
      tpu.enqueue_dma source(%dma_start3A_200 : memref<64x128xf32, #tpu.memory_space<vmem>>) target(%dma_start3A_196 : memref<64x128xf32, #tpu.memory_space<hbm>>) target_semaphore(%run_scoped3A_186 : memref<!tpu.dma_semaphore, #tpu.memory_space<semaphore_mem>>)
      %dma_wait3A = arith.constant 0 : i32
      %dma_wait3A_201 = arith.constant 0 : i32
      %dma_wait3A_202 = tpu.memref_slice %arg9[%run_scoped3A_175, %dma_wait3A, %dma_wait3A_201] : memref<2x64x128xf32, #tpu.memory_space<vmem>> -> memref<1x64x128xf32, #tpu.memory_space<vmem>>
      %dma_wait3A_203 = tpu.memref_squeeze %dma_wait3A_202 : memref<1x64x128xf32, #tpu.memory_space<vmem>> -> memref<64x128xf32, #tpu.memory_space<vmem>>
      %dma_wait3A_204 = arith.constant 0 : i32
      %dma_wait3A_205 = tpu.memref_slice %arg6[%arg0, %add3A_174, %dma_wait3A_204] : memref<2x10240x128xf32, #tpu.memory_space<hbm>> -> memref<1x64x128xf32, #tpu.memory_space<hbm>>
      %dma_wait3A_206 = tpu.memref_squeeze %dma_wait3A_205 : memref<1x64x128xf32, #tpu.memory_space<hbm>> -> memref<64x128xf32, #tpu.memory_space<hbm>>
      %dma_wait3A_207 = arith.constant 0 : i32
      %dma_wait3A_208 = tpu.memref_slice %arg6[%arg0, %add3A_174, %dma_wait3A_207] : memref<2x10240x128xf32, #tpu.memory_space<hbm>> -> memref<1x64x128xf32, #tpu.memory_space<hbm>>
      %dma_wait3A_209 = tpu.memref_squeeze %dma_wait3A_208 : memref<1x64x128xf32, #tpu.memory_space<hbm>> -> memref<64x128xf32, #tpu.memory_space<hbm>>
      %dma_wait3A_210 = arith.constant 0 : i32
      %dma_wait3A_211 = arith.constant 0 : i32
      %dma_wait3A_212 = tpu.memref_slice %arg9[%run_scoped3A_175, %dma_wait3A_210, %dma_wait3A_211] : memref<2x64x128xf32, #tpu.memory_space<vmem>> -> memref<1x64x128xf32, #tpu.memory_space<vmem>>
      %dma_wait3A_213 = tpu.memref_squeeze %dma_wait3A_212 : memref<1x64x128xf32, #tpu.memory_space<vmem>> -> memref<64x128xf32, #tpu.memory_space<vmem>>
      tpu.wait_dma2 semaphore(%run_scoped3A_186 : memref<!tpu.dma_semaphore, #tpu.memory_space<semaphore_mem>>) src(%dma_wait3A_213 : memref<64x128xf32, #tpu.memory_space<vmem>>) dst(%dma_wait3A_209 : memref<64x128xf32, #tpu.memory_space<hbm>>)
      tpu.yield
    }) : () -> ()
    %mul3A_176 = arith.constant 640 : i32
    %mul3A_177 = arith.muli %arg1, %mul3A_176 : i32
    %add3A_178 = arith.constant 576 : i32
    %add3A_179 = arith.addi %mul3A_177, %add3A_178 : i32
    %run_scoped3A_180 = arith.constant 0 : i32
    "tpu.region"() ({
      %run_scoped3A_186 = tpu.sem_alloc : memref<!tpu.dma_semaphore, #tpu.memory_space<semaphore_mem>>
      %dma_start3A_187 = arith.constant 0 : i32
      %dma_start3A_188 = arith.constant 0 : i32
      %dma_start3A_189 = tpu.memref_slice %arg9[%run_scoped3A_180, %dma_start3A_187, %dma_start3A_188] : memref<2x64x128xf32, #tpu.memory_space<vmem>> -> memref<1x64x128xf32, #tpu.memory_space<vmem>>
      %dma_start3A_190 = tpu.memref_squeeze %dma_start3A_189 : memref<1x64x128xf32, #tpu.memory_space<vmem>> -> memref<64x128xf32, #tpu.memory_space<vmem>>
      %dma_start3A_191 = arith.constant 0 : i32
      %dma_start3A_192 = tpu.memref_slice %arg10[%add3A_179, %dma_start3A_191] : memref<10240x128xf32, #tpu.memory_space<vmem_shared>> -> memref<64x128xf32, #tpu.memory_space<vmem_shared>>
      %dma_start3A_193 = arith.constant 0 : i32
      %dma_start3A_194 = arith.constant 0 : i32
      %dma_start3A_195 = tpu.memref_slice %arg9[%run_scoped3A_180, %dma_start3A_193, %dma_start3A_194] : memref<2x64x128xf32, #tpu.memory_space<vmem>> -> memref<1x64x128xf32, #tpu.memory_space<vmem>>
      %dma_start3A_196 = tpu.memref_squeeze %dma_start3A_195 : memref<1x64x128xf32, #tpu.memory_space<vmem>> -> memref<64x128xf32, #tpu.memory_space<vmem>>
      %dma_start3A_197 = arith.constant 0 : i32
      %dma_start3A_198 = tpu.memref_slice %arg10[%add3A_179, %dma_start3A_197] : memref<10240x128xf32, #tpu.memory_space<vmem_shared>> -> memref<64x128xf32, #tpu.memory_space<vmem_shared>>
      tpu.enqueue_dma source(%dma_start3A_198 : memref<64x128xf32, #tpu.memory_space<vmem_shared>>) target(%dma_start3A_196 : memref<64x128xf32, #tpu.memory_space<vmem>>) target_semaphore(%run_scoped3A_186 : memref<!tpu.dma_semaphore, #tpu.memory_space<semaphore_mem>>)
      %dma_wait3A = arith.constant 0 : i32
      %dma_wait3A_199 = arith.constant 0 : i32
      %dma_wait3A_200 = tpu.memref_slice %arg9[%run_scoped3A_180, %dma_wait3A, %dma_wait3A_199] : memref<2x64x128xf32, #tpu.memory_space<vmem>> -> memref<1x64x128xf32, #tpu.memory_space<vmem>>
      %dma_wait3A_201 = tpu.memref_squeeze %dma_wait3A_200 : memref<1x64x128xf32, #tpu.memory_space<vmem>> -> memref<64x128xf32, #tpu.memory_space<vmem>>
      %dma_wait3A_202 = arith.constant 0 : i32
      %dma_wait3A_203 = tpu.memref_slice %arg10[%add3A_179, %dma_wait3A_202] : memref<10240x128xf32, #tpu.memory_space<vmem_shared>> -> memref<64x128xf32, #tpu.memory_space<vmem_shared>>
      %dma_wait3A_204 = arith.constant 0 : i32
      %dma_wait3A_205 = arith.constant 0 : i32
      %dma_wait3A_206 = tpu.memref_slice %arg9[%run_scoped3A_180, %dma_wait3A_204, %dma_wait3A_205] : memref<2x64x128xf32, #tpu.memory_space<vmem>> -> memref<1x64x128xf32, #tpu.memory_space<vmem>>
      %dma_wait3A_207 = tpu.memref_squeeze %dma_wait3A_206 : memref<1x64x128xf32, #tpu.memory_space<vmem>> -> memref<64x128xf32, #tpu.memory_space<vmem>>
      %dma_wait3A_208 = arith.constant 0 : i32
      %dma_wait3A_209 = tpu.memref_slice %arg10[%add3A_179, %dma_wait3A_208] : memref<10240x128xf32, #tpu.memory_space<vmem_shared>> -> memref<64x128xf32, #tpu.memory_space<vmem_shared>>
      tpu.wait_dma2 semaphore(%run_scoped3A_186 : memref<!tpu.dma_semaphore, #tpu.memory_space<semaphore_mem>>) src(%dma_wait3A_209 : memref<64x128xf32, #tpu.memory_space<vmem_shared>>) dst(%dma_wait3A_207 : memref<64x128xf32, #tpu.memory_space<vmem>>)
      tpu.yield
    }) : () -> ()
    %mul3A_181 = arith.constant 640 : i32
    %mul3A_182 = arith.muli %arg1, %mul3A_181 : i32
    %add3A_183 = arith.constant 576 : i32
    %add3A_184 = arith.addi %mul3A_182, %add3A_183 : i32
    %run_scoped3A_185 = arith.constant 0 : i32
    "tpu.region"() ({
      %run_scoped3A_186 = tpu.sem_alloc : memref<!tpu.dma_semaphore, #tpu.memory_space<semaphore_mem>>
      %dma_start3A_187 = arith.constant 0 : i32
      %dma_start3A_188 = arith.constant 0 : i32
      %dma_start3A_189 = tpu.memref_slice %arg9[%run_scoped3A_185, %dma_start3A_187, %dma_start3A_188] : memref<2x64x128xf32, #tpu.memory_space<vmem>> -> memref<1x64x128xf32, #tpu.memory_space<vmem>>
      %dma_start3A_190 = tpu.memref_squeeze %dma_start3A_189 : memref<1x64x128xf32, #tpu.memory_space<vmem>> -> memref<64x128xf32, #tpu.memory_space<vmem>>
      %dma_start3A_191 = arith.constant 0 : i32
      %dma_start3A_192 = tpu.memref_slice %arg6[%arg0, %add3A_184, %dma_start3A_191] : memref<2x10240x128xf32, #tpu.memory_space<hbm>> -> memref<1x64x128xf32, #tpu.memory_space<hbm>>
      %dma_start3A_193 = tpu.memref_squeeze %dma_start3A_192 : memref<1x64x128xf32, #tpu.memory_space<hbm>> -> memref<64x128xf32, #tpu.memory_space<hbm>>
      %dma_start3A_194 = arith.constant 0 : i32
      %dma_start3A_195 = tpu.memref_slice %arg6[%arg0, %add3A_184, %dma_start3A_194] : memref<2x10240x128xf32, #tpu.memory_space<hbm>> -> memref<1x64x128xf32, #tpu.memory_space<hbm>>
      %dma_start3A_196 = tpu.memref_squeeze %dma_start3A_195 : memref<1x64x128xf32, #tpu.memory_space<hbm>> -> memref<64x128xf32, #tpu.memory_space<hbm>>
      %dma_start3A_197 = arith.constant 0 : i32
      %dma_start3A_198 = arith.constant 0 : i32
      %dma_start3A_199 = tpu.memref_slice %arg9[%run_scoped3A_185, %dma_start3A_197, %dma_start3A_198] : memref<2x64x128xf32, #tpu.memory_space<vmem>> -> memref<1x64x128xf32, #tpu.memory_space<vmem>>
      %dma_start3A_200 = tpu.memref_squeeze %dma_start3A_199 : memref<1x64x128xf32, #tpu.memory_space<vmem>> -> memref<64x128xf32, #tpu.memory_space<vmem>>
      tpu.enqueue_dma source(%dma_start3A_200 : memref<64x128xf32, #tpu.memory_space<vmem>>) target(%dma_start3A_196 : memref<64x128xf32, #tpu.memory_space<hbm>>) target_semaphore(%run_scoped3A_186 : memref<!tpu.dma_semaphore, #tpu.memory_space<semaphore_mem>>)
      %dma_wait3A = arith.constant 0 : i32
      %dma_wait3A_201 = arith.constant 0 : i32
      %dma_wait3A_202 = tpu.memref_slice %arg9[%run_scoped3A_185, %dma_wait3A, %dma_wait3A_201] : memref<2x64x128xf32, #tpu.memory_space<vmem>> -> memref<1x64x128xf32, #tpu.memory_space<vmem>>
      %dma_wait3A_203 = tpu.memref_squeeze %dma_wait3A_202 : memref<1x64x128xf32, #tpu.memory_space<vmem>> -> memref<64x128xf32, #tpu.memory_space<vmem>>
      %dma_wait3A_204 = arith.constant 0 : i32
      %dma_wait3A_205 = tpu.memref_slice %arg6[%arg0, %add3A_184, %dma_wait3A_204] : memref<2x10240x128xf32, #tpu.memory_space<hbm>> -> memref<1x64x128xf32, #tpu.memory_space<hbm>>
      %dma_wait3A_206 = tpu.memref_squeeze %dma_wait3A_205 : memref<1x64x128xf32, #tpu.memory_space<hbm>> -> memref<64x128xf32, #tpu.memory_space<hbm>>
      %dma_wait3A_207 = arith.constant 0 : i32
      %dma_wait3A_208 = tpu.memref_slice %arg6[%arg0, %add3A_184, %dma_wait3A_207] : memref<2x10240x128xf32, #tpu.memory_space<hbm>> -> memref<1x64x128xf32, #tpu.memory_space<hbm>>
      %dma_wait3A_209 = tpu.memref_squeeze %dma_wait3A_208 : memref<1x64x128xf32, #tpu.memory_space<hbm>> -> memref<64x128xf32, #tpu.memory_space<hbm>>
      %dma_wait3A_210 = arith.constant 0 : i32
      %dma_wait3A_211 = arith.constant 0 : i32
      %dma_wait3A_212 = tpu.memref_slice %arg9[%run_scoped3A_185, %dma_wait3A_210, %dma_wait3A_211] : memref<2x64x128xf32, #tpu.memory_space<vmem>> -> memref<1x64x128xf32, #tpu.memory_space<vmem>>
      %dma_wait3A_213 = tpu.memref_squeeze %dma_wait3A_212 : memref<1x64x128xf32, #tpu.memory_space<vmem>> -> memref<64x128xf32, #tpu.memory_space<vmem>>
      tpu.wait_dma2 semaphore(%run_scoped3A_186 : memref<!tpu.dma_semaphore, #tpu.memory_space<semaphore_mem>>) src(%dma_wait3A_213 : memref<64x128xf32, #tpu.memory_space<vmem>>) dst(%dma_wait3A_209 : memref<64x128xf32, #tpu.memory_space<hbm>>)
      tpu.yield
    }) : () -> ()
    return
  }
}

module attributes {stable_mosaic.version = 14 : i64} {
  func.func @_mid_body(%arg0: i32, %arg1: memref<2x256x128xf32, #tpu.memory_space<vmem>>, %arg2: memref<256x128xf32, #tpu.memory_space<vmem>>, %arg3: memref<1x256xf32, #tpu.memory_space<vmem>>, %arg4: memref<1x128xf32, #tpu.memory_space<vmem>>, %arg5: memref<128x128xf32, #tpu.memory_space<vmem>>, %arg6: memref<256x128xf32, #tpu.memory_space<vmem>>) attributes {dimension_semantics = [#tpu.dimension_semantics<arbitrary>], iteration_bounds = array<i64: 40>, scalar_prefetch = 0 : i64, scratch_operands = 0 : i64, tpu.core_type = #tpu.core_type<tc>, window_params = [{transform_indices = @transform_0, window_bounds = array<i64: 2, 256, 128>}, {transform_indices = @transform_1, window_bounds = array<i64: 256, 128>}, {transform_indices = @transform_2, window_bounds = array<i64: 1, 256>}, {pipeline_mode = #tpu.pipeline_mode<synchronous>, transform_indices = @transform_3, window_bounds = array<i64: 1, 128>}, {pipeline_mode = #tpu.pipeline_mode<synchronous>, transform_indices = @transform_4, window_bounds = array<i64: 128, 128>}, {transform_indices = @transform_5, window_bounds = array<i64: 256, 128>}]} {
    %get3A = arith.constant 0 : index
    %get3A_0 = arith.constant 0 : index
    %get3A_1 = vector.load %arg3[%get3A, %get3A_0] : memref<1x256xf32, #tpu.memory_space<vmem>>, vector<1x256xf32>
    %transpose3A = tpu.transpose %get3A_1, [1, 0] : vector<1x256xf32> -> vector<256x1xf32>
    %get3A_2 = arith.constant 0 : index
    %get3A_3 = arith.constant 0 : index
    %get3A_4 = arith.constant 0 : index
    %get3A_5 = vector.load %arg1[%get3A_2, %get3A_3, %get3A_4] : memref<2x256x128xf32, #tpu.memory_space<vmem>>, vector<1x256x128xf32>
    %get3A_6 = vector.shape_cast %get3A_5 : vector<1x256x128xf32> to vector<256x128xf32>
    %get3A_7 = arith.constant 1 : index
    %get3A_8 = arith.constant 0 : index
    %get3A_9 = arith.constant 0 : index
    %get3A_10 = vector.load %arg1[%get3A_7, %get3A_8, %get3A_9] : memref<2x256x128xf32, #tpu.memory_space<vmem>>, vector<1x256x128xf32>
    %get3A_11 = vector.shape_cast %get3A_10 : vector<1x256x128xf32> to vector<256x128xf32>
    %add3A = arith.addf %get3A_6, %get3A_11 : vector<256x128xf32>
    %get3A_12 = arith.constant 0 : index
    %get3A_13 = arith.constant 0 : index
    %get3A_14 = vector.load %arg2[%get3A_12, %get3A_13] : memref<256x128xf32, #tpu.memory_space<vmem>>, vector<256x128xf32>
    %add3A_15 = arith.addf %add3A, %get3A_14 : vector<256x128xf32>
    %mul3A = vector.broadcast %transpose3A : vector<256x1xf32> to vector<256x128xf32>
    %mul3A_16 = arith.mulf %add3A_15, %mul3A : vector<256x128xf32>
    %get3A_17 = arith.constant 0 : index
    %get3A_18 = arith.constant 0 : index
    %get3A_19 = vector.load %arg4[%get3A_17, %get3A_18] : memref<1x128xf32, #tpu.memory_space<vmem>>, vector<1x128xf32>
    %add3A_20 = vector.broadcast %get3A_19 : vector<1x128xf32> to vector<256x128xf32>
    %add3A_21 = arith.addf %mul3A_16, %add3A_20 : vector<256x128xf32>
    %max3A = arith.constant 0.000000e+00 : f32
    %max3A_22 = vector.broadcast %max3A : f32 to vector<256x128xf32>
    %max3A_23 = arith.maximumf %add3A_21, %max3A_22 : vector<256x128xf32>
    %get3A_24 = arith.constant 0 : index
    %get3A_25 = arith.constant 0 : index
    %get3A_26 = vector.load %arg5[%get3A_24, %get3A_25] : memref<128x128xf32, #tpu.memory_space<vmem>>, vector<128x128xf32>
    %dot_general3A = arith.constant dense<0.000000e+00> : vector<256x128xf32>
    %dot_general3A_27 = tpu.matmul %max3A_23, %get3A_26, %dot_general3A {dimension_numbers = #tpu.dot_dimension_numbers<[1], [0], [0], [1], [0, 0, 1, 1], [], []>, transpose_lhs_hint = false} : vector<256x128xf32>, vector<128x128xf32>, vector<256x128xf32> -> vector<256x128xf32>
    %mul3A_28 = vector.broadcast %transpose3A : vector<256x1xf32> to vector<256x128xf32>
    %mul3A_29 = arith.mulf %dot_general3A_27, %mul3A_28 : vector<256x128xf32>
    %swap3A = arith.constant 0 : index
    %swap3A_30 = arith.constant 0 : index
    %swap3A_31 = vector.load %arg6[%swap3A, %swap3A_30] : memref<256x128xf32, #tpu.memory_space<vmem>>, vector<256x128xf32>
    tpu.vector_store %arg6[%swap3A, %swap3A_30], %mul3A_29 {strides = array<i32>} : memref<256x128xf32, #tpu.memory_space<vmem>>, vector<256x128xf32>,
    return
  }
  func.func @transform_0(%arg0: i32) -> (i32, i32, i32) {
    %c0_i32 = arith.constant 0 : i32
    %c0_i32_0 = arith.constant 0 : i32
    %c0_i32_1 = arith.constant 0 : i32
    return %c0_i32, %arg0, %c0_i32_0 : i32, i32, i32
  }
  func.func @transform_1(%arg0: i32) -> (i32, i32) {
    %c0_i32 = arith.constant 0 : i32
    %c0_i32_0 = arith.constant 0 : i32
    return %arg0, %c0_i32 : i32, i32
  }
  func.func @transform_2(%arg0: i32) -> (i32, i32) {
    %c0_i32 = arith.constant 0 : i32
    %c0_i32_0 = arith.constant 0 : i32
    return %c0_i32, %arg0 : i32, i32
  }
  func.func @transform_3(%arg0: i32) -> (i32, i32) {
    %c0_i32 = arith.constant 0 : i32
    %c0_i32_0 = arith.constant 0 : i32
    %c0_i32_1 = arith.constant 0 : i32
    return %c0_i32, %c0_i32_0 : i32, i32
  }
  func.func @transform_4(%arg0: i32) -> (i32, i32) {
    %c0_i32 = arith.constant 0 : i32
    %c0_i32_0 = arith.constant 0 : i32
    %c0_i32_1 = arith.constant 0 : i32
    return %c0_i32, %c0_i32_0 : i32, i32
  }
  func.func @transform_5(%arg0: i32) -> (i32, i32) {
    %c0_i32 = arith.constant 0 : i32
    %c0_i32_0 = arith.constant 0 : i32
    return %arg0, %c0_i32 : i32, i32
  }
}

module attributes {stable_mosaic.version = 14 : i64} {
  func.func @_mm1_body(%arg0: i32, %arg1: memref<256x128xf32, #tpu.memory_space<vmem>>, %arg2: memref<128x128xf32, #tpu.memory_space<vmem>>, %arg3: memref<2x256xf32, #tpu.memory_space<vmem>>, %arg4: memref<256x128xf32, #tpu.memory_space<vmem>>, %arg5: memref<1x256xf32, #tpu.memory_space<vmem>>) attributes {dimension_semantics = [#tpu.dimension_semantics<arbitrary>], iteration_bounds = array<i64: 40>, scalar_prefetch = 0 : i64, scratch_operands = 0 : i64, tpu.core_type = #tpu.core_type<tc>, window_params = [{transform_indices = @transform_0, window_bounds = array<i64: 256, 128>}, {pipeline_mode = #tpu.pipeline_mode<synchronous>, transform_indices = @transform_1, window_bounds = array<i64: 128, 128>}, {transform_indices = @transform_2, window_bounds = array<i64: 2, 256>}, {transform_indices = @transform_3, window_bounds = array<i64: 256, 128>}, {transform_indices = @transform_4, window_bounds = array<i64: 1, 256>}]} {
    %get3A = arith.constant 0 : index
    %get3A_0 = arith.constant 0 : index
    %get3A_1 = vector.load %arg3[%get3A, %get3A_0] : memref<2x256xf32, #tpu.memory_space<vmem>>, vector<2x256xf32>
    %slice3A = vector.extract_strided_slice %get3A_1 {offsets = [0, 0], sizes = [1, 256], strides = [1, 1]} : vector<2x256xf32> to vector<1x256xf32>
    %slice3A_2 = vector.extract_strided_slice %get3A_1 {offsets = [1, 0], sizes = [1, 256], strides = [1, 1]} : vector<2x256xf32> to vector<1x256xf32>
    %add3A = arith.addf %slice3A, %slice3A_2 : vector<1x256xf32>
    %add3A_3 = arith.constant 1.000000e+00 : f32
    %add3A_4 = vector.broadcast %add3A_3 : f32 to vector<1x256xf32>
    %add3A_5 = arith.addf %add3A, %add3A_4 : vector<1x256xf32>
    %rsqrt3A = math.rsqrt %add3A_5 : vector<1x256xf32>
    %swap3A = arith.constant 0 : index
    %swap3A_6 = arith.constant 0 : index
    %swap3A_7 = vector.load %arg5[%swap3A, %swap3A_6] : memref<1x256xf32, #tpu.memory_space<vmem>>, vector<1x256xf32>
    tpu.vector_store %arg5[%swap3A, %swap3A_6], %rsqrt3A {strides = array<i32>} : memref<1x256xf32, #tpu.memory_space<vmem>>, vector<1x256xf32>,
    %get3A_8 = arith.constant 0 : index
    %get3A_9 = arith.constant 0 : index
    %get3A_10 = vector.load %arg1[%get3A_8, %get3A_9] : memref<256x128xf32, #tpu.memory_space<vmem>>, vector<256x128xf32>
    %get3A_11 = arith.constant 0 : index
    %get3A_12 = arith.constant 0 : index
    %get3A_13 = vector.load %arg2[%get3A_11, %get3A_12] : memref<128x128xf32, #tpu.memory_space<vmem>>, vector<128x128xf32>
    %dot_general3A = arith.constant dense<0.000000e+00> : vector<256x128xf32>
    %dot_general3A_14 = tpu.matmul %get3A_10, %get3A_13, %dot_general3A {dimension_numbers = #tpu.dot_dimension_numbers<[1], [0], [0], [1], [0, 0, 1, 1], [], []>, transpose_lhs_hint = false} : vector<256x128xf32>, vector<128x128xf32>, vector<256x128xf32> -> vector<256x128xf32>
    %transpose3A = tpu.transpose %rsqrt3A, [1, 0] : vector<1x256xf32> -> vector<256x1xf32>
    %mul3A = vector.broadcast %transpose3A : vector<256x1xf32> to vector<256x128xf32>
    %mul3A_15 = arith.mulf %dot_general3A_14, %mul3A : vector<256x128xf32>
    %swap3A_16 = arith.constant 0 : index
    %swap3A_17 = arith.constant 0 : index
    %swap3A_18 = vector.load %arg4[%swap3A_16, %swap3A_17] : memref<256x128xf32, #tpu.memory_space<vmem>>, vector<256x128xf32>
    tpu.vector_store %arg4[%swap3A_16, %swap3A_17], %mul3A_15 {strides = array<i32>} : memref<256x128xf32, #tpu.memory_space<vmem>>, vector<256x128xf32>,
    return
  }
  func.func @transform_0(%arg0: i32) -> (i32, i32) {
    %c0_i32 = arith.constant 0 : i32
    %c0_i32_0 = arith.constant 0 : i32
    return %arg0, %c0_i32 : i32, i32
  }
  func.func @transform_1(%arg0: i32) -> (i32, i32) {
    %c0_i32 = arith.constant 0 : i32
    %c0_i32_0 = arith.constant 0 : i32
    %c0_i32_1 = arith.constant 0 : i32
    return %c0_i32, %c0_i32_0 : i32, i32
  }
  func.func @transform_2(%arg0: i32) -> (i32, i32) {
    %c0_i32 = arith.constant 0 : i32
    %c0_i32_0 = arith.constant 0 : i32
    return %c0_i32, %arg0 : i32, i32
  }
  func.func @transform_3(%arg0: i32) -> (i32, i32) {
    %c0_i32 = arith.constant 0 : i32
    %c0_i32_0 = arith.constant 0 : i32
    return %arg0, %c0_i32 : i32, i32
  }
  func.func @transform_4(%arg0: i32) -> (i32, i32) {
    %c0_i32 = arith.constant 0 : i32
    %c0_i32_0 = arith.constant 0 : i32
    return %c0_i32, %arg0 : i32, i32
  }
}

module attributes {stable_mosaic.version = 14 : i64} {
  func.func @_fin_body(%arg0: i32, %arg1: memref<2x256x128xf32, #tpu.memory_space<vmem>>, %arg2: memref<256x128xf32, #tpu.memory_space<vmem>>, %arg3: memref<1x256xf32, #tpu.memory_space<vmem>>, %arg4: memref<1x128xf32, #tpu.memory_space<vmem>>, %arg5: memref<256x128xf32, #tpu.memory_space<vmem>>) attributes {dimension_semantics = [#tpu.dimension_semantics<arbitrary>], iteration_bounds = array<i64: 40>, scalar_prefetch = 0 : i64, scratch_operands = 0 : i64, tpu.core_type = #tpu.core_type<tc>, window_params = [{transform_indices = @transform_0, window_bounds = array<i64: 2, 256, 128>}, {transform_indices = @transform_1, window_bounds = array<i64: 256, 128>}, {transform_indices = @transform_2, window_bounds = array<i64: 1, 256>}, {pipeline_mode = #tpu.pipeline_mode<synchronous>, transform_indices = @transform_3, window_bounds = array<i64: 1, 128>}, {transform_indices = @transform_4, window_bounds = array<i64: 256, 128>}]} {
    %get3A = arith.constant 0 : index
    %get3A_0 = arith.constant 0 : index
    %get3A_1 = vector.load %arg3[%get3A, %get3A_0] : memref<1x256xf32, #tpu.memory_space<vmem>>, vector<1x256xf32>
    %transpose3A = tpu.transpose %get3A_1, [1, 0] : vector<1x256xf32> -> vector<256x1xf32>
    %get3A_2 = arith.constant 0 : index
    %get3A_3 = arith.constant 0 : index
    %get3A_4 = arith.constant 0 : index
    %get3A_5 = vector.load %arg1[%get3A_2, %get3A_3, %get3A_4] : memref<2x256x128xf32, #tpu.memory_space<vmem>>, vector<1x256x128xf32>
    %get3A_6 = vector.shape_cast %get3A_5 : vector<1x256x128xf32> to vector<256x128xf32>
    %get3A_7 = arith.constant 1 : index
    %get3A_8 = arith.constant 0 : index
    %get3A_9 = arith.constant 0 : index
    %get3A_10 = vector.load %arg1[%get3A_7, %get3A_8, %get3A_9] : memref<2x256x128xf32, #tpu.memory_space<vmem>>, vector<1x256x128xf32>
    %get3A_11 = vector.shape_cast %get3A_10 : vector<1x256x128xf32> to vector<256x128xf32>
    %add3A = arith.addf %get3A_6, %get3A_11 : vector<256x128xf32>
    %get3A_12 = arith.constant 0 : index
    %get3A_13 = arith.constant 0 : index
    %get3A_14 = vector.load %arg2[%get3A_12, %get3A_13] : memref<256x128xf32, #tpu.memory_space<vmem>>, vector<256x128xf32>
    %add3A_15 = arith.addf %add3A, %get3A_14 : vector<256x128xf32>
    %mul3A = vector.broadcast %transpose3A : vector<256x1xf32> to vector<256x128xf32>
    %mul3A_16 = arith.mulf %add3A_15, %mul3A : vector<256x128xf32>
    %get3A_17 = arith.constant 0 : index
    %get3A_18 = arith.constant 0 : index
    %get3A_19 = vector.load %arg4[%get3A_17, %get3A_18] : memref<1x128xf32, #tpu.memory_space<vmem>>, vector<1x128xf32>
    %add3A_20 = vector.broadcast %get3A_19 : vector<1x128xf32> to vector<256x128xf32>
    %add3A_21 = arith.addf %mul3A_16, %add3A_20 : vector<256x128xf32>
    %tanh3A = math.tanh %add3A_21 : vector<256x128xf32>
    %swap3A = arith.constant 0 : index
    %swap3A_22 = arith.constant 0 : index
    %swap3A_23 = vector.load %arg5[%swap3A, %swap3A_22] : memref<256x128xf32, #tpu.memory_space<vmem>>, vector<256x128xf32>
    tpu.vector_store %arg5[%swap3A, %swap3A_22], %tanh3A {strides = array<i32>} : memref<256x128xf32, #tpu.memory_space<vmem>>, vector<256x128xf32>,
    return
  }
  func.func @transform_0(%arg0: i32) -> (i32, i32, i32) {
    %c0_i32 = arith.constant 0 : i32
    %c0_i32_0 = arith.constant 0 : i32
    %c0_i32_1 = arith.constant 0 : i32
    return %c0_i32, %arg0, %c0_i32_0 : i32, i32, i32
  }
  func.func @transform_1(%arg0: i32) -> (i32, i32) {
    %c0_i32 = arith.constant 0 : i32
    %c0_i32_0 = arith.constant 0 : i32
    return %arg0, %c0_i32 : i32, i32
  }
  func.func @transform_2(%arg0: i32) -> (i32, i32) {
    %c0_i32 = arith.constant 0 : i32
    %c0_i32_0 = arith.constant 0 : i32
    return %c0_i32, %arg0 : i32, i32
  }
  func.func @transform_3(%arg0: i32) -> (i32, i32) {
    %c0_i32 = arith.constant 0 : i32
    %c0_i32_0 = arith.constant 0 : i32
    %c0_i32_1 = arith.constant 0 : i32
    return %c0_i32, %c0_i32_0 : i32, i32
  }
  func.func @transform_4(%arg0: i32) -> (i32, i32) {
    %c0_i32 = arith.constant 0 : i32
    %c0_i32_0 = arith.constant 0 : i32
    return %arg0, %c0_i32 : i32, i32
  }
}

</mosaic_0001>

<sc_bundles>
// kernel: kernel.11.cloned.1.call-start
scs
__scs_entry_jumppad:
0x0: {  	(pc) =	sbr.rel $0x88, $3  }
0x1: {  	(tag) =	ssettag $0x0;
	lr =	simm.s32 $0x1  }
0x2: {  	[smem:$0x3F9B] =	sst lr;
	_ =	strace $0xD0000000  }
0x3: {  	_ = 	snop  }
0x4: {  	_ = 	snop  }
0x5: {  	_ = 	snop  }
0x6: {  	_ = 	snop  }
0x7: {  	_ = 	snop  }
__scs_overlays_trampoline_lowered:
0x8: {  	[smem:$0x3FAA] =	sst s0  }
0x9: {  	[smem:$0x3FAB] =	sst s1  }
0xa: {  	[smem:$0x3FAC] =	sst s2  }
0xb: {  	[smem:$0x3FAD] =	sst s3  }
0xc: {  	[smem:$0x3FAE] =	sst s4  }
0xd: {  	[smem:$0x3FAF] =	sst s5  }
0xe: {  	[smem:$0x3FB0] =	sst s6  }
0xf: {  	[smem:$0x3FB1] =	sst s7  }
0x10: {  	[smem:$0x3FB2] =	sst s8  }
0x11: {  	[smem:$0x3FB3] =	sst s9;
	s0 =	simm.s32 @!p0 $0x0  }
0x12: {  	s1 =	sld [smem:$0x3F99];
	s0 =	simm.s32 @p0 $0x1  }
0x13: {  	[smem:$0x3FB4] =	sst s0;
	s0 =	simm.s32 @!p1 $0x0  }
0x14: {  	s2 =	sld [smem:$0x3F98];
	s0 =	simm.s32 @p1 $0x1  }
0x15: {  	[smem:$0x3FB5] =	sst s0;
	s0 =	simm.s32 @!p2 $0x0  }
0x16: {  	s3 =	sld [smem:$0x3FDB];
	s0 =	simm.s32 @p2 $0x1  }
0x17: {  	s4 =	simm.s32 $0x1BF5;
	[smem:$0x3FB7] =	sst s0  }
0x18: {  	s0 =	sld [smem:$0x3F9A];
	_ =	swait.ge [sflag:s4], $0x0  }
0x19: {  	s7 =	sld [smem:$0x3F9B]  }
0x1a: {  	s8 =	sadd.s32 $0xFFFFE003, lr  }
0x1b: {  	s9 =	sadd.s32 $0xFFFFFEF7, lr;
	s5 =	simm.s32 $0xFFFFFFFF;
	p2 =	slt.u32 s8, $0xFFFFF086  }
0x1c: {  	p1 =	slt.u32 s9, $0xF7A;
	s5 =	simm.s32 @!p2 $0x0  }
0x1d: {  	s5 =	simm.s32 @p1 $0x1;
	p0 =	seq.s32 s7, s2  }
0x1e: {  	s7 =	smul.u32 @!p0 $0xF7A, s2;
	p2 =	seq.s32 @!p0 s5, $0x0  }
0x1f: {  	s9 =	smul.u32 $0xF7A, s1;
	s8 =	simm.s32 @!p0 $0x1BF5;
	p2 =	por !p2, p0  }
0x20: {  	[sflag:s8] =	ssyncset.s32 @!p0 $0xFFFFF086;
	s6 =	sadd.s32 @!p0 s3, s7;
	s7 =	simm.s32 @!p0 $0x108  }
0x21: {  	s3 =	sadd.s32 s3, s9;
	s6 =	sadd.s32 @!p0 $0x88, s6;
	s7 =	simm.s32 @p2 $0x1082  }
0x22: {  	[simem:s7], [sflag:s8] =	dma.local @!p0 [hbm:s6], $0xF7A  }
0x23: {  	s9 =	sor.u32 $0xD0000000, s2;
	s6 =	simm.s32 $0x108;
	_ =	swait.ge @!p0 [sflag:s8], $0x0  }
0x24: {  	s3 =	sadd.s32 $0x88, s3;
	s6 =	simm.s32 @!p1 $0x1082;
	[sflag:s4] =	ssyncset.s32 $0xFFFFF086  }
0x25: {  	[simem:s6], [sflag:s4] =	dma.local [hbm:s3], $0xF7A  }
0x26: {  	[smem:$0x3F9B] =	sst s1;
	(tag) =	ssettag s2;
	_ =	strace s9  }
0x27: {  	s1 =	sld [smem:$0x3FAB]  }
0x28: {  	s2 =	sld [smem:$0x3FAC]  }
0x29: {  	s4 =	sld [smem:$0x3FAE]  }
0x2a: {  	p0 =	seq.s32 s5, $0x0;
	s5 =	sld [smem:$0x3FAF]  }
0x2b: {  	s6 =	sld [smem:$0x3FB0]  }
0x2c: {  	s7 =	sld [smem:$0x3FB1]  }
0x2d: {  	s3 =	simm.s32 $0x108;
	s8 =	sld [smem:$0x3FB2]  }
0x2e: {  	s3 =	simm.s32 @!p0 $0x1082;
	s9 =	sld [smem:$0x3FB3]  }
0x2f: {  	lr =	sadd.s32 s0, s3;
	s0 =	sld [smem:$0x3FAA]  }
0x30: {  	s3 =	sld [smem:$0x3FAD]  }
0x31: {  	[smem:$0x3FB6] =	sst s10  }
0x32: {  	s10 =	sld [smem:$0x3FB4];
	_ =	sdelay $0x3  }
0x33: {  	p0 =	seq.s32 s10, $0x1;
	s10 =	sld [smem:$0x3FB6];
	_ =	sdelay $0x3  }
0x34: {  	[smem:$0x3FB6] =	sst s10  }
0x35: {  	s10 =	sld [smem:$0x3FB5];
	_ =	sdelay $0x3  }
0x36: {  	p1 =	seq.s32 s10, $0x1;
	s10 =	sld [smem:$0x3FB6];
	_ =	sdelay $0x3  }
0x37: {  	[smem:$0x3FB6] =	sst s10  }
0x38: {  	s10 =	sld [smem:$0x3FB7]  }
0x39: {  	_ = 	snop;
	(pc) =	sbr.ind lr, $3  }
0x3a: {  	_ = 	snop  }
0x3b: {  	_ = 	snop  }
0x3c: {  	p2 =	seq.s32 s10, $0x1;
	s10 =	sld [smem:$0x3FB6]  }
0x3d: {  	_ =	shalt  }
0x3e: {  	_ =	shalt  }
0x3f: {  	_ =	shalt  }
0x40: {  	_ =	shalt  }
0x41: {  	_ =	shalt  }
0x42: {  	_ =	shalt  }
0x43: {  	_ =	shalt  }
0x44: {  	_ =	shalt  }
0x45: {  	_ =	shalt  }
0x46: {  	_ =	shalt  }
0x47: {  	_ =	shalt  }
0x48: {  	_ =	shalt  }
0x49: {  	_ =	shalt  }
0x4a: {  	_ =	shalt  }
0x4b: {  	_ =	shalt  }
0x4c: {  	_ =	shalt  }
0x4d: {  	_ =	shalt  }
0x4e: {  	_ =	shalt  }
0x4f: {  	_ =	shalt  }
0x50: {  	_ =	shalt  }
0x51: {  	_ =	shalt  }
0x52: {  	_ =	shalt  }
0x53: {  	_ =	shalt  }
0x54: {  	_ =	shalt  }
0x55: {  	_ =	shalt  }
0x56: {  	_ =	shalt  }
0x57: {  	_ =	shalt  }
0x58: {  	_ =	shalt  }
0x59: {  	_ =	shalt  }
0x5a: {  	_ =	shalt  }
0x5b: {  	_ =	shalt  }
0x5c: {  	_ =	shalt  }
0x5d: {  	_ =	shalt  }
0x5e: {  	_ =	shalt  }
0x5f: {  	_ =	shalt  }
0x60: {  	_ =	shalt  }
0x61: {  	_ =	shalt  }
0x62: {  	_ =	shalt  }
0x63: {  	_ =	shalt  }
0x64: {  	_ =	shalt  }
0x65: {  	_ =	shalt  }
0x66: {  	_ =	shalt  }
0x67: {  	_ =	shalt  }
0x68: {  	_ =	shalt  }
0x69: {  	_ =	shalt  }
0x6a: {  	_ =	shalt  }
0x6b: {  	_ =	shalt  }
0x6c: {  	_ =	shalt  }
0x6d: {  	_ =	shalt  }
0x6e: {  	_ =	shalt  }
0x6f: {  	_ =	shalt  }
0x70: {  	_ =	shalt  }
0x71: {  	_ =	shalt  }
0x72: {  	_ =	shalt  }
0x73: {  	_ =	shalt  }
0x74: {  	_ =	shalt  }
0x75: {  	_ =	shalt  }
0x76: {  	_ =	shalt  }
0x77: {  	_ =	shalt  }
0x78: {  	_ =	shalt  }
0x79: {  	_ =	shalt  }
0x7a: {  	_ =	shalt  }
0x7b: {  	_ =	shalt  }
0x7c: {  	_ =	shalt  }
0x7d: {  	_ =	shalt  }
0x7e: {  	_ =	shalt  }
0x7f: {  	_ =	shalt  }
0x80: {  	_ =	shalt  }
0x81: {  	_ =	shalt  }
0x82: {  	_ =	shalt  }
0x83: {  	_ =	shalt  }
0x84: {  	_ =	shalt  }
0x85: {  	_ =	shalt  }
0x86: {  	_ =	shalt  }
0x87: {  	_ =	shalt  }
.Lfunc_end0:
.L_simem_size_0:
called_computation.1_lowered:
.L_overlay_start_0:
0x88: {  	s2 =	sld [smem:$0x3FD9]  }
0x89: {  	s3 =	sld [smem:$0x3FFE];
	_ =	sdelay $0x1  }
0x8a: {  	s1 =	srdreg.scid  }
0x8b: {  	s0 =	sand.u32 $0x1, s1  }
0x8c: {  	s17 =	sshll.u32 s0, $0xA;
	s2 =	sadd.s32 s3, s2  }
0x8d: {  	s2 =	sadd.s32 s2, s17  }
0x8e: {  	[smem:$0x3FC2] =	sst s2  }
0x8f: {  	_ = 	snop  }
0x90: {  	s2 =	sld [smem:$0x3FD0];
	(tm) =	ssettm $0x1  }
0x91: {  	s18 =	sld [smem:$0x3FFB];
	_ =	sdelay $0x3  }
0x92: {  	_ =	strace s18  }
0x93: {  	s3 =	sld [smem:$0x3FFC];
	_ =	sdelay $0x3  }
0x94: {  	_ =	strace s3  }
0x95: {  	s3 =	sld [smem:$0x3FFD];
	_ =	sdelay $0x3  }
0x96: {  	_ =	strace s3  }
0x97: {  	_ =	strace $0x8FFFFFFF  }
0x98: {  	s19 =	sld [smem:$0x3FDB];
	_ =	sdelay $0x1  }
0x99: {  	s4 =	simm.s32 $_scs_section_size  }
0x9a: {  	s5 =	simm.s32 $_size__tile_overlayer_lowered;
	s6 =	simm.s32 $_tile_overlayer_lowered  }
0x9b: {  	s22 =	simm.s32 $0x1BFF;
	s21 =	sshll.u32 s6, $0x1;
	s3 =	sadd.s32 s4, s19  }
0x9c: {  	s7 =	simm.s32 $0x0;
	s20 =	sshll.u32 s5, $0x1;
	s5 =	sadd.s32 s21, s3  }
0x9d: {  	[timem:s7], [sflag:s22] =	dma.local [hbm:s5], s20  }
0x9e: {  	_ =	swait.ge [sflag:s22], s20  }
0x9f: {  	s4 =	ssub.s32 $0x0, s20;
	[sflag:s22] =	ssyncset.done $0x0  }
0xa0: {  	[sflag:s22] =	ssyncadd.s32 s4;
	_ =	sdelay $0x1  }
0xa1: {  	s23 =	simm.s32 $0x1B8B  }
0xa2: {  	_ =	swait.ge [sflag:s23], $0x1  }
0xa3: {  	[sflag:s23] =	ssyncset.done $0x0  }
0xa4: {  	s25 =	simm.s32 $0x1B8E;
	s24 =	sld [smem:$0x3FFE];
	[sflag:s23] =	ssyncadd.s32 $0xFFFFFFFF  }
0xa5: {  	s26 =	simm.s32 $execute0_lowered;
	[smem:$0x3FD2] =	sst s25  }
0xa6: {  	s5 =	sshll.u32 s26, $0x1;
	_ =	strace $0x80000049;
	[dreg:$0x1] =	wrdreg $0xFFFFFFFF  }
0xa7: {  	s28 =	simm.s32 $_size_execute0_lowered;
	s3 =	sadd.s32 s3, s5;
	[dreg:$0x0] =	wrdreg $0x0  }
0xa8: {  	s5 =	sshll.u32 s28, $0x1;
	[dreg:$0x2] =	wrdreg s3  }
0xa9: {  	[dreg:$0x3] =	wrdreg s5  }
0xaa: {  	[dreg:$0x4] =	wrdreg $0xC0  }
0xab: {  	_ =	task [dreg:s7], $0x5FFFF  }
0xac: {  	[dreg:$0x1] =	wrdreg $0xFFFFFFFF  }
0xad: {  	[dreg:$0x0] =	wrdreg $0x60  }
0xae: {  	[dreg:$0x2] =	wrdreg s24  }
0xaf: {  	[dreg:$0x3] =	wrdreg s2  }
0xb0: {  	[dreg:$0x4] =	wrdreg $0x90000  }
0xb1: {  	[dreg:$0x5] =	wrdreg $0x9  }
0xb2: {  	_ =	task.clear_ibuf [dreg:s7], $0x6FFFF;
	_ =	strace $0x90000049  }
0xb3: {  	s29 =	simm.s32 $0x9;
	_ =	strace $0x8000004B  }
0xb4: {  	_ =	swait.ge [sflag:s29], $0x1  }
0xb5: {  	[sflag:s29] =	ssyncadd.s32 $0xFFFFFFFF  }
0xb6: {  	_ =	strace $0x9000004B  }
0xb7: {  	_ =	sfence  }
0xb8: {  	s30 =	sld [smem:$0x0];
	_ =	sdelay $0x2  }
0xb9: {  	s31 =	sshll.u32 s1, $0xD;
	s1 =	sshrl.u32 s1, $0x2  }
0xba: {  	s3 =	sand.u32 $0x4000, s31;
	s1 =	sadd.s32 s1, s30  }
0xbb: {  	s0 =	sor.u32 s3, s0;
	s1 =	sshll.u32 s1, $0x11  }
0xbc: {  	s0 =	sor.u32 s1, s0  }
0xbd: {  	s0 =	sadd.s32 $0x8F2B, s0  }
0xbe: {  	[sflag:s0] =	ssyncadd.remote.s32 $0x1  }
0xbf: {  	_ =	sfence.sel $0xFFFF  }
0xc0: {  	[dreg:$0x0] =	wrdreg $0xFFFFFFFF;
	(pc) =	sbr.abs _section_cstart, $3  }
0xc1: {  	[dreg:$0x1] =	wrdreg $0xFFFFFFFF  }
0xc2: {  	_ =	task.clear_ibuf [dreg:s7], $0x2FFFF;
	_ =	strace $0x9FFFFFFF  }
0xc3: {  	(tm) =	ssettm $0x7FFFFFFF  }
tec
execute0_lowered:
.L_overlay_start_1:
0x0: {  	(tag) =	ssettag $0x1  }
0x1: {  	s0 =	rddreg [dreg:$0x0]  }
0x2: {  	s3 =	rddreg [dreg:$0x1]  }
0x3: {  	s1 =	simm.s32 $0x0;
	s2 =	srdreg.scid;
	s16 =	stileid.u32  }
0x4: {  	[smem:$0x7FF] =	sst s1;
	s4 =	sand.u32 $0x1, s2;
	s5 =	sadd.s32 $0x3600, s0  }
0x5: {  	s6 =	smul.u32 $0x14000, s16;
	s7 =	sadd.s32 $0x3F600, s0;
	s2 =	ssub.s32 $0x2, s4  }
0x6: {  	s9 =	sshll.u32 s4, $0x4;
	s4 =	smul.u32 $0x140000, s4;
	s8 =	sshrl.u32 s2, $0x1  }
0x7: {  	s21 =	sor.u32 s16, s9;
	s9 =	sor.u32 $0x2000, s6;
	s10 =	sadd.s32 $0x4000, s6  }
0x8: {  	s11 =	sadd.s32 $0x6000, s6;
	s12 =	sadd.s32 $0x8000, s6;
	s14 =	sadd.s32 $0xA000, s6  }
0x9: {  	s26 =	sadd.s32 $0xC000, s6;
	s28 =	sadd.s32 $0xE000, s6;
	s29 =	sadd.s32 $0x10000, s6  }
0xa: {  	s30 =	sadd.s32 $0x12000, s6;
	s2 =	ssub.s32 s2, s8;
	s8 =	smul.u32 $0x5000, s21  }
0xb: {  	s22 =	sadd.s32 s6, s4;
	s23 =	sadd.s32 s4, s9;
	s24 =	sadd.s32 s4, s10  }
0xc: {  	s6 =	sadd.s32 s4, s11;
	s18 =	sadd.s32 s4, s26;
	s8 =	sshrl.u32 s8, $0x3  }
0xd: {  	s19 =	sadd.s32 s4, s28;
	s20 =	sadd.s32 s4, s29;
	s15 =	sadd.s32 s5, s8  }
0xe: {  	s13 =	sadd.s32 $0x500, s8;
	s8 =	sadd.s32 s3, s8;
	[dreg:$0x4] =	wrdreg s15  }
0xf: {  	s31 =	smax.u32 s2, $0x1;
	s2 =	simm.s32 $0x2800;
	[dreg:$0x5] =	wrdreg s8  }
0x10: {  	s5 =	sadd.s32 s5, s13;
	s3 =	sadd.s32 s3, s13;
	s8 =	sadd.s32 s4, s12  }
0x11: {  	s13 =	sadd.s32 s4, s14;
	s4 =	sadd.s32 s4, s30;
	[dreg:$0x6] =	wrdreg s5  }
0x12: {  	[dreg:$0x7] =	wrdreg s3;
	s3 =	sshrl.u32 s22, $0x3;
	s5 =	sshrl.u32 s23, $0x3  }
0x13: {  	s17 =	sshrl.u32 s13, $0x3;
	s22 =	sshrl.u32 s20, $0x3;
	s23 =	smul.u32 $0x50000, s16  }
0x14: {  	s3 =	sadd.s32 s7, s3;
	s25 =	sadd.s32 s7, s5;
	s5 =	sshrl.u32 s24, $0x3  }
0x15: {  	s24 =	sshrl.u32 s4, $0x3;
	s4 =	simm.s32 $0x7000;
	[dreg:$0x8] =	wrdreg s3  }
0x16: {  	[dreg:$0x9] =	wrdreg s25;
	s3 =	sadd.s32 s7, s5;
	s5 =	sshrl.u32 s8, $0x3  }
0x17: {  	s25 =	sshrl.u32 s23, $0x2;
	s8 =	simm.s32 $0x4F00;
	[dreg:$0xa] =	wrdreg s3  }
0x18: {  	s3 =	sshrl.u32 s6, $0x3;
	s15 =	sadd.s32 s7, s5;
	s5 =	sshrl.u32 s19, $0x3  }
0x19: {  	s19 =	sadd.s32 $0x2A00, s0;
	s6 =	simm.s32 $0x2;
	[dreg:$0xc] =	wrdreg s15  }
0x1a: {  	s3 =	sadd.s32 s7, s3;
	s21 =	sadd.s32 s7, s5;
	s15 =	rddreg [dreg:$0x2]  }
0x1b: {  	s5 =	simm.s32 $0x1;
	[dreg:$0xb] =	wrdreg s3;
	s3 =	sadd.s32 s7, s17  }
0x1c: {  	[dreg:$0xf] =	wrdreg s21;
	s20 =	sadd.s32 s25, s15;
	s21 =	sadd.s32 s9, s15  }
0x1d: {  	s23 =	sadd.s32 s11, s15;
	s25 =	sadd.s32 s14, s15;
	s26 =	sadd.s32 s26, s15  }
0x1e: {  	s28 =	sadd.s32 s28, s15;
	s29 =	sadd.s32 s29, s15;
	s30 =	sadd.s32 s30, s15  }
0x1f: {  	s14 =	simm.s32 $0x5000;
	[dreg:$0xd] =	wrdreg s3;
	s3 =	sshrl.u32 s18, $0x3  }
0x20: {  	s9 =	simm.s32 $0x4F80;
	s18 =	sadd.s32 $0x17600, s0;
	s3 =	sadd.s32 s7, s3  }
0x21: {  	s0 =	simm.s32 $0x3;
	[dreg:$0xe] =	wrdreg s3;
	s3 =	sadd.s32 s7, s22  }
0x22: {  	s22 =	sadd.s32 s10, s15;
	[dreg:$0x10] =	wrdreg s3;
	s3 =	sadd.s32 s7, s24  }
0x23: {  	s10 =	simm.s32 $0x0;
	s24 =	sadd.s32 s12, s15;
	[dreg:$0x11] =	wrdreg s3  }
0x24: {  	s7 =	simm.s32 $0x2780;
	s3 =	simm.s32 $0x40;
	_ =	strace $0x8000004A  }
.LBB2_1:
0x25: {  	[tilespmem:s14], [sflag:$0x3] =	stream.linear.gather [hbm4b:s19+s1], $0x2000, $0x38;
	[tilespmem:$0x1D000] =	vst v63  }
0x26: {  	_ =	swait.ge [sflag:s0], $0x2000  }
0x27: {  	[sflag:s0] =	ssyncset.done $0x0  }
0x28: {  	[sflag:s0] =	ssyncadd.s32 $0xFFFFE000  }
0x29: {  	[spmem:s20] =	stream.linear.scatter [tilespmem:s14], [sflag:$0x3], $0x2000, $0x38;
	[tilespmem:$0x1D000] =	vst v63  }
0x2a: {  	_ =	swait.ge [sflag:s0], $0x2000  }
0x2b: {  	[sflag:s0] =	ssyncset.done $0x0  }
0x2c: {  	[sflag:s0] =	ssyncadd.s32 $0xFFFFE000  }
0x2d: {  	[spmem:s21] =	stream.linear.scatter [tilespmem:s14], [sflag:$0x3], $0x2000, $0x38;
	[tilespmem:$0x1D000] =	vst v63  }
0x2e: {  	_ =	swait.ge [sflag:s0], $0x2000  }
0x2f: {  	[sflag:s0] =	ssyncset.done $0x0  }
0x30: {  	[sflag:s0] =	ssyncadd.s32 $0xFFFFE000  }
0x31: {  	[spmem:s22] =	stream.linear.scatter [tilespmem:s14], [sflag:$0x3], $0x2000, $0x38;
	[tilespmem:$0x1D000] =	vst v63  }
0x32: {  	_ =	swait.ge [sflag:s0], $0x2000  }
0x33: {  	[sflag:s0] =	ssyncset.done $0x0  }
0x34: {  	[sflag:s0] =	ssyncadd.s32 $0xFFFFE000  }
0x35: {  	[spmem:s23] =	stream.linear.scatter [tilespmem:s14], [sflag:$0x3], $0x2000, $0x38;
	[tilespmem:$0x1D000] =	vst v63  }
0x36: {  	_ =	swait.ge [sflag:s0], $0x2000  }
0x37: {  	[sflag:s0] =	ssyncset.done $0x0  }
0x38: {  	[sflag:s0] =	ssyncadd.s32 $0xFFFFE000  }
0x39: {  	[spmem:s24] =	stream.linear.scatter [tilespmem:s14], [sflag:$0x3], $0x2000, $0x38;
	[tilespmem:$0x1D000] =	vst v63  }
0x3a: {  	_ =	swait.ge [sflag:s0], $0x2000  }
0x3b: {  	[sflag:s0] =	ssyncset.done $0x0  }
0x3c: {  	[sflag:s0] =	ssyncadd.s32 $0xFFFFE000  }
0x3d: {  	[spmem:s25] =	stream.linear.scatter [tilespmem:s14], [sflag:$0x3], $0x2000, $0x38;
	[tilespmem:$0x1D000] =	vst v63  }
0x3e: {  	_ =	swait.ge [sflag:s0], $0x2000  }
0x3f: {  	[sflag:s0] =	ssyncset.done $0x0  }
0x40: {  	[sflag:s0] =	ssyncadd.s32 $0xFFFFE000  }
0x41: {  	[spmem:s26] =	stream.linear.scatter [tilespmem:s14], [sflag:$0x3], $0x2000, $0x38;
	[tilespmem:$0x1D000] =	vst v63  }
0x42: {  	_ =	swait.ge [sflag:s0], $0x2000  }
0x43: {  	[sflag:s0] =	ssyncset.done $0x0  }
0x44: {  	[sflag:s0] =	ssyncadd.s32 $0xFFFFE000  }
0x45: {  	[spmem:s28] =	stream.linear.scatter [tilespmem:s14], [sflag:$0x3], $0x2000, $0x38;
	[tilespmem:$0x1D000] =	vst v63  }
0x46: {  	_ =	swait.ge [sflag:s0], $0x2000  }
0x47: {  	[sflag:s0] =	ssyncset.done $0x0  }
0x48: {  	[sflag:s0] =	ssyncadd.s32 $0xFFFFE000  }
0x49: {  	[spmem:s29] =	stream.linear.scatter [tilespmem:s14], [sflag:$0x3], $0x2000, $0x38;
	[tilespmem:$0x1D000] =	vst v63  }
0x4a: {  	_ =	swait.ge [sflag:s0], $0x2000  }
0x4b: {  	[sflag:s0] =	ssyncset.done $0x0  }
0x4c: {  	[sflag:s0] =	ssyncadd.s32 $0xFFFFE000  }
0x4d: {  	[spmem:s30] =	stream.linear.scatter [tilespmem:s14], [sflag:$0x3], $0x2000, $0x38;
	[tilespmem:$0x1D000] =	vst v63  }
0x4e: {  	_ =	swait.ge [sflag:s0], $0x2000  }
0x4f: {  	[sflag:s0] =	ssyncset.done $0x0  }
0x50: {  	[sflag:s0] =	ssyncadd.s32 $0xFFFFE000  }
0x51: {  	[bflag:$0x0] =	sbarrier.arrive $0xFFFF  }
0x52: {  	s11 =	rddreg [dreg:$0x4]  }
0x53: {  	[tilespmem:s1], [sflag:$0x3] =	stream.linear.gather [hbm4b:s11+s1], $0x2800, $0x38;
	[tilespmem:$0x1D000] =	vst v63  }
0x54: {  	_ =	swait.ge [sflag:s0], $0x2800  }
0x55: {  	[sflag:s0] =	ssyncset.done $0x0  }
0x56: {  	s17 =	rddreg [dreg:$0x5];
	[sflag:s0] =	ssyncadd.s32 $0xFFFFD800  }
0x57: {  	[tilespmem:s2], [sflag:$0x3] =	stream.linear.gather [hbm4b:s17+s1], $0x2800, $0x38;
	[tilespmem:$0x1D000] =	vst v63  }
0x58: {  	_ =	swait.ge [sflag:s0], $0x2800  }
0x59: {  	[sflag:s0] =	ssyncset.done $0x0  }
0x5a: {  	[sflag:s0] =	ssyncadd.s32 $0xFFFFD800  }
0x5b: {  	[tilespmem:s14], [sflag:$0x1] =	stream.indirect.gather [hbm4b:s18+s3], $0x80, s1, s3, $0xb8;
	[tilespmem:$0x1D000] =	vst v63  }
0x5c: {  	s12 =	simm.s32 $0x80  }
0x5d: {  	[tilespmem:s4], [sflag:$0x2] =	stream.indirect.gather [hbm4b:s18+s3], $0x80, s12, s3, $0xb8;
	[tilespmem:$0x1D000] =	vst v63  }
0x5e: {  	_ =	swait.ge [sflag:s5], $0x2000  }
0x5f: {  	[sflag:s5] =	ssyncset.done $0x0  }
0x60: {  	s13 =	simm.s32 $0x2800;
	[sflag:s5] =	ssyncadd.s32 $0xFFFFE000  }
0x61: {  	[spmem:s15] =	stream.indirect.scatter.add.f32 [tilespmem:s14], [sflag:$0x3], $0x80, s13, s3, $0xb8;
	[tilespmem:$0x1D000] =	vst v63  }
0x62: {  	_ =	swait.ge [sflag:s0], $0x2000  }
0x63: {  	[sflag:s0] =	ssyncset.done $0x0  }
0x64: {  	s16 =	simm.s32 $0x100;
	[sflag:s0] =	ssyncadd.s32 $0xFFFFE000  }
0x65: {  	[tilespmem:s14], [sflag:$0x1] =	stream.indirect.gather [hbm4b:s18+s3], $0x80, s16, s3, $0xb8;
	[tilespmem:$0x1D000] =	vst v63  }
0x66: {  	_ =	swait.ge [sflag:s6], $0x2000  }
0x67: {  	[sflag:s6] =	ssyncset.done $0x0  }
0x68: {  	s17 =	simm.s32 $0x2880;
	[sflag:s6] =	ssyncadd.s32 $0xFFFFE000  }
0x69: {  	[spmem:s15] =	stream.indirect.scatter.add.f32 [tilespmem:s4], [sflag:$0x3], $0x80, s17, s3, $0xb8;
	[tilespmem:$0x1D000] =	vst v63  }
0x6a: {  	_ =	swait.ge [sflag:s0], $0x2000  }
0x6b: {  	s11 =	simm.s32 $0x100;
	s12 =	simm.s32 $0x800;
	[sflag:s0] =	ssyncset.done $0x0  }
.LBB2_2:
0x6c: {  	s13 =	sadd.s32 $0x80, s11  }
0x6d: {  	[sflag:s0] =	ssyncadd.s32 $0xFFFFE000;
	s16 =	smov.u32 s12;
	s17 =	sadd.s32 $0x400, s12  }
0x6e: {  	[tilespmem:s4], [sflag:$0x2] =	stream.indirect.gather [hbm4b:s18+s3], $0x80, s13, s3, $0xb8;
	[tilespmem:$0x1D000] =	vst v63  }
0x6f: {  	p0 =	sne.s32 s12, $0x9800;
	_ =	swait.ge [sflag:s5], $0x2000  }
0x70: {  	[sflag:s5] =	ssyncset.done $0x0  }
0x71: {  	s12 =	sadd.s32 $0x2800, s11;
	[sflag:s5] =	ssyncadd.s32 $0xFFFFE000  }
0x72: {  	[spmem:s15] =	stream.indirect.scatter.add.f32 [tilespmem:s14], [sflag:$0x3], $0x80, s12, s3, $0xb8;
	[tilespmem:$0x1D000] =	vst v63  }
0x73: {  	_ =	swait.ge [sflag:s0], $0x2000  }
0x74: {  	[sflag:s0] =	ssyncset.done $0x0  }
0x75: {  	s12 =	sadd.s32 $0x100, s11;
	[sflag:s0] =	ssyncadd.s32 $0xFFFFE000  }
0x76: {  	[tilespmem:s14], [sflag:$0x1] =	stream.indirect.gather [hbm4b:s18+s3], $0x80, s12, s3, $0xb8;
	[tilespmem:$0x1D000] =	vst v63  }
0x77: {  	_ =	swait.ge [sflag:s6], $0x2000  }
.Ltmp0:
0x78: {  	[sflag:s6] =	ssyncset.done $0x0;
	(pc) =	sbr.rel @p0 .LBB2_2-.Ltmp0, $4  }
0x79: {  	s11 =	sadd.s32 $0x2880, s11;
	[sflag:s6] =	ssyncadd.s32 $0xFFFFE000  }
0x7a: {  	[spmem:s15] =	stream.indirect.scatter.add.f32 [tilespmem:s4], [sflag:$0x3], $0x80, s11, s3, $0xb8;
	[tilespmem:$0x1D000] =	vst v63  }
0x7b: {  	_ =	swait.ge [sflag:s0], $0x2000  }
0x7c: {  	s12 =	smov.u32 s17;
	s11 =	sshra.s32 s16, $0x2;
	[sflag:s0] =	ssyncset.done $0x0  }
0x7d: {  	s12 =	sadd.s32 $0x80, s11;
	[sflag:s0] =	ssyncadd.s32 $0xFFFFE000  }
0x7e: {  	[tilespmem:s4], [sflag:$0x2] =	stream.indirect.gather [hbm4b:s18+s3], $0x80, s12, s3, $0xb8;
	[tilespmem:$0x1D000] =	vst v63  }
0x7f: {  	_ =	swait.ge [sflag:s5], $0x2000  }
0x80: {  	[sflag:s5] =	ssyncset.done $0x0  }
0x81: {  	s16 =	sadd.s32 $0x2800, s11;
	[sflag:s5] =	ssyncadd.s32 $0xFFFFE000  }
0x82: {  	[spmem:s15] =	stream.indirect.scatter.add.f32 [tilespmem:s14], [sflag:$0x3], $0x80, s16, s3, $0xb8;
	[tilespmem:$0x1D000] =	vst v63  }
0x83: {  	_ =	swait.ge [sflag:s0], $0x2000  }
0x84: {  	[sflag:s0] =	ssyncset.done $0x0  }
0x85: {  	s17 =	sadd.s32 $0x100, s11;
	[sflag:s0] =	ssyncadd.s32 $0xFFFFE000  }
0x86: {  	[tilespmem:s14], [sflag:$0x1] =	stream.indirect.gather [hbm4b:s18+s3], $0x80, s17, s3, $0xb8;
	[tilespmem:$0x1D000] =	vst v63  }
0x87: {  	_ =	swait.ge [sflag:s6], $0x2000  }
0x88: {  	[sflag:s6] =	ssyncset.done $0x0  }
0x89: {  	s12 =	sadd.s32 $0x2880, s11;
	[sflag:s6] =	ssyncadd.s32 $0xFFFFE000  }
0x8a: {  	[spmem:s15] =	stream.indirect.scatter.add.f32 [tilespmem:s4], [sflag:$0x3], $0x80, s12, s3, $0xb8;
	[tilespmem:$0x1D000] =	vst v63  }
0x8b: {  	_ =	swait.ge [sflag:s0], $0x2000  }
0x8c: {  	[sflag:s0] =	ssyncset.done $0x0  }
0x8d: {  	[sflag:s0] =	ssyncadd.s32 $0xFFFFE000  }
0x8e: {  	[tilespmem:s4], [sflag:$0x2] =	stream.indirect.gather [hbm4b:s18+s3], $0x80, s7, s3, $0xb8;
	[tilespmem:$0x1D000] =	vst v63  }
0x8f: {  	_ =	swait.ge [sflag:s5], $0x2000  }
0x90: {  	[sflag:s5] =	ssyncset.done $0x0  }
0x91: {  	[sflag:s5] =	ssyncadd.s32 $0xFFFFE000  }
0x92: {  	[spmem:s15] =	stream.indirect.scatter.add.f32 [tilespmem:s14], [sflag:$0x3], $0x80, s8, s3, $0xb8;
	[tilespmem:$0x1D000] =	vst v63  }
0x93: {  	_ =	swait.ge [sflag:s0], $0x2000  }
0x94: {  	[sflag:s0] =	ssyncset.done $0x0  }
0x95: {  	[sflag:s0] =	ssyncadd.s32 $0xFFFFE000  }
0x96: {  	_ =	swait.ge [sflag:s6], $0x2000  }
0x97: {  	[sflag:s6] =	ssyncset.done $0x0  }
0x98: {  	[sflag:s6] =	ssyncadd.s32 $0xFFFFE000  }
0x99: {  	[spmem:s15] =	stream.indirect.scatter.add.f32 [tilespmem:s4], [sflag:$0x3], $0x80, s9, s3, $0xb8;
	[tilespmem:$0x1D000] =	vst v63  }
0x9a: {  	_ =	swait.ge [sflag:s0], $0x2000  }
0x9b: {  	[sflag:s0] =	ssyncset.done $0x0  }
0x9c: {  	s13 =	simm.s32 $0x0;
	s16 =	rddreg [dreg:$0x6];
	[sflag:s0] =	ssyncadd.s32 $0xFFFFE000  }
0x9d: {  	[tilespmem:s13], [sflag:$0x3] =	stream.linear.gather [hbm4b:s16+s13], $0x2800, $0x38;
	[tilespmem:$0x1D000] =	vst v63  }
0x9e: {  	_ =	swait.ge [sflag:s0], $0x2800  }
0x9f: {  	[sflag:s0] =	ssyncset.done $0x0  }
0xa0: {  	s17 =	rddreg [dreg:$0x7];
	[sflag:s0] =	ssyncadd.s32 $0xFFFFD800  }
0xa1: {  	[tilespmem:s2], [sflag:$0x3] =	stream.linear.gather [hbm4b:s17+s13], $0x2800, $0x38;
	[tilespmem:$0x1D000] =	vst v63  }
0xa2: {  	_ =	swait.ge [sflag:s0], $0x2800  }
0xa3: {  	[sflag:s0] =	ssyncset.done $0x0  }
0xa4: {  	[sflag:s0] =	ssyncadd.s32 $0xFFFFD800  }
0xa5: {  	[tilespmem:s14], [sflag:$0x1] =	stream.indirect.gather [hbm4b:s18+s3], $0x80, s13, s3, $0xb8;
	[tilespmem:$0x1D000] =	vst v63  }
0xa6: {  	s12 =	simm.s32 $0x80  }
0xa7: {  	[tilespmem:s4], [sflag:$0x2] =	stream.indirect.gather [hbm4b:s18+s3], $0x80, s12, s3, $0xb8;
	[tilespmem:$0x1D000] =	vst v63  }
0xa8: {  	_ =	swait.ge [sflag:s5], $0x2000  }
0xa9: {  	[sflag:s5] =	ssyncset.done $0x0  }
0xaa: {  	s13 =	simm.s32 $0x2800;
	[sflag:s5] =	ssyncadd.s32 $0xFFFFE000  }
0xab: {  	[spmem:s15] =	stream.indirect.scatter.add.f32 [tilespmem:s14], [sflag:$0x3], $0x80, s13, s3, $0xb8;
	[tilespmem:$0x1D000] =	vst v63  }
0xac: {  	_ =	swait.ge [sflag:s0], $0x2000  }
0xad: {  	[sflag:s0] =	ssyncset.done $0x0  }
0xae: {  	s16 =	simm.s32 $0x100;
	[sflag:s0] =	ssyncadd.s32 $0xFFFFE000  }
0xaf: {  	[tilespmem:s14], [sflag:$0x1] =	stream.indirect.gather [hbm4b:s18+s3], $0x80, s16, s3, $0xb8;
	[tilespmem:$0x1D000] =	vst v63  }
0xb0: {  	_ =	swait.ge [sflag:s6], $0x2000  }
0xb1: {  	[sflag:s6] =	ssyncset.done $0x0  }
0xb2: {  	s17 =	simm.s32 $0x2880;
	[sflag:s6] =	ssyncadd.s32 $0xFFFFE000  }
0xb3: {  	[spmem:s15] =	stream.indirect.scatter.add.f32 [tilespmem:s4], [sflag:$0x3], $0x80, s17, s3, $0xb8;
	[tilespmem:$0x1D000] =	vst v63  }
0xb4: {  	_ =	swait.ge [sflag:s0], $0x2000  }
0xb5: {  	s11 =	simm.s32 $0x100;
	s12 =	simm.s32 $0x800;
	[sflag:s0] =	ssyncset.done $0x0  }
.LBB2_4:
0xb6: {  	s13 =	sadd.s32 $0x80, s11  }
0xb7: {  	[sflag:s0] =	ssyncadd.s32 $0xFFFFE000;
	s16 =	smov.u32 s12;
	s17 =	sadd.s32 $0x400, s12  }
0xb8: {  	[tilespmem:s4], [sflag:$0x2] =	stream.indirect.gather [hbm4b:s18+s3], $0x80, s13, s3, $0xb8;
	[tilespmem:$0x1D000] =	vst v63  }
0xb9: {  	p0 =	sne.s32 s12, $0x9800;
	_ =	swait.ge [sflag:s5], $0x2000  }
0xba: {  	[sflag:s5] =	ssyncset.done $0x0  }
0xbb: {  	s12 =	sadd.s32 $0x2800, s11;
	[sflag:s5] =	ssyncadd.s32 $0xFFFFE000  }
0xbc: {  	[spmem:s15] =	stream.indirect.scatter.add.f32 [tilespmem:s14], [sflag:$0x3], $0x80, s12, s3, $0xb8;
	[tilespmem:$0x1D000] =	vst v63  }
0xbd: {  	_ =	swait.ge [sflag:s0], $0x2000  }
0xbe: {  	[sflag:s0] =	ssyncset.done $0x0  }
0xbf: {  	s12 =	sadd.s32 $0x100, s11;
	[sflag:s0] =	ssyncadd.s32 $0xFFFFE000  }
0xc0: {  	[tilespmem:s14], [sflag:$0x1] =	stream.indirect.gather [hbm4b:s18+s3], $0x80, s12, s3, $0xb8;
	[tilespmem:$0x1D000] =	vst v63  }
0xc1: {  	_ =	swait.ge [sflag:s6], $0x2000  }
.Ltmp1:
0xc2: {  	[sflag:s6] =	ssyncset.done $0x0;
	(pc) =	sbr.rel @p0 .LBB2_4-.Ltmp1, $4  }
0xc3: {  	s11 =	sadd.s32 $0x2880, s11;
	[sflag:s6] =	ssyncadd.s32 $0xFFFFE000  }
0xc4: {  	[spmem:s15] =	stream.indirect.scatter.add.f32 [tilespmem:s4], [sflag:$0x3], $0x80, s11, s3, $0xb8;
	[tilespmem:$0x1D000] =	vst v63  }
0xc5: {  	_ =	swait.ge [sflag:s0], $0x2000  }
0xc6: {  	s12 =	smov.u32 s17;
	s11 =	sshra.s32 s16, $0x2;
	[sflag:s0] =	ssyncset.done $0x0  }
0xc7: {  	s12 =	sadd.s32 $0x80, s11;
	[sflag:s0] =	ssyncadd.s32 $0xFFFFE000  }
0xc8: {  	[tilespmem:s4], [sflag:$0x2] =	stream.indirect.gather [hbm4b:s18+s3], $0x80, s12, s3, $0xb8;
	[tilespmem:$0x1D000] =	vst v63  }
0xc9: {  	_ =	swait.ge [sflag:s5], $0x2000  }
0xca: {  	[sflag:s5] =	ssyncset.done $0x0  }
0xcb: {  	s16 =	sadd.s32 $0x2800, s11;
	[sflag:s5] =	ssyncadd.s32 $0xFFFFE000  }
0xcc: {  	[spmem:s15] =	stream.indirect.scatter.add.f32 [tilespmem:s14], [sflag:$0x3], $0x80, s16, s3, $0xb8;
	[tilespmem:$0x1D000] =	vst v63  }
0xcd: {  	_ =	swait.ge [sflag:s0], $0x2000  }
0xce: {  	[sflag:s0] =	ssyncset.done $0x0  }
0xcf: {  	s17 =	sadd.s32 $0x100, s11;
	[sflag:s0] =	ssyncadd.s32 $0xFFFFE000  }
0xd0: {  	[tilespmem:s14], [sflag:$0x1] =	stream.indirect.gather [hbm4b:s18+s3], $0x80, s17, s3, $0xb8;
	[tilespmem:$0x1D000] =	vst v63  }
0xd1: {  	_ =	swait.ge [sflag:s6], $0x2000  }
0xd2: {  	[sflag:s6] =	ssyncset.done $0x0  }
0xd3: {  	s13 =	sadd.s32 $0x2880, s11;
	[sflag:s6] =	ssyncadd.s32 $0xFFFFE000  }
0xd4: {  	[spmem:s15] =	stream.indirect.scatter.add.f32 [tilespmem:s4], [sflag:$0x3], $0x80, s13, s3, $0xb8;
	[tilespmem:$0x1D000] =	vst v63  }
0xd5: {  	_ =	swait.ge [sflag:s0], $0x2000  }
0xd6: {  	[sflag:s0] =	ssyncset.done $0x0  }
0xd7: {  	[sflag:s0] =	ssyncadd.s32 $0xFFFFE000  }
0xd8: {  	[tilespmem:s4], [sflag:$0x2] =	stream.indirect.gather [hbm4b:s18+s3], $0x80, s7, s3, $0xb8;
	[tilespmem:$0x1D000] =	vst v63  }
0xd9: {  	_ =	swait.ge [sflag:s5], $0x2000  }
0xda: {  	[sflag:s5] =	ssyncset.done $0x0  }
0xdb: {  	[sflag:s5] =	ssyncadd.s32 $0xFFFFE000  }
0xdc: {  	[spmem:s15] =	stream.indirect.scatter.add.f32 [tilespmem:s14], [sflag:$0x3], $0x80, s8, s3, $0xb8;
	[tilespmem:$0x1D000] =	vst v63  }
0xdd: {  	_ =	swait.ge [sflag:s0], $0x2000  }
0xde: {  	[sflag:s0] =	ssyncset.done $0x0  }
0xdf: {  	[sflag:s0] =	ssyncadd.s32 $0xFFFFE000  }
0xe0: {  	_ =	swait.ge [sflag:s6], $0x2000  }
0xe1: {  	[sflag:s6] =	ssyncset.done $0x0  }
0xe2: {  	[sflag:s6] =	ssyncadd.s32 $0xFFFFE000  }
0xe3: {  	[spmem:s15] =	stream.indirect.scatter.add.f32 [tilespmem:s4], [sflag:$0x3], $0x80, s9, s3, $0xb8;
	[tilespmem:$0x1D000] =	vst v63  }
0xe4: {  	_ =	swait.ge [sflag:s0], $0x2000  }
0xe5: {  	[sflag:s0] =	ssyncset.done $0x0  }
0xe6: {  	[sflag:s0] =	ssyncadd.s32 $0xFFFFE000  }
0xe7: {  	[bflag:$0x0] =	sbarrier.arrive $0xFFFF  }
0xe8: {  	[tilespmem:s14], [sflag:$0x3] =	stream.linear.gather [spmem:s20], $0x2000, $0x38;
	[tilespmem:$0x1D000] =	vst v63  }
0xe9: {  	_ =	swait.ge [sflag:s0], $0x2000  }
0xea: {  	[sflag:s0] =	ssyncset.done $0x0  }
0xeb: {  	s16 =	rddreg [dreg:$0x8];
	[sflag:s0] =	ssyncadd.s32 $0xFFFFE000  }
0xec: {  	[hbm4b:s16+s1] =	stream.linear.scatter [tilespmem:s14], [sflag:$0x3], $0x2000, $0x38;
	[tilespmem:$0x1D000] =	vst v63  }
0xed: {  	_ =	swait.ge [sflag:s0], $0x2000  }
0xee: {  	[sflag:s0] =	ssyncset.done $0x0  }
0xef: {  	[sflag:s0] =	ssyncadd.s32 $0xFFFFE000  }
0xf0: {  	[tilespmem:s14], [sflag:$0x3] =	stream.linear.gather [spmem:s21], $0x2000, $0x38;
	[tilespmem:$0x1D000] =	vst v63  }
0xf1: {  	_ =	swait.ge [sflag:s0], $0x2000  }
0xf2: {  	[sflag:s0] =	ssyncset.done $0x0  }
0xf3: {  	s17 =	rddreg [dreg:$0x9];
	[sflag:s0] =	ssyncadd.s32 $0xFFFFE000  }
0xf4: {  	[hbm4b:s17+s1] =	stream.linear.scatter [tilespmem:s14], [sflag:$0x3], $0x2000, $0x38;
	[tilespmem:$0x1D000] =	vst v63  }
0xf5: {  	_ =	swait.ge [sflag:s0], $0x2000  }
0xf6: {  	[sflag:s0] =	ssyncset.done $0x0  }
0xf7: {  	[sflag:s0] =	ssyncadd.s32 $0xFFFFE000  }
0xf8: {  	[tilespmem:s14], [sflag:$0x3] =	stream.linear.gather [spmem:s22], $0x2000, $0x38;
	[tilespmem:$0x1D000] =	vst v63  }
0xf9: {  	_ =	swait.ge [sflag:s0], $0x2000  }
0xfa: {  	[sflag:s0] =	ssyncset.done $0x0  }
0xfb: {  	s12 =	rddreg [dreg:$0xa];
	[sflag:s0] =	ssyncadd.s32 $0xFFFFE000  }
0xfc: {  	[hbm4b:s12+s1] =	stream.linear.scatter [tilespmem:s14], [sflag:$0x3], $0x2000, $0x38;
	[tilespmem:$0x1D000] =	vst v63  }
0xfd: {  	_ =	swait.ge [sflag:s0], $0x2000  }
0xfe: {  	[sflag:s0] =	ssyncset.done $0x0  }
0xff: {  	[sflag:s0] =	ssyncadd.s32 $0xFFFFE000  }
0x100: {  	[tilespmem:s14], [sflag:$0x3] =	stream.linear.gather [spmem:s23], $0x2000, $0x38;
	[tilespmem:$0x1D000] =	vst v63  }
0x101: {  	_ =	swait.ge [sflag:s0], $0x2000  }
0x102: {  	[sflag:s0] =	ssyncset.done $0x0  }
0x103: {  	s13 =	rddreg [dreg:$0xb];
	[sflag:s0] =	ssyncadd.s32 $0xFFFFE000  }
0x104: {  	[hbm4b:s13+s1] =	stream.linear.scatter [tilespmem:s14], [sflag:$0x3], $0x2000, $0x38;
	[tilespmem:$0x1D000] =	vst v63  }
0x105: {  	_ =	swait.ge [sflag:s0], $0x2000  }
0x106: {  	[sflag:s0] =	ssyncset.done $0x0  }
0x107: {  	[sflag:s0] =	ssyncadd.s32 $0xFFFFE000  }
0x108: {  	[tilespmem:s14], [sflag:$0x3] =	stream.linear.gather [spmem:s24], $0x2000, $0x38;
	[tilespmem:$0x1D000] =	vst v63  }
0x109: {  	_ =	swait.ge [sflag:s0], $0x2000  }
0x10a: {  	[sflag:s0] =	ssyncset.done $0x0  }
0x10b: {  	s16 =	rddreg [dreg:$0xc];
	[sflag:s0] =	ssyncadd.s32 $0xFFFFE000  }
0x10c: {  	[hbm4b:s16+s1] =	stream.linear.scatter [tilespmem:s14], [sflag:$0x3], $0x2000, $0x38;
	[tilespmem:$0x1D000] =	vst v63  }
0x10d: {  	_ =	swait.ge [sflag:s0], $0x2000  }
0x10e: {  	[sflag:s0] =	ssyncset.done $0x0  }
0x10f: {  	[sflag:s0] =	ssyncadd.s32 $0xFFFFE000  }
0x110: {  	[tilespmem:s14], [sflag:$0x3] =	stream.linear.gather [spmem:s25], $0x2000, $0x38;
	[tilespmem:$0x1D000] =	vst v63  }
0x111: {  	_ =	swait.ge [sflag:s0], $0x2000  }
0x112: {  	[sflag:s0] =	ssyncset.done $0x0  }
0x113: {  	s17 =	rddreg [dreg:$0xd];
	[sflag:s0] =	ssyncadd.s32 $0xFFFFE000  }
0x114: {  	[hbm4b:s17+s1] =	stream.linear.scatter [tilespmem:s14], [sflag:$0x3], $0x2000, $0x38;
	[tilespmem:$0x1D000] =	vst v63  }
0x115: {  	_ =	swait.ge [sflag:s0], $0x2000  }
0x116: {  	[sflag:s0] =	ssyncset.done $0x0  }
0x117: {  	[sflag:s0] =	ssyncadd.s32 $0xFFFFE000  }
0x118: {  	[tilespmem:s14], [sflag:$0x3] =	stream.linear.gather [spmem:s26], $0x2000, $0x38;
	[tilespmem:$0x1D000] =	vst v63  }
0x119: {  	_ =	swait.ge [sflag:s0], $0x2000  }
0x11a: {  	[sflag:s0] =	ssyncset.done $0x0  }
0x11b: {  	s12 =	rddreg [dreg:$0xe];
	[sflag:s0] =	ssyncadd.s32 $0xFFFFE000  }
0x11c: {  	[hbm4b:s12+s1] =	stream.linear.scatter [tilespmem:s14], [sflag:$0x3], $0x2000, $0x38;
	[tilespmem:$0x1D000] =	vst v63  }
0x11d: {  	_ =	swait.ge [sflag:s0], $0x2000  }
0x11e: {  	[sflag:s0] =	ssyncset.done $0x0  }
0x11f: {  	[sflag:s0] =	ssyncadd.s32 $0xFFFFE000  }
0x120: {  	[tilespmem:s14], [sflag:$0x3] =	stream.linear.gather [spmem:s28], $0x2000, $0x38;
	[tilespmem:$0x1D000] =	vst v63  }
0x121: {  	_ =	swait.ge [sflag:s0], $0x2000  }
0x122: {  	[sflag:s0] =	ssyncset.done $0x0  }
0x123: {  	s13 =	rddreg [dreg:$0xf];
	[sflag:s0] =	ssyncadd.s32 $0xFFFFE000  }
0x124: {  	[hbm4b:s13+s1] =	stream.linear.scatter [tilespmem:s14], [sflag:$0x3], $0x2000, $0x38;
	[tilespmem:$0x1D000] =	vst v63  }
0x125: {  	_ =	swait.ge [sflag:s0], $0x2000  }
0x126: {  	[sflag:s0] =	ssyncset.done $0x0  }
0x127: {  	[sflag:s0] =	ssyncadd.s32 $0xFFFFE000  }
0x128: {  	[tilespmem:s14], [sflag:$0x3] =	stream.linear.gather [spmem:s29], $0x2000, $0x38;
	[tilespmem:$0x1D000] =	vst v63  }
0x129: {  	_ =	swait.ge [sflag:s0], $0x2000  }
0x12a: {  	[sflag:s0] =	ssyncset.done $0x0  }
0x12b: {  	s16 =	rddreg [dreg:$0x10];
	[sflag:s0] =	ssyncadd.s32 $0xFFFFE000  }
0x12c: {  	[hbm4b:s16+s1] =	stream.linear.scatter [tilespmem:s14], [sflag:$0x3], $0x2000, $0x38;
	[tilespmem:$0x1D000] =	vst v63  }
0x12d: {  	_ =	swait.ge [sflag:s0], $0x2000  }
0x12e: {  	[sflag:s0] =	ssyncset.done $0x0  }
0x12f: {  	[sflag:s0] =	ssyncadd.s32 $0xFFFFE000  }
0x130: {  	[tilespmem:s14], [sflag:$0x3] =	stream.linear.gather [spmem:s30], $0x2000, $0x38;
	[tilespmem:$0x1D000] =	vst v63  }
0x131: {  	s10 =	sadd.s32 $0x1, s10;
	_ =	swait.ge [sflag:s0], $0x2000  }
0x132: {  	p0 =	sne.s32 s10, s31;
	[sflag:s0] =	ssyncset.done $0x0  }
.Ltmp2:
0x133: {  	s17 =	rddreg [dreg:$0x11];
	[sflag:s0] =	ssyncadd.s32 $0xFFFFE000;
	(pc) =	sbr.rel @p0 .LBB2_1-.Ltmp2, $4  }
0x134: {  	[hbm4b:s17+s1] =	stream.linear.scatter [tilespmem:s14], [sflag:$0x3], $0x2000, $0x38;
	[tilespmem:$0x1D000] =	vst v63  }
0x135: {  	_ =	swait.ge [sflag:s0], $0x2000  }
0x136: {  	[sflag:s0] =	ssyncset.done $0x0  }
0x137: {  	[sflag:s0] =	ssyncadd.s32 $0xFFFFE000  }
0x138: {  	_ =	sfence.sel $0x180000  }
0x139: {  	[bflag:$0x0] =	sbarrier.arrive $0xFFFF  }
0x13a: {  	_ =	strace $0x9000004A  }
0x13b: {  	s0 =	stileid.u32;
	[bflag:$0x2] =	sbarrier.arrive $0xFFFF  }
0x13c: {  	p0 =	sne.s32 s0, $0x0;
	s0 =	rddreg [dreg:$0x3]  }
0x13d: {  	s0 =	sadd.s32 @!p0 $0x100000, s0  }
0x13e: {  	[sflag:s0] =	ssyncadd.tile.s32 @!p0 $0x1;
	_ =	shalt  }
.Lfunc_end2:
_tile_overlayer_lowered:
.L_overlay_start_2:
0x13f: {  	(tag) =	ssettag $0x2  }
0x140: {  	s0 =	rddreg [dreg:$0x0];
	s2 =	stileid.u32  }
0x141: {  	s1 =	rddreg [dreg:$0x1];
	p0 =	sne.s32 s2, $0x0  }
0x142: {  	s3 =	rddreg [dreg:$0x2];
	[bflag:$0x3] =	sbarrier.arrive $0xFFFF;
	s2 =	simm.s32 @!p0 $0x1C03  }
0x143: {  	[timem:s3], [sflag:s2] =	dma.local @!p0 [hbm:s0], s1  }
0x144: {  	s0 =	simm.s32 @!p0 $0x3  }
0x145: {  	_ =	swait.ge @!p0 [sflag:s0], s1  }
0x146: {  	s1 =	ssub.s32 @!p0 $0x0, s1;
	[sflag:s0] =	ssyncset.done @!p0 $0x0  }
0x147: {  	[sflag:s0] =	ssyncadd.s32 @!p0 s1  }
0x148: {  	[bflag:$0x3] =	sbarrier.arrive $0xFFFF  }
0x149: {  	_ =	shalt  }

// kernel: kernel.14.cloned.1.call-start
scs
__scs_entry_jumppad:
0x0: {  	(pc) =	sbr.rel $0x88, $3  }
0x1: {  	(tag) =	ssettag $0x0;
	lr =	simm.s32 $0x1  }
0x2: {  	[smem:$0x3F9B] =	sst lr;
	_ =	strace $0xD0000000  }
0x3: {  	_ = 	snop  }
0x4: {  	_ = 	snop  }
0x5: {  	_ = 	snop  }
0x6: {  	_ = 	snop  }
0x7: {  	_ = 	snop  }
__scs_overlays_trampoline_lowered:
0x8: {  	[smem:$0x3FAA] =	sst s0  }
0x9: {  	[smem:$0x3FAB] =	sst s1  }
0xa: {  	[smem:$0x3FAC] =	sst s2  }
0xb: {  	[smem:$0x3FAD] =	sst s3  }
0xc: {  	[smem:$0x3FAE] =	sst s4  }
0xd: {  	[smem:$0x3FAF] =	sst s5  }
0xe: {  	[smem:$0x3FB0] =	sst s6  }
0xf: {  	[smem:$0x3FB1] =	sst s7  }
0x10: {  	[smem:$0x3FB2] =	sst s8  }
0x11: {  	[smem:$0x3FB3] =	sst s9;
	s0 =	simm.s32 @!p0 $0x0  }
0x12: {  	s1 =	sld [smem:$0x3F99];
	s0 =	simm.s32 @p0 $0x1  }
0x13: {  	[smem:$0x3FB4] =	sst s0;
	s0 =	simm.s32 @!p1 $0x0  }
0x14: {  	s2 =	sld [smem:$0x3F98];
	s0 =	simm.s32 @p1 $0x1  }
0x15: {  	[smem:$0x3FB5] =	sst s0;
	s0 =	simm.s32 @!p2 $0x0  }
0x16: {  	s3 =	sld [smem:$0x3FDB];
	s0 =	simm.s32 @p2 $0x1  }
0x17: {  	s4 =	simm.s32 $0x1BF5;
	[smem:$0x3FB7] =	sst s0  }
0x18: {  	s0 =	sld [smem:$0x3F9A];
	_ =	swait.ge [sflag:s4], $0x0  }
0x19: {  	s7 =	sld [smem:$0x3F9B]  }
0x1a: {  	s8 =	sadd.s32 $0xFFFFE003, lr  }
0x1b: {  	s9 =	sadd.s32 $0xFFFFFEF7, lr;
	s5 =	simm.s32 $0xFFFFFFFF;
	p2 =	slt.u32 s8, $0xFFFFF086  }
0x1c: {  	p1 =	slt.u32 s9, $0xF7A;
	s5 =	simm.s32 @!p2 $0x0  }
0x1d: {  	s5 =	simm.s32 @p1 $0x1;
	p0 =	seq.s32 s7, s2  }
0x1e: {  	s7 =	smul.u32 @!p0 $0xF7A, s2;
	p2 =	seq.s32 @!p0 s5, $0x0  }
0x1f: {  	s9 =	smul.u32 $0xF7A, s1;
	s8 =	simm.s32 @!p0 $0x1BF5;
	p2 =	por !p2, p0  }
0x20: {  	[sflag:s8] =	ssyncset.s32 @!p0 $0xFFFFF086;
	s6 =	sadd.s32 @!p0 s3, s7;
	s7 =	simm.s32 @!p0 $0x108  }
0x21: {  	s3 =	sadd.s32 s3, s9;
	s6 =	sadd.s32 @!p0 $0x88, s6;
	s7 =	simm.s32 @p2 $0x1082  }
0x22: {  	[simem:s7], [sflag:s8] =	dma.local @!p0 [hbm:s6], $0xF7A  }
0x23: {  	s9 =	sor.u32 $0xD0000000, s2;
	s6 =	simm.s32 $0x108;
	_ =	swait.ge @!p0 [sflag:s8], $0x0  }
0x24: {  	s3 =	sadd.s32 $0x88, s3;
	s6 =	simm.s32 @!p1 $0x1082;
	[sflag:s4] =	ssyncset.s32 $0xFFFFF086  }
0x25: {  	[simem:s6], [sflag:s4] =	dma.local [hbm:s3], $0xF7A  }
0x26: {  	[smem:$0x3F9B] =	sst s1;
	(tag) =	ssettag s2;
	_ =	strace s9  }
0x27: {  	s1 =	sld [smem:$0x3FAB]  }
0x28: {  	s2 =	sld [smem:$0x3FAC]  }
0x29: {  	s4 =	sld [smem:$0x3FAE]  }
0x2a: {  	p0 =	seq.s32 s5, $0x0;
	s5 =	sld [smem:$0x3FAF]  }
0x2b: {  	s6 =	sld [smem:$0x3FB0]  }
0x2c: {  	s7 =	sld [smem:$0x3FB1]  }
0x2d: {  	s3 =	simm.s32 $0x108;
	s8 =	sld [smem:$0x3FB2]  }
0x2e: {  	s3 =	simm.s32 @!p0 $0x1082;
	s9 =	sld [smem:$0x3FB3]  }
0x2f: {  	lr =	sadd.s32 s0, s3;
	s0 =	sld [smem:$0x3FAA]  }
0x30: {  	s3 =	sld [smem:$0x3FAD]  }
0x31: {  	[smem:$0x3FB6] =	sst s10  }
0x32: {  	s10 =	sld [smem:$0x3FB4];
	_ =	sdelay $0x3  }
0x33: {  	p0 =	seq.s32 s10, $0x1;
	s10 =	sld [smem:$0x3FB6];
	_ =	sdelay $0x3  }
0x34: {  	[smem:$0x3FB6] =	sst s10  }
0x35: {  	s10 =	sld [smem:$0x3FB5];
	_ =	sdelay $0x3  }
0x36: {  	p1 =	seq.s32 s10, $0x1;
	s10 =	sld [smem:$0x3FB6];
	_ =	sdelay $0x3  }
0x37: {  	[smem:$0x3FB6] =	sst s10  }
0x38: {  	s10 =	sld [smem:$0x3FB7]  }
0x39: {  	_ = 	snop;
	(pc) =	sbr.ind lr, $3  }
0x3a: {  	_ = 	snop  }
0x3b: {  	_ = 	snop  }
0x3c: {  	p2 =	seq.s32 s10, $0x1;
	s10 =	sld [smem:$0x3FB6]  }
0x3d: {  	_ =	shalt  }
0x3e: {  	_ =	shalt  }
0x3f: {  	_ =	shalt  }
0x40: {  	_ =	shalt  }
0x41: {  	_ =	shalt  }
0x42: {  	_ =	shalt  }
0x43: {  	_ =	shalt  }
0x44: {  	_ =	shalt  }
0x45: {  	_ =	shalt  }
0x46: {  	_ =	shalt  }
0x47: {  	_ =	shalt  }
0x48: {  	_ =	shalt  }
0x49: {  	_ =	shalt  }
0x4a: {  	_ =	shalt  }
0x4b: {  	_ =	shalt  }
0x4c: {  	_ =	shalt  }
0x4d: {  	_ =	shalt  }
0x4e: {  	_ =	shalt  }
0x4f: {  	_ =	shalt  }
0x50: {  	_ =	shalt  }
0x51: {  	_ =	shalt  }
0x52: {  	_ =	shalt  }
0x53: {  	_ =	shalt  }
0x54: {  	_ =	shalt  }
0x55: {  	_ =	shalt  }
0x56: {  	_ =	shalt  }
0x57: {  	_ =	shalt  }
0x58: {  	_ =	shalt  }
0x59: {  	_ =	shalt  }
0x5a: {  	_ =	shalt  }
0x5b: {  	_ =	shalt  }
0x5c: {  	_ =	shalt  }
0x5d: {  	_ =	shalt  }
0x5e: {  	_ =	shalt  }
0x5f: {  	_ =	shalt  }
0x60: {  	_ =	shalt  }
0x61: {  	_ =	shalt  }
0x62: {  	_ =	shalt  }
0x63: {  	_ =	shalt  }
0x64: {  	_ =	shalt  }
0x65: {  	_ =	shalt  }
0x66: {  	_ =	shalt  }
0x67: {  	_ =	shalt  }
0x68: {  	_ =	shalt  }
0x69: {  	_ =	shalt  }
0x6a: {  	_ =	shalt  }
0x6b: {  	_ =	shalt  }
0x6c: {  	_ =	shalt  }
0x6d: {  	_ =	shalt  }
0x6e: {  	_ =	shalt  }
0x6f: {  	_ =	shalt  }
0x70: {  	_ =	shalt  }
0x71: {  	_ =	shalt  }
0x72: {  	_ =	shalt  }
0x73: {  	_ =	shalt  }
0x74: {  	_ =	shalt  }
0x75: {  	_ =	shalt  }
0x76: {  	_ =	shalt  }
0x77: {  	_ =	shalt  }
0x78: {  	_ =	shalt  }
0x79: {  	_ =	shalt  }
0x7a: {  	_ =	shalt  }
0x7b: {  	_ =	shalt  }
0x7c: {  	_ =	shalt  }
0x7d: {  	_ =	shalt  }
0x7e: {  	_ =	shalt  }
0x7f: {  	_ =	shalt  }
0x80: {  	_ =	shalt  }
0x81: {  	_ =	shalt  }
0x82: {  	_ =	shalt  }
0x83: {  	_ =	shalt  }
0x84: {  	_ =	shalt  }
0x85: {  	_ =	shalt  }
0x86: {  	_ =	shalt  }
0x87: {  	_ =	shalt  }
.Lfunc_end0:
.L_simem_size_0:
called_computation.2_lowered:
.L_overlay_start_0:
0x88: {  	s2 =	sld [smem:$0x3FD9]  }
0x89: {  	s3 =	sld [smem:$0x3FFE];
	_ =	sdelay $0x1  }
0x8a: {  	s1 =	srdreg.scid  }
0x8b: {  	s0 =	sand.u32 $0x1, s1  }
0x8c: {  	s17 =	sshll.u32 s0, $0xA;
	s2 =	sadd.s32 s3, s2  }
0x8d: {  	s2 =	sadd.s32 s2, s17  }
0x8e: {  	[smem:$0x3FC2] =	sst s2  }
0x8f: {  	_ = 	snop  }
0x90: {  	s2 =	sld [smem:$0x3FD0];
	(tm) =	ssettm $0x1  }
0x91: {  	s18 =	sld [smem:$0x3FFB];
	_ =	sdelay $0x3  }
0x92: {  	_ =	strace s18  }
0x93: {  	s3 =	sld [smem:$0x3FFC];
	_ =	sdelay $0x3  }
0x94: {  	_ =	strace s3  }
0x95: {  	s3 =	sld [smem:$0x3FFD];
	_ =	sdelay $0x3  }
0x96: {  	_ =	strace s3  }
0x97: {  	_ =	strace $0x8FFFFFFF  }
0x98: {  	s19 =	sld [smem:$0x3FDB];
	_ =	sdelay $0x1  }
0x99: {  	s4 =	simm.s32 $_scs_section_size  }
0x9a: {  	s5 =	simm.s32 $_size__tile_overlayer_lowered;
	s6 =	simm.s32 $_tile_overlayer_lowered  }
0x9b: {  	s22 =	simm.s32 $0x1BFF;
	s21 =	sshll.u32 s6, $0x1;
	s3 =	sadd.s32 s4, s19  }
0x9c: {  	s7 =	simm.s32 $0x0;
	s20 =	sshll.u32 s5, $0x1;
	s5 =	sadd.s32 s21, s3  }
0x9d: {  	[timem:s7], [sflag:s22] =	dma.local [hbm:s5], s20  }
0x9e: {  	_ =	swait.ge [sflag:s22], s20  }
0x9f: {  	s4 =	ssub.s32 $0x0, s20;
	[sflag:s22] =	ssyncset.done $0x0  }
0xa0: {  	[sflag:s22] =	ssyncadd.s32 s4;
	_ =	sdelay $0x1  }
0xa1: {  	s23 =	simm.s32 $0x1B8B  }
0xa2: {  	_ =	swait.ge [sflag:s23], $0x1  }
0xa3: {  	[sflag:s23] =	ssyncset.done $0x0  }
0xa4: {  	s25 =	simm.s32 $0x1B8E;
	s24 =	sld [smem:$0x3FFE];
	[sflag:s23] =	ssyncadd.s32 $0xFFFFFFFF  }
0xa5: {  	s26 =	simm.s32 $execute0_lowered;
	[smem:$0x3FD2] =	sst s25  }
0xa6: {  	s5 =	sshll.u32 s26, $0x1;
	_ =	strace $0x8000004C;
	[dreg:$0x1] =	wrdreg $0xFFFFFFFF  }
0xa7: {  	s28 =	simm.s32 $_size_execute0_lowered;
	s3 =	sadd.s32 s3, s5;
	[dreg:$0x0] =	wrdreg $0x0  }
0xa8: {  	s5 =	sshll.u32 s28, $0x1;
	[dreg:$0x2] =	wrdreg s3  }
0xa9: {  	[dreg:$0x3] =	wrdreg s5  }
0xaa: {  	[dreg:$0x4] =	wrdreg $0xC0  }
0xab: {  	_ =	task [dreg:s7], $0x5FFFF  }
0xac: {  	[dreg:$0x1] =	wrdreg $0xFFFFFFFF  }
0xad: {  	[dreg:$0x0] =	wrdreg $0x60  }
0xae: {  	[dreg:$0x2] =	wrdreg s24  }
0xaf: {  	[dreg:$0x3] =	wrdreg s2  }
0xb0: {  	[dreg:$0x4] =	wrdreg $0x90000  }
0xb1: {  	[dreg:$0x5] =	wrdreg $0x9  }
0xb2: {  	_ =	task.clear_ibuf [dreg:s7], $0x6FFFF;
	_ =	strace $0x9000004C  }
0xb3: {  	s29 =	simm.s32 $0x9;
	_ =	strace $0x8000004E  }
0xb4: {  	_ =	swait.ge [sflag:s29], $0x1  }
0xb5: {  	[sflag:s29] =	ssyncadd.s32 $0xFFFFFFFF  }
0xb6: {  	_ =	strace $0x9000004E  }
0xb7: {  	_ =	sfence  }
0xb8: {  	s30 =	sld [smem:$0x0];
	_ =	sdelay $0x2  }
0xb9: {  	s31 =	sshll.u32 s1, $0xD;
	s1 =	sshrl.u32 s1, $0x2  }
0xba: {  	s3 =	sand.u32 $0x4000, s31;
	s1 =	sadd.s32 s1, s30  }
0xbb: {  	s0 =	sor.u32 s3, s0;
	s1 =	sshll.u32 s1, $0x11  }
0xbc: {  	s0 =	sor.u32 s1, s0  }
0xbd: {  	s0 =	sadd.s32 $0x8F2B, s0  }
0xbe: {  	[sflag:s0] =	ssyncadd.remote.s32 $0x1  }
0xbf: {  	_ =	sfence.sel $0xFFFF  }
0xc0: {  	[dreg:$0x0] =	wrdreg $0xFFFFFFFF;
	(pc) =	sbr.abs _section_cstart, $3  }
0xc1: {  	[dreg:$0x1] =	wrdreg $0xFFFFFFFF  }
0xc2: {  	_ =	task.clear_ibuf [dreg:s7], $0x2FFFF;
	_ =	strace $0x9FFFFFFF  }
0xc3: {  	(tm) =	ssettm $0x7FFFFFFF  }
tec
execute0_lowered:
.L_overlay_start_1:
0x0: {  	(tag) =	ssettag $0x1  }
0x1: {  	s0 =	rddreg [dreg:$0x0]  }
0x2: {  	s3 =	rddreg [dreg:$0x1]  }
0x3: {  	s1 =	simm.s32 $0x0;
	s2 =	srdreg.scid;
	s16 =	stileid.u32  }
0x4: {  	[smem:$0x7FF] =	sst s1;
	s4 =	sand.u32 $0x1, s2;
	s5 =	sadd.s32 $0x3600, s0  }
0x5: {  	s6 =	smul.u32 $0x14000, s16;
	s7 =	sadd.s32 $0x3F600, s0;
	s2 =	ssub.s32 $0x2, s4  }
0x6: {  	s9 =	sshll.u32 s4, $0x4;
	s4 =	smul.u32 $0x140000, s4;
	s8 =	sshrl.u32 s2, $0x1  }
0x7: {  	s21 =	sor.u32 s16, s9;
	s9 =	sor.u32 $0x2000, s6;
	s10 =	sadd.s32 $0x4000, s6  }
0x8: {  	s11 =	sadd.s32 $0x6000, s6;
	s12 =	sadd.s32 $0x8000, s6;
	s14 =	sadd.s32 $0xA000, s6  }
0x9: {  	s26 =	sadd.s32 $0xC000, s6;
	s28 =	sadd.s32 $0xE000, s6;
	s29 =	sadd.s32 $0x10000, s6  }
0xa: {  	s30 =	sadd.s32 $0x12000, s6;
	s2 =	ssub.s32 s2, s8;
	s8 =	smul.u32 $0x5000, s21  }
0xb: {  	s22 =	sadd.s32 s6, s4;
	s23 =	sadd.s32 s4, s9;
	s24 =	sadd.s32 s4, s10  }
0xc: {  	s6 =	sadd.s32 s4, s11;
	s18 =	sadd.s32 s4, s26;
	s8 =	sshrl.u32 s8, $0x3  }
0xd: {  	s19 =	sadd.s32 s4, s28;
	s20 =	sadd.s32 s4, s29;
	s15 =	sadd.s32 s5, s8  }
0xe: {  	s13 =	sadd.s32 $0x500, s8;
	s8 =	sadd.s32 s3, s8;
	[dreg:$0x4] =	wrdreg s15  }
0xf: {  	s31 =	smax.u32 s2, $0x1;
	s2 =	simm.s32 $0x2800;
	[dreg:$0x5] =	wrdreg s8  }
0x10: {  	s5 =	sadd.s32 s5, s13;
	s3 =	sadd.s32 s3, s13;
	s8 =	sadd.s32 s4, s12  }
0x11: {  	s13 =	sadd.s32 s4, s14;
	s4 =	sadd.s32 s4, s30;
	[dreg:$0x6] =	wrdreg s5  }
0x12: {  	[dreg:$0x7] =	wrdreg s3;
	s3 =	sshrl.u32 s22, $0x3;
	s5 =	sshrl.u32 s23, $0x3  }
0x13: {  	s17 =	sshrl.u32 s13, $0x3;
	s22 =	sshrl.u32 s20, $0x3;
	s23 =	smul.u32 $0x50000, s16  }
0x14: {  	s3 =	sadd.s32 s7, s3;
	s25 =	sadd.s32 s7, s5;
	s5 =	sshrl.u32 s24, $0x3  }
0x15: {  	s24 =	sshrl.u32 s4, $0x3;
	s4 =	simm.s32 $0x7000;
	[dreg:$0x8] =	wrdreg s3  }
0x16: {  	[dreg:$0x9] =	wrdreg s25;
	s3 =	sadd.s32 s7, s5;
	s5 =	sshrl.u32 s8, $0x3  }
0x17: {  	s25 =	sshrl.u32 s23, $0x2;
	s8 =	simm.s32 $0x4F00;
	[dreg:$0xa] =	wrdreg s3  }
0x18: {  	s3 =	sshrl.u32 s6, $0x3;
	s15 =	sadd.s32 s7, s5;
	s5 =	sshrl.u32 s19, $0x3  }
0x19: {  	s19 =	sadd.s32 $0x2A00, s0;
	s6 =	simm.s32 $0x2;
	[dreg:$0xc] =	wrdreg s15  }
0x1a: {  	s3 =	sadd.s32 s7, s3;
	s21 =	sadd.s32 s7, s5;
	s15 =	rddreg [dreg:$0x2]  }
0x1b: {  	s5 =	simm.s32 $0x1;
	[dreg:$0xb] =	wrdreg s3;
	s3 =	sadd.s32 s7, s17  }
0x1c: {  	[dreg:$0xf] =	wrdreg s21;
	s20 =	sadd.s32 s25, s15;
	s21 =	sadd.s32 s9, s15  }
0x1d: {  	s23 =	sadd.s32 s11, s15;
	s25 =	sadd.s32 s14, s15;
	s26 =	sadd.s32 s26, s15  }
0x1e: {  	s28 =	sadd.s32 s28, s15;
	s29 =	sadd.s32 s29, s15;
	s30 =	sadd.s32 s30, s15  }
0x1f: {  	s14 =	simm.s32 $0x5000;
	[dreg:$0xd] =	wrdreg s3;
	s3 =	sshrl.u32 s18, $0x3  }
0x20: {  	s9 =	simm.s32 $0x4F80;
	s18 =	sadd.s32 $0x17600, s0;
	s3 =	sadd.s32 s7, s3  }
0x21: {  	s0 =	simm.s32 $0x3;
	[dreg:$0xe] =	wrdreg s3;
	s3 =	sadd.s32 s7, s22  }
0x22: {  	s22 =	sadd.s32 s10, s15;
	[dreg:$0x10] =	wrdreg s3;
	s3 =	sadd.s32 s7, s24  }
0x23: {  	s10 =	simm.s32 $0x0;
	s24 =	sadd.s32 s12, s15;
	[dreg:$0x11] =	wrdreg s3  }
0x24: {  	s7 =	simm.s32 $0x2780;
	s3 =	simm.s32 $0x40;
	_ =	strace $0x8000004D  }
.LBB2_1:
0x25: {  	[tilespmem:s14], [sflag:$0x3] =	stream.linear.gather [hbm4b:s19+s1], $0x2000, $0x38;
	[tilespmem:$0x1D000] =	vst v63  }
0x26: {  	_ =	swait.ge [sflag:s0], $0x2000  }
0x27: {  	[sflag:s0] =	ssyncset.done $0x0  }
0x28: {  	[sflag:s0] =	ssyncadd.s32 $0xFFFFE000  }
0x29: {  	[spmem:s20] =	stream.linear.scatter [tilespmem:s14], [sflag:$0x3], $0x2000, $0x38;
	[tilespmem:$0x1D000] =	vst v63  }
0x2a: {  	_ =	swait.ge [sflag:s0], $0x2000  }
0x2b: {  	[sflag:s0] =	ssyncset.done $0x0  }
0x2c: {  	[sflag:s0] =	ssyncadd.s32 $0xFFFFE000  }
0x2d: {  	[spmem:s21] =	stream.linear.scatter [tilespmem:s14], [sflag:$0x3], $0x2000, $0x38;
	[tilespmem:$0x1D000] =	vst v63  }
0x2e: {  	_ =	swait.ge [sflag:s0], $0x2000  }
0x2f: {  	[sflag:s0] =	ssyncset.done $0x0  }
0x30: {  	[sflag:s0] =	ssyncadd.s32 $0xFFFFE000  }
0x31: {  	[spmem:s22] =	stream.linear.scatter [tilespmem:s14], [sflag:$0x3], $0x2000, $0x38;
	[tilespmem:$0x1D000] =	vst v63  }
0x32: {  	_ =	swait.ge [sflag:s0], $0x2000  }
0x33: {  	[sflag:s0] =	ssyncset.done $0x0  }
0x34: {  	[sflag:s0] =	ssyncadd.s32 $0xFFFFE000  }
0x35: {  	[spmem:s23] =	stream.linear.scatter [tilespmem:s14], [sflag:$0x3], $0x2000, $0x38;
	[tilespmem:$0x1D000] =	vst v63  }
0x36: {  	_ =	swait.ge [sflag:s0], $0x2000  }
0x37: {  	[sflag:s0] =	ssyncset.done $0x0  }
0x38: {  	[sflag:s0] =	ssyncadd.s32 $0xFFFFE000  }
0x39: {  	[spmem:s24] =	stream.linear.scatter [tilespmem:s14], [sflag:$0x3], $0x2000, $0x38;
	[tilespmem:$0x1D000] =	vst v63  }
0x3a: {  	_ =	swait.ge [sflag:s0], $0x2000  }
0x3b: {  	[sflag:s0] =	ssyncset.done $0x0  }
0x3c: {  	[sflag:s0] =	ssyncadd.s32 $0xFFFFE000  }
0x3d: {  	[spmem:s25] =	stream.linear.scatter [tilespmem:s14], [sflag:$0x3], $0x2000, $0x38;
	[tilespmem:$0x1D000] =	vst v63  }
0x3e: {  	_ =	swait.ge [sflag:s0], $0x2000  }
0x3f: {  	[sflag:s0] =	ssyncset.done $0x0  }
0x40: {  	[sflag:s0] =	ssyncadd.s32 $0xFFFFE000  }
0x41: {  	[spmem:s26] =	stream.linear.scatter [tilespmem:s14], [sflag:$0x3], $0x2000, $0x38;
	[tilespmem:$0x1D000] =	vst v63  }
0x42: {  	_ =	swait.ge [sflag:s0], $0x2000  }
0x43: {  	[sflag:s0] =	ssyncset.done $0x0  }
0x44: {  	[sflag:s0] =	ssyncadd.s32 $0xFFFFE000  }
0x45: {  	[spmem:s28] =	stream.linear.scatter [tilespmem:s14], [sflag:$0x3], $0x2000, $0x38;
	[tilespmem:$0x1D000] =	vst v63  }
0x46: {  	_ =	swait.ge [sflag:s0], $0x2000  }
0x47: {  	[sflag:s0] =	ssyncset.done $0x0  }
0x48: {  	[sflag:s0] =	ssyncadd.s32 $0xFFFFE000  }
0x49: {  	[spmem:s29] =	stream.linear.scatter [tilespmem:s14], [sflag:$0x3], $0x2000, $0x38;
	[tilespmem:$0x1D000] =	vst v63  }
0x4a: {  	_ =	swait.ge [sflag:s0], $0x2000  }
0x4b: {  	[sflag:s0] =	ssyncset.done $0x0  }
0x4c: {  	[sflag:s0] =	ssyncadd.s32 $0xFFFFE000  }
0x4d: {  	[spmem:s30] =	stream.linear.scatter [tilespmem:s14], [sflag:$0x3], $0x2000, $0x38;
	[tilespmem:$0x1D000] =	vst v63  }
0x4e: {  	_ =	swait.ge [sflag:s0], $0x2000  }
0x4f: {  	[sflag:s0] =	ssyncset.done $0x0  }
0x50: {  	[sflag:s0] =	ssyncadd.s32 $0xFFFFE000  }
0x51: {  	[bflag:$0x0] =	sbarrier.arrive $0xFFFF  }
0x52: {  	s11 =	rddreg [dreg:$0x4]  }
0x53: {  	[tilespmem:s1], [sflag:$0x3] =	stream.linear.gather [hbm4b:s11+s1], $0x2800, $0x38;
	[tilespmem:$0x1D000] =	vst v63  }
0x54: {  	_ =	swait.ge [sflag:s0], $0x2800  }
0x55: {  	[sflag:s0] =	ssyncset.done $0x0  }
0x56: {  	s17 =	rddreg [dreg:$0x5];
	[sflag:s0] =	ssyncadd.s32 $0xFFFFD800  }
0x57: {  	[tilespmem:s2], [sflag:$0x3] =	stream.linear.gather [hbm4b:s17+s1], $0x2800, $0x38;
	[tilespmem:$0x1D000] =	vst v63  }
0x58: {  	_ =	swait.ge [sflag:s0], $0x2800  }
0x59: {  	[sflag:s0] =	ssyncset.done $0x0  }
0x5a: {  	[sflag:s0] =	ssyncadd.s32 $0xFFFFD800  }
0x5b: {  	[tilespmem:s14], [sflag:$0x1] =	stream.indirect.gather [hbm4b:s18+s3], $0x80, s1, s3, $0xb8;
	[tilespmem:$0x1D000] =	vst v63  }
0x5c: {  	s12 =	simm.s32 $0x80  }
0x5d: {  	[tilespmem:s4], [sflag:$0x2] =	stream.indirect.gather [hbm4b:s18+s3], $0x80, s12, s3, $0xb8;
	[tilespmem:$0x1D000] =	vst v63  }
0x5e: {  	_ =	swait.ge [sflag:s5], $0x2000  }
0x5f: {  	[sflag:s5] =	ssyncset.done $0x0  }
0x60: {  	s13 =	simm.s32 $0x2800;
	[sflag:s5] =	ssyncadd.s32 $0xFFFFE000  }
0x61: {  	[spmem:s15] =	stream.indirect.scatter.add.f32 [tilespmem:s14], [sflag:$0x3], $0x80, s13, s3, $0xb8;
	[tilespmem:$0x1D000] =	vst v63  }
0x62: {  	_ =	swait.ge [sflag:s0], $0x2000  }
0x63: {  	[sflag:s0] =	ssyncset.done $0x0  }
0x64: {  	s16 =	simm.s32 $0x100;
	[sflag:s0] =	ssyncadd.s32 $0xFFFFE000  }
0x65: {  	[tilespmem:s14], [sflag:$0x1] =	stream.indirect.gather [hbm4b:s18+s3], $0x80, s16, s3, $0xb8;
	[tilespmem:$0x1D000] =	vst v63  }
0x66: {  	_ =	swait.ge [sflag:s6], $0x2000  }
0x67: {  	[sflag:s6] =	ssyncset.done $0x0  }
0x68: {  	s17 =	simm.s32 $0x2880;
	[sflag:s6] =	ssyncadd.s32 $0xFFFFE000  }
0x69: {  	[spmem:s15] =	stream.indirect.scatter.add.f32 [tilespmem:s4], [sflag:$0x3], $0x80, s17, s3, $0xb8;
	[tilespmem:$0x1D000] =	vst v63  }
0x6a: {  	_ =	swait.ge [sflag:s0], $0x2000  }
0x6b: {  	s11 =	simm.s32 $0x100;
	s12 =	simm.s32 $0x800;
	[sflag:s0] =	ssyncset.done $0x0  }
.LBB2_2:
0x6c: {  	s13 =	sadd.s32 $0x80, s11  }
0x6d: {  	[sflag:s0] =	ssyncadd.s32 $0xFFFFE000;
	s16 =	smov.u32 s12;
	s17 =	sadd.s32 $0x400, s12  }
0x6e: {  	[tilespmem:s4], [sflag:$0x2] =	stream.indirect.gather [hbm4b:s18+s3], $0x80, s13, s3, $0xb8;
	[tilespmem:$0x1D000] =	vst v63  }
0x6f: {  	p0 =	sne.s32 s12, $0x9800;
	_ =	swait.ge [sflag:s5], $0x2000  }
0x70: {  	[sflag:s5] =	ssyncset.done $0x0  }
0x71: {  	s12 =	sadd.s32 $0x2800, s11;
	[sflag:s5] =	ssyncadd.s32 $0xFFFFE000  }
0x72: {  	[spmem:s15] =	stream.indirect.scatter.add.f32 [tilespmem:s14], [sflag:$0x3], $0x80, s12, s3, $0xb8;
	[tilespmem:$0x1D000] =	vst v63  }
0x73: {  	_ =	swait.ge [sflag:s0], $0x2000  }
0x74: {  	[sflag:s0] =	ssyncset.done $0x0  }
0x75: {  	s12 =	sadd.s32 $0x100, s11;
	[sflag:s0] =	ssyncadd.s32 $0xFFFFE000  }
0x76: {  	[tilespmem:s14], [sflag:$0x1] =	stream.indirect.gather [hbm4b:s18+s3], $0x80, s12, s3, $0xb8;
	[tilespmem:$0x1D000] =	vst v63  }
0x77: {  	_ =	swait.ge [sflag:s6], $0x2000  }
.Ltmp0:
0x78: {  	[sflag:s6] =	ssyncset.done $0x0;
	(pc) =	sbr.rel @p0 .LBB2_2-.Ltmp0, $4  }
0x79: {  	s11 =	sadd.s32 $0x2880, s11;
	[sflag:s6] =	ssyncadd.s32 $0xFFFFE000  }
0x7a: {  	[spmem:s15] =	stream.indirect.scatter.add.f32 [tilespmem:s4], [sflag:$0x3], $0x80, s11, s3, $0xb8;
	[tilespmem:$0x1D000] =	vst v63  }
0x7b: {  	_ =	swait.ge [sflag:s0], $0x2000  }
0x7c: {  	s12 =	smov.u32 s17;
	s11 =	sshra.s32 s16, $0x2;
	[sflag:s0] =	ssyncset.done $0x0  }
0x7d: {  	s12 =	sadd.s32 $0x80, s11;
	[sflag:s0] =	ssyncadd.s32 $0xFFFFE000  }
0x7e: {  	[tilespmem:s4], [sflag:$0x2] =	stream.indirect.gather [hbm4b:s18+s3], $0x80, s12, s3, $0xb8;
	[tilespmem:$0x1D000] =	vst v63  }
0x7f: {  	_ =	swait.ge [sflag:s5], $0x2000  }
0x80: {  	[sflag:s5] =	ssyncset.done $0x0  }
0x81: {  	s16 =	sadd.s32 $0x2800, s11;
	[sflag:s5] =	ssyncadd.s32 $0xFFFFE000  }
0x82: {  	[spmem:s15] =	stream.indirect.scatter.add.f32 [tilespmem:s14], [sflag:$0x3], $0x80, s16, s3, $0xb8;
	[tilespmem:$0x1D000] =	vst v63  }
0x83: {  	_ =	swait.ge [sflag:s0], $0x2000  }
0x84: {  	[sflag:s0] =	ssyncset.done $0x0  }
0x85: {  	s17 =	sadd.s32 $0x100, s11;
	[sflag:s0] =	ssyncadd.s32 $0xFFFFE000  }
0x86: {  	[tilespmem:s14], [sflag:$0x1] =	stream.indirect.gather [hbm4b:s18+s3], $0x80, s17, s3, $0xb8;
	[tilespmem:$0x1D000] =	vst v63  }
0x87: {  	_ =	swait.ge [sflag:s6], $0x2000  }
0x88: {  	[sflag:s6] =	ssyncset.done $0x0  }
0x89: {  	s12 =	sadd.s32 $0x2880, s11;
	[sflag:s6] =	ssyncadd.s32 $0xFFFFE000  }
0x8a: {  	[spmem:s15] =	stream.indirect.scatter.add.f32 [tilespmem:s4], [sflag:$0x3], $0x80, s12, s3, $0xb8;
	[tilespmem:$0x1D000] =	vst v63  }
0x8b: {  	_ =	swait.ge [sflag:s0], $0x2000  }
0x8c: {  	[sflag:s0] =	ssyncset.done $0x0  }
0x8d: {  	[sflag:s0] =	ssyncadd.s32 $0xFFFFE000  }
0x8e: {  	[tilespmem:s4], [sflag:$0x2] =	stream.indirect.gather [hbm4b:s18+s3], $0x80, s7, s3, $0xb8;
	[tilespmem:$0x1D000] =	vst v63  }
0x8f: {  	_ =	swait.ge [sflag:s5], $0x2000  }
0x90: {  	[sflag:s5] =	ssyncset.done $0x0  }
0x91: {  	[sflag:s5] =	ssyncadd.s32 $0xFFFFE000  }
0x92: {  	[spmem:s15] =	stream.indirect.scatter.add.f32 [tilespmem:s14], [sflag:$0x3], $0x80, s8, s3, $0xb8;
	[tilespmem:$0x1D000] =	vst v63  }
0x93: {  	_ =	swait.ge [sflag:s0], $0x2000  }
0x94: {  	[sflag:s0] =	ssyncset.done $0x0  }
0x95: {  	[sflag:s0] =	ssyncadd.s32 $0xFFFFE000  }
0x96: {  	_ =	swait.ge [sflag:s6], $0x2000  }
0x97: {  	[sflag:s6] =	ssyncset.done $0x0  }
0x98: {  	[sflag:s6] =	ssyncadd.s32 $0xFFFFE000  }
0x99: {  	[spmem:s15] =	stream.indirect.scatter.add.f32 [tilespmem:s4], [sflag:$0x3], $0x80, s9, s3, $0xb8;
	[tilespmem:$0x1D000] =	vst v63  }
0x9a: {  	_ =	swait.ge [sflag:s0], $0x2000  }
0x9b: {  	[sflag:s0] =	ssyncset.done $0x0  }
0x9c: {  	s13 =	simm.s32 $0x0;
	s16 =	rddreg [dreg:$0x6];
	[sflag:s0] =	ssyncadd.s32 $0xFFFFE000  }
0x9d: {  	[tilespmem:s13], [sflag:$0x3] =	stream.linear.gather [hbm4b:s16+s13], $0x2800, $0x38;
	[tilespmem:$0x1D000] =	vst v63  }
0x9e: {  	_ =	swait.ge [sflag:s0], $0x2800  }
0x9f: {  	[sflag:s0] =	ssyncset.done $0x0  }
0xa0: {  	s17 =	rddreg [dreg:$0x7];
	[sflag:s0] =	ssyncadd.s32 $0xFFFFD800  }
0xa1: {  	[tilespmem:s2], [sflag:$0x3] =	stream.linear.gather [hbm4b:s17+s13], $0x2800, $0x38;
	[tilespmem:$0x1D000] =	vst v63  }
0xa2: {  	_ =	swait.ge [sflag:s0], $0x2800  }
0xa3: {  	[sflag:s0] =	ssyncset.done $0x0  }
0xa4: {  	[sflag:s0] =	ssyncadd.s32 $0xFFFFD800  }
0xa5: {  	[tilespmem:s14], [sflag:$0x1] =	stream.indirect.gather [hbm4b:s18+s3], $0x80, s13, s3, $0xb8;
	[tilespmem:$0x1D000] =	vst v63  }
0xa6: {  	s12 =	simm.s32 $0x80  }
0xa7: {  	[tilespmem:s4], [sflag:$0x2] =	stream.indirect.gather [hbm4b:s18+s3], $0x80, s12, s3, $0xb8;
	[tilespmem:$0x1D000] =	vst v63  }
0xa8: {  	_ =	swait.ge [sflag:s5], $0x2000  }
0xa9: {  	[sflag:s5] =	ssyncset.done $0x0  }
0xaa: {  	s13 =	simm.s32 $0x2800;
	[sflag:s5] =	ssyncadd.s32 $0xFFFFE000  }
0xab: {  	[spmem:s15] =	stream.indirect.scatter.add.f32 [tilespmem:s14], [sflag:$0x3], $0x80, s13, s3, $0xb8;
	[tilespmem:$0x1D000] =	vst v63  }
0xac: {  	_ =	swait.ge [sflag:s0], $0x2000  }
0xad: {  	[sflag:s0] =	ssyncset.done $0x0  }
0xae: {  	s16 =	simm.s32 $0x100;
	[sflag:s0] =	ssyncadd.s32 $0xFFFFE000  }
0xaf: {  	[tilespmem:s14], [sflag:$0x1] =	stream.indirect.gather [hbm4b:s18+s3], $0x80, s16, s3, $0xb8;
	[tilespmem:$0x1D000] =	vst v63  }
0xb0: {  	_ =	swait.ge [sflag:s6], $0x2000  }
0xb1: {  	[sflag:s6] =	ssyncset.done $0x0  }
0xb2: {  	s17 =	simm.s32 $0x2880;
	[sflag:s6] =	ssyncadd.s32 $0xFFFFE000  }
0xb3: {  	[spmem:s15] =	stream.indirect.scatter.add.f32 [tilespmem:s4], [sflag:$0x3], $0x80, s17, s3, $0xb8;
	[tilespmem:$0x1D000] =	vst v63  }
0xb4: {  	_ =	swait.ge [sflag:s0], $0x2000  }
0xb5: {  	s11 =	simm.s32 $0x100;
	s12 =	simm.s32 $0x800;
	[sflag:s0] =	ssyncset.done $0x0  }
.LBB2_4:
0xb6: {  	s13 =	sadd.s32 $0x80, s11  }
0xb7: {  	[sflag:s0] =	ssyncadd.s32 $0xFFFFE000;
	s16 =	smov.u32 s12;
	s17 =	sadd.s32 $0x400, s12  }
0xb8: {  	[tilespmem:s4], [sflag:$0x2] =	stream.indirect.gather [hbm4b:s18+s3], $0x80, s13, s3, $0xb8;
	[tilespmem:$0x1D000] =	vst v63  }
0xb9: {  	p0 =	sne.s32 s12, $0x9800;
	_ =	swait.ge [sflag:s5], $0x2000  }
0xba: {  	[sflag:s5] =	ssyncset.done $0x0  }
0xbb: {  	s12 =	sadd.s32 $0x2800, s11;
	[sflag:s5] =	ssyncadd.s32 $0xFFFFE000  }
0xbc: {  	[spmem:s15] =	stream.indirect.scatter.add.f32 [tilespmem:s14], [sflag:$0x3], $0x80, s12, s3, $0xb8;
	[tilespmem:$0x1D000] =	vst v63  }
0xbd: {  	_ =	swait.ge [sflag:s0], $0x2000  }
0xbe: {  	[sflag:s0] =	ssyncset.done $0x0  }
0xbf: {  	s12 =	sadd.s32 $0x100, s11;
	[sflag:s0] =	ssyncadd.s32 $0xFFFFE000  }
0xc0: {  	[tilespmem:s14], [sflag:$0x1] =	stream.indirect.gather [hbm4b:s18+s3], $0x80, s12, s3, $0xb8;
	[tilespmem:$0x1D000] =	vst v63  }
0xc1: {  	_ =	swait.ge [sflag:s6], $0x2000  }
.Ltmp1:
0xc2: {  	[sflag:s6] =	ssyncset.done $0x0;
	(pc) =	sbr.rel @p0 .LBB2_4-.Ltmp1, $4  }
0xc3: {  	s11 =	sadd.s32 $0x2880, s11;
	[sflag:s6] =	ssyncadd.s32 $0xFFFFE000  }
0xc4: {  	[spmem:s15] =	stream.indirect.scatter.add.f32 [tilespmem:s4], [sflag:$0x3], $0x80, s11, s3, $0xb8;
	[tilespmem:$0x1D000] =	vst v63  }
0xc5: {  	_ =	swait.ge [sflag:s0], $0x2000  }
0xc6: {  	s12 =	smov.u32 s17;
	s11 =	sshra.s32 s16, $0x2;
	[sflag:s0] =	ssyncset.done $0x0  }
0xc7: {  	s12 =	sadd.s32 $0x80, s11;
	[sflag:s0] =	ssyncadd.s32 $0xFFFFE000  }
0xc8: {  	[tilespmem:s4], [sflag:$0x2] =	stream.indirect.gather [hbm4b:s18+s3], $0x80, s12, s3, $0xb8;
	[tilespmem:$0x1D000] =	vst v63  }
0xc9: {  	_ =	swait.ge [sflag:s5], $0x2000  }
0xca: {  	[sflag:s5] =	ssyncset.done $0x0  }
0xcb: {  	s16 =	sadd.s32 $0x2800, s11;
	[sflag:s5] =	ssyncadd.s32 $0xFFFFE000  }
0xcc: {  	[spmem:s15] =	stream.indirect.scatter.add.f32 [tilespmem:s14], [sflag:$0x3], $0x80, s16, s3, $0xb8;
	[tilespmem:$0x1D000] =	vst v63  }
0xcd: {  	_ =	swait.ge [sflag:s0], $0x2000  }
0xce: {  	[sflag:s0] =	ssyncset.done $0x0  }
0xcf: {  	s17 =	sadd.s32 $0x100, s11;
	[sflag:s0] =	ssyncadd.s32 $0xFFFFE000  }
0xd0: {  	[tilespmem:s14], [sflag:$0x1] =	stream.indirect.gather [hbm4b:s18+s3], $0x80, s17, s3, $0xb8;
	[tilespmem:$0x1D000] =	vst v63  }
0xd1: {  	_ =	swait.ge [sflag:s6], $0x2000  }
0xd2: {  	[sflag:s6] =	ssyncset.done $0x0  }
0xd3: {  	s13 =	sadd.s32 $0x2880, s11;
	[sflag:s6] =	ssyncadd.s32 $0xFFFFE000  }
0xd4: {  	[spmem:s15] =	stream.indirect.scatter.add.f32 [tilespmem:s4], [sflag:$0x3], $0x80, s13, s3, $0xb8;
	[tilespmem:$0x1D000] =	vst v63  }
0xd5: {  	_ =	swait.ge [sflag:s0], $0x2000  }
0xd6: {  	[sflag:s0] =	ssyncset.done $0x0  }
0xd7: {  	[sflag:s0] =	ssyncadd.s32 $0xFFFFE000  }
0xd8: {  	[tilespmem:s4], [sflag:$0x2] =	stream.indirect.gather [hbm4b:s18+s3], $0x80, s7, s3, $0xb8;
	[tilespmem:$0x1D000] =	vst v63  }
0xd9: {  	_ =	swait.ge [sflag:s5], $0x2000  }
0xda: {  	[sflag:s5] =	ssyncset.done $0x0  }
0xdb: {  	[sflag:s5] =	ssyncadd.s32 $0xFFFFE000  }
0xdc: {  	[spmem:s15] =	stream.indirect.scatter.add.f32 [tilespmem:s14], [sflag:$0x3], $0x80, s8, s3, $0xb8;
	[tilespmem:$0x1D000] =	vst v63  }
0xdd: {  	_ =	swait.ge [sflag:s0], $0x2000  }
0xde: {  	[sflag:s0] =	ssyncset.done $0x0  }
0xdf: {  	[sflag:s0] =	ssyncadd.s32 $0xFFFFE000  }
0xe0: {  	_ =	swait.ge [sflag:s6], $0x2000  }
0xe1: {  	[sflag:s6] =	ssyncset.done $0x0  }
0xe2: {  	[sflag:s6] =	ssyncadd.s32 $0xFFFFE000  }
0xe3: {  	[spmem:s15] =	stream.indirect.scatter.add.f32 [tilespmem:s4], [sflag:$0x3], $0x80, s9, s3, $0xb8;
	[tilespmem:$0x1D000] =	vst v63  }
0xe4: {  	_ =	swait.ge [sflag:s0], $0x2000  }
0xe5: {  	[sflag:s0] =	ssyncset.done $0x0  }
0xe6: {  	[sflag:s0] =	ssyncadd.s32 $0xFFFFE000  }
0xe7: {  	[bflag:$0x0] =	sbarrier.arrive $0xFFFF  }
0xe8: {  	[tilespmem:s14], [sflag:$0x3] =	stream.linear.gather [spmem:s20], $0x2000, $0x38;
	[tilespmem:$0x1D000] =	vst v63  }
0xe9: {  	_ =	swait.ge [sflag:s0], $0x2000  }
0xea: {  	[sflag:s0] =	ssyncset.done $0x0  }
0xeb: {  	s16 =	rddreg [dreg:$0x8];
	[sflag:s0] =	ssyncadd.s32 $0xFFFFE000  }
0xec: {  	[hbm4b:s16+s1] =	stream.linear.scatter [tilespmem:s14], [sflag:$0x3], $0x2000, $0x38;
	[tilespmem:$0x1D000] =	vst v63  }
0xed: {  	_ =	swait.ge [sflag:s0], $0x2000  }
0xee: {  	[sflag:s0] =	ssyncset.done $0x0  }
0xef: {  	[sflag:s0] =	ssyncadd.s32 $0xFFFFE000  }
0xf0: {  	[tilespmem:s14], [sflag:$0x3] =	stream.linear.gather [spmem:s21], $0x2000, $0x38;
	[tilespmem:$0x1D000] =	vst v63  }
0xf1: {  	_ =	swait.ge [sflag:s0], $0x2000  }
0xf2: {  	[sflag:s0] =	ssyncset.done $0x0  }
0xf3: {  	s17 =	rddreg [dreg:$0x9];
	[sflag:s0] =	ssyncadd.s32 $0xFFFFE000  }
0xf4: {  	[hbm4b:s17+s1] =	stream.linear.scatter [tilespmem:s14], [sflag:$0x3], $0x2000, $0x38;
	[tilespmem:$0x1D000] =	vst v63  }
0xf5: {  	_ =	swait.ge [sflag:s0], $0x2000  }
0xf6: {  	[sflag:s0] =	ssyncset.done $0x0  }
0xf7: {  	[sflag:s0] =	ssyncadd.s32 $0xFFFFE000  }
0xf8: {  	[tilespmem:s14], [sflag:$0x3] =	stream.linear.gather [spmem:s22], $0x2000, $0x38;
	[tilespmem:$0x1D000] =	vst v63  }
0xf9: {  	_ =	swait.ge [sflag:s0], $0x2000  }
0xfa: {  	[sflag:s0] =	ssyncset.done $0x0  }
0xfb: {  	s12 =	rddreg [dreg:$0xa];
	[sflag:s0] =	ssyncadd.s32 $0xFFFFE000  }
0xfc: {  	[hbm4b:s12+s1] =	stream.linear.scatter [tilespmem:s14], [sflag:$0x3], $0x2000, $0x38;
	[tilespmem:$0x1D000] =	vst v63  }
0xfd: {  	_ =	swait.ge [sflag:s0], $0x2000  }
0xfe: {  	[sflag:s0] =	ssyncset.done $0x0  }
0xff: {  	[sflag:s0] =	ssyncadd.s32 $0xFFFFE000  }
0x100: {  	[tilespmem:s14], [sflag:$0x3] =	stream.linear.gather [spmem:s23], $0x2000, $0x38;
	[tilespmem:$0x1D000] =	vst v63  }
0x101: {  	_ =	swait.ge [sflag:s0], $0x2000  }
0x102: {  	[sflag:s0] =	ssyncset.done $0x0  }
0x103: {  	s13 =	rddreg [dreg:$0xb];
	[sflag:s0] =	ssyncadd.s32 $0xFFFFE000  }
0x104: {  	[hbm4b:s13+s1] =	stream.linear.scatter [tilespmem:s14], [sflag:$0x3], $0x2000, $0x38;
	[tilespmem:$0x1D000] =	vst v63  }
0x105: {  	_ =	swait.ge [sflag:s0], $0x2000  }
0x106: {  	[sflag:s0] =	ssyncset.done $0x0  }
0x107: {  	[sflag:s0] =	ssyncadd.s32 $0xFFFFE000  }
0x108: {  	[tilespmem:s14], [sflag:$0x3] =	stream.linear.gather [spmem:s24], $0x2000, $0x38;
	[tilespmem:$0x1D000] =	vst v63  }
0x109: {  	_ =	swait.ge [sflag:s0], $0x2000  }
0x10a: {  	[sflag:s0] =	ssyncset.done $0x0  }
0x10b: {  	s16 =	rddreg [dreg:$0xc];
	[sflag:s0] =	ssyncadd.s32 $0xFFFFE000  }
0x10c: {  	[hbm4b:s16+s1] =	stream.linear.scatter [tilespmem:s14], [sflag:$0x3], $0x2000, $0x38;
	[tilespmem:$0x1D000] =	vst v63  }
0x10d: {  	_ =	swait.ge [sflag:s0], $0x2000  }
0x10e: {  	[sflag:s0] =	ssyncset.done $0x0  }
0x10f: {  	[sflag:s0] =	ssyncadd.s32 $0xFFFFE000  }
0x110: {  	[tilespmem:s14], [sflag:$0x3] =	stream.linear.gather [spmem:s25], $0x2000, $0x38;
	[tilespmem:$0x1D000] =	vst v63  }
0x111: {  	_ =	swait.ge [sflag:s0], $0x2000  }
0x112: {  	[sflag:s0] =	ssyncset.done $0x0  }
0x113: {  	s17 =	rddreg [dreg:$0xd];
	[sflag:s0] =	ssyncadd.s32 $0xFFFFE000  }
0x114: {  	[hbm4b:s17+s1] =	stream.linear.scatter [tilespmem:s14], [sflag:$0x3], $0x2000, $0x38;
	[tilespmem:$0x1D000] =	vst v63  }
0x115: {  	_ =	swait.ge [sflag:s0], $0x2000  }
0x116: {  	[sflag:s0] =	ssyncset.done $0x0  }
0x117: {  	[sflag:s0] =	ssyncadd.s32 $0xFFFFE000  }
0x118: {  	[tilespmem:s14], [sflag:$0x3] =	stream.linear.gather [spmem:s26], $0x2000, $0x38;
	[tilespmem:$0x1D000] =	vst v63  }
0x119: {  	_ =	swait.ge [sflag:s0], $0x2000  }
0x11a: {  	[sflag:s0] =	ssyncset.done $0x0  }
0x11b: {  	s12 =	rddreg [dreg:$0xe];
	[sflag:s0] =	ssyncadd.s32 $0xFFFFE000  }
0x11c: {  	[hbm4b:s12+s1] =	stream.linear.scatter [tilespmem:s14], [sflag:$0x3], $0x2000, $0x38;
	[tilespmem:$0x1D000] =	vst v63  }
0x11d: {  	_ =	swait.ge [sflag:s0], $0x2000  }
0x11e: {  	[sflag:s0] =	ssyncset.done $0x0  }
0x11f: {  	[sflag:s0] =	ssyncadd.s32 $0xFFFFE000  }
0x120: {  	[tilespmem:s14], [sflag:$0x3] =	stream.linear.gather [spmem:s28], $0x2000, $0x38;
	[tilespmem:$0x1D000] =	vst v63  }
0x121: {  	_ =	swait.ge [sflag:s0], $0x2000  }
0x122: {  	[sflag:s0] =	ssyncset.done $0x0  }
0x123: {  	s13 =	rddreg [dreg:$0xf];
	[sflag:s0] =	ssyncadd.s32 $0xFFFFE000  }
0x124: {  	[hbm4b:s13+s1] =	stream.linear.scatter [tilespmem:s14], [sflag:$0x3], $0x2000, $0x38;
	[tilespmem:$0x1D000] =	vst v63  }
0x125: {  	_ =	swait.ge [sflag:s0], $0x2000  }
0x126: {  	[sflag:s0] =	ssyncset.done $0x0  }
0x127: {  	[sflag:s0] =	ssyncadd.s32 $0xFFFFE000  }
0x128: {  	[tilespmem:s14], [sflag:$0x3] =	stream.linear.gather [spmem:s29], $0x2000, $0x38;
	[tilespmem:$0x1D000] =	vst v63  }
0x129: {  	_ =	swait.ge [sflag:s0], $0x2000  }
0x12a: {  	[sflag:s0] =	ssyncset.done $0x0  }
0x12b: {  	s16 =	rddreg [dreg:$0x10];
	[sflag:s0] =	ssyncadd.s32 $0xFFFFE000  }
0x12c: {  	[hbm4b:s16+s1] =	stream.linear.scatter [tilespmem:s14], [sflag:$0x3], $0x2000, $0x38;
	[tilespmem:$0x1D000] =	vst v63  }
0x12d: {  	_ =	swait.ge [sflag:s0], $0x2000  }
0x12e: {  	[sflag:s0] =	ssyncset.done $0x0  }
0x12f: {  	[sflag:s0] =	ssyncadd.s32 $0xFFFFE000  }
0x130: {  	[tilespmem:s14], [sflag:$0x3] =	stream.linear.gather [spmem:s30], $0x2000, $0x38;
	[tilespmem:$0x1D000] =	vst v63  }
0x131: {  	s10 =	sadd.s32 $0x1, s10;
	_ =	swait.ge [sflag:s0], $0x2000  }
0x132: {  	p0 =	sne.s32 s10, s31;
	[sflag:s0] =	ssyncset.done $0x0  }
.Ltmp2:
0x133: {  	s17 =	rddreg [dreg:$0x11];
	[sflag:s0] =	ssyncadd.s32 $0xFFFFE000;
	(pc) =	sbr.rel @p0 .LBB2_1-.Ltmp2, $4  }
0x134: {  	[hbm4b:s17+s1] =	stream.linear.scatter [tilespmem:s14], [sflag:$0x3], $0x2000, $0x38;
	[tilespmem:$0x1D000] =	vst v63  }
0x135: {  	_ =	swait.ge [sflag:s0], $0x2000  }
0x136: {  	[sflag:s0] =	ssyncset.done $0x0  }
0x137: {  	[sflag:s0] =	ssyncadd.s32 $0xFFFFE000  }
0x138: {  	_ =	sfence.sel $0x180000  }
0x139: {  	[bflag:$0x0] =	sbarrier.arrive $0xFFFF  }
0x13a: {  	_ =	strace $0x9000004D  }
0x13b: {  	s0 =	stileid.u32;
	[bflag:$0x2] =	sbarrier.arrive $0xFFFF  }
0x13c: {  	p0 =	sne.s32 s0, $0x0;
	s0 =	rddreg [dreg:$0x3]  }
0x13d: {  	s0 =	sadd.s32 @!p0 $0x100000, s0  }
0x13e: {  	[sflag:s0] =	ssyncadd.tile.s32 @!p0 $0x1;
	_ =	shalt  }
.Lfunc_end2:
_tile_overlayer_lowered:
.L_overlay_start_2:
0x13f: {  	(tag) =	ssettag $0x2  }
0x140: {  	s0 =	rddreg [dreg:$0x0];
	s2 =	stileid.u32  }
0x141: {  	s1 =	rddreg [dreg:$0x1];
	p0 =	sne.s32 s2, $0x0  }
0x142: {  	s3 =	rddreg [dreg:$0x2];
	[bflag:$0x3] =	sbarrier.arrive $0xFFFF;
	s2 =	simm.s32 @!p0 $0x1C03  }
0x143: {  	[timem:s3], [sflag:s2] =	dma.local @!p0 [hbm:s0], s1  }
0x144: {  	s0 =	simm.s32 @!p0 $0x3  }
0x145: {  	_ =	swait.ge @!p0 [sflag:s0], s1  }
0x146: {  	s1 =	ssub.s32 @!p0 $0x0, s1;
	[sflag:s0] =	ssyncset.done @!p0 $0x0  }
0x147: {  	[sflag:s0] =	ssyncadd.s32 @!p0 s1  }
0x148: {  	[bflag:$0x3] =	sbarrier.arrive $0xFFFF  }
0x149: {  	_ =	shalt  }

// kernel: kernel.8.cloned.1.call-start
scs
__scs_entry_jumppad:
0x0: {  	(pc) =	sbr.rel $0x88, $3  }
0x1: {  	(tag) =	ssettag $0x0;
	lr =	simm.s32 $0x1  }
0x2: {  	[smem:$0x3F9B] =	sst lr;
	_ =	strace $0xD0000000  }
0x3: {  	_ = 	snop  }
0x4: {  	_ = 	snop  }
0x5: {  	_ = 	snop  }
0x6: {  	_ = 	snop  }
0x7: {  	_ = 	snop  }
__scs_overlays_trampoline_lowered:
0x8: {  	[smem:$0x3FAA] =	sst s0  }
0x9: {  	[smem:$0x3FAB] =	sst s1  }
0xa: {  	[smem:$0x3FAC] =	sst s2  }
0xb: {  	[smem:$0x3FAD] =	sst s3  }
0xc: {  	[smem:$0x3FAE] =	sst s4  }
0xd: {  	[smem:$0x3FAF] =	sst s5  }
0xe: {  	[smem:$0x3FB0] =	sst s6  }
0xf: {  	[smem:$0x3FB1] =	sst s7  }
0x10: {  	[smem:$0x3FB2] =	sst s8  }
0x11: {  	[smem:$0x3FB3] =	sst s9;
	s0 =	simm.s32 @!p0 $0x0  }
0x12: {  	s1 =	sld [smem:$0x3F99];
	s0 =	simm.s32 @p0 $0x1  }
0x13: {  	[smem:$0x3FB4] =	sst s0;
	s0 =	simm.s32 @!p1 $0x0  }
0x14: {  	s2 =	sld [smem:$0x3F98];
	s0 =	simm.s32 @p1 $0x1  }
0x15: {  	[smem:$0x3FB5] =	sst s0;
	s0 =	simm.s32 @!p2 $0x0  }
0x16: {  	s3 =	sld [smem:$0x3FDB];
	s0 =	simm.s32 @p2 $0x1  }
0x17: {  	s4 =	simm.s32 $0x1BF5;
	[smem:$0x3FB7] =	sst s0  }
0x18: {  	s0 =	sld [smem:$0x3F9A];
	_ =	swait.ge [sflag:s4], $0x0  }
0x19: {  	s7 =	sld [smem:$0x3F9B]  }
0x1a: {  	s8 =	sadd.s32 $0xFFFFE003, lr  }
0x1b: {  	s9 =	sadd.s32 $0xFFFFFEF7, lr;
	s5 =	simm.s32 $0xFFFFFFFF;
	p2 =	slt.u32 s8, $0xFFFFF086  }
0x1c: {  	p1 =	slt.u32 s9, $0xF7A;
	s5 =	simm.s32 @!p2 $0x0  }
0x1d: {  	s5 =	simm.s32 @p1 $0x1;
	p0 =	seq.s32 s7, s2  }
0x1e: {  	s7 =	smul.u32 @!p0 $0xF7A, s2;
	p2 =	seq.s32 @!p0 s5, $0x0  }
0x1f: {  	s9 =	smul.u32 $0xF7A, s1;
	s8 =	simm.s32 @!p0 $0x1BF5;
	p2 =	por !p2, p0  }
0x20: {  	[sflag:s8] =	ssyncset.s32 @!p0 $0xFFFFF086;
	s6 =	sadd.s32 @!p0 s3, s7;
	s7 =	simm.s32 @!p0 $0x108  }
0x21: {  	s3 =	sadd.s32 s3, s9;
	s6 =	sadd.s32 @!p0 $0x88, s6;
	s7 =	simm.s32 @p2 $0x1082  }
0x22: {  	[simem:s7], [sflag:s8] =	dma.local @!p0 [hbm:s6], $0xF7A  }
0x23: {  	s9 =	sor.u32 $0xD0000000, s2;
	s6 =	simm.s32 $0x108;
	_ =	swait.ge @!p0 [sflag:s8], $0x0  }
0x24: {  	s3 =	sadd.s32 $0x88, s3;
	s6 =	simm.s32 @!p1 $0x1082;
	[sflag:s4] =	ssyncset.s32 $0xFFFFF086  }
0x25: {  	[simem:s6], [sflag:s4] =	dma.local [hbm:s3], $0xF7A  }
0x26: {  	[smem:$0x3F9B] =	sst s1;
	(tag) =	ssettag s2;
	_ =	strace s9  }
0x27: {  	s1 =	sld [smem:$0x3FAB]  }
0x28: {  	s2 =	sld [smem:$0x3FAC]  }
0x29: {  	s4 =	sld [smem:$0x3FAE]  }
0x2a: {  	p0 =	seq.s32 s5, $0x0;
	s5 =	sld [smem:$0x3FAF]  }
0x2b: {  	s6 =	sld [smem:$0x3FB0]  }
0x2c: {  	s7 =	sld [smem:$0x3FB1]  }
0x2d: {  	s3 =	simm.s32 $0x108;
	s8 =	sld [smem:$0x3FB2]  }
0x2e: {  	s3 =	simm.s32 @!p0 $0x1082;
	s9 =	sld [smem:$0x3FB3]  }
0x2f: {  	lr =	sadd.s32 s0, s3;
	s0 =	sld [smem:$0x3FAA]  }
0x30: {  	s3 =	sld [smem:$0x3FAD]  }
0x31: {  	[smem:$0x3FB6] =	sst s10  }
0x32: {  	s10 =	sld [smem:$0x3FB4];
	_ =	sdelay $0x3  }
0x33: {  	p0 =	seq.s32 s10, $0x1;
	s10 =	sld [smem:$0x3FB6];
	_ =	sdelay $0x3  }
0x34: {  	[smem:$0x3FB6] =	sst s10  }
0x35: {  	s10 =	sld [smem:$0x3FB5];
	_ =	sdelay $0x3  }
0x36: {  	p1 =	seq.s32 s10, $0x1;
	s10 =	sld [smem:$0x3FB6];
	_ =	sdelay $0x3  }
0x37: {  	[smem:$0x3FB6] =	sst s10  }
0x38: {  	s10 =	sld [smem:$0x3FB7]  }
0x39: {  	_ = 	snop;
	(pc) =	sbr.ind lr, $3  }
0x3a: {  	_ = 	snop  }
0x3b: {  	_ = 	snop  }
0x3c: {  	p2 =	seq.s32 s10, $0x1;
	s10 =	sld [smem:$0x3FB6]  }
0x3d: {  	_ =	shalt  }
0x3e: {  	_ =	shalt  }
0x3f: {  	_ =	shalt  }
0x40: {  	_ =	shalt  }
0x41: {  	_ =	shalt  }
0x42: {  	_ =	shalt  }
0x43: {  	_ =	shalt  }
0x44: {  	_ =	shalt  }
0x45: {  	_ =	shalt  }
0x46: {  	_ =	shalt  }
0x47: {  	_ =	shalt  }
0x48: {  	_ =	shalt  }
0x49: {  	_ =	shalt  }
0x4a: {  	_ =	shalt  }
0x4b: {  	_ =	shalt  }
0x4c: {  	_ =	shalt  }
0x4d: {  	_ =	shalt  }
0x4e: {  	_ =	shalt  }
0x4f: {  	_ =	shalt  }
0x50: {  	_ =	shalt  }
0x51: {  	_ =	shalt  }
0x52: {  	_ =	shalt  }
0x53: {  	_ =	shalt  }
0x54: {  	_ =	shalt  }
0x55: {  	_ =	shalt  }
0x56: {  	_ =	shalt  }
0x57: {  	_ =	shalt  }
0x58: {  	_ =	shalt  }
0x59: {  	_ =	shalt  }
0x5a: {  	_ =	shalt  }
0x5b: {  	_ =	shalt  }
0x5c: {  	_ =	shalt  }
0x5d: {  	_ =	shalt  }
0x5e: {  	_ =	shalt  }
0x5f: {  	_ =	shalt  }
0x60: {  	_ =	shalt  }
0x61: {  	_ =	shalt  }
0x62: {  	_ =	shalt  }
0x63: {  	_ =	shalt  }
0x64: {  	_ =	shalt  }
0x65: {  	_ =	shalt  }
0x66: {  	_ =	shalt  }
0x67: {  	_ =	shalt  }
0x68: {  	_ =	shalt  }
0x69: {  	_ =	shalt  }
0x6a: {  	_ =	shalt  }
0x6b: {  	_ =	shalt  }
0x6c: {  	_ =	shalt  }
0x6d: {  	_ =	shalt  }
0x6e: {  	_ =	shalt  }
0x6f: {  	_ =	shalt  }
0x70: {  	_ =	shalt  }
0x71: {  	_ =	shalt  }
0x72: {  	_ =	shalt  }
0x73: {  	_ =	shalt  }
0x74: {  	_ =	shalt  }
0x75: {  	_ =	shalt  }
0x76: {  	_ =	shalt  }
0x77: {  	_ =	shalt  }
0x78: {  	_ =	shalt  }
0x79: {  	_ =	shalt  }
0x7a: {  	_ =	shalt  }
0x7b: {  	_ =	shalt  }
0x7c: {  	_ =	shalt  }
0x7d: {  	_ =	shalt  }
0x7e: {  	_ =	shalt  }
0x7f: {  	_ =	shalt  }
0x80: {  	_ =	shalt  }
0x81: {  	_ =	shalt  }
0x82: {  	_ =	shalt  }
0x83: {  	_ =	shalt  }
0x84: {  	_ =	shalt  }
0x85: {  	_ =	shalt  }
0x86: {  	_ =	shalt  }
0x87: {  	_ =	shalt  }
.Lfunc_end0:
.L_simem_size_0:
called_computation_lowered:
.L_overlay_start_0:
0x88: {  	s2 =	sld [smem:$0x3FD9]  }
0x89: {  	s3 =	sld [smem:$0x3FFE];
	_ =	sdelay $0x1  }
0x8a: {  	s1 =	srdreg.scid  }
0x8b: {  	s0 =	sand.u32 $0x1, s1  }
0x8c: {  	s17 =	sshll.u32 s0, $0xA;
	s2 =	sadd.s32 s3, s2  }
0x8d: {  	s2 =	sadd.s32 s2, s17  }
0x8e: {  	[smem:$0x3FC2] =	sst s2  }
0x8f: {  	_ = 	snop  }
0x90: {  	s2 =	sld [smem:$0x3FD0];
	(tm) =	ssettm $0x1  }
0x91: {  	s18 =	sld [smem:$0x3FFB];
	_ =	sdelay $0x3  }
0x92: {  	_ =	strace s18  }
0x93: {  	s3 =	sld [smem:$0x3FFC];
	_ =	sdelay $0x3  }
0x94: {  	_ =	strace s3  }
0x95: {  	s3 =	sld [smem:$0x3FFD];
	_ =	sdelay $0x3  }
0x96: {  	_ =	strace s3  }
0x97: {  	_ =	strace $0x8FFFFFFF  }
0x98: {  	s19 =	sld [smem:$0x3FDB];
	_ =	sdelay $0x1  }
0x99: {  	s4 =	simm.s32 $_scs_section_size  }
0x9a: {  	s5 =	simm.s32 $_size__tile_overlayer_lowered;
	s6 =	simm.s32 $_tile_overlayer_lowered  }
0x9b: {  	s22 =	simm.s32 $0x1BFF;
	s21 =	sshll.u32 s6, $0x1;
	s3 =	sadd.s32 s4, s19  }
0x9c: {  	s7 =	simm.s32 $0x0;
	s20 =	sshll.u32 s5, $0x1;
	s5 =	sadd.s32 s21, s3  }
0x9d: {  	[timem:s7], [sflag:s22] =	dma.local [hbm:s5], s20  }
0x9e: {  	_ =	swait.ge [sflag:s22], s20  }
0x9f: {  	s4 =	ssub.s32 $0x0, s20;
	[sflag:s22] =	ssyncset.done $0x0  }
0xa0: {  	[sflag:s22] =	ssyncadd.s32 s4;
	_ =	sdelay $0x1  }
0xa1: {  	s23 =	simm.s32 $0x1B8B  }
0xa2: {  	_ =	swait.ge [sflag:s23], $0x1  }
0xa3: {  	[sflag:s23] =	ssyncset.done $0x0  }
0xa4: {  	s25 =	simm.s32 $0x1B8E;
	s24 =	sld [smem:$0x3FFE];
	[sflag:s23] =	ssyncadd.s32 $0xFFFFFFFF  }
0xa5: {  	s26 =	simm.s32 $execute0_lowered;
	[smem:$0x3FD2] =	sst s25  }
0xa6: {  	s5 =	sshll.u32 s26, $0x1;
	_ =	strace $0x80000046;
	[dreg:$0x1] =	wrdreg $0xFFFFFFFF  }
0xa7: {  	s28 =	simm.s32 $_size_execute0_lowered;
	s3 =	sadd.s32 s3, s5;
	[dreg:$0x0] =	wrdreg $0x0  }
0xa8: {  	s5 =	sshll.u32 s28, $0x1;
	[dreg:$0x2] =	wrdreg s3  }
0xa9: {  	[dreg:$0x3] =	wrdreg s5  }
0xaa: {  	[dreg:$0x4] =	wrdreg $0xC0  }
0xab: {  	_ =	task [dreg:s7], $0x5FFFF  }
0xac: {  	[dreg:$0x1] =	wrdreg $0xFFFFFFFF  }
0xad: {  	[dreg:$0x0] =	wrdreg $0x60  }
0xae: {  	[dreg:$0x2] =	wrdreg s2  }
0xaf: {  	[dreg:$0x3] =	wrdreg s24  }
0xb0: {  	[dreg:$0x4] =	wrdreg $0x53000  }
0xb1: {  	[dreg:$0x5] =	wrdreg $0x9  }
0xb2: {  	_ =	task.clear_ibuf [dreg:s7], $0x6FFFF;
	_ =	strace $0x90000046  }
0xb3: {  	s29 =	simm.s32 $0x9;
	_ =	strace $0x80000048  }
0xb4: {  	_ =	swait.ge [sflag:s29], $0x1  }
0xb5: {  	[sflag:s29] =	ssyncadd.s32 $0xFFFFFFFF  }
0xb6: {  	_ =	strace $0x90000048  }
0xb7: {  	_ =	sfence  }
0xb8: {  	s30 =	sld [smem:$0x0];
	_ =	sdelay $0x2  }
0xb9: {  	s31 =	sshll.u32 s1, $0xD;
	s1 =	sshrl.u32 s1, $0x2  }
0xba: {  	s3 =	sand.u32 $0x4000, s31;
	s1 =	sadd.s32 s1, s30  }
0xbb: {  	s0 =	sor.u32 s3, s0;
	s1 =	sshll.u32 s1, $0x11  }
0xbc: {  	s0 =	sor.u32 s1, s0  }
0xbd: {  	s0 =	sadd.s32 $0x8F2B, s0  }
0xbe: {  	[sflag:s0] =	ssyncadd.remote.s32 $0x1  }
0xbf: {  	_ =	sfence.sel $0xFFFF  }
0xc0: {  	[dreg:$0x0] =	wrdreg $0xFFFFFFFF;
	(pc) =	sbr.abs _section_cstart, $3  }
0xc1: {  	[dreg:$0x1] =	wrdreg $0xFFFFFFFF  }
0xc2: {  	_ =	task.clear_ibuf [dreg:s7], $0x2FFFF;
	_ =	strace $0x9FFFFFFF  }
0xc3: {  	(tm) =	ssettm $0x7FFFFFFF  }
tec
execute0_lowered:
.L_overlay_start_1:
0x0: {  	(tag) =	ssettag $0x1  }
0x1: {  	s6 =	rddreg [dreg:$0x0]  }
0x2: {  	s5 =	rddreg [dreg:$0x1]  }
0x3: {  	s1 =	rddreg [dreg:$0x2]  }
0x4: {  	s0 =	rddreg [dreg:$0x3];
	s3 =	simm.s32 $0x0  }
0x5: {  	s4 =	srdreg.scid;
	s2 =	stileid.u32;
	s12 =	simm.s32 $0x40  }
0x6: {  	s13 =	simm.s32 $0x80;
	s14 =	simm.s32 $0x100;
	s15 =	simm.s32 $0x0  }
0x7: {  	[smem:$0x7FF] =	sst s3;
	s7 =	sand.u32 $0x1, s4;
	s8 =	smul.u32 $0x500, s2  }
0x8: {  	s4 =	sadd.s32 $0x2A00, s5;
	s30 =	smul.u32 $0xA00, s2;
	_ =	strace $0x80000047  }
0x9: {  	s9 =	sshll.u32 s7, $0x7;
	s10 =	sshll.u32 s7, $0x4;
	s7 =	ssub.s32 $0x2, s7  }
0xa: {  	s8 =	sor.u32 s9, s8;
	s10 =	sor.u32 s2, s10;
	s31 =	sshrl.u32 s7, $0x1  }
0xb: {  	s9 =	sshrl.u32 s30, $0x2;
	s8 =	sshrl.u32 s8, $0x3;
	s10 =	smul.u32 $0xA00, s10  }
0xc: {  	s11 =	ssub.s32 s7, s31;
	s8 =	sadd.s32 s8, s5;
	s5 =	sadd.s32 s9, s1  }
0xd: {  	s9 =	simm.s32 $0x5000;
	s6 =	sadd.s32 s6, s10;
	s7 =	sadd.s32 $0x2C00, s8  }
0xe: {  	v0 =	vimm.f32 $0.0e+00;
	s8 =	smax.u32 s11, $0x1;
	s10 =	simm.s32 $0x1;
	s11 =	simm.s32 $0x5080  }
.LBB2_1:
0xf: {  	[tilespmem:s9], [sflag:$0x1] =	stream.linear.gather [hbm4b:s4+s3], $0x80, $0x38;
	[tilespmem:$0x5580] =	vst v63  }
0x10: {  	_ =	swait.ge [sflag:s10], $0x80  }
0x11: {  	[sflag:s10] =	ssyncset.done $0x0  }
0x12: {  	[sflag:s10] =	ssyncadd.s32 $0xFFFFFF80  }
0x13: {  	[tilespmem:$0x5080] =	vst v0  }
0x14: {  	[tilespmem:$0x5090] =	vst v0  }
0x15: {  	[tilespmem:$0x50A0] =	vst v0  }
0x16: {  	[tilespmem:$0x50B0] =	vst v0  }
0x17: {  	[tilespmem:$0x50C0] =	vst v0  }
0x18: {  	[tilespmem:$0x50D0] =	vst v0  }
0x19: {  	[tilespmem:$0x50E0] =	vst v0  }
0x1a: {  	[tilespmem:$0x50F0] =	vst v0  }
0x1b: {  	[tilespmem:$0x5100] =	vst v0  }
0x1c: {  	[tilespmem:$0x5110] =	vst v0  }
0x1d: {  	[tilespmem:$0x5120] =	vst v0  }
0x1e: {  	[tilespmem:$0x5130] =	vst v0  }
0x1f: {  	[tilespmem:$0x5140] =	vst v0  }
0x20: {  	[tilespmem:$0x5150] =	vst v0  }
0x21: {  	[tilespmem:$0x5160] =	vst v0  }
0x22: {  	[tilespmem:$0x5170] =	vst v0  }
0x23: {  	[tilespmem:$0x5180] =	vst v0  }
0x24: {  	[tilespmem:$0x5190] =	vst v0  }
0x25: {  	[tilespmem:$0x51A0] =	vst v0  }
0x26: {  	[tilespmem:$0x51B0] =	vst v0  }
0x27: {  	[tilespmem:$0x51C0] =	vst v0  }
0x28: {  	[tilespmem:$0x51D0] =	vst v0  }
0x29: {  	[tilespmem:$0x51E0] =	vst v0  }
0x2a: {  	[tilespmem:$0x51F0] =	vst v0  }
0x2b: {  	[tilespmem:$0x5200] =	vst v0  }
0x2c: {  	[tilespmem:$0x5210] =	vst v0  }
0x2d: {  	[tilespmem:$0x5220] =	vst v0  }
0x2e: {  	[tilespmem:$0x5230] =	vst v0  }
0x2f: {  	[tilespmem:$0x5240] =	vst v0  }
0x30: {  	[tilespmem:$0x5250] =	vst v0  }
0x31: {  	[tilespmem:$0x5260] =	vst v0  }
0x32: {  	[tilespmem:$0x5270] =	vst v0  }
0x33: {  	[tilespmem:$0x5280] =	vst v0  }
0x34: {  	[tilespmem:$0x5290] =	vst v0  }
0x35: {  	[tilespmem:$0x52A0] =	vst v0  }
0x36: {  	[tilespmem:$0x52B0] =	vst v0  }
0x37: {  	[tilespmem:$0x52C0] =	vst v0  }
0x38: {  	[tilespmem:$0x52D0] =	vst v0  }
0x39: {  	[tilespmem:$0x52E0] =	vst v0  }
0x3a: {  	[tilespmem:$0x52F0] =	vst v0  }
0x3b: {  	[spmem:s5] =	stream.linear.scatter [tilespmem:s11], [sflag:$0x1], $0x280, $0x38;
	[tilespmem:$0x5580] =	vst v63  }
0x3c: {  	_ =	swait.ge [sflag:s10], $0x280  }
0x3d: {  	[sflag:s10] =	ssyncset.done $0x0  }
0x3e: {  	[sflag:s10] =	ssyncadd.s32 $0xFFFFFD80  }
0x3f: {  	[bflag:$0x0] =	sbarrier.arrive $0xFFFF  }
0x40: {  	[tilespmem:s3], [sflag:$0x1] =	stream.linear.gather [hbm4b:s6+s3], $0x5000, $0x38;
	[tilespmem:$0x5580] =	vst v63  }
0x41: {  	_ =	swait.ge [sflag:s10], $0x5000  }
0x42: {  	[sflag:s10] =	ssyncset.done $0x0  }
0x43: {  	s16 =	simm.s32 $0x0;
	[sflag:s10] =	ssyncadd.s32 $0xFFFFB000  }
0x44: {  	[spmem:s1] =	stream.indirect.scatter.add.f32 [tilespmem:s9], [sflag:$0x1], $0x1, s16, s12, $0xb8;
	[tilespmem:$0x5580] =	vst v63  }
0x45: {  	_ =	swait.ge [sflag:s10], $0x40  }
0x46: {  	s16 =	simm.s32 $0x200;
	[sflag:s10] =	ssyncset.done $0x0  }
.LBB2_2:
0x47: {  	s17 =	sshra.s32 s16, $0x2;
	[sflag:s10] =	ssyncadd.s32 $0xFFFFFFC0;
	p0 =	sne.s32 s16, $0x13E00  }
0x48: {  	[spmem:s1] =	stream.indirect.scatter.add.f32 [tilespmem:s9], [sflag:$0x1], $0x1, s17, s12, $0xb8;
	[tilespmem:$0x5580] =	vst v63  }
.Ltmp0:
0x49: {  	_ = 	snop;
	(pc) =	sbr.rel @p0 .LBB2_2-.Ltmp0, $4  }
0x4a: {  	_ = 	snop  }
0x4b: {  	s16 =	sadd.s32 $0x200, s16  }
0x4c: {  	_ =	swait.ge [sflag:s10], $0x40  }
0x4d: {  	[sflag:s10] =	ssyncset.done $0x0  }
0x4e: {  	[sflag:s10] =	ssyncadd.s32 $0xFFFFFFC0  }
0x4f: {  	[bflag:$0x0] =	sbarrier.arrive $0xFFFF  }
0x50: {  	[tilespmem:s11], [sflag:$0x1] =	stream.linear.gather [spmem:s5], $0x280, $0x38;
	[tilespmem:$0x5580] =	vst v63  }
0x51: {  	s15 =	sadd.s32 $0x1, s15;
	_ =	swait.ge [sflag:s10], $0x280  }
0x52: {  	p0 =	sne.s32 s15, s8;
	[sflag:s10] =	ssyncset.done $0x0  }
.Ltmp1:
0x53: {  	[sflag:s10] =	ssyncadd.s32 $0xFFFFFD80;
	(pc) =	sbr.rel @p0 .LBB2_1-.Ltmp1, $4  }
0x54: {  	[hbm4b:s7+s13] =	stream.strided.scatter [tilespmem:s11], [sflag:$0x1], $0x280, s14, s13, $0x38;
	[tilespmem:$0x5580] =	vst v63  }
0x55: {  	_ =	swait.ge [sflag:s10], $0x280  }
0x56: {  	[sflag:s10] =	ssyncset.done $0x0  }
0x57: {  	[sflag:s10] =	ssyncadd.s32 $0xFFFFFD80  }
0x58: {  	_ =	sfence.sel $0x180000  }
0x59: {  	[bflag:$0x0] =	sbarrier.arrive $0xFFFF  }
0x5a: {  	p0 =	sne.s32 s2, $0x0;
	_ =	strace $0x90000047  }
0x5b: {  	s0 =	sadd.s32 @!p0 $0x100000, s0;
	[bflag:$0x2] =	sbarrier.arrive $0xFFFF  }
0x5c: {  	[sflag:s0] =	ssyncadd.tile.s32 @!p0 $0x1;
	_ =	shalt  }
.Lfunc_end2:
_tile_overlayer_lowered:
.L_overlay_start_2:
0x5d: {  	(tag) =	ssettag $0x2  }
0x5e: {  	s0 =	rddreg [dreg:$0x0];
	s2 =	stileid.u32  }
0x5f: {  	s1 =	rddreg [dreg:$0x1];
	p0 =	sne.s32 s2, $0x0  }
0x60: {  	s3 =	rddreg [dreg:$0x2];
	[bflag:$0x3] =	sbarrier.arrive $0xFFFF;
	s2 =	simm.s32 @!p0 $0x1C01  }
0x61: {  	[timem:s3], [sflag:s2] =	dma.local @!p0 [hbm:s0], s1  }
0x62: {  	s0 =	simm.s32 @!p0 $0x1  }
0x63: {  	_ =	swait.ge @!p0 [sflag:s0], s1  }
0x64: {  	s1 =	ssub.s32 @!p0 $0x0, s1;
	[sflag:s0] =	ssyncset.done @!p0 $0x0  }
0x65: {  	[sflag:s0] =	ssyncadd.s32 @!p0 s1  }
0x66: {  	[bflag:$0x3] =	sbarrier.arrive $0xFFFF  }
0x67: {  	_ =	shalt  }

</sc_bundles>
